<compile_context>
chip_gen: v7x
topology: tpu7x:2x2x1
jax: 0.10.2.dev20260603
libtpu: 0.0.44.dev20260713+nightly
codegen_flags: <defaults>
</compile_context>

<pallas_src>
import functools

import jax
import jax.numpy as jnp
from jax import lax
from jax.experimental import pallas as pl
from jax.experimental.pallas import tpu as pltpu
from jax.experimental.pallas import tpu_sc as plsc

B, K, L, NUM_CLASSES, D = 16, 8, 2048, 1024, 128
NC, NS = 2, 16
KH = K // NC
THALF = KH * NUM_CLASSES
G = B * K
CH = 128
HC = CH // 2
GW = G // NC
NSTEP = 2 * GW
NB = 8
LOOK = 4
ROWS = B * K * L


def _emb_body(tables_hbm, idx_hbm, frame_hbm, out_hbm,
              tables_sp, idx_v, frame_v, rowbufs, gsems, ssems):
    c = lax.axis_index("c")
    p = lax.axis_index("s")

    tsl = THALF // NS
    tsrc = tables_hbm.at[pl.ds(c * THALF + p * tsl, tsl)]
    tdst = tables_sp.at[pl.ds(p * tsl, tsl)]
    isrc = idx_hbm.at[:, pl.ds(p * CH, CH)]
    fsrc = frame_hbm.at[pl.ds(p * CH, CH)]
    pltpu.async_copy(isrc, idx_v, ssems[0])
    pltpu.async_copy(tsrc, tables_sp.at[pl.ds(p * tsl, tsl)], ssems[1])
    pltpu.async_copy(fsrc, frame_v, ssems[2])
    pltpu.make_async_copy(isrc, idx_v, ssems[0]).wait()

    def grow(jj):
        return 8 * (jj // 4) + 4 * c + lax.rem(jj, 4)

    def adj(jj, carry):
        r = grow(jj)
        off = jnp.full((16,), lax.rem(jj, 4) * NUM_CLASSES, jnp.int32)
        for v in range(CH // 16):
            sl = (r, pl.ds(v * 16, 16))
            idx_v[sl] = idx_v[sl] + off
        return carry

    lax.fori_loop(0, GW, adj, 0)

    pltpu.make_async_copy(tsrc, tdst, ssems[1]).wait()
    pltpu.make_async_copy(fsrc, frame_v, ssems[2]).wait()
    plsc.subcore_barrier()

    def gather_issue(j, b):
        jj, h = lax.rem(j, GW), j // GW
        idx_sl = idx_v.at[grow(jj), pl.ds(h * HC, HC)]
        pltpu.async_copy(tables_sp.at[idx_sl], rowbufs[b], gsems[b])

    def gather_wait(j, b):
        jj, h = lax.rem(j, GW), j // GW
        idx_sl = idx_v.at[grow(jj), pl.ds(h * HC, HC)]
        pltpu.make_async_copy(tables_sp.at[idx_sl], rowbufs[b],
                              gsems[b]).wait()

    def store_issue(j, b):
        jj, h = lax.rem(j, GW), j // GW
        base = grow(jj) * L + p * CH + h * HC
        pltpu.async_copy(rowbufs[b], out_hbm.at[pl.ds(base, HC)], ssems[b])

    def store_wait(b):
        pltpu.make_async_copy(rowbufs[b], out_hbm.at[pl.ds(0, HC)],
                              ssems[b]).wait()

    for b in range(LOOK):
        gather_issue(b, b)

    def step(i, carry):
        for w in range(NB // 2):
            j0 = NB * i + 2 * w
            b0, b1 = 2 * w, 2 * w + 1
            nb0 = (2 * w + LOOK) % NB
            nb1 = nb0 + 1
            gather_wait(j0, b0)
            gather_wait(j0 + 1, b1)

            if w < (NB - LOOK) // 2:
                @pl.when(i >= 1)
                def _():
                    store_wait(nb0)
                    store_wait(nb1)
                gather_issue(j0 + LOOK, nb0)
                gather_issue(j0 + LOOK + 1, nb1)
            else:
                @pl.when(i < NSTEP // NB - 1)
                def _():
                    store_wait(nb0)
                    store_wait(nb1)
                    gather_issue(j0 + LOOK, nb0)
                    gather_issue(j0 + LOOK + 1, nb1)

            @plsc.parallel_loop(0, HC, step=1, unroll=4)
            def add_rows(r):
                fr = (j0 // GW) * HC + r
                for v in range(D // 16):
                    sl = (r, pl.ds(v * 16, 16))
                    fvec = frame_v[fr, pl.ds(v * 16, 16)]
                    plsc.addupdate(rowbufs[b0].at[sl], fvec)
                    plsc.addupdate(rowbufs[b1].at[sl], fvec)

            store_issue(j0, b0)
            store_issue(j0 + 1, b1)
        return carry

    lax.fori_loop(0, NSTEP // NB, step, 0)
    for b in range(NB):
        store_wait(b)


@functools.partial(
    pl.kernel,
    mesh=plsc.VectorSubcoreMesh(core_axis_name="c", subcore_axis_name="s"),
    out_type=jax.ShapeDtypeStruct((ROWS, D), jnp.float32),
    scratch_types=(
        [pltpu.VMEM_SHARED((THALF, D), jnp.float32),
         pltpu.VMEM((G, CH), jnp.int32),
         pltpu.VMEM((CH, D), jnp.float32)]
        + [pltpu.VMEM((HC, D), jnp.float32)] * NB
        + [pltpu.SemaphoreType.DMA] * (2 * NB)
    ),
)
def _emb_kernel(tables_hbm, idx_hbm, frame_hbm, out_hbm,
                tables_sp, idx_v, frame_v, *bufs_and_sems):
    rowbufs = bufs_and_sems[:NB]
    gsems = bufs_and_sems[NB:2 * NB]
    ssems = bufs_and_sems[2 * NB:3 * NB]
    _emb_body(tables_hbm, idx_hbm, frame_hbm, out_hbm,
              tables_sp, idx_v, frame_v, rowbufs, gsems, ssems)


@jax.jit
def kernel(index, content_tables, frame_table):
    tables = content_tables.reshape(K * NUM_CLASSES, D)
    idx = index.reshape(G, L).astype(jnp.int32)
    out = _emb_kernel(tables, idx, frame_table[:L])
    return out.reshape(B, K, L, D)

# --- scband reference (transcript-rebuilt; emitter-appended) ---
"""Pipeline reference for scband-rvqcodebook-embeddings-2396591751665 (READ-ONLY COPY).

The authoritative reference and input builder live on the scoring server;
editing this copy changes nothing except your own understanding.
"""

import jax, jax.numpy as jnp
import numpy as np

B, K, L, NUM_CLASSES, MAX_FRAME_LEN, D = 16, 8, 2048, 1024, 2048, 128

def setup_inputs(seed: int = 0) -> dict:
    key = jax.random.key(seed)
    k1, k2, k3 = jax.random.split(key, 3)
    index = jax.random.randint(k1, (B, K, L), 0, NUM_CLASSES)
    # stacked per-codebook content embedding tables: [K, num_classes, D]
    content_tables = jax.random.normal(k2, (K, NUM_CLASSES, D), dtype=jnp.float32)
    frame_table = jax.random.normal(k3, (MAX_FRAME_LEN, D), dtype=jnp.float32)
    return {"index": index, "content_tables": content_tables, "frame_table": frame_table}

def reference(index, content_tables, frame_table):
    # per-codebook embedding lookup, then concat along codebook dim (same as torch cat of [B,1,L,D])
    emb = jnp.stack([jnp.take(content_tables[k], index[:, k, :], axis=0) for k in range(K)], axis=1)  # [B,K,L,D]
    frame_emb = jnp.take(frame_table, jnp.arange(L), axis=0)  # [L, D]
    frame_emb = frame_emb[None, None, :, :]  # [1,1,L,D]
    return emb + frame_emb

if __name__ == "__main__":
    import jax
    _d = setup_inputs()
    print(jax.jit(kernel)(*tuple(_d.values())))

</pallas_src>

<mosaic_0001>
#map = affine_map<(d0, d1) -> (0, 0)>
module attributes {stable_mosaic.version = 14 : i64} {
  func.func @_emb_kernel(%arg0: i32, %arg1: i32, %arg2: memref<8192x128xf32, #tpu.memory_space<hbm>>, %arg3: memref<128x2048xi32, #tpu.memory_space<hbm>>, %arg4: memref<2048x128xf32, #tpu.memory_space<hbm>>, %arg5: memref<262144x128xf32, #tpu.memory_space<hbm>>, %arg6: memref<4096x128xf32, #tpu.memory_space<vmem_shared>>, %arg7: memref<128x128xi32, #tpu.memory_space<vmem>>, %arg8: memref<128x128xf32, #tpu.memory_space<vmem>>, %arg9: memref<64x128xf32, #tpu.memory_space<vmem>>, %arg10: memref<64x128xf32, #tpu.memory_space<vmem>>, %arg11: memref<64x128xf32, #tpu.memory_space<vmem>>, %arg12: memref<64x128xf32, #tpu.memory_space<vmem>>, %arg13: memref<64x128xf32, #tpu.memory_space<vmem>>, %arg14: memref<64x128xf32, #tpu.memory_space<vmem>>, %arg15: memref<64x128xf32, #tpu.memory_space<vmem>>, %arg16: memref<64x128xf32, #tpu.memory_space<vmem>>, %arg17: memref<!tpu.dma_semaphore, #tpu.memory_space<semaphore_mem>>, %arg18: memref<!tpu.dma_semaphore, #tpu.memory_space<semaphore_mem>>, %arg19: memref<!tpu.dma_semaphore, #tpu.memory_space<semaphore_mem>>, %arg20: memref<!tpu.dma_semaphore, #tpu.memory_space<semaphore_mem>>, %arg21: memref<!tpu.dma_semaphore, #tpu.memory_space<semaphore_mem>>, %arg22: memref<!tpu.dma_semaphore, #tpu.memory_space<semaphore_mem>>, %arg23: memref<!tpu.dma_semaphore, #tpu.memory_space<semaphore_mem>>, %arg24: memref<!tpu.dma_semaphore, #tpu.memory_space<semaphore_mem>>, %arg25: memref<!tpu.dma_semaphore, #tpu.memory_space<semaphore_mem>>, %arg26: memref<!tpu.dma_semaphore, #tpu.memory_space<semaphore_mem>>, %arg27: memref<!tpu.dma_semaphore, #tpu.memory_space<semaphore_mem>>, %arg28: memref<!tpu.dma_semaphore, #tpu.memory_space<semaphore_mem>>, %arg29: memref<!tpu.dma_semaphore, #tpu.memory_space<semaphore_mem>>, %arg30: memref<!tpu.dma_semaphore, #tpu.memory_space<semaphore_mem>>, %arg31: memref<!tpu.dma_semaphore, #tpu.memory_space<semaphore_mem>>, %arg32: memref<!tpu.dma_semaphore, #tpu.memory_space<semaphore_mem>>) attributes {dimension_semantics = [#tpu.dimension_semantics<core_parallel>, #tpu.dimension_semantics<subcore_parallel>], iteration_bounds = array<i64: 2, 16>, scalar_prefetch = 0 : i64, scratch_operands = 27 : i64, tpu.core_type = #tpu.core_type<sc_vector_subcore>, window_params = [{transform_indices = #map}, {transform_indices = #map}, {transform_indices = #map}, {transform_indices = #map}]} {
    %mul3A = arith.constant 4096 : i32
    %mul3A_0 = arith.muli %arg0, %mul3A : i32
    %mul3A_1 = arith.constant 256 : i32
    %mul3A_2 = arith.muli %arg1, %mul3A_1 : i32
    %add3A = arith.addi %mul3A_0, %mul3A_2 : i32
    %mul3A_3 = arith.constant 256 : i32
    %mul3A_4 = arith.muli %arg1, %mul3A_3 : i32
    %mul3A_5 = arith.constant 128 : i32
    %mul3A_6 = arith.muli %arg1, %mul3A_5 : i32
    %mul3A_7 = arith.constant 128 : i32
    %mul3A_8 = arith.muli %arg1, %mul3A_7 : i32
    %dma_start3A = arith.constant 0 : i32
    %dma_start3A_9 = tpu.memref_slice %arg3[%dma_start3A, %mul3A_6] : memref<128x2048xi32, #tpu.memory_space<hbm>> -> memref<128x128xi32, #tpu.memory_space<hbm>>
    %dma_start3A_10 = arith.constant 0 : i32
    %dma_start3A_11 = tpu.memref_slice %arg3[%dma_start3A_10, %mul3A_6] : memref<128x2048xi32, #tpu.memory_space<hbm>> -> memref<128x128xi32, #tpu.memory_space<hbm>>
    tpu.enqueue_dma source(%dma_start3A_11 : memref<128x128xi32, #tpu.memory_space<hbm>>) target(%arg7 : memref<128x128xi32, #tpu.memory_space<vmem>>) target_semaphore(%arg25 : memref<!tpu.dma_semaphore, #tpu.memory_space<semaphore_mem>>)
    %mul3A_12 = arith.constant 256 : i32
    %mul3A_13 = arith.muli %arg1, %mul3A_12 : i32
    %dma_start3A_14 = arith.constant 0 : i32
    %dma_start3A_15 = tpu.memref_slice %arg6[%mul3A_13, %dma_start3A_14] : memref<4096x128xf32, #tpu.memory_space<vmem_shared>> -> memref<256x128xf32, #tpu.memory_space<vmem_shared>>
    %dma_start3A_16 = arith.constant 0 : i32
    %dma_start3A_17 = tpu.memref_slice %arg2[%add3A, %dma_start3A_16] : memref<8192x128xf32, #tpu.memory_space<hbm>> -> memref<256x128xf32, #tpu.memory_space<hbm>>
    tpu.enqueue_dma source(%dma_start3A_17 : memref<256x128xf32, #tpu.memory_space<hbm>>) target(%dma_start3A_15 : memref<256x128xf32, #tpu.memory_space<vmem_shared>>) target_semaphore(%arg26 : memref<!tpu.dma_semaphore, #tpu.memory_space<semaphore_mem>>)
    %dma_start3A_18 = arith.constant 0 : i32
    %dma_start3A_19 = tpu.memref_slice %arg4[%mul3A_8, %dma_start3A_18] : memref<2048x128xf32, #tpu.memory_space<hbm>> -> memref<128x128xf32, #tpu.memory_space<hbm>>
    %dma_start3A_20 = arith.constant 0 : i32
    %dma_start3A_21 = tpu.memref_slice %arg4[%mul3A_8, %dma_start3A_20] : memref<2048x128xf32, #tpu.memory_space<hbm>> -> memref<128x128xf32, #tpu.memory_space<hbm>>
    tpu.enqueue_dma source(%dma_start3A_21 : memref<128x128xf32, #tpu.memory_space<hbm>>) target(%arg8 : memref<128x128xf32, #tpu.memory_space<vmem>>) target_semaphore(%arg27 : memref<!tpu.dma_semaphore, #tpu.memory_space<semaphore_mem>>)
    %dma_wait3A = arith.constant 0 : i32
    %dma_wait3A_22 = tpu.memref_slice %arg3[%dma_wait3A, %mul3A_6] : memref<128x2048xi32, #tpu.memory_space<hbm>> -> memref<128x128xi32, #tpu.memory_space<hbm>>
    %dma_wait3A_23 = arith.constant 0 : i32
    %dma_wait3A_24 = tpu.memref_slice %arg3[%dma_wait3A_23, %mul3A_6] : memref<128x2048xi32, #tpu.memory_space<hbm>> -> memref<128x128xi32, #tpu.memory_space<hbm>>
    tpu.wait_dma2 semaphore(%arg25 : memref<!tpu.dma_semaphore, #tpu.memory_space<semaphore_mem>>) src(%dma_wait3A_24 : memref<128x128xi32, #tpu.memory_space<hbm>>) dst(%arg7 : memref<128x128xi32, #tpu.memory_space<vmem>>)
    %scan3A = arith.constant 0 : i32
    %scan3A_25 = arith.constant 0 : i32
    %scan3A_26 = arith.constant 64 : i32
    %scan3A_27 = arith.addi %scan3A_25, %scan3A_26 : i32
    %scan3A_28 = arith.constant 1 : i32
    scf.for %scan3A_248 = %scan3A_25 to %scan3A_27 step %scan3A_28  : i32 {
      %jit3A_249 = arith.constant 4 : i32
      %div3A_250 = arith.divsi %scan3A_248, %jit3A_249 : i32
      %sign3A_251 = arith.constant 0 : i32
      %sign3A_252 = arith.cmpi sgt, %scan3A_248, %sign3A_251 : i32
      %sign3A_253 = arith.extui %sign3A_252 : i1 to i32
      %sign3A_254 = arith.constant 0 : i32
      %sign3A_255 = arith.cmpi slt, %scan3A_248, %sign3A_254 : i32
      %sign3A_256 = arith.extui %sign3A_255 : i1 to i32
      %sign3A_257 = arith.subi %sign3A_253, %sign3A_256 : i32
      %sign3A_258 = arith.constant 0 : i32
      %sign3A_259 = arith.cmpi sgt, %jit3A_249, %sign3A_258 : i32
      %sign3A_260 = arith.extui %sign3A_259 : i1 to i32
      %sign3A_261 = arith.constant 0 : i32
      %sign3A_262 = arith.cmpi slt, %jit3A_249, %sign3A_261 : i32
      %sign3A_263 = arith.extui %sign3A_262 : i1 to i32
      %sign3A_264 = arith.subi %sign3A_260, %sign3A_263 : i32
      %ne3A_265 = arith.cmpi ne, %sign3A_257, %sign3A_264 : i32
      %rem3A_266 = arith.remsi %scan3A_248, %jit3A_249 : i32
      %ne3A_267 = arith.constant 0 : i32
      %ne3A_268 = arith.cmpi ne, %rem3A_266, %ne3A_267 : i32
      %and3A_269 = arith.andi %ne3A_265, %ne3A_268 : i1
      %sub3A_270 = arith.constant 1 : i32
      %sub3A_271 = arith.subi %div3A_250, %sub3A_270 : i32
      %select_n3A_272 = arith.select %and3A_269, %sub3A_271, %div3A_250 : i32
      %mul3A_273 = arith.constant 8 : i32
      %mul3A_274 = arith.muli %mul3A_273, %select_n3A_272 : i32
      %mul3A_275 = arith.constant 4 : i32
      %mul3A_276 = arith.muli %mul3A_275, %arg0 : i32
      %add3A_277 = arith.addi %mul3A_274, %mul3A_276 : i32
      %rem3A_278 = arith.constant 4 : i32
      %rem3A_279 = arith.remsi %scan3A_248, %rem3A_278 : i32
      %add3A_280 = arith.addi %add3A_277, %rem3A_279 : i32
      %rem3A_281 = arith.constant 4 : i32
      %rem3A_282 = arith.remsi %scan3A_248, %rem3A_281 : i32
      %mul3A_283 = arith.constant 1024 : i32
      %mul3A_284 = arith.muli %rem3A_282, %mul3A_283 : i32
      %broadcast_in_dim3A = vector.broadcast %mul3A_284 : i32 to vector<16xi32>
      %get3A = arith.index_cast %add3A_280 : i32 to index
      %get3A_285 = arith.constant 0 : index
      %get3A_286 = tpu.vector_load %arg7[%get3A, %get3A_285] {strides = array<i32>} : memref<128x128xi32, #tpu.memory_space<vmem>>, vector<1x16xi32>,
      %get3A_287 = vector.shape_cast %get3A_286 : vector<1x16xi32> to vector<16xi32>
      %add3A_288 = arith.addi %get3A_287, %broadcast_in_dim3A : vector<16xi32>
      %swap3A = arith.index_cast %add3A_280 : i32 to index
      %swap3A_289 = arith.constant 0 : index
      %swap3A_290 = tpu.vector_load %arg7[%swap3A, %swap3A_289] {strides = array<i32>} : memref<128x128xi32, #tpu.memory_space<vmem>>, vector<1x16xi32>,
      %swap3A_291 = vector.shape_cast %swap3A_290 : vector<1x16xi32> to vector<16xi32>
      %swap3A_292 = vector.shape_cast %add3A_288 : vector<16xi32> to vector<1x16xi32>
      tpu.vector_store %arg7[%swap3A, %swap3A_289], %swap3A_292 {strides = array<i32>} : memref<128x128xi32, #tpu.memory_space<vmem>>, vector<1x16xi32>,
      %get3A_293 = arith.index_cast %add3A_280 : i32 to index
      %get3A_294 = arith.constant 16 : index
      %get3A_295 = tpu.vector_load %arg7[%get3A_293, %get3A_294] {strides = array<i32>} : memref<128x128xi32, #tpu.memory_space<vmem>>, vector<1x16xi32>,
      %get3A_296 = vector.shape_cast %get3A_295 : vector<1x16xi32> to vector<16xi32>
      %add3A_297 = arith.addi %get3A_296, %broadcast_in_dim3A : vector<16xi32>
      %swap3A_298 = arith.index_cast %add3A_280 : i32 to index
      %swap3A_299 = arith.constant 16 : index
      %swap3A_300 = tpu.vector_load %arg7[%swap3A_298, %swap3A_299] {strides = array<i32>} : memref<128x128xi32, #tpu.memory_space<vmem>>, vector<1x16xi32>,
      %swap3A_301 = vector.shape_cast %swap3A_300 : vector<1x16xi32> to vector<16xi32>
      %swap3A_302 = vector.shape_cast %add3A_297 : vector<16xi32> to vector<1x16xi32>
      tpu.vector_store %arg7[%swap3A_298, %swap3A_299], %swap3A_302 {strides = array<i32>} : memref<128x128xi32, #tpu.memory_space<vmem>>, vector<1x16xi32>,
      %get3A_303 = arith.index_cast %add3A_280 : i32 to index
      %get3A_304 = arith.constant 32 : index
      %get3A_305 = tpu.vector_load %arg7[%get3A_303, %get3A_304] {strides = array<i32>} : memref<128x128xi32, #tpu.memory_space<vmem>>, vector<1x16xi32>,
      %get3A_306 = vector.shape_cast %get3A_305 : vector<1x16xi32> to vector<16xi32>
      %add3A_307 = arith.addi %get3A_306, %broadcast_in_dim3A : vector<16xi32>
      %swap3A_308 = arith.index_cast %add3A_280 : i32 to index
      %swap3A_309 = arith.constant 32 : index
      %swap3A_310 = tpu.vector_load %arg7[%swap3A_308, %swap3A_309] {strides = array<i32>} : memref<128x128xi32, #tpu.memory_space<vmem>>, vector<1x16xi32>,
      %swap3A_311 = vector.shape_cast %swap3A_310 : vector<1x16xi32> to vector<16xi32>
      %swap3A_312 = vector.shape_cast %add3A_307 : vector<16xi32> to vector<1x16xi32>
      tpu.vector_store %arg7[%swap3A_308, %swap3A_309], %swap3A_312 {strides = array<i32>} : memref<128x128xi32, #tpu.memory_space<vmem>>, vector<1x16xi32>,
      %get3A_313 = arith.index_cast %add3A_280 : i32 to index
      %get3A_314 = arith.constant 48 : index
      %get3A_315 = tpu.vector_load %arg7[%get3A_313, %get3A_314] {strides = array<i32>} : memref<128x128xi32, #tpu.memory_space<vmem>>, vector<1x16xi32>,
      %get3A_316 = vector.shape_cast %get3A_315 : vector<1x16xi32> to vector<16xi32>
      %add3A_317 = arith.addi %get3A_316, %broadcast_in_dim3A : vector<16xi32>
      %swap3A_318 = arith.index_cast %add3A_280 : i32 to index
      %swap3A_319 = arith.constant 48 : index
      %swap3A_320 = tpu.vector_load %arg7[%swap3A_318, %swap3A_319] {strides = array<i32>} : memref<128x128xi32, #tpu.memory_space<vmem>>, vector<1x16xi32>,
      %swap3A_321 = vector.shape_cast %swap3A_320 : vector<1x16xi32> to vector<16xi32>
      %swap3A_322 = vector.shape_cast %add3A_317 : vector<16xi32> to vector<1x16xi32>
      tpu.vector_store %arg7[%swap3A_318, %swap3A_319], %swap3A_322 {strides = array<i32>} : memref<128x128xi32, #tpu.memory_space<vmem>>, vector<1x16xi32>,
      %get3A_323 = arith.index_cast %add3A_280 : i32 to index
      %get3A_324 = arith.constant 64 : index
      %get3A_325 = tpu.vector_load %arg7[%get3A_323, %get3A_324] {strides = array<i32>} : memref<128x128xi32, #tpu.memory_space<vmem>>, vector<1x16xi32>,
      %get3A_326 = vector.shape_cast %get3A_325 : vector<1x16xi32> to vector<16xi32>
      %add3A_327 = arith.addi %get3A_326, %broadcast_in_dim3A : vector<16xi32>
      %swap3A_328 = arith.index_cast %add3A_280 : i32 to index
      %swap3A_329 = arith.constant 64 : index
      %swap3A_330 = tpu.vector_load %arg7[%swap3A_328, %swap3A_329] {strides = array<i32>} : memref<128x128xi32, #tpu.memory_space<vmem>>, vector<1x16xi32>,
      %swap3A_331 = vector.shape_cast %swap3A_330 : vector<1x16xi32> to vector<16xi32>
      %swap3A_332 = vector.shape_cast %add3A_327 : vector<16xi32> to vector<1x16xi32>
      tpu.vector_store %arg7[%swap3A_328, %swap3A_329], %swap3A_332 {strides = array<i32>} : memref<128x128xi32, #tpu.memory_space<vmem>>, vector<1x16xi32>,
      %get3A_333 = arith.index_cast %add3A_280 : i32 to index
      %get3A_334 = arith.constant 80 : index
      %get3A_335 = tpu.vector_load %arg7[%get3A_333, %get3A_334] {strides = array<i32>} : memref<128x128xi32, #tpu.memory_space<vmem>>, vector<1x16xi32>,
      %get3A_336 = vector.shape_cast %get3A_335 : vector<1x16xi32> to vector<16xi32>
      %add3A_337 = arith.addi %get3A_336, %broadcast_in_dim3A : vector<16xi32>
      %swap3A_338 = arith.index_cast %add3A_280 : i32 to index
      %swap3A_339 = arith.constant 80 : index
      %swap3A_340 = tpu.vector_load %arg7[%swap3A_338, %swap3A_339] {strides = array<i32>} : memref<128x128xi32, #tpu.memory_space<vmem>>, vector<1x16xi32>,
      %swap3A_341 = vector.shape_cast %swap3A_340 : vector<1x16xi32> to vector<16xi32>
      %swap3A_342 = vector.shape_cast %add3A_337 : vector<16xi32> to vector<1x16xi32>
      tpu.vector_store %arg7[%swap3A_338, %swap3A_339], %swap3A_342 {strides = array<i32>} : memref<128x128xi32, #tpu.memory_space<vmem>>, vector<1x16xi32>,
      %get3A_343 = arith.index_cast %add3A_280 : i32 to index
      %get3A_344 = arith.constant 96 : index
      %get3A_345 = tpu.vector_load %arg7[%get3A_343, %get3A_344] {strides = array<i32>} : memref<128x128xi32, #tpu.memory_space<vmem>>, vector<1x16xi32>,
      %get3A_346 = vector.shape_cast %get3A_345 : vector<1x16xi32> to vector<16xi32>
      %add3A_347 = arith.addi %get3A_346, %broadcast_in_dim3A : vector<16xi32>
      %swap3A_348 = arith.index_cast %add3A_280 : i32 to index
      %swap3A_349 = arith.constant 96 : index
      %swap3A_350 = tpu.vector_load %arg7[%swap3A_348, %swap3A_349] {strides = array<i32>} : memref<128x128xi32, #tpu.memory_space<vmem>>, vector<1x16xi32>,
      %swap3A_351 = vector.shape_cast %swap3A_350 : vector<1x16xi32> to vector<16xi32>
      %swap3A_352 = vector.shape_cast %add3A_347 : vector<16xi32> to vector<1x16xi32>
      tpu.vector_store %arg7[%swap3A_348, %swap3A_349], %swap3A_352 {strides = array<i32>} : memref<128x128xi32, #tpu.memory_space<vmem>>, vector<1x16xi32>,
      %get3A_353 = arith.index_cast %add3A_280 : i32 to index
      %get3A_354 = arith.constant 112 : index
      %get3A_355 = tpu.vector_load %arg7[%get3A_353, %get3A_354] {strides = array<i32>} : memref<128x128xi32, #tpu.memory_space<vmem>>, vector<1x16xi32>,
      %get3A_356 = vector.shape_cast %get3A_355 : vector<1x16xi32> to vector<16xi32>
      %add3A_357 = arith.addi %get3A_356, %broadcast_in_dim3A : vector<16xi32>
      %swap3A_358 = arith.index_cast %add3A_280 : i32 to index
      %swap3A_359 = arith.constant 112 : index
      %swap3A_360 = tpu.vector_load %arg7[%swap3A_358, %swap3A_359] {strides = array<i32>} : memref<128x128xi32, #tpu.memory_space<vmem>>, vector<1x16xi32>,
      %swap3A_361 = vector.shape_cast %swap3A_360 : vector<1x16xi32> to vector<16xi32>
      %swap3A_362 = vector.shape_cast %add3A_357 : vector<16xi32> to vector<1x16xi32>
      tpu.vector_store %arg7[%swap3A_358, %swap3A_359], %swap3A_362 {strides = array<i32>} : memref<128x128xi32, #tpu.memory_space<vmem>>, vector<1x16xi32>,
    }
    %scan3A_29 = arith.constant 64 : i32
    %dma_wait3A_30 = arith.constant 0 : i32
    %dma_wait3A_31 = tpu.memref_slice %arg6[%mul3A_4, %dma_wait3A_30] : memref<4096x128xf32, #tpu.memory_space<vmem_shared>> -> memref<256x128xf32, #tpu.memory_space<vmem_shared>>
    %dma_wait3A_32 = arith.constant 0 : i32
    %dma_wait3A_33 = tpu.memref_slice %arg2[%add3A, %dma_wait3A_32] : memref<8192x128xf32, #tpu.memory_space<hbm>> -> memref<256x128xf32, #tpu.memory_space<hbm>>
    tpu.wait_dma2 semaphore(%arg26 : memref<!tpu.dma_semaphore, #tpu.memory_space<semaphore_mem>>) src(%dma_wait3A_33 : memref<256x128xf32, #tpu.memory_space<hbm>>) dst(%dma_wait3A_31 : memref<256x128xf32, #tpu.memory_space<vmem_shared>>)
    %dma_wait3A_34 = arith.constant 0 : i32
    %dma_wait3A_35 = tpu.memref_slice %arg4[%mul3A_8, %dma_wait3A_34] : memref<2048x128xf32, #tpu.memory_space<hbm>> -> memref<128x128xf32, #tpu.memory_space<hbm>>
    %dma_wait3A_36 = arith.constant 0 : i32
    %dma_wait3A_37 = tpu.memref_slice %arg4[%mul3A_8, %dma_wait3A_36] : memref<2048x128xf32, #tpu.memory_space<hbm>> -> memref<128x128xf32, #tpu.memory_space<hbm>>
    tpu.wait_dma2 semaphore(%arg27 : memref<!tpu.dma_semaphore, #tpu.memory_space<semaphore_mem>>) src(%dma_wait3A_37 : memref<128x128xf32, #tpu.memory_space<hbm>>) dst(%arg8 : memref<128x128xf32, #tpu.memory_space<vmem>>)
    %barrier3A = arith.constant 0 : index
    tpu.barrier barrier_id(%barrier3A)
    %rem3A = arith.constant 0 : i32
    %rem3A_38 = arith.constant 64 : i32
    %rem3A_39 = arith.remsi %rem3A, %rem3A_38 : i32
    %jit3A = arith.constant 4 : i32
    %div3A = arith.divsi %rem3A_39, %jit3A : i32
    %sign3A = arith.constant 0 : i32
    %sign3A_40 = arith.cmpi sgt, %rem3A_39, %sign3A : i32
    %sign3A_41 = arith.extui %sign3A_40 : i1 to i32
    %sign3A_42 = arith.constant 0 : i32
    %sign3A_43 = arith.cmpi slt, %rem3A_39, %sign3A_42 : i32
    %sign3A_44 = arith.extui %sign3A_43 : i1 to i32
    %sign3A_45 = arith.subi %sign3A_41, %sign3A_44 : i32
    %sign3A_46 = arith.constant 0 : i32
    %sign3A_47 = arith.cmpi sgt, %jit3A, %sign3A_46 : i32
    %sign3A_48 = arith.extui %sign3A_47 : i1 to i32
    %sign3A_49 = arith.constant 0 : i32
    %sign3A_50 = arith.cmpi slt, %jit3A, %sign3A_49 : i32
    %sign3A_51 = arith.extui %sign3A_50 : i1 to i32
    %sign3A_52 = arith.subi %sign3A_48, %sign3A_51 : i32
    %ne3A = arith.cmpi ne, %sign3A_45, %sign3A_52 : i32
    %rem3A_53 = arith.remsi %rem3A_39, %jit3A : i32
    %ne3A_54 = arith.constant 0 : i32
    %ne3A_55 = arith.cmpi ne, %rem3A_53, %ne3A_54 : i32
    %and3A = arith.andi %ne3A, %ne3A_55 : i1
    %sub3A = arith.constant 1 : i32
    %sub3A_56 = arith.subi %div3A, %sub3A : i32
    %select_n3A = arith.select %and3A, %sub3A_56, %div3A : i32
    %mul3A_57 = arith.constant 8 : i32
    %mul3A_58 = arith.muli %mul3A_57, %select_n3A : i32
    %mul3A_59 = arith.constant 4 : i32
    %mul3A_60 = arith.muli %mul3A_59, %arg0 : i32
    %add3A_61 = arith.addi %mul3A_58, %mul3A_60 : i32
    %rem3A_62 = arith.constant 4 : i32
    %rem3A_63 = arith.remsi %rem3A_39, %rem3A_62 : i32
    %add3A_64 = arith.addi %add3A_61, %rem3A_63 : i32
    %dma_start3A_65 = arith.constant 0 : i32
    %dma_start3A_66 = tpu.memref_slice %arg7[%add3A_64, %dma_start3A_65] : memref<128x128xi32, #tpu.memory_space<vmem>> -> memref<1x64xi32, #tpu.memory_space<vmem>>
    %dma_start3A_67 = tpu.memref_squeeze %dma_start3A_66 : memref<1x64xi32, #tpu.memory_space<vmem>> -> memref<64xi32, #tpu.memory_space<vmem>>
    %dma_start3A_68 = arith.constant 0 : i32
    %dma_start3A_69 = arith.constant 0 : i32
    %dma_start3A_70 = tpu.memref_slice %arg6[%dma_start3A_68, %dma_start3A_69] : memref<4096x128xf32, #tpu.memory_space<vmem_shared>> -> memref<4096x128xf32, #tpu.memory_space<vmem_shared>>
    tpu.enqueue_indirect_dma source(%dma_start3A_70 : memref<4096x128xf32, #tpu.memory_space<vmem_shared>>) target(%arg9 : memref<64x128xf32, #tpu.memory_space<vmem>>) offsets(%dma_start3A_67 : memref<64xi32, #tpu.memory_space<vmem>>) semaphore(%arg17 : memref<!tpu.dma_semaphore, #tpu.memory_space<semaphore_mem>>)
    %rem3A_71 = arith.constant 1 : i32
    %rem3A_72 = arith.constant 64 : i32
    %rem3A_73 = arith.remsi %rem3A_71, %rem3A_72 : i32
    %jit3A_74 = arith.constant 4 : i32
    %div3A_75 = arith.divsi %rem3A_73, %jit3A_74 : i32
    %sign3A_76 = arith.constant 0 : i32
    %sign3A_77 = arith.cmpi sgt, %rem3A_73, %sign3A_76 : i32
    %sign3A_78 = arith.extui %sign3A_77 : i1 to i32
    %sign3A_79 = arith.constant 0 : i32
    %sign3A_80 = arith.cmpi slt, %rem3A_73, %sign3A_79 : i32
    %sign3A_81 = arith.extui %sign3A_80 : i1 to i32
    %sign3A_82 = arith.subi %sign3A_78, %sign3A_81 : i32
    %sign3A_83 = arith.constant 0 : i32
    %sign3A_84 = arith.cmpi sgt, %jit3A_74, %sign3A_83 : i32
    %sign3A_85 = arith.extui %sign3A_84 : i1 to i32
    %sign3A_86 = arith.constant 0 : i32
    %sign3A_87 = arith.cmpi slt, %jit3A_74, %sign3A_86 : i32
    %sign3A_88 = arith.extui %sign3A_87 : i1 to i32
    %sign3A_89 = arith.subi %sign3A_85, %sign3A_88 : i32
    %ne3A_90 = arith.cmpi ne, %sign3A_82, %sign3A_89 : i32
    %rem3A_91 = arith.remsi %rem3A_73, %jit3A_74 : i32
    %ne3A_92 = arith.constant 0 : i32
    %ne3A_93 = arith.cmpi ne, %rem3A_91, %ne3A_92 : i32
    %and3A_94 = arith.andi %ne3A_90, %ne3A_93 : i1
    %sub3A_95 = arith.constant 1 : i32
    %sub3A_96 = arith.subi %div3A_75, %sub3A_95 : i32
    %select_n3A_97 = arith.select %and3A_94, %sub3A_96, %div3A_75 : i32
    %mul3A_98 = arith.constant 8 : i32
    %mul3A_99 = arith.muli %mul3A_98, %select_n3A_97 : i32
    %mul3A_100 = arith.constant 4 : i32
    %mul3A_101 = arith.muli %mul3A_100, %arg0 : i32
    %add3A_102 = arith.addi %mul3A_99, %mul3A_101 : i32
    %rem3A_103 = arith.constant 4 : i32
    %rem3A_104 = arith.remsi %rem3A_73, %rem3A_103 : i32
    %add3A_105 = arith.addi %add3A_102, %rem3A_104 : i32
    %dma_start3A_106 = arith.constant 0 : i32
    %dma_start3A_107 = tpu.memref_slice %arg7[%add3A_105, %dma_start3A_106] : memref<128x128xi32, #tpu.memory_space<vmem>> -> memref<1x64xi32, #tpu.memory_space<vmem>>
    %dma_start3A_108 = tpu.memref_squeeze %dma_start3A_107 : memref<1x64xi32, #tpu.memory_space<vmem>> -> memref<64xi32, #tpu.memory_space<vmem>>
    %dma_start3A_109 = arith.constant 0 : i32
    %dma_start3A_110 = arith.constant 0 : i32
    %dma_start3A_111 = tpu.memref_slice %arg6[%dma_start3A_109, %dma_start3A_110] : memref<4096x128xf32, #tpu.memory_space<vmem_shared>> -> memref<4096x128xf32, #tpu.memory_space<vmem_shared>>
    tpu.enqueue_indirect_dma source(%dma_start3A_111 : memref<4096x128xf32, #tpu.memory_space<vmem_shared>>) target(%arg10 : memref<64x128xf32, #tpu.memory_space<vmem>>) offsets(%dma_start3A_108 : memref<64xi32, #tpu.memory_space<vmem>>) semaphore(%arg18 : memref<!tpu.dma_semaphore, #tpu.memory_space<semaphore_mem>>)
    %rem3A_112 = arith.constant 2 : i32
    %rem3A_113 = arith.constant 64 : i32
    %rem3A_114 = arith.remsi %rem3A_112, %rem3A_113 : i32
    %jit3A_115 = arith.constant 4 : i32
    %div3A_116 = arith.divsi %rem3A_114, %jit3A_115 : i32
    %sign3A_117 = arith.constant 0 : i32
    %sign3A_118 = arith.cmpi sgt, %rem3A_114, %sign3A_117 : i32
    %sign3A_119 = arith.extui %sign3A_118 : i1 to i32
    %sign3A_120 = arith.constant 0 : i32
    %sign3A_121 = arith.cmpi slt, %rem3A_114, %sign3A_120 : i32
    %sign3A_122 = arith.extui %sign3A_121 : i1 to i32
    %sign3A_123 = arith.subi %sign3A_119, %sign3A_122 : i32
    %sign3A_124 = arith.constant 0 : i32
    %sign3A_125 = arith.cmpi sgt, %jit3A_115, %sign3A_124 : i32
    %sign3A_126 = arith.extui %sign3A_125 : i1 to i32
    %sign3A_127 = arith.constant 0 : i32
    %sign3A_128 = arith.cmpi slt, %jit3A_115, %sign3A_127 : i32
    %sign3A_129 = arith.extui %sign3A_128 : i1 to i32
    %sign3A_130 = arith.subi %sign3A_126, %sign3A_129 : i32
    %ne3A_131 = arith.cmpi ne, %sign3A_123, %sign3A_130 : i32
    %rem3A_132 = arith.remsi %rem3A_114, %jit3A_115 : i32
    %ne3A_133 = arith.constant 0 : i32
    %ne3A_134 = arith.cmpi ne, %rem3A_132, %ne3A_133 : i32
    %and3A_135 = arith.andi %ne3A_131, %ne3A_134 : i1
    %sub3A_136 = arith.constant 1 : i32
    %sub3A_137 = arith.subi %div3A_116, %sub3A_136 : i32
    %select_n3A_138 = arith.select %and3A_135, %sub3A_137, %div3A_116 : i32
    %mul3A_139 = arith.constant 8 : i32
    %mul3A_140 = arith.muli %mul3A_139, %select_n3A_138 : i32
    %mul3A_141 = arith.constant 4 : i32
    %mul3A_142 = arith.muli %mul3A_141, %arg0 : i32
    %add3A_143 = arith.addi %mul3A_140, %mul3A_142 : i32
    %rem3A_144 = arith.constant 4 : i32
    %rem3A_145 = arith.remsi %rem3A_114, %rem3A_144 : i32
    %add3A_146 = arith.addi %add3A_143, %rem3A_145 : i32
    %dma_start3A_147 = arith.constant 0 : i32
    %dma_start3A_148 = tpu.memref_slice %arg7[%add3A_146, %dma_start3A_147] : memref<128x128xi32, #tpu.memory_space<vmem>> -> memref<1x64xi32, #tpu.memory_space<vmem>>
    %dma_start3A_149 = tpu.memref_squeeze %dma_start3A_148 : memref<1x64xi32, #tpu.memory_space<vmem>> -> memref<64xi32, #tpu.memory_space<vmem>>
    %dma_start3A_150 = arith.constant 0 : i32
    %dma_start3A_151 = arith.constant 0 : i32
    %dma_start3A_152 = tpu.memref_slice %arg6[%dma_start3A_150, %dma_start3A_151] : memref<4096x128xf32, #tpu.memory_space<vmem_shared>> -> memref<4096x128xf32, #tpu.memory_space<vmem_shared>>
    tpu.enqueue_indirect_dma source(%dma_start3A_152 : memref<4096x128xf32, #tpu.memory_space<vmem_shared>>) target(%arg11 : memref<64x128xf32, #tpu.memory_space<vmem>>) offsets(%dma_start3A_149 : memref<64xi32, #tpu.memory_space<vmem>>) semaphore(%arg19 : memref<!tpu.dma_semaphore, #tpu.memory_space<semaphore_mem>>)
    %rem3A_153 = arith.constant 3 : i32
    %rem3A_154 = arith.constant 64 : i32
    %rem3A_155 = arith.remsi %rem3A_153, %rem3A_154 : i32
    %jit3A_156 = arith.constant 4 : i32
    %div3A_157 = arith.divsi %rem3A_155, %jit3A_156 : i32
    %sign3A_158 = arith.constant 0 : i32
    %sign3A_159 = arith.cmpi sgt, %rem3A_155, %sign3A_158 : i32
    %sign3A_160 = arith.extui %sign3A_159 : i1 to i32
    %sign3A_161 = arith.constant 0 : i32
    %sign3A_162 = arith.cmpi slt, %rem3A_155, %sign3A_161 : i32
    %sign3A_163 = arith.extui %sign3A_162 : i1 to i32
    %sign3A_164 = arith.subi %sign3A_160, %sign3A_163 : i32
    %sign3A_165 = arith.constant 0 : i32
    %sign3A_166 = arith.cmpi sgt, %jit3A_156, %sign3A_165 : i32
    %sign3A_167 = arith.extui %sign3A_166 : i1 to i32
    %sign3A_168 = arith.constant 0 : i32
    %sign3A_169 = arith.cmpi slt, %jit3A_156, %sign3A_168 : i32
    %sign3A_170 = arith.extui %sign3A_169 : i1 to i32
    %sign3A_171 = arith.subi %sign3A_167, %sign3A_170 : i32
    %ne3A_172 = arith.cmpi ne, %sign3A_164, %sign3A_171 : i32
    %rem3A_173 = arith.remsi %rem3A_155, %jit3A_156 : i32
    %ne3A_174 = arith.constant 0 : i32
    %ne3A_175 = arith.cmpi ne, %rem3A_173, %ne3A_174 : i32
    %and3A_176 = arith.andi %ne3A_172, %ne3A_175 : i1
    %sub3A_177 = arith.constant 1 : i32
    %sub3A_178 = arith.subi %div3A_157, %sub3A_177 : i32
    %select_n3A_179 = arith.select %and3A_176, %sub3A_178, %div3A_157 : i32
    %mul3A_180 = arith.constant 8 : i32
    %mul3A_181 = arith.muli %mul3A_180, %select_n3A_179 : i32
    %mul3A_182 = arith.constant 4 : i32
    %mul3A_183 = arith.muli %mul3A_182, %arg0 : i32
    %add3A_184 = arith.addi %mul3A_181, %mul3A_183 : i32
    %rem3A_185 = arith.constant 4 : i32
    %rem3A_186 = arith.remsi %rem3A_155, %rem3A_185 : i32
    %add3A_187 = arith.addi %add3A_184, %rem3A_186 : i32
    %dma_start3A_188 = arith.constant 0 : i32
    %dma_start3A_189 = tpu.memref_slice %arg7[%add3A_187, %dma_start3A_188] : memref<128x128xi32, #tpu.memory_space<vmem>> -> memref<1x64xi32, #tpu.memory_space<vmem>>
    %dma_start3A_190 = tpu.memref_squeeze %dma_start3A_189 : memref<1x64xi32, #tpu.memory_space<vmem>> -> memref<64xi32, #tpu.memory_space<vmem>>
    %dma_start3A_191 = arith.constant 0 : i32
    %dma_start3A_192 = arith.constant 0 : i32
    %dma_start3A_193 = tpu.memref_slice %arg6[%dma_start3A_191, %dma_start3A_192] : memref<4096x128xf32, #tpu.memory_space<vmem_shared>> -> memref<4096x128xf32, #tpu.memory_space<vmem_shared>>
    tpu.enqueue_indirect_dma source(%dma_start3A_193 : memref<4096x128xf32, #tpu.memory_space<vmem_shared>>) target(%arg12 : memref<64x128xf32, #tpu.memory_space<vmem>>) offsets(%dma_start3A_190 : memref<64xi32, #tpu.memory_space<vmem>>) semaphore(%arg20 : memref<!tpu.dma_semaphore, #tpu.memory_space<semaphore_mem>>)
    %scan3A_194 = arith.constant 0 : i32
    %scan3A_195 = arith.constant 0 : i32
    %scan3A_196 = arith.constant 16 : i32
    %scan3A_197 = arith.addi %scan3A_195, %scan3A_196 : i32
    %scan3A_198 = arith.constant 1 : i32
    scf.for %scan3A_248 = %scan3A_195 to %scan3A_197 step %scan3A_198  : i32 {
      %mul3A_249 = arith.constant 8 : i32
      %mul3A_250 = arith.muli %mul3A_249, %scan3A_248 : i32
      %add3A_251 = arith.constant 0 : i32
      %add3A_252 = arith.addi %mul3A_250, %add3A_251 : i32
      %rem3A_253 = arith.constant 64 : i32
      %rem3A_254 = arith.remsi %add3A_252, %rem3A_253 : i32
      %jit3A_255 = arith.constant 64 : i32
      %div3A_256 = arith.divsi %add3A_252, %jit3A_255 : i32
      %sign3A_257 = arith.constant 0 : i32
      %sign3A_258 = arith.cmpi sgt, %add3A_252, %sign3A_257 : i32
      %sign3A_259 = arith.extui %sign3A_258 : i1 to i32
      %sign3A_260 = arith.constant 0 : i32
      %sign3A_261 = arith.cmpi slt, %add3A_252, %sign3A_260 : i32
      %sign3A_262 = arith.extui %sign3A_261 : i1 to i32
      %sign3A_263 = arith.subi %sign3A_259, %sign3A_262 : i32
      %sign3A_264 = arith.constant 0 : i32
      %sign3A_265 = arith.cmpi sgt, %jit3A_255, %sign3A_264 : i32
      %sign3A_266 = arith.extui %sign3A_265 : i1 to i32
      %sign3A_267 = arith.constant 0 : i32
      %sign3A_268 = arith.cmpi slt, %jit3A_255, %sign3A_267 : i32
      %sign3A_269 = arith.extui %sign3A_268 : i1 to i32
      %sign3A_270 = arith.subi %sign3A_266, %sign3A_269 : i32
      %ne3A_271 = arith.cmpi ne, %sign3A_263, %sign3A_270 : i32
      %rem3A_272 = arith.remsi %add3A_252, %jit3A_255 : i32
      %ne3A_273 = arith.constant 0 : i32
      %ne3A_274 = arith.cmpi ne, %rem3A_272, %ne3A_273 : i32
      %and3A_275 = arith.andi %ne3A_271, %ne3A_274 : i1
      %sub3A_276 = arith.constant 1 : i32
      %sub3A_277 = arith.subi %div3A_256, %sub3A_276 : i32
      %select_n3A_278 = arith.select %and3A_275, %sub3A_277, %div3A_256 : i32
      %jit3A_279 = arith.constant 4 : i32
      %div3A_280 = arith.divsi %rem3A_254, %jit3A_279 : i32
      %sign3A_281 = arith.constant 0 : i32
      %sign3A_282 = arith.cmpi sgt, %rem3A_254, %sign3A_281 : i32
      %sign3A_283 = arith.extui %sign3A_282 : i1 to i32
      %sign3A_284 = arith.constant 0 : i32
      %sign3A_285 = arith.cmpi slt, %rem3A_254, %sign3A_284 : i32
      %sign3A_286 = arith.extui %sign3A_285 : i1 to i32
      %sign3A_287 = arith.subi %sign3A_283, %sign3A_286 : i32
      %sign3A_288 = arith.constant 0 : i32
      %sign3A_289 = arith.cmpi sgt, %jit3A_279, %sign3A_288 : i32
      %sign3A_290 = arith.extui %sign3A_289 : i1 to i32
      %sign3A_291 = arith.constant 0 : i32
      %sign3A_292 = arith.cmpi slt, %jit3A_279, %sign3A_291 : i32
      %sign3A_293 = arith.extui %sign3A_292 : i1 to i32
      %sign3A_294 = arith.subi %sign3A_290, %sign3A_293 : i32
      %ne3A_295 = arith.cmpi ne, %sign3A_287, %sign3A_294 : i32
      %rem3A_296 = arith.remsi %rem3A_254, %jit3A_279 : i32
      %ne3A_297 = arith.constant 0 : i32
      %ne3A_298 = arith.cmpi ne, %rem3A_296, %ne3A_297 : i32
      %and3A_299 = arith.andi %ne3A_295, %ne3A_298 : i1
      %sub3A_300 = arith.constant 1 : i32
      %sub3A_301 = arith.subi %div3A_280, %sub3A_300 : i32
      %select_n3A_302 = arith.select %and3A_299, %sub3A_301, %div3A_280 : i32
      %mul3A_303 = arith.constant 8 : i32
      %mul3A_304 = arith.muli %mul3A_303, %select_n3A_302 : i32
      %mul3A_305 = arith.constant 4 : i32
      %mul3A_306 = arith.muli %mul3A_305, %arg0 : i32
      %add3A_307 = arith.addi %mul3A_304, %mul3A_306 : i32
      %rem3A_308 = arith.constant 4 : i32
      %rem3A_309 = arith.remsi %rem3A_254, %rem3A_308 : i32
      %add3A_310 = arith.addi %add3A_307, %rem3A_309 : i32
      %mul3A_311 = arith.constant 64 : i32
      %mul3A_312 = arith.muli %select_n3A_278, %mul3A_311 : i32
      %dma_wait3A_313 = tpu.memref_slice %arg7[%add3A_310, %mul3A_312] : memref<128x128xi32, #tpu.memory_space<vmem>> -> memref<1x64xi32, #tpu.memory_space<vmem>>
      %dma_wait3A_314 = tpu.memref_squeeze %dma_wait3A_313 : memref<1x64xi32, #tpu.memory_space<vmem>> -> memref<64xi32, #tpu.memory_space<vmem>>
      %dma_wait3A_315 = arith.constant 0 : i32
      %dma_wait3A_316 = arith.constant 0 : i32
      %dma_wait3A_317 = tpu.memref_slice %arg6[%dma_wait3A_315, %dma_wait3A_316] : memref<4096x128xf32, #tpu.memory_space<vmem_shared>> -> memref<4096x128xf32, #tpu.memory_space<vmem_shared>>
      tpu.wait_indirect_dma semaphore(%arg17 : memref<!tpu.dma_semaphore, #tpu.memory_space<semaphore_mem>>) src(%dma_wait3A_317 : memref<4096x128xf32, #tpu.memory_space<vmem_shared>>) dst(%arg9 : memref<64x128xf32, #tpu.memory_space<vmem>>)
      %add3A_318 = arith.constant 1 : i32
      %add3A_319 = arith.addi %add3A_252, %add3A_318 : i32
      %rem3A_320 = arith.constant 64 : i32
      %rem3A_321 = arith.remsi %add3A_319, %rem3A_320 : i32
      %jit3A_322 = arith.constant 64 : i32
      %div3A_323 = arith.divsi %add3A_319, %jit3A_322 : i32
      %sign3A_324 = arith.constant 0 : i32
      %sign3A_325 = arith.cmpi sgt, %add3A_319, %sign3A_324 : i32
      %sign3A_326 = arith.extui %sign3A_325 : i1 to i32
      %sign3A_327 = arith.constant 0 : i32
      %sign3A_328 = arith.cmpi slt, %add3A_319, %sign3A_327 : i32
      %sign3A_329 = arith.extui %sign3A_328 : i1 to i32
      %sign3A_330 = arith.subi %sign3A_326, %sign3A_329 : i32
      %sign3A_331 = arith.constant 0 : i32
      %sign3A_332 = arith.cmpi sgt, %jit3A_322, %sign3A_331 : i32
      %sign3A_333 = arith.extui %sign3A_332 : i1 to i32
      %sign3A_334 = arith.constant 0 : i32
      %sign3A_335 = arith.cmpi slt, %jit3A_322, %sign3A_334 : i32
      %sign3A_336 = arith.extui %sign3A_335 : i1 to i32
      %sign3A_337 = arith.subi %sign3A_333, %sign3A_336 : i32
      %ne3A_338 = arith.cmpi ne, %sign3A_330, %sign3A_337 : i32
      %rem3A_339 = arith.remsi %add3A_319, %jit3A_322 : i32
      %ne3A_340 = arith.constant 0 : i32
      %ne3A_341 = arith.cmpi ne, %rem3A_339, %ne3A_340 : i32
      %and3A_342 = arith.andi %ne3A_338, %ne3A_341 : i1
      %sub3A_343 = arith.constant 1 : i32
      %sub3A_344 = arith.subi %div3A_323, %sub3A_343 : i32
      %select_n3A_345 = arith.select %and3A_342, %sub3A_344, %div3A_323 : i32
      %jit3A_346 = arith.constant 4 : i32
      %div3A_347 = arith.divsi %rem3A_321, %jit3A_346 : i32
      %sign3A_348 = arith.constant 0 : i32
      %sign3A_349 = arith.cmpi sgt, %rem3A_321, %sign3A_348 : i32
      %sign3A_350 = arith.extui %sign3A_349 : i1 to i32
      %sign3A_351 = arith.constant 0 : i32
      %sign3A_352 = arith.cmpi slt, %rem3A_321, %sign3A_351 : i32
      %sign3A_353 = arith.extui %sign3A_352 : i1 to i32
      %sign3A_354 = arith.subi %sign3A_350, %sign3A_353 : i32
      %sign3A_355 = arith.constant 0 : i32
      %sign3A_356 = arith.cmpi sgt, %jit3A_346, %sign3A_355 : i32
      %sign3A_357 = arith.extui %sign3A_356 : i1 to i32
      %sign3A_358 = arith.constant 0 : i32
      %sign3A_359 = arith.cmpi slt, %jit3A_346, %sign3A_358 : i32
      %sign3A_360 = arith.extui %sign3A_359 : i1 to i32
      %sign3A_361 = arith.subi %sign3A_357, %sign3A_360 : i32
      %ne3A_362 = arith.cmpi ne, %sign3A_354, %sign3A_361 : i32
      %rem3A_363 = arith.remsi %rem3A_321, %jit3A_346 : i32
      %ne3A_364 = arith.constant 0 : i32
      %ne3A_365 = arith.cmpi ne, %rem3A_363, %ne3A_364 : i32
      %and3A_366 = arith.andi %ne3A_362, %ne3A_365 : i1
      %sub3A_367 = arith.constant 1 : i32
      %sub3A_368 = arith.subi %div3A_347, %sub3A_367 : i32
      %select_n3A_369 = arith.select %and3A_366, %sub3A_368, %div3A_347 : i32
      %mul3A_370 = arith.constant 8 : i32
      %mul3A_371 = arith.muli %mul3A_370, %select_n3A_369 : i32
      %mul3A_372 = arith.constant 4 : i32
      %mul3A_373 = arith.muli %mul3A_372, %arg0 : i32
      %add3A_374 = arith.addi %mul3A_371, %mul3A_373 : i32
      %rem3A_375 = arith.constant 4 : i32
      %rem3A_376 = arith.remsi %rem3A_321, %rem3A_375 : i32
      %add3A_377 = arith.addi %add3A_374, %rem3A_376 : i32
      %mul3A_378 = arith.constant 64 : i32
      %mul3A_379 = arith.muli %select_n3A_345, %mul3A_378 : i32
      %dma_wait3A_380 = tpu.memref_slice %arg7[%add3A_377, %mul3A_379] : memref<128x128xi32, #tpu.memory_space<vmem>> -> memref<1x64xi32, #tpu.memory_space<vmem>>
      %dma_wait3A_381 = tpu.memref_squeeze %dma_wait3A_380 : memref<1x64xi32, #tpu.memory_space<vmem>> -> memref<64xi32, #tpu.memory_space<vmem>>
      %dma_wait3A_382 = arith.constant 0 : i32
      %dma_wait3A_383 = arith.constant 0 : i32
      %dma_wait3A_384 = tpu.memref_slice %arg6[%dma_wait3A_382, %dma_wait3A_383] : memref<4096x128xf32, #tpu.memory_space<vmem_shared>> -> memref<4096x128xf32, #tpu.memory_space<vmem_shared>>
      tpu.wait_indirect_dma semaphore(%arg18 : memref<!tpu.dma_semaphore, #tpu.memory_space<semaphore_mem>>) src(%dma_wait3A_384 : memref<4096x128xf32, #tpu.memory_space<vmem_shared>>) dst(%arg10 : memref<64x128xf32, #tpu.memory_space<vmem>>)
      %ge3A = arith.constant 1 : i32
      %ge3A_385 = arith.cmpi sge, %scan3A_248, %ge3A : i32
      %convert_element_type3A = arith.extui %ge3A_385 : i1 to i32
      %cond3A = arith.constant 0 : i32
      %cond3A_386 = arith.cmpi ne, %convert_element_type3A, %cond3A : i32
      scf.if %cond3A_386 {
        %dma_wait3A_1660 = arith.constant 0 : i32
        %dma_wait3A_1661 = arith.constant 0 : i32
        %dma_wait3A_1662 = tpu.memref_slice %arg5[%dma_wait3A_1660, %dma_wait3A_1661] : memref<262144x128xf32, #tpu.memory_space<hbm>> -> memref<64x128xf32, #tpu.memory_space<hbm>>
        %dma_wait3A_1663 = arith.constant 0 : i32
        %dma_wait3A_1664 = arith.constant 0 : i32
        %dma_wait3A_1665 = tpu.memref_slice %arg5[%dma_wait3A_1663, %dma_wait3A_1664] : memref<262144x128xf32, #tpu.memory_space<hbm>> -> memref<64x128xf32, #tpu.memory_space<hbm>>
        tpu.wait_dma2 semaphore(%arg29 : memref<!tpu.dma_semaphore, #tpu.memory_space<semaphore_mem>>) src(%arg13 : memref<64x128xf32, #tpu.memory_space<vmem>>) dst(%dma_wait3A_1665 : memref<64x128xf32, #tpu.memory_space<hbm>>)
        %dma_wait3A_1666 = arith.constant 0 : i32
        %dma_wait3A_1667 = arith.constant 0 : i32
        %dma_wait3A_1668 = tpu.memref_slice %arg5[%dma_wait3A_1666, %dma_wait3A_1667] : memref<262144x128xf32, #tpu.memory_space<hbm>> -> memref<64x128xf32, #tpu.memory_space<hbm>>
        %dma_wait3A_1669 = arith.constant 0 : i32
        %dma_wait3A_1670 = arith.constant 0 : i32
        %dma_wait3A_1671 = tpu.memref_slice %arg5[%dma_wait3A_1669, %dma_wait3A_1670] : memref<262144x128xf32, #tpu.memory_space<hbm>> -> memref<64x128xf32, #tpu.memory_space<hbm>>
        tpu.wait_dma2 semaphore(%arg30 : memref<!tpu.dma_semaphore, #tpu.memory_space<semaphore_mem>>) src(%arg14 : memref<64x128xf32, #tpu.memory_space<vmem>>) dst(%dma_wait3A_1671 : memref<64x128xf32, #tpu.memory_space<hbm>>)
      } else {
      }
      %add3A_387 = arith.constant 4 : i32
      %add3A_388 = arith.addi %add3A_252, %add3A_387 : i32
      %rem3A_389 = arith.constant 64 : i32
      %rem3A_390 = arith.remsi %add3A_388, %rem3A_389 : i32
      %jit3A_391 = arith.constant 64 : i32
      %div3A_392 = arith.divsi %add3A_388, %jit3A_391 : i32
      %sign3A_393 = arith.constant 0 : i32
      %sign3A_394 = arith.cmpi sgt, %add3A_388, %sign3A_393 : i32
      %sign3A_395 = arith.extui %sign3A_394 : i1 to i32
      %sign3A_396 = arith.constant 0 : i32
      %sign3A_397 = arith.cmpi slt, %add3A_388, %sign3A_396 : i32
      %sign3A_398 = arith.extui %sign3A_397 : i1 to i32
      %sign3A_399 = arith.subi %sign3A_395, %sign3A_398 : i32
      %sign3A_400 = arith.constant 0 : i32
      %sign3A_401 = arith.cmpi sgt, %jit3A_391, %sign3A_400 : i32
      %sign3A_402 = arith.extui %sign3A_401 : i1 to i32
      %sign3A_403 = arith.constant 0 : i32
      %sign3A_404 = arith.cmpi slt, %jit3A_391, %sign3A_403 : i32
      %sign3A_405 = arith.extui %sign3A_404 : i1 to i32
      %sign3A_406 = arith.subi %sign3A_402, %sign3A_405 : i32
      %ne3A_407 = arith.cmpi ne, %sign3A_399, %sign3A_406 : i32
      %rem3A_408 = arith.remsi %add3A_388, %jit3A_391 : i32
      %ne3A_409 = arith.constant 0 : i32
      %ne3A_410 = arith.cmpi ne, %rem3A_408, %ne3A_409 : i32
      %and3A_411 = arith.andi %ne3A_407, %ne3A_410 : i1
      %sub3A_412 = arith.constant 1 : i32
      %sub3A_413 = arith.subi %div3A_392, %sub3A_412 : i32
      %select_n3A_414 = arith.select %and3A_411, %sub3A_413, %div3A_392 : i32
      %jit3A_415 = arith.constant 4 : i32
      %div3A_416 = arith.divsi %rem3A_390, %jit3A_415 : i32
      %sign3A_417 = arith.constant 0 : i32
      %sign3A_418 = arith.cmpi sgt, %rem3A_390, %sign3A_417 : i32
      %sign3A_419 = arith.extui %sign3A_418 : i1 to i32
      %sign3A_420 = arith.constant 0 : i32
      %sign3A_421 = arith.cmpi slt, %rem3A_390, %sign3A_420 : i32
      %sign3A_422 = arith.extui %sign3A_421 : i1 to i32
      %sign3A_423 = arith.subi %sign3A_419, %sign3A_422 : i32
      %sign3A_424 = arith.constant 0 : i32
      %sign3A_425 = arith.cmpi sgt, %jit3A_415, %sign3A_424 : i32
      %sign3A_426 = arith.extui %sign3A_425 : i1 to i32
      %sign3A_427 = arith.constant 0 : i32
      %sign3A_428 = arith.cmpi slt, %jit3A_415, %sign3A_427 : i32
      %sign3A_429 = arith.extui %sign3A_428 : i1 to i32
      %sign3A_430 = arith.subi %sign3A_426, %sign3A_429 : i32
      %ne3A_431 = arith.cmpi ne, %sign3A_423, %sign3A_430 : i32
      %rem3A_432 = arith.remsi %rem3A_390, %jit3A_415 : i32
      %ne3A_433 = arith.constant 0 : i32
      %ne3A_434 = arith.cmpi ne, %rem3A_432, %ne3A_433 : i32
      %and3A_435 = arith.andi %ne3A_431, %ne3A_434 : i1
      %sub3A_436 = arith.constant 1 : i32
      %sub3A_437 = arith.subi %div3A_416, %sub3A_436 : i32
      %select_n3A_438 = arith.select %and3A_435, %sub3A_437, %div3A_416 : i32
      %mul3A_439 = arith.constant 8 : i32
      %mul3A_440 = arith.muli %mul3A_439, %select_n3A_438 : i32
      %mul3A_441 = arith.constant 4 : i32
      %mul3A_442 = arith.muli %mul3A_441, %arg0 : i32
      %add3A_443 = arith.addi %mul3A_440, %mul3A_442 : i32
      %rem3A_444 = arith.constant 4 : i32
      %rem3A_445 = arith.remsi %rem3A_390, %rem3A_444 : i32
      %add3A_446 = arith.addi %add3A_443, %rem3A_445 : i32
      %mul3A_447 = arith.constant 64 : i32
      %mul3A_448 = arith.muli %select_n3A_414, %mul3A_447 : i32
      %dma_start3A_449 = tpu.memref_slice %arg7[%add3A_446, %mul3A_448] : memref<128x128xi32, #tpu.memory_space<vmem>> -> memref<1x64xi32, #tpu.memory_space<vmem>>
      %dma_start3A_450 = tpu.memref_squeeze %dma_start3A_449 : memref<1x64xi32, #tpu.memory_space<vmem>> -> memref<64xi32, #tpu.memory_space<vmem>>
      %dma_start3A_451 = arith.constant 0 : i32
      %dma_start3A_452 = arith.constant 0 : i32
      %dma_start3A_453 = tpu.memref_slice %arg6[%dma_start3A_451, %dma_start3A_452] : memref<4096x128xf32, #tpu.memory_space<vmem_shared>> -> memref<4096x128xf32, #tpu.memory_space<vmem_shared>>
      tpu.enqueue_indirect_dma source(%dma_start3A_453 : memref<4096x128xf32, #tpu.memory_space<vmem_shared>>) target(%arg13 : memref<64x128xf32, #tpu.memory_space<vmem>>) offsets(%dma_start3A_450 : memref<64xi32, #tpu.memory_space<vmem>>) semaphore(%arg21 : memref<!tpu.dma_semaphore, #tpu.memory_space<semaphore_mem>>)
      %add3A_454 = arith.constant 4 : i32
      %add3A_455 = arith.addi %add3A_252, %add3A_454 : i32
      %add3A_456 = arith.constant 1 : i32
      %add3A_457 = arith.addi %add3A_455, %add3A_456 : i32
      %rem3A_458 = arith.constant 64 : i32
      %rem3A_459 = arith.remsi %add3A_457, %rem3A_458 : i32
      %jit3A_460 = arith.constant 64 : i32
      %div3A_461 = arith.divsi %add3A_457, %jit3A_460 : i32
      %sign3A_462 = arith.constant 0 : i32
      %sign3A_463 = arith.cmpi sgt, %add3A_457, %sign3A_462 : i32
      %sign3A_464 = arith.extui %sign3A_463 : i1 to i32
      %sign3A_465 = arith.constant 0 : i32
      %sign3A_466 = arith.cmpi slt, %add3A_457, %sign3A_465 : i32
      %sign3A_467 = arith.extui %sign3A_466 : i1 to i32
      %sign3A_468 = arith.subi %sign3A_464, %sign3A_467 : i32
      %sign3A_469 = arith.constant 0 : i32
      %sign3A_470 = arith.cmpi sgt, %jit3A_460, %sign3A_469 : i32
      %sign3A_471 = arith.extui %sign3A_470 : i1 to i32
      %sign3A_472 = arith.constant 0 : i32
      %sign3A_473 = arith.cmpi slt, %jit3A_460, %sign3A_472 : i32
      %sign3A_474 = arith.extui %sign3A_473 : i1 to i32
      %sign3A_475 = arith.subi %sign3A_471, %sign3A_474 : i32
      %ne3A_476 = arith.cmpi ne, %sign3A_468, %sign3A_475 : i32
      %rem3A_477 = arith.remsi %add3A_457, %jit3A_460 : i32
      %ne3A_478 = arith.constant 0 : i32
      %ne3A_479 = arith.cmpi ne, %rem3A_477, %ne3A_478 : i32
      %and3A_480 = arith.andi %ne3A_476, %ne3A_479 : i1
      %sub3A_481 = arith.constant 1 : i32
      %sub3A_482 = arith.subi %div3A_461, %sub3A_481 : i32
      %select_n3A_483 = arith.select %and3A_480, %sub3A_482, %div3A_461 : i32
      %jit3A_484 = arith.constant 4 : i32
      %div3A_485 = arith.divsi %rem3A_459, %jit3A_484 : i32
      %sign3A_486 = arith.constant 0 : i32
      %sign3A_487 = arith.cmpi sgt, %rem3A_459, %sign3A_486 : i32
      %sign3A_488 = arith.extui %sign3A_487 : i1 to i32
      %sign3A_489 = arith.constant 0 : i32
      %sign3A_490 = arith.cmpi slt, %rem3A_459, %sign3A_489 : i32
      %sign3A_491 = arith.extui %sign3A_490 : i1 to i32
      %sign3A_492 = arith.subi %sign3A_488, %sign3A_491 : i32
      %sign3A_493 = arith.constant 0 : i32
      %sign3A_494 = arith.cmpi sgt, %jit3A_484, %sign3A_493 : i32
      %sign3A_495 = arith.extui %sign3A_494 : i1 to i32
      %sign3A_496 = arith.constant 0 : i32
      %sign3A_497 = arith.cmpi slt, %jit3A_484, %sign3A_496 : i32
      %sign3A_498 = arith.extui %sign3A_497 : i1 to i32
      %sign3A_499 = arith.subi %sign3A_495, %sign3A_498 : i32
      %ne3A_500 = arith.cmpi ne, %sign3A_492, %sign3A_499 : i32
      %rem3A_501 = arith.remsi %rem3A_459, %jit3A_484 : i32
      %ne3A_502 = arith.constant 0 : i32
      %ne3A_503 = arith.cmpi ne, %rem3A_501, %ne3A_502 : i32
      %and3A_504 = arith.andi %ne3A_500, %ne3A_503 : i1
      %sub3A_505 = arith.constant 1 : i32
      %sub3A_506 = arith.subi %div3A_485, %sub3A_505 : i32
      %select_n3A_507 = arith.select %and3A_504, %sub3A_506, %div3A_485 : i32
      %mul3A_508 = arith.constant 8 : i32
      %mul3A_509 = arith.muli %mul3A_508, %select_n3A_507 : i32
      %mul3A_510 = arith.constant 4 : i32
      %mul3A_511 = arith.muli %mul3A_510, %arg0 : i32
      %add3A_512 = arith.addi %mul3A_509, %mul3A_511 : i32
      %rem3A_513 = arith.constant 4 : i32
      %rem3A_514 = arith.remsi %rem3A_459, %rem3A_513 : i32
      %add3A_515 = arith.addi %add3A_512, %rem3A_514 : i32
      %mul3A_516 = arith.constant 64 : i32
      %mul3A_517 = arith.muli %select_n3A_483, %mul3A_516 : i32
      %dma_start3A_518 = tpu.memref_slice %arg7[%add3A_515, %mul3A_517] : memref<128x128xi32, #tpu.memory_space<vmem>> -> memref<1x64xi32, #tpu.memory_space<vmem>>
      %dma_start3A_519 = tpu.memref_squeeze %dma_start3A_518 : memref<1x64xi32, #tpu.memory_space<vmem>> -> memref<64xi32, #tpu.memory_space<vmem>>
      %dma_start3A_520 = arith.constant 0 : i32
      %dma_start3A_521 = arith.constant 0 : i32
      %dma_start3A_522 = tpu.memref_slice %arg6[%dma_start3A_520, %dma_start3A_521] : memref<4096x128xf32, #tpu.memory_space<vmem_shared>> -> memref<4096x128xf32, #tpu.memory_space<vmem_shared>>
      tpu.enqueue_indirect_dma source(%dma_start3A_522 : memref<4096x128xf32, #tpu.memory_space<vmem_shared>>) target(%arg14 : memref<64x128xf32, #tpu.memory_space<vmem>>) offsets(%dma_start3A_519 : memref<64xi32, #tpu.memory_space<vmem>>) semaphore(%arg22 : memref<!tpu.dma_semaphore, #tpu.memory_space<semaphore_mem>>)
      %parallel_loop3A = arith.constant 0 : i32
      %parallel_loop3A_523 = arith.constant 64 : i32
      %parallel_loop3A_524 = arith.constant 1 : i32
      scf.for %parallel_loop3A_1660 = %parallel_loop3A to %parallel_loop3A_523 step %parallel_loop3A_524  : i32 {
        %parallel_loop3A_1661 = arith.constant 64 : i32
        %parallel_loop3A_1662 = arith.divsi %add3A_252, %parallel_loop3A_1661 : i32
        %parallel_loop3A_1663 = arith.constant 0 : i32
        %parallel_loop3A_1664 = arith.cmpi sgt, %add3A_252, %parallel_loop3A_1663 : i32
        %parallel_loop3A_1665 = arith.extui %parallel_loop3A_1664 : i1 to i32
        %parallel_loop3A_1666 = arith.constant 0 : i32
        %parallel_loop3A_1667 = arith.cmpi slt, %add3A_252, %parallel_loop3A_1666 : i32
        %parallel_loop3A_1668 = arith.extui %parallel_loop3A_1667 : i1 to i32
        %parallel_loop3A_1669 = arith.subi %parallel_loop3A_1665, %parallel_loop3A_1668 : i32
        %parallel_loop3A_1670 = arith.constant 0 : i32
        %parallel_loop3A_1671 = arith.cmpi sgt, %parallel_loop3A_1661, %parallel_loop3A_1670 : i32
        %parallel_loop3A_1672 = arith.extui %parallel_loop3A_1671 : i1 to i32
        %parallel_loop3A_1673 = arith.constant 0 : i32
        %parallel_loop3A_1674 = arith.cmpi slt, %parallel_loop3A_1661, %parallel_loop3A_1673 : i32
        %parallel_loop3A_1675 = arith.extui %parallel_loop3A_1674 : i1 to i32
        %parallel_loop3A_1676 = arith.subi %parallel_loop3A_1672, %parallel_loop3A_1675 : i32
        %parallel_loop3A_1677 = arith.cmpi ne, %parallel_loop3A_1669, %parallel_loop3A_1676 : i32
        %parallel_loop3A_1678 = arith.remsi %add3A_252, %parallel_loop3A_1661 : i32
        %parallel_loop3A_1679 = arith.constant 0 : i32
        %parallel_loop3A_1680 = arith.cmpi ne, %parallel_loop3A_1678, %parallel_loop3A_1679 : i32
        %parallel_loop3A_1681 = arith.andi %parallel_loop3A_1677, %parallel_loop3A_1680 : i1
        %parallel_loop3A_1682 = arith.constant 1 : i32
        %parallel_loop3A_1683 = arith.subi %parallel_loop3A_1662, %parallel_loop3A_1682 : i32
        %parallel_loop3A_1684 = arith.select %parallel_loop3A_1681, %parallel_loop3A_1683, %parallel_loop3A_1662 : i32
        %parallel_loop3A_1685 = arith.constant 64 : i32
        %parallel_loop3A_1686 = arith.muli %parallel_loop3A_1684, %parallel_loop3A_1685 : i32
        %parallel_loop3A_1687 = arith.addi %parallel_loop3A_1686, %parallel_loop3A_1660 : i32
        %parallel_loop3A_1688 = arith.index_cast %parallel_loop3A_1687 : i32 to index
        %parallel_loop3A_1689 = arith.constant 0 : index
        %parallel_loop3A_1690 = tpu.vector_load %arg8[%parallel_loop3A_1688, %parallel_loop3A_1689] {strides = array<i32>} : memref<128x128xf32, #tpu.memory_space<vmem>>, vector<1x16xf32>,
        %parallel_loop3A_1691 = vector.shape_cast %parallel_loop3A_1690 : vector<1x16xf32> to vector<16xf32>
        %parallel_loop3A_1692 = arith.index_cast %parallel_loop3A_1660 : i32 to index
        %parallel_loop3A_1693 = arith.constant 0 : index
        %parallel_loop3A_1694 = tpu.vector_load %arg9[%parallel_loop3A_1692, %parallel_loop3A_1693] {strides = array<i32>} : memref<64x128xf32, #tpu.memory_space<vmem>>, vector<1x16xf32>,
        %parallel_loop3A_1695 = vector.shape_cast %parallel_loop3A_1694 : vector<1x16xf32> to vector<16xf32>
        %parallel_loop3A_1696 = vector.shape_cast %parallel_loop3A_1691 : vector<16xf32> to vector<1x16xf32>
        tpu.vector_store %arg9[%parallel_loop3A_1692, %parallel_loop3A_1693], %parallel_loop3A_1696 {add = true, strides = array<i32>} : memref<64x128xf32, #tpu.memory_space<vmem>>, vector<1x16xf32>,
        %parallel_loop3A_1697 = arith.index_cast %parallel_loop3A_1660 : i32 to index
        %parallel_loop3A_1698 = arith.constant 0 : index
        %parallel_loop3A_1699 = tpu.vector_load %arg10[%parallel_loop3A_1697, %parallel_loop3A_1698] {strides = array<i32>} : memref<64x128xf32, #tpu.memory_space<vmem>>, vector<1x16xf32>,
        %parallel_loop3A_1700 = vector.shape_cast %parallel_loop3A_1699 : vector<1x16xf32> to vector<16xf32>
        %parallel_loop3A_1701 = vector.shape_cast %parallel_loop3A_1691 : vector<16xf32> to vector<1x16xf32>
        tpu.vector_store %arg10[%parallel_loop3A_1697, %parallel_loop3A_1698], %parallel_loop3A_1701 {add = true, strides = array<i32>} : memref<64x128xf32, #tpu.memory_space<vmem>>, vector<1x16xf32>,
        %parallel_loop3A_1702 = arith.index_cast %parallel_loop3A_1687 : i32 to index
        %parallel_loop3A_1703 = arith.constant 16 : index
        %parallel_loop3A_1704 = tpu.vector_load %arg8[%parallel_loop3A_1702, %parallel_loop3A_1703] {strides = array<i32>} : memref<128x128xf32, #tpu.memory_space<vmem>>, vector<1x16xf32>,
        %parallel_loop3A_1705 = vector.shape_cast %parallel_loop3A_1704 : vector<1x16xf32> to vector<16xf32>
        %parallel_loop3A_1706 = arith.index_cast %parallel_loop3A_1660 : i32 to index
        %parallel_loop3A_1707 = arith.constant 16 : index
        %parallel_loop3A_1708 = tpu.vector_load %arg9[%parallel_loop3A_1706, %parallel_loop3A_1707] {strides = array<i32>} : memref<64x128xf32, #tpu.memory_space<vmem>>, vector<1x16xf32>,
        %parallel_loop3A_1709 = vector.shape_cast %parallel_loop3A_1708 : vector<1x16xf32> to vector<16xf32>
        %parallel_loop3A_1710 = vector.shape_cast %parallel_loop3A_1705 : vector<16xf32> to vector<1x16xf32>
        tpu.vector_store %arg9[%parallel_loop3A_1706, %parallel_loop3A_1707], %parallel_loop3A_1710 {add = true, strides = array<i32>} : memref<64x128xf32, #tpu.memory_space<vmem>>, vector<1x16xf32>,
        %parallel_loop3A_1711 = arith.index_cast %parallel_loop3A_1660 : i32 to index
        %parallel_loop3A_1712 = arith.constant 16 : index
        %parallel_loop3A_1713 = tpu.vector_load %arg10[%parallel_loop3A_1711, %parallel_loop3A_1712] {strides = array<i32>} : memref<64x128xf32, #tpu.memory_space<vmem>>, vector<1x16xf32>,
        %parallel_loop3A_1714 = vector.shape_cast %parallel_loop3A_1713 : vector<1x16xf32> to vector<16xf32>
        %parallel_loop3A_1715 = vector.shape_cast %parallel_loop3A_1705 : vector<16xf32> to vector<1x16xf32>
        tpu.vector_store %arg10[%parallel_loop3A_1711, %parallel_loop3A_1712], %parallel_loop3A_1715 {add = true, strides = array<i32>} : memref<64x128xf32, #tpu.memory_space<vmem>>, vector<1x16xf32>,
        %parallel_loop3A_1716 = arith.index_cast %parallel_loop3A_1687 : i32 to index
        %parallel_loop3A_1717 = arith.constant 32 : index
        %parallel_loop3A_1718 = tpu.vector_load %arg8[%parallel_loop3A_1716, %parallel_loop3A_1717] {strides = array<i32>} : memref<128x128xf32, #tpu.memory_space<vmem>>, vector<1x16xf32>,
        %parallel_loop3A_1719 = vector.shape_cast %parallel_loop3A_1718 : vector<1x16xf32> to vector<16xf32>
        %parallel_loop3A_1720 = arith.index_cast %parallel_loop3A_1660 : i32 to index
        %parallel_loop3A_1721 = arith.constant 32 : index
        %parallel_loop3A_1722 = tpu.vector_load %arg9[%parallel_loop3A_1720, %parallel_loop3A_1721] {strides = array<i32>} : memref<64x128xf32, #tpu.memory_space<vmem>>, vector<1x16xf32>,
        %parallel_loop3A_1723 = vector.shape_cast %parallel_loop3A_1722 : vector<1x16xf32> to vector<16xf32>
        %parallel_loop3A_1724 = vector.shape_cast %parallel_loop3A_1719 : vector<16xf32> to vector<1x16xf32>
        tpu.vector_store %arg9[%parallel_loop3A_1720, %parallel_loop3A_1721], %parallel_loop3A_1724 {add = true, strides = array<i32>} : memref<64x128xf32, #tpu.memory_space<vmem>>, vector<1x16xf32>,
        %parallel_loop3A_1725 = arith.index_cast %parallel_loop3A_1660 : i32 to index
        %parallel_loop3A_1726 = arith.constant 32 : index
        %parallel_loop3A_1727 = tpu.vector_load %arg10[%parallel_loop3A_1725, %parallel_loop3A_1726] {strides = array<i32>} : memref<64x128xf32, #tpu.memory_space<vmem>>, vector<1x16xf32>,
        %parallel_loop3A_1728 = vector.shape_cast %parallel_loop3A_1727 : vector<1x16xf32> to vector<16xf32>
        %parallel_loop3A_1729 = vector.shape_cast %parallel_loop3A_1719 : vector<16xf32> to vector<1x16xf32>
        tpu.vector_store %arg10[%parallel_loop3A_1725, %parallel_loop3A_1726], %parallel_loop3A_1729 {add = true, strides = array<i32>} : memref<64x128xf32, #tpu.memory_space<vmem>>, vector<1x16xf32>,
        %parallel_loop3A_1730 = arith.index_cast %parallel_loop3A_1687 : i32 to index
        %parallel_loop3A_1731 = arith.constant 48 : index
        %parallel_loop3A_1732 = tpu.vector_load %arg8[%parallel_loop3A_1730, %parallel_loop3A_1731] {strides = array<i32>} : memref<128x128xf32, #tpu.memory_space<vmem>>, vector<1x16xf32>,
        %parallel_loop3A_1733 = vector.shape_cast %parallel_loop3A_1732 : vector<1x16xf32> to vector<16xf32>
        %parallel_loop3A_1734 = arith.index_cast %parallel_loop3A_1660 : i32 to index
        %parallel_loop3A_1735 = arith.constant 48 : index
        %parallel_loop3A_1736 = tpu.vector_load %arg9[%parallel_loop3A_1734, %parallel_loop3A_1735] {strides = array<i32>} : memref<64x128xf32, #tpu.memory_space<vmem>>, vector<1x16xf32>,
        %parallel_loop3A_1737 = vector.shape_cast %parallel_loop3A_1736 : vector<1x16xf32> to vector<16xf32>
        %parallel_loop3A_1738 = vector.shape_cast %parallel_loop3A_1733 : vector<16xf32> to vector<1x16xf32>
        tpu.vector_store %arg9[%parallel_loop3A_1734, %parallel_loop3A_1735], %parallel_loop3A_1738 {add = true, strides = array<i32>} : memref<64x128xf32, #tpu.memory_space<vmem>>, vector<1x16xf32>,
        %parallel_loop3A_1739 = arith.index_cast %parallel_loop3A_1660 : i32 to index
        %parallel_loop3A_1740 = arith.constant 48 : index
        %parallel_loop3A_1741 = tpu.vector_load %arg10[%parallel_loop3A_1739, %parallel_loop3A_1740] {strides = array<i32>} : memref<64x128xf32, #tpu.memory_space<vmem>>, vector<1x16xf32>,
        %parallel_loop3A_1742 = vector.shape_cast %parallel_loop3A_1741 : vector<1x16xf32> to vector<16xf32>
        %parallel_loop3A_1743 = vector.shape_cast %parallel_loop3A_1733 : vector<16xf32> to vector<1x16xf32>
        tpu.vector_store %arg10[%parallel_loop3A_1739, %parallel_loop3A_1740], %parallel_loop3A_1743 {add = true, strides = array<i32>} : memref<64x128xf32, #tpu.memory_space<vmem>>, vector<1x16xf32>,
        %parallel_loop3A_1744 = arith.index_cast %parallel_loop3A_1687 : i32 to index
        %parallel_loop3A_1745 = arith.constant 64 : index
        %parallel_loop3A_1746 = tpu.vector_load %arg8[%parallel_loop3A_1744, %parallel_loop3A_1745] {strides = array<i32>} : memref<128x128xf32, #tpu.memory_space<vmem>>, vector<1x16xf32>,
        %parallel_loop3A_1747 = vector.shape_cast %parallel_loop3A_1746 : vector<1x16xf32> to vector<16xf32>
        %parallel_loop3A_1748 = arith.index_cast %parallel_loop3A_1660 : i32 to index
        %parallel_loop3A_1749 = arith.constant 64 : index
        %parallel_loop3A_1750 = tpu.vector_load %arg9[%parallel_loop3A_1748, %parallel_loop3A_1749] {strides = array<i32>} : memref<64x128xf32, #tpu.memory_space<vmem>>, vector<1x16xf32>,
        %parallel_loop3A_1751 = vector.shape_cast %parallel_loop3A_1750 : vector<1x16xf32> to vector<16xf32>
        %parallel_loop3A_1752 = vector.shape_cast %parallel_loop3A_1747 : vector<16xf32> to vector<1x16xf32>
        tpu.vector_store %arg9[%parallel_loop3A_1748, %parallel_loop3A_1749], %parallel_loop3A_1752 {add = true, strides = array<i32>} : memref<64x128xf32, #tpu.memory_space<vmem>>, vector<1x16xf32>,
        %parallel_loop3A_1753 = arith.index_cast %parallel_loop3A_1660 : i32 to index
        %parallel_loop3A_1754 = arith.constant 64 : index
        %parallel_loop3A_1755 = tpu.vector_load %arg10[%parallel_loop3A_1753, %parallel_loop3A_1754] {strides = array<i32>} : memref<64x128xf32, #tpu.memory_space<vmem>>, vector<1x16xf32>,
        %parallel_loop3A_1756 = vector.shape_cast %parallel_loop3A_1755 : vector<1x16xf32> to vector<16xf32>
        %parallel_loop3A_1757 = vector.shape_cast %parallel_loop3A_1747 : vector<16xf32> to vector<1x16xf32>
        tpu.vector_store %arg10[%parallel_loop3A_1753, %parallel_loop3A_1754], %parallel_loop3A_1757 {add = true, strides = array<i32>} : memref<64x128xf32, #tpu.memory_space<vmem>>, vector<1x16xf32>,
        %parallel_loop3A_1758 = arith.index_cast %parallel_loop3A_1687 : i32 to index
        %parallel_loop3A_1759 = arith.constant 80 : index
        %parallel_loop3A_1760 = tpu.vector_load %arg8[%parallel_loop3A_1758, %parallel_loop3A_1759] {strides = array<i32>} : memref<128x128xf32, #tpu.memory_space<vmem>>, vector<1x16xf32>,
        %parallel_loop3A_1761 = vector.shape_cast %parallel_loop3A_1760 : vector<1x16xf32> to vector<16xf32>
        %parallel_loop3A_1762 = arith.index_cast %parallel_loop3A_1660 : i32 to index
        %parallel_loop3A_1763 = arith.constant 80 : index
        %parallel_loop3A_1764 = tpu.vector_load %arg9[%parallel_loop3A_1762, %parallel_loop3A_1763] {strides = array<i32>} : memref<64x128xf32, #tpu.memory_space<vmem>>, vector<1x16xf32>,
        %parallel_loop3A_1765 = vector.shape_cast %parallel_loop3A_1764 : vector<1x16xf32> to vector<16xf32>
        %parallel_loop3A_1766 = vector.shape_cast %parallel_loop3A_1761 : vector<16xf32> to vector<1x16xf32>
        tpu.vector_store %arg9[%parallel_loop3A_1762, %parallel_loop3A_1763], %parallel_loop3A_1766 {add = true, strides = array<i32>} : memref<64x128xf32, #tpu.memory_space<vmem>>, vector<1x16xf32>,
        %parallel_loop3A_1767 = arith.index_cast %parallel_loop3A_1660 : i32 to index
        %parallel_loop3A_1768 = arith.constant 80 : index
        %parallel_loop3A_1769 = tpu.vector_load %arg10[%parallel_loop3A_1767, %parallel_loop3A_1768] {strides = array<i32>} : memref<64x128xf32, #tpu.memory_space<vmem>>, vector<1x16xf32>,
        %parallel_loop3A_1770 = vector.shape_cast %parallel_loop3A_1769 : vector<1x16xf32> to vector<16xf32>
        %parallel_loop3A_1771 = vector.shape_cast %parallel_loop3A_1761 : vector<16xf32> to vector<1x16xf32>
        tpu.vector_store %arg10[%parallel_loop3A_1767, %parallel_loop3A_1768], %parallel_loop3A_1771 {add = true, strides = array<i32>} : memref<64x128xf32, #tpu.memory_space<vmem>>, vector<1x16xf32>,
        %parallel_loop3A_1772 = arith.index_cast %parallel_loop3A_1687 : i32 to index
        %parallel_loop3A_1773 = arith.constant 96 : index
        %parallel_loop3A_1774 = tpu.vector_load %arg8[%parallel_loop3A_1772, %parallel_loop3A_1773] {strides = array<i32>} : memref<128x128xf32, #tpu.memory_space<vmem>>, vector<1x16xf32>,
        %parallel_loop3A_1775 = vector.shape_cast %parallel_loop3A_1774 : vector<1x16xf32> to vector<16xf32>
        %parallel_loop3A_1776 = arith.index_cast %parallel_loop3A_1660 : i32 to index
        %parallel_loop3A_1777 = arith.constant 96 : index
        %parallel_loop3A_1778 = tpu.vector_load %arg9[%parallel_loop3A_1776, %parallel_loop3A_1777] {strides = array<i32>} : memref<64x128xf32, #tpu.memory_space<vmem>>, vector<1x16xf32>,
        %parallel_loop3A_1779 = vector.shape_cast %parallel_loop3A_1778 : vector<1x16xf32> to vector<16xf32>
        %parallel_loop3A_1780 = vector.shape_cast %parallel_loop3A_1775 : vector<16xf32> to vector<1x16xf32>
        tpu.vector_store %arg9[%parallel_loop3A_1776, %parallel_loop3A_1777], %parallel_loop3A_1780 {add = true, strides = array<i32>} : memref<64x128xf32, #tpu.memory_space<vmem>>, vector<1x16xf32>,
        %parallel_loop3A_1781 = arith.index_cast %parallel_loop3A_1660 : i32 to index
        %parallel_loop3A_1782 = arith.constant 96 : index
        %parallel_loop3A_1783 = tpu.vector_load %arg10[%parallel_loop3A_1781, %parallel_loop3A_1782] {strides = array<i32>} : memref<64x128xf32, #tpu.memory_space<vmem>>, vector<1x16xf32>,
        %parallel_loop3A_1784 = vector.shape_cast %parallel_loop3A_1783 : vector<1x16xf32> to vector<16xf32>
        %parallel_loop3A_1785 = vector.shape_cast %parallel_loop3A_1775 : vector<16xf32> to vector<1x16xf32>
        tpu.vector_store %arg10[%parallel_loop3A_1781, %parallel_loop3A_1782], %parallel_loop3A_1785 {add = true, strides = array<i32>} : memref<64x128xf32, #tpu.memory_space<vmem>>, vector<1x16xf32>,
        %parallel_loop3A_1786 = arith.index_cast %parallel_loop3A_1687 : i32 to index
        %parallel_loop3A_1787 = arith.constant 112 : index
        %parallel_loop3A_1788 = tpu.vector_load %arg8[%parallel_loop3A_1786, %parallel_loop3A_1787] {strides = array<i32>} : memref<128x128xf32, #tpu.memory_space<vmem>>, vector<1x16xf32>,
        %parallel_loop3A_1789 = vector.shape_cast %parallel_loop3A_1788 : vector<1x16xf32> to vector<16xf32>
        %parallel_loop3A_1790 = arith.index_cast %parallel_loop3A_1660 : i32 to index
        %parallel_loop3A_1791 = arith.constant 112 : index
        %parallel_loop3A_1792 = tpu.vector_load %arg9[%parallel_loop3A_1790, %parallel_loop3A_1791] {strides = array<i32>} : memref<64x128xf32, #tpu.memory_space<vmem>>, vector<1x16xf32>,
        %parallel_loop3A_1793 = vector.shape_cast %parallel_loop3A_1792 : vector<1x16xf32> to vector<16xf32>
        %parallel_loop3A_1794 = vector.shape_cast %parallel_loop3A_1789 : vector<16xf32> to vector<1x16xf32>
        tpu.vector_store %arg9[%parallel_loop3A_1790, %parallel_loop3A_1791], %parallel_loop3A_1794 {add = true, strides = array<i32>} : memref<64x128xf32, #tpu.memory_space<vmem>>, vector<1x16xf32>,
        %parallel_loop3A_1795 = arith.index_cast %parallel_loop3A_1660 : i32 to index
        %parallel_loop3A_1796 = arith.constant 112 : index
        %parallel_loop3A_1797 = tpu.vector_load %arg10[%parallel_loop3A_1795, %parallel_loop3A_1796] {strides = array<i32>} : memref<64x128xf32, #tpu.memory_space<vmem>>, vector<1x16xf32>,
        %parallel_loop3A_1798 = vector.shape_cast %parallel_loop3A_1797 : vector<1x16xf32> to vector<16xf32>
        %parallel_loop3A_1799 = vector.shape_cast %parallel_loop3A_1789 : vector<16xf32> to vector<1x16xf32>
        tpu.vector_store %arg10[%parallel_loop3A_1795, %parallel_loop3A_1796], %parallel_loop3A_1799 {add = true, strides = array<i32>} : memref<64x128xf32, #tpu.memory_space<vmem>>, vector<1x16xf32>,
      } {sc.loop_unroll_factor = 4 : i64, sc.parallel_access}
      %rem3A_525 = arith.constant 64 : i32
      %rem3A_526 = arith.remsi %add3A_252, %rem3A_525 : i32
      %jit3A_527 = arith.constant 64 : i32
      %div3A_528 = arith.divsi %add3A_252, %jit3A_527 : i32
      %sign3A_529 = arith.constant 0 : i32
      %sign3A_530 = arith.cmpi sgt, %add3A_252, %sign3A_529 : i32
      %sign3A_531 = arith.extui %sign3A_530 : i1 to i32
      %sign3A_532 = arith.constant 0 : i32
      %sign3A_533 = arith.cmpi slt, %add3A_252, %sign3A_532 : i32
      %sign3A_534 = arith.extui %sign3A_533 : i1 to i32
      %sign3A_535 = arith.subi %sign3A_531, %sign3A_534 : i32
      %sign3A_536 = arith.constant 0 : i32
      %sign3A_537 = arith.cmpi sgt, %jit3A_527, %sign3A_536 : i32
      %sign3A_538 = arith.extui %sign3A_537 : i1 to i32
      %sign3A_539 = arith.constant 0 : i32
      %sign3A_540 = arith.cmpi slt, %jit3A_527, %sign3A_539 : i32
      %sign3A_541 = arith.extui %sign3A_540 : i1 to i32
      %sign3A_542 = arith.subi %sign3A_538, %sign3A_541 : i32
      %ne3A_543 = arith.cmpi ne, %sign3A_535, %sign3A_542 : i32
      %rem3A_544 = arith.remsi %add3A_252, %jit3A_527 : i32
      %ne3A_545 = arith.constant 0 : i32
      %ne3A_546 = arith.cmpi ne, %rem3A_544, %ne3A_545 : i32
      %and3A_547 = arith.andi %ne3A_543, %ne3A_546 : i1
      %sub3A_548 = arith.constant 1 : i32
      %sub3A_549 = arith.subi %div3A_528, %sub3A_548 : i32
      %select_n3A_550 = arith.select %and3A_547, %sub3A_549, %div3A_528 : i32
      %jit3A_551 = arith.constant 4 : i32
      %div3A_552 = arith.divsi %rem3A_526, %jit3A_551 : i32
      %sign3A_553 = arith.constant 0 : i32
      %sign3A_554 = arith.cmpi sgt, %rem3A_526, %sign3A_553 : i32
      %sign3A_555 = arith.extui %sign3A_554 : i1 to i32
      %sign3A_556 = arith.constant 0 : i32
      %sign3A_557 = arith.cmpi slt, %rem3A_526, %sign3A_556 : i32
      %sign3A_558 = arith.extui %sign3A_557 : i1 to i32
      %sign3A_559 = arith.subi %sign3A_555, %sign3A_558 : i32
      %sign3A_560 = arith.constant 0 : i32
      %sign3A_561 = arith.cmpi sgt, %jit3A_551, %sign3A_560 : i32
      %sign3A_562 = arith.extui %sign3A_561 : i1 to i32
      %sign3A_563 = arith.constant 0 : i32
      %sign3A_564 = arith.cmpi slt, %jit3A_551, %sign3A_563 : i32
      %sign3A_565 = arith.extui %sign3A_564 : i1 to i32
      %sign3A_566 = arith.subi %sign3A_562, %sign3A_565 : i32
      %ne3A_567 = arith.cmpi ne, %sign3A_559, %sign3A_566 : i32
      %rem3A_568 = arith.remsi %rem3A_526, %jit3A_551 : i32
      %ne3A_569 = arith.constant 0 : i32
      %ne3A_570 = arith.cmpi ne, %rem3A_568, %ne3A_569 : i32
      %and3A_571 = arith.andi %ne3A_567, %ne3A_570 : i1
      %sub3A_572 = arith.constant 1 : i32
      %sub3A_573 = arith.subi %div3A_552, %sub3A_572 : i32
      %select_n3A_574 = arith.select %and3A_571, %sub3A_573, %div3A_552 : i32
      %mul3A_575 = arith.constant 8 : i32
      %mul3A_576 = arith.muli %mul3A_575, %select_n3A_574 : i32
      %mul3A_577 = arith.constant 4 : i32
      %mul3A_578 = arith.muli %mul3A_577, %arg0 : i32
      %add3A_579 = arith.addi %mul3A_576, %mul3A_578 : i32
      %rem3A_580 = arith.constant 4 : i32
      %rem3A_581 = arith.remsi %rem3A_526, %rem3A_580 : i32
      %add3A_582 = arith.addi %add3A_579, %rem3A_581 : i32
      %mul3A_583 = arith.constant 2048 : i32
      %mul3A_584 = arith.muli %add3A_582, %mul3A_583 : i32
      %mul3A_585 = arith.constant 128 : i32
      %mul3A_586 = arith.muli %arg1, %mul3A_585 : i32
      %add3A_587 = arith.addi %mul3A_584, %mul3A_586 : i32
      %mul3A_588 = arith.constant 64 : i32
      %mul3A_589 = arith.muli %select_n3A_550, %mul3A_588 : i32
      %add3A_590 = arith.addi %add3A_587, %mul3A_589 : i32
      %dma_start3A_591 = arith.constant 0 : i32
      %dma_start3A_592 = tpu.memref_slice %arg5[%add3A_590, %dma_start3A_591] : memref<262144x128xf32, #tpu.memory_space<hbm>> -> memref<64x128xf32, #tpu.memory_space<hbm>>
      %dma_start3A_593 = arith.constant 0 : i32
      %dma_start3A_594 = tpu.memref_slice %arg5[%add3A_590, %dma_start3A_593] : memref<262144x128xf32, #tpu.memory_space<hbm>> -> memref<64x128xf32, #tpu.memory_space<hbm>>
      tpu.enqueue_dma source(%arg9 : memref<64x128xf32, #tpu.memory_space<vmem>>) target(%dma_start3A_594 : memref<64x128xf32, #tpu.memory_space<hbm>>) target_semaphore(%arg25 : memref<!tpu.dma_semaphore, #tpu.memory_space<semaphore_mem>>)
      %add3A_595 = arith.constant 1 : i32
      %add3A_596 = arith.addi %add3A_252, %add3A_595 : i32
      %rem3A_597 = arith.constant 64 : i32
      %rem3A_598 = arith.remsi %add3A_596, %rem3A_597 : i32
      %jit3A_599 = arith.constant 64 : i32
      %div3A_600 = arith.divsi %add3A_596, %jit3A_599 : i32
      %sign3A_601 = arith.constant 0 : i32
      %sign3A_602 = arith.cmpi sgt, %add3A_596, %sign3A_601 : i32
      %sign3A_603 = arith.extui %sign3A_602 : i1 to i32
      %sign3A_604 = arith.constant 0 : i32
      %sign3A_605 = arith.cmpi slt, %add3A_596, %sign3A_604 : i32
      %sign3A_606 = arith.extui %sign3A_605 : i1 to i32
      %sign3A_607 = arith.subi %sign3A_603, %sign3A_606 : i32
      %sign3A_608 = arith.constant 0 : i32
      %sign3A_609 = arith.cmpi sgt, %jit3A_599, %sign3A_608 : i32
      %sign3A_610 = arith.extui %sign3A_609 : i1 to i32
      %sign3A_611 = arith.constant 0 : i32
      %sign3A_612 = arith.cmpi slt, %jit3A_599, %sign3A_611 : i32
      %sign3A_613 = arith.extui %sign3A_612 : i1 to i32
      %sign3A_614 = arith.subi %sign3A_610, %sign3A_613 : i32
      %ne3A_615 = arith.cmpi ne, %sign3A_607, %sign3A_614 : i32
      %rem3A_616 = arith.remsi %add3A_596, %jit3A_599 : i32
      %ne3A_617 = arith.constant 0 : i32
      %ne3A_618 = arith.cmpi ne, %rem3A_616, %ne3A_617 : i32
      %and3A_619 = arith.andi %ne3A_615, %ne3A_618 : i1
      %sub3A_620 = arith.constant 1 : i32
      %sub3A_621 = arith.subi %div3A_600, %sub3A_620 : i32
      %select_n3A_622 = arith.select %and3A_619, %sub3A_621, %div3A_600 : i32
      %jit3A_623 = arith.constant 4 : i32
      %div3A_624 = arith.divsi %rem3A_598, %jit3A_623 : i32
      %sign3A_625 = arith.constant 0 : i32
      %sign3A_626 = arith.cmpi sgt, %rem3A_598, %sign3A_625 : i32
      %sign3A_627 = arith.extui %sign3A_626 : i1 to i32
      %sign3A_628 = arith.constant 0 : i32
      %sign3A_629 = arith.cmpi slt, %rem3A_598, %sign3A_628 : i32
      %sign3A_630 = arith.extui %sign3A_629 : i1 to i32
      %sign3A_631 = arith.subi %sign3A_627, %sign3A_630 : i32
      %sign3A_632 = arith.constant 0 : i32
      %sign3A_633 = arith.cmpi sgt, %jit3A_623, %sign3A_632 : i32
      %sign3A_634 = arith.extui %sign3A_633 : i1 to i32
      %sign3A_635 = arith.constant 0 : i32
      %sign3A_636 = arith.cmpi slt, %jit3A_623, %sign3A_635 : i32
      %sign3A_637 = arith.extui %sign3A_636 : i1 to i32
      %sign3A_638 = arith.subi %sign3A_634, %sign3A_637 : i32
      %ne3A_639 = arith.cmpi ne, %sign3A_631, %sign3A_638 : i32
      %rem3A_640 = arith.remsi %rem3A_598, %jit3A_623 : i32
      %ne3A_641 = arith.constant 0 : i32
      %ne3A_642 = arith.cmpi ne, %rem3A_640, %ne3A_641 : i32
      %and3A_643 = arith.andi %ne3A_639, %ne3A_642 : i1
      %sub3A_644 = arith.constant 1 : i32
      %sub3A_645 = arith.subi %div3A_624, %sub3A_644 : i32
      %select_n3A_646 = arith.select %and3A_643, %sub3A_645, %div3A_624 : i32
      %mul3A_647 = arith.constant 8 : i32
      %mul3A_648 = arith.muli %mul3A_647, %select_n3A_646 : i32
      %mul3A_649 = arith.constant 4 : i32
      %mul3A_650 = arith.muli %mul3A_649, %arg0 : i32
      %add3A_651 = arith.addi %mul3A_648, %mul3A_650 : i32
      %rem3A_652 = arith.constant 4 : i32
      %rem3A_653 = arith.remsi %rem3A_598, %rem3A_652 : i32
      %add3A_654 = arith.addi %add3A_651, %rem3A_653 : i32
      %mul3A_655 = arith.constant 2048 : i32
      %mul3A_656 = arith.muli %add3A_654, %mul3A_655 : i32
      %mul3A_657 = arith.constant 128 : i32
      %mul3A_658 = arith.muli %arg1, %mul3A_657 : i32
      %add3A_659 = arith.addi %mul3A_656, %mul3A_658 : i32
      %mul3A_660 = arith.constant 64 : i32
      %mul3A_661 = arith.muli %select_n3A_622, %mul3A_660 : i32
      %add3A_662 = arith.addi %add3A_659, %mul3A_661 : i32
      %dma_start3A_663 = arith.constant 0 : i32
      %dma_start3A_664 = tpu.memref_slice %arg5[%add3A_662, %dma_start3A_663] : memref<262144x128xf32, #tpu.memory_space<hbm>> -> memref<64x128xf32, #tpu.memory_space<hbm>>
      %dma_start3A_665 = arith.constant 0 : i32
      %dma_start3A_666 = tpu.memref_slice %arg5[%add3A_662, %dma_start3A_665] : memref<262144x128xf32, #tpu.memory_space<hbm>> -> memref<64x128xf32, #tpu.memory_space<hbm>>
      tpu.enqueue_dma source(%arg10 : memref<64x128xf32, #tpu.memory_space<vmem>>) target(%dma_start3A_666 : memref<64x128xf32, #tpu.memory_space<hbm>>) target_semaphore(%arg26 : memref<!tpu.dma_semaphore, #tpu.memory_space<semaphore_mem>>)
      %mul3A_667 = arith.constant 8 : i32
      %mul3A_668 = arith.muli %mul3A_667, %scan3A_248 : i32
      %add3A_669 = arith.constant 2 : i32
      %add3A_670 = arith.addi %mul3A_668, %add3A_669 : i32
      %rem3A_671 = arith.constant 64 : i32
      %rem3A_672 = arith.remsi %add3A_670, %rem3A_671 : i32
      %jit3A_673 = arith.constant 64 : i32
      %div3A_674 = arith.divsi %add3A_670, %jit3A_673 : i32
      %sign3A_675 = arith.constant 0 : i32
      %sign3A_676 = arith.cmpi sgt, %add3A_670, %sign3A_675 : i32
      %sign3A_677 = arith.extui %sign3A_676 : i1 to i32
      %sign3A_678 = arith.constant 0 : i32
      %sign3A_679 = arith.cmpi slt, %add3A_670, %sign3A_678 : i32
      %sign3A_680 = arith.extui %sign3A_679 : i1 to i32
      %sign3A_681 = arith.subi %sign3A_677, %sign3A_680 : i32
      %sign3A_682 = arith.constant 0 : i32
      %sign3A_683 = arith.cmpi sgt, %jit3A_673, %sign3A_682 : i32
      %sign3A_684 = arith.extui %sign3A_683 : i1 to i32
      %sign3A_685 = arith.constant 0 : i32
      %sign3A_686 = arith.cmpi slt, %jit3A_673, %sign3A_685 : i32
      %sign3A_687 = arith.extui %sign3A_686 : i1 to i32
      %sign3A_688 = arith.subi %sign3A_684, %sign3A_687 : i32
      %ne3A_689 = arith.cmpi ne, %sign3A_681, %sign3A_688 : i32
      %rem3A_690 = arith.remsi %add3A_670, %jit3A_673 : i32
      %ne3A_691 = arith.constant 0 : i32
      %ne3A_692 = arith.cmpi ne, %rem3A_690, %ne3A_691 : i32
      %and3A_693 = arith.andi %ne3A_689, %ne3A_692 : i1
      %sub3A_694 = arith.constant 1 : i32
      %sub3A_695 = arith.subi %div3A_674, %sub3A_694 : i32
      %select_n3A_696 = arith.select %and3A_693, %sub3A_695, %div3A_674 : i32
      %jit3A_697 = arith.constant 4 : i32
      %div3A_698 = arith.divsi %rem3A_672, %jit3A_697 : i32
      %sign3A_699 = arith.constant 0 : i32
      %sign3A_700 = arith.cmpi sgt, %rem3A_672, %sign3A_699 : i32
      %sign3A_701 = arith.extui %sign3A_700 : i1 to i32
      %sign3A_702 = arith.constant 0 : i32
      %sign3A_703 = arith.cmpi slt, %rem3A_672, %sign3A_702 : i32
      %sign3A_704 = arith.extui %sign3A_703 : i1 to i32
      %sign3A_705 = arith.subi %sign3A_701, %sign3A_704 : i32
      %sign3A_706 = arith.constant 0 : i32
      %sign3A_707 = arith.cmpi sgt, %jit3A_697, %sign3A_706 : i32
      %sign3A_708 = arith.extui %sign3A_707 : i1 to i32
      %sign3A_709 = arith.constant 0 : i32
      %sign3A_710 = arith.cmpi slt, %jit3A_697, %sign3A_709 : i32
      %sign3A_711 = arith.extui %sign3A_710 : i1 to i32
      %sign3A_712 = arith.subi %sign3A_708, %sign3A_711 : i32
      %ne3A_713 = arith.cmpi ne, %sign3A_705, %sign3A_712 : i32
      %rem3A_714 = arith.remsi %rem3A_672, %jit3A_697 : i32
      %ne3A_715 = arith.constant 0 : i32
      %ne3A_716 = arith.cmpi ne, %rem3A_714, %ne3A_715 : i32
      %and3A_717 = arith.andi %ne3A_713, %ne3A_716 : i1
      %sub3A_718 = arith.constant 1 : i32
      %sub3A_719 = arith.subi %div3A_698, %sub3A_718 : i32
      %select_n3A_720 = arith.select %and3A_717, %sub3A_719, %div3A_698 : i32
      %mul3A_721 = arith.constant 8 : i32
      %mul3A_722 = arith.muli %mul3A_721, %select_n3A_720 : i32
      %mul3A_723 = arith.constant 4 : i32
      %mul3A_724 = arith.muli %mul3A_723, %arg0 : i32
      %add3A_725 = arith.addi %mul3A_722, %mul3A_724 : i32
      %rem3A_726 = arith.constant 4 : i32
      %rem3A_727 = arith.remsi %rem3A_672, %rem3A_726 : i32
      %add3A_728 = arith.addi %add3A_725, %rem3A_727 : i32
      %mul3A_729 = arith.constant 64 : i32
      %mul3A_730 = arith.muli %select_n3A_696, %mul3A_729 : i32
      %dma_wait3A_731 = tpu.memref_slice %arg7[%add3A_728, %mul3A_730] : memref<128x128xi32, #tpu.memory_space<vmem>> -> memref<1x64xi32, #tpu.memory_space<vmem>>
      %dma_wait3A_732 = tpu.memref_squeeze %dma_wait3A_731 : memref<1x64xi32, #tpu.memory_space<vmem>> -> memref<64xi32, #tpu.memory_space<vmem>>
      %dma_wait3A_733 = arith.constant 0 : i32
      %dma_wait3A_734 = arith.constant 0 : i32
      %dma_wait3A_735 = tpu.memref_slice %arg6[%dma_wait3A_733, %dma_wait3A_734] : memref<4096x128xf32, #tpu.memory_space<vmem_shared>> -> memref<4096x128xf32, #tpu.memory_space<vmem_shared>>
      tpu.wait_indirect_dma semaphore(%arg19 : memref<!tpu.dma_semaphore, #tpu.memory_space<semaphore_mem>>) src(%dma_wait3A_735 : memref<4096x128xf32, #tpu.memory_space<vmem_shared>>) dst(%arg11 : memref<64x128xf32, #tpu.memory_space<vmem>>)
      %add3A_736 = arith.constant 1 : i32
      %add3A_737 = arith.addi %add3A_670, %add3A_736 : i32
      %rem3A_738 = arith.constant 64 : i32
      %rem3A_739 = arith.remsi %add3A_737, %rem3A_738 : i32
      %jit3A_740 = arith.constant 64 : i32
      %div3A_741 = arith.divsi %add3A_737, %jit3A_740 : i32
      %sign3A_742 = arith.constant 0 : i32
      %sign3A_743 = arith.cmpi sgt, %add3A_737, %sign3A_742 : i32
      %sign3A_744 = arith.extui %sign3A_743 : i1 to i32
      %sign3A_745 = arith.constant 0 : i32
      %sign3A_746 = arith.cmpi slt, %add3A_737, %sign3A_745 : i32
      %sign3A_747 = arith.extui %sign3A_746 : i1 to i32
      %sign3A_748 = arith.subi %sign3A_744, %sign3A_747 : i32
      %sign3A_749 = arith.constant 0 : i32
      %sign3A_750 = arith.cmpi sgt, %jit3A_740, %sign3A_749 : i32
      %sign3A_751 = arith.extui %sign3A_750 : i1 to i32
      %sign3A_752 = arith.constant 0 : i32
      %sign3A_753 = arith.cmpi slt, %jit3A_740, %sign3A_752 : i32
      %sign3A_754 = arith.extui %sign3A_753 : i1 to i32
      %sign3A_755 = arith.subi %sign3A_751, %sign3A_754 : i32
      %ne3A_756 = arith.cmpi ne, %sign3A_748, %sign3A_755 : i32
      %rem3A_757 = arith.remsi %add3A_737, %jit3A_740 : i32
      %ne3A_758 = arith.constant 0 : i32
      %ne3A_759 = arith.cmpi ne, %rem3A_757, %ne3A_758 : i32
      %and3A_760 = arith.andi %ne3A_756, %ne3A_759 : i1
      %sub3A_761 = arith.constant 1 : i32
      %sub3A_762 = arith.subi %div3A_741, %sub3A_761 : i32
      %select_n3A_763 = arith.select %and3A_760, %sub3A_762, %div3A_741 : i32
      %jit3A_764 = arith.constant 4 : i32
      %div3A_765 = arith.divsi %rem3A_739, %jit3A_764 : i32
      %sign3A_766 = arith.constant 0 : i32
      %sign3A_767 = arith.cmpi sgt, %rem3A_739, %sign3A_766 : i32
      %sign3A_768 = arith.extui %sign3A_767 : i1 to i32
      %sign3A_769 = arith.constant 0 : i32
      %sign3A_770 = arith.cmpi slt, %rem3A_739, %sign3A_769 : i32
      %sign3A_771 = arith.extui %sign3A_770 : i1 to i32
      %sign3A_772 = arith.subi %sign3A_768, %sign3A_771 : i32
      %sign3A_773 = arith.constant 0 : i32
      %sign3A_774 = arith.cmpi sgt, %jit3A_764, %sign3A_773 : i32
      %sign3A_775 = arith.extui %sign3A_774 : i1 to i32
      %sign3A_776 = arith.constant 0 : i32
      %sign3A_777 = arith.cmpi slt, %jit3A_764, %sign3A_776 : i32
      %sign3A_778 = arith.extui %sign3A_777 : i1 to i32
      %sign3A_779 = arith.subi %sign3A_775, %sign3A_778 : i32
      %ne3A_780 = arith.cmpi ne, %sign3A_772, %sign3A_779 : i32
      %rem3A_781 = arith.remsi %rem3A_739, %jit3A_764 : i32
      %ne3A_782 = arith.constant 0 : i32
      %ne3A_783 = arith.cmpi ne, %rem3A_781, %ne3A_782 : i32
      %and3A_784 = arith.andi %ne3A_780, %ne3A_783 : i1
      %sub3A_785 = arith.constant 1 : i32
      %sub3A_786 = arith.subi %div3A_765, %sub3A_785 : i32
      %select_n3A_787 = arith.select %and3A_784, %sub3A_786, %div3A_765 : i32
      %mul3A_788 = arith.constant 8 : i32
      %mul3A_789 = arith.muli %mul3A_788, %select_n3A_787 : i32
      %mul3A_790 = arith.constant 4 : i32
      %mul3A_791 = arith.muli %mul3A_790, %arg0 : i32
      %add3A_792 = arith.addi %mul3A_789, %mul3A_791 : i32
      %rem3A_793 = arith.constant 4 : i32
      %rem3A_794 = arith.remsi %rem3A_739, %rem3A_793 : i32
      %add3A_795 = arith.addi %add3A_792, %rem3A_794 : i32
      %mul3A_796 = arith.constant 64 : i32
      %mul3A_797 = arith.muli %select_n3A_763, %mul3A_796 : i32
      %dma_wait3A_798 = tpu.memref_slice %arg7[%add3A_795, %mul3A_797] : memref<128x128xi32, #tpu.memory_space<vmem>> -> memref<1x64xi32, #tpu.memory_space<vmem>>
      %dma_wait3A_799 = tpu.memref_squeeze %dma_wait3A_798 : memref<1x64xi32, #tpu.memory_space<vmem>> -> memref<64xi32, #tpu.memory_space<vmem>>
      %dma_wait3A_800 = arith.constant 0 : i32
      %dma_wait3A_801 = arith.constant 0 : i32
      %dma_wait3A_802 = tpu.memref_slice %arg6[%dma_wait3A_800, %dma_wait3A_801] : memref<4096x128xf32, #tpu.memory_space<vmem_shared>> -> memref<4096x128xf32, #tpu.memory_space<vmem_shared>>
      tpu.wait_indirect_dma semaphore(%arg20 : memref<!tpu.dma_semaphore, #tpu.memory_space<semaphore_mem>>) src(%dma_wait3A_802 : memref<4096x128xf32, #tpu.memory_space<vmem_shared>>) dst(%arg12 : memref<64x128xf32, #tpu.memory_space<vmem>>)
      %ge3A_803 = arith.constant 1 : i32
      %ge3A_804 = arith.cmpi sge, %scan3A_248, %ge3A_803 : i32
      %convert_element_type3A_805 = arith.extui %ge3A_804 : i1 to i32
      %cond3A_806 = arith.constant 0 : i32
      %cond3A_807 = arith.cmpi ne, %convert_element_type3A_805, %cond3A_806 : i32
      scf.if %cond3A_807 {
        %dma_wait3A_1660 = arith.constant 0 : i32
        %dma_wait3A_1661 = arith.constant 0 : i32
        %dma_wait3A_1662 = tpu.memref_slice %arg5[%dma_wait3A_1660, %dma_wait3A_1661] : memref<262144x128xf32, #tpu.memory_space<hbm>> -> memref<64x128xf32, #tpu.memory_space<hbm>>
        %dma_wait3A_1663 = arith.constant 0 : i32
        %dma_wait3A_1664 = arith.constant 0 : i32
        %dma_wait3A_1665 = tpu.memref_slice %arg5[%dma_wait3A_1663, %dma_wait3A_1664] : memref<262144x128xf32, #tpu.memory_space<hbm>> -> memref<64x128xf32, #tpu.memory_space<hbm>>
        tpu.wait_dma2 semaphore(%arg31 : memref<!tpu.dma_semaphore, #tpu.memory_space<semaphore_mem>>) src(%arg15 : memref<64x128xf32, #tpu.memory_space<vmem>>) dst(%dma_wait3A_1665 : memref<64x128xf32, #tpu.memory_space<hbm>>)
        %dma_wait3A_1666 = arith.constant 0 : i32
        %dma_wait3A_1667 = arith.constant 0 : i32
        %dma_wait3A_1668 = tpu.memref_slice %arg5[%dma_wait3A_1666, %dma_wait3A_1667] : memref<262144x128xf32, #tpu.memory_space<hbm>> -> memref<64x128xf32, #tpu.memory_space<hbm>>
        %dma_wait3A_1669 = arith.constant 0 : i32
        %dma_wait3A_1670 = arith.constant 0 : i32
        %dma_wait3A_1671 = tpu.memref_slice %arg5[%dma_wait3A_1669, %dma_wait3A_1670] : memref<262144x128xf32, #tpu.memory_space<hbm>> -> memref<64x128xf32, #tpu.memory_space<hbm>>
        tpu.wait_dma2 semaphore(%arg32 : memref<!tpu.dma_semaphore, #tpu.memory_space<semaphore_mem>>) src(%arg16 : memref<64x128xf32, #tpu.memory_space<vmem>>) dst(%dma_wait3A_1671 : memref<64x128xf32, #tpu.memory_space<hbm>>)
      } else {
      }
      %add3A_808 = arith.constant 4 : i32
      %add3A_809 = arith.addi %add3A_670, %add3A_808 : i32
      %rem3A_810 = arith.constant 64 : i32
      %rem3A_811 = arith.remsi %add3A_809, %rem3A_810 : i32
      %jit3A_812 = arith.constant 64 : i32
      %div3A_813 = arith.divsi %add3A_809, %jit3A_812 : i32
      %sign3A_814 = arith.constant 0 : i32
      %sign3A_815 = arith.cmpi sgt, %add3A_809, %sign3A_814 : i32
      %sign3A_816 = arith.extui %sign3A_815 : i1 to i32
      %sign3A_817 = arith.constant 0 : i32
      %sign3A_818 = arith.cmpi slt, %add3A_809, %sign3A_817 : i32
      %sign3A_819 = arith.extui %sign3A_818 : i1 to i32
      %sign3A_820 = arith.subi %sign3A_816, %sign3A_819 : i32
      %sign3A_821 = arith.constant 0 : i32
      %sign3A_822 = arith.cmpi sgt, %jit3A_812, %sign3A_821 : i32
      %sign3A_823 = arith.extui %sign3A_822 : i1 to i32
      %sign3A_824 = arith.constant 0 : i32
      %sign3A_825 = arith.cmpi slt, %jit3A_812, %sign3A_824 : i32
      %sign3A_826 = arith.extui %sign3A_825 : i1 to i32
      %sign3A_827 = arith.subi %sign3A_823, %sign3A_826 : i32
      %ne3A_828 = arith.cmpi ne, %sign3A_820, %sign3A_827 : i32
      %rem3A_829 = arith.remsi %add3A_809, %jit3A_812 : i32
      %ne3A_830 = arith.constant 0 : i32
      %ne3A_831 = arith.cmpi ne, %rem3A_829, %ne3A_830 : i32
      %and3A_832 = arith.andi %ne3A_828, %ne3A_831 : i1
      %sub3A_833 = arith.constant 1 : i32
      %sub3A_834 = arith.subi %div3A_813, %sub3A_833 : i32
      %select_n3A_835 = arith.select %and3A_832, %sub3A_834, %div3A_813 : i32
      %jit3A_836 = arith.constant 4 : i32
      %div3A_837 = arith.divsi %rem3A_811, %jit3A_836 : i32
      %sign3A_838 = arith.constant 0 : i32
      %sign3A_839 = arith.cmpi sgt, %rem3A_811, %sign3A_838 : i32
      %sign3A_840 = arith.extui %sign3A_839 : i1 to i32
      %sign3A_841 = arith.constant 0 : i32
      %sign3A_842 = arith.cmpi slt, %rem3A_811, %sign3A_841 : i32
      %sign3A_843 = arith.extui %sign3A_842 : i1 to i32
      %sign3A_844 = arith.subi %sign3A_840, %sign3A_843 : i32
      %sign3A_845 = arith.constant 0 : i32
      %sign3A_846 = arith.cmpi sgt, %jit3A_836, %sign3A_845 : i32
      %sign3A_847 = arith.extui %sign3A_846 : i1 to i32
      %sign3A_848 = arith.constant 0 : i32
      %sign3A_849 = arith.cmpi slt, %jit3A_836, %sign3A_848 : i32
      %sign3A_850 = arith.extui %sign3A_849 : i1 to i32
      %sign3A_851 = arith.subi %sign3A_847, %sign3A_850 : i32
      %ne3A_852 = arith.cmpi ne, %sign3A_844, %sign3A_851 : i32
      %rem3A_853 = arith.remsi %rem3A_811, %jit3A_836 : i32
      %ne3A_854 = arith.constant 0 : i32
      %ne3A_855 = arith.cmpi ne, %rem3A_853, %ne3A_854 : i32
      %and3A_856 = arith.andi %ne3A_852, %ne3A_855 : i1
      %sub3A_857 = arith.constant 1 : i32
      %sub3A_858 = arith.subi %div3A_837, %sub3A_857 : i32
      %select_n3A_859 = arith.select %and3A_856, %sub3A_858, %div3A_837 : i32
      %mul3A_860 = arith.constant 8 : i32
      %mul3A_861 = arith.muli %mul3A_860, %select_n3A_859 : i32
      %mul3A_862 = arith.constant 4 : i32
      %mul3A_863 = arith.muli %mul3A_862, %arg0 : i32
      %add3A_864 = arith.addi %mul3A_861, %mul3A_863 : i32
      %rem3A_865 = arith.constant 4 : i32
      %rem3A_866 = arith.remsi %rem3A_811, %rem3A_865 : i32
      %add3A_867 = arith.addi %add3A_864, %rem3A_866 : i32
      %mul3A_868 = arith.constant 64 : i32
      %mul3A_869 = arith.muli %select_n3A_835, %mul3A_868 : i32
      %dma_start3A_870 = tpu.memref_slice %arg7[%add3A_867, %mul3A_869] : memref<128x128xi32, #tpu.memory_space<vmem>> -> memref<1x64xi32, #tpu.memory_space<vmem>>
      %dma_start3A_871 = tpu.memref_squeeze %dma_start3A_870 : memref<1x64xi32, #tpu.memory_space<vmem>> -> memref<64xi32, #tpu.memory_space<vmem>>
      %dma_start3A_872 = arith.constant 0 : i32
      %dma_start3A_873 = arith.constant 0 : i32
      %dma_start3A_874 = tpu.memref_slice %arg6[%dma_start3A_872, %dma_start3A_873] : memref<4096x128xf32, #tpu.memory_space<vmem_shared>> -> memref<4096x128xf32, #tpu.memory_space<vmem_shared>>
      tpu.enqueue_indirect_dma source(%dma_start3A_874 : memref<4096x128xf32, #tpu.memory_space<vmem_shared>>) target(%arg15 : memref<64x128xf32, #tpu.memory_space<vmem>>) offsets(%dma_start3A_871 : memref<64xi32, #tpu.memory_space<vmem>>) semaphore(%arg23 : memref<!tpu.dma_semaphore, #tpu.memory_space<semaphore_mem>>)
      %add3A_875 = arith.constant 4 : i32
      %add3A_876 = arith.addi %add3A_670, %add3A_875 : i32
      %add3A_877 = arith.constant 1 : i32
      %add3A_878 = arith.addi %add3A_876, %add3A_877 : i32
      %rem3A_879 = arith.constant 64 : i32
      %rem3A_880 = arith.remsi %add3A_878, %rem3A_879 : i32
      %jit3A_881 = arith.constant 64 : i32
      %div3A_882 = arith.divsi %add3A_878, %jit3A_881 : i32
      %sign3A_883 = arith.constant 0 : i32
      %sign3A_884 = arith.cmpi sgt, %add3A_878, %sign3A_883 : i32
      %sign3A_885 = arith.extui %sign3A_884 : i1 to i32
      %sign3A_886 = arith.constant 0 : i32
      %sign3A_887 = arith.cmpi slt, %add3A_878, %sign3A_886 : i32
      %sign3A_888 = arith.extui %sign3A_887 : i1 to i32
      %sign3A_889 = arith.subi %sign3A_885, %sign3A_888 : i32
      %sign3A_890 = arith.constant 0 : i32
      %sign3A_891 = arith.cmpi sgt, %jit3A_881, %sign3A_890 : i32
      %sign3A_892 = arith.extui %sign3A_891 : i1 to i32
      %sign3A_893 = arith.constant 0 : i32
      %sign3A_894 = arith.cmpi slt, %jit3A_881, %sign3A_893 : i32
      %sign3A_895 = arith.extui %sign3A_894 : i1 to i32
      %sign3A_896 = arith.subi %sign3A_892, %sign3A_895 : i32
      %ne3A_897 = arith.cmpi ne, %sign3A_889, %sign3A_896 : i32
      %rem3A_898 = arith.remsi %add3A_878, %jit3A_881 : i32
      %ne3A_899 = arith.constant 0 : i32
      %ne3A_900 = arith.cmpi ne, %rem3A_898, %ne3A_899 : i32
      %and3A_901 = arith.andi %ne3A_897, %ne3A_900 : i1
      %sub3A_902 = arith.constant 1 : i32
      %sub3A_903 = arith.subi %div3A_882, %sub3A_902 : i32
      %select_n3A_904 = arith.select %and3A_901, %sub3A_903, %div3A_882 : i32
      %jit3A_905 = arith.constant 4 : i32
      %div3A_906 = arith.divsi %rem3A_880, %jit3A_905 : i32
      %sign3A_907 = arith.constant 0 : i32
      %sign3A_908 = arith.cmpi sgt, %rem3A_880, %sign3A_907 : i32
      %sign3A_909 = arith.extui %sign3A_908 : i1 to i32
      %sign3A_910 = arith.constant 0 : i32
      %sign3A_911 = arith.cmpi slt, %rem3A_880, %sign3A_910 : i32
      %sign3A_912 = arith.extui %sign3A_911 : i1 to i32
      %sign3A_913 = arith.subi %sign3A_909, %sign3A_912 : i32
      %sign3A_914 = arith.constant 0 : i32
      %sign3A_915 = arith.cmpi sgt, %jit3A_905, %sign3A_914 : i32
      %sign3A_916 = arith.extui %sign3A_915 : i1 to i32
      %sign3A_917 = arith.constant 0 : i32
      %sign3A_918 = arith.cmpi slt, %jit3A_905, %sign3A_917 : i32
      %sign3A_919 = arith.extui %sign3A_918 : i1 to i32
      %sign3A_920 = arith.subi %sign3A_916, %sign3A_919 : i32
      %ne3A_921 = arith.cmpi ne, %sign3A_913, %sign3A_920 : i32
      %rem3A_922 = arith.remsi %rem3A_880, %jit3A_905 : i32
      %ne3A_923 = arith.constant 0 : i32
      %ne3A_924 = arith.cmpi ne, %rem3A_922, %ne3A_923 : i32
      %and3A_925 = arith.andi %ne3A_921, %ne3A_924 : i1
      %sub3A_926 = arith.constant 1 : i32
      %sub3A_927 = arith.subi %div3A_906, %sub3A_926 : i32
      %select_n3A_928 = arith.select %and3A_925, %sub3A_927, %div3A_906 : i32
      %mul3A_929 = arith.constant 8 : i32
      %mul3A_930 = arith.muli %mul3A_929, %select_n3A_928 : i32
      %mul3A_931 = arith.constant 4 : i32
      %mul3A_932 = arith.muli %mul3A_931, %arg0 : i32
      %add3A_933 = arith.addi %mul3A_930, %mul3A_932 : i32
      %rem3A_934 = arith.constant 4 : i32
      %rem3A_935 = arith.remsi %rem3A_880, %rem3A_934 : i32
      %add3A_936 = arith.addi %add3A_933, %rem3A_935 : i32
      %mul3A_937 = arith.constant 64 : i32
      %mul3A_938 = arith.muli %select_n3A_904, %mul3A_937 : i32
      %dma_start3A_939 = tpu.memref_slice %arg7[%add3A_936, %mul3A_938] : memref<128x128xi32, #tpu.memory_space<vmem>> -> memref<1x64xi32, #tpu.memory_space<vmem>>
      %dma_start3A_940 = tpu.memref_squeeze %dma_start3A_939 : memref<1x64xi32, #tpu.memory_space<vmem>> -> memref<64xi32, #tpu.memory_space<vmem>>
      %dma_start3A_941 = arith.constant 0 : i32
      %dma_start3A_942 = arith.constant 0 : i32
      %dma_start3A_943 = tpu.memref_slice %arg6[%dma_start3A_941, %dma_start3A_942] : memref<4096x128xf32, #tpu.memory_space<vmem_shared>> -> memref<4096x128xf32, #tpu.memory_space<vmem_shared>>
      tpu.enqueue_indirect_dma source(%dma_start3A_943 : memref<4096x128xf32, #tpu.memory_space<vmem_shared>>) target(%arg16 : memref<64x128xf32, #tpu.memory_space<vmem>>) offsets(%dma_start3A_940 : memref<64xi32, #tpu.memory_space<vmem>>) semaphore(%arg24 : memref<!tpu.dma_semaphore, #tpu.memory_space<semaphore_mem>>)
      %parallel_loop3A_944 = arith.constant 0 : i32
      %parallel_loop3A_945 = arith.constant 64 : i32
      %parallel_loop3A_946 = arith.constant 1 : i32
      scf.for %parallel_loop3A_1660 = %parallel_loop3A_944 to %parallel_loop3A_945 step %parallel_loop3A_946  : i32 {
        %parallel_loop3A_1661 = arith.constant 64 : i32
        %parallel_loop3A_1662 = arith.divsi %add3A_670, %parallel_loop3A_1661 : i32
        %parallel_loop3A_1663 = arith.constant 0 : i32
        %parallel_loop3A_1664 = arith.cmpi sgt, %add3A_670, %parallel_loop3A_1663 : i32
        %parallel_loop3A_1665 = arith.extui %parallel_loop3A_1664 : i1 to i32
        %parallel_loop3A_1666 = arith.constant 0 : i32
        %parallel_loop3A_1667 = arith.cmpi slt, %add3A_670, %parallel_loop3A_1666 : i32
        %parallel_loop3A_1668 = arith.extui %parallel_loop3A_1667 : i1 to i32
        %parallel_loop3A_1669 = arith.subi %parallel_loop3A_1665, %parallel_loop3A_1668 : i32
        %parallel_loop3A_1670 = arith.constant 0 : i32
        %parallel_loop3A_1671 = arith.cmpi sgt, %parallel_loop3A_1661, %parallel_loop3A_1670 : i32
        %parallel_loop3A_1672 = arith.extui %parallel_loop3A_1671 : i1 to i32
        %parallel_loop3A_1673 = arith.constant 0 : i32
        %parallel_loop3A_1674 = arith.cmpi slt, %parallel_loop3A_1661, %parallel_loop3A_1673 : i32
        %parallel_loop3A_1675 = arith.extui %parallel_loop3A_1674 : i1 to i32
        %parallel_loop3A_1676 = arith.subi %parallel_loop3A_1672, %parallel_loop3A_1675 : i32
        %parallel_loop3A_1677 = arith.cmpi ne, %parallel_loop3A_1669, %parallel_loop3A_1676 : i32
        %parallel_loop3A_1678 = arith.remsi %add3A_670, %parallel_loop3A_1661 : i32
        %parallel_loop3A_1679 = arith.constant 0 : i32
        %parallel_loop3A_1680 = arith.cmpi ne, %parallel_loop3A_1678, %parallel_loop3A_1679 : i32
        %parallel_loop3A_1681 = arith.andi %parallel_loop3A_1677, %parallel_loop3A_1680 : i1
        %parallel_loop3A_1682 = arith.constant 1 : i32
        %parallel_loop3A_1683 = arith.subi %parallel_loop3A_1662, %parallel_loop3A_1682 : i32
        %parallel_loop3A_1684 = arith.select %parallel_loop3A_1681, %parallel_loop3A_1683, %parallel_loop3A_1662 : i32
        %parallel_loop3A_1685 = arith.constant 64 : i32
        %parallel_loop3A_1686 = arith.muli %parallel_loop3A_1684, %parallel_loop3A_1685 : i32
        %parallel_loop3A_1687 = arith.addi %parallel_loop3A_1686, %parallel_loop3A_1660 : i32
        %parallel_loop3A_1688 = arith.index_cast %parallel_loop3A_1687 : i32 to index
        %parallel_loop3A_1689 = arith.constant 0 : index
        %parallel_loop3A_1690 = tpu.vector_load %arg8[%parallel_loop3A_1688, %parallel_loop3A_1689] {strides = array<i32>} : memref<128x128xf32, #tpu.memory_space<vmem>>, vector<1x16xf32>,
        %parallel_loop3A_1691 = vector.shape_cast %parallel_loop3A_1690 : vector<1x16xf32> to vector<16xf32>
        %parallel_loop3A_1692 = arith.index_cast %parallel_loop3A_1660 : i32 to index
        %parallel_loop3A_1693 = arith.constant 0 : index
        %parallel_loop3A_1694 = tpu.vector_load %arg11[%parallel_loop3A_1692, %parallel_loop3A_1693] {strides = array<i32>} : memref<64x128xf32, #tpu.memory_space<vmem>>, vector<1x16xf32>,
        %parallel_loop3A_1695 = vector.shape_cast %parallel_loop3A_1694 : vector<1x16xf32> to vector<16xf32>
        %parallel_loop3A_1696 = vector.shape_cast %parallel_loop3A_1691 : vector<16xf32> to vector<1x16xf32>
        tpu.vector_store %arg11[%parallel_loop3A_1692, %parallel_loop3A_1693], %parallel_loop3A_1696 {add = true, strides = array<i32>} : memref<64x128xf32, #tpu.memory_space<vmem>>, vector<1x16xf32>,
        %parallel_loop3A_1697 = arith.index_cast %parallel_loop3A_1660 : i32 to index
        %parallel_loop3A_1698 = arith.constant 0 : index
        %parallel_loop3A_1699 = tpu.vector_load %arg12[%parallel_loop3A_1697, %parallel_loop3A_1698] {strides = array<i32>} : memref<64x128xf32, #tpu.memory_space<vmem>>, vector<1x16xf32>,
        %parallel_loop3A_1700 = vector.shape_cast %parallel_loop3A_1699 : vector<1x16xf32> to vector<16xf32>
        %parallel_loop3A_1701 = vector.shape_cast %parallel_loop3A_1691 : vector<16xf32> to vector<1x16xf32>
        tpu.vector_store %arg12[%parallel_loop3A_1697, %parallel_loop3A_1698], %parallel_loop3A_1701 {add = true, strides = array<i32>} : memref<64x128xf32, #tpu.memory_space<vmem>>, vector<1x16xf32>,
        %parallel_loop3A_1702 = arith.index_cast %parallel_loop3A_1687 : i32 to index
        %parallel_loop3A_1703 = arith.constant 16 : index
        %parallel_loop3A_1704 = tpu.vector_load %arg8[%parallel_loop3A_1702, %parallel_loop3A_1703] {strides = array<i32>} : memref<128x128xf32, #tpu.memory_space<vmem>>, vector<1x16xf32>,
        %parallel_loop3A_1705 = vector.shape_cast %parallel_loop3A_1704 : vector<1x16xf32> to vector<16xf32>
        %parallel_loop3A_1706 = arith.index_cast %parallel_loop3A_1660 : i32 to index
        %parallel_loop3A_1707 = arith.constant 16 : index
        %parallel_loop3A_1708 = tpu.vector_load %arg11[%parallel_loop3A_1706, %parallel_loop3A_1707] {strides = array<i32>} : memref<64x128xf32, #tpu.memory_space<vmem>>, vector<1x16xf32>,
        %parallel_loop3A_1709 = vector.shape_cast %parallel_loop3A_1708 : vector<1x16xf32> to vector<16xf32>
        %parallel_loop3A_1710 = vector.shape_cast %parallel_loop3A_1705 : vector<16xf32> to vector<1x16xf32>
        tpu.vector_store %arg11[%parallel_loop3A_1706, %parallel_loop3A_1707], %parallel_loop3A_1710 {add = true, strides = array<i32>} : memref<64x128xf32, #tpu.memory_space<vmem>>, vector<1x16xf32>,
        %parallel_loop3A_1711 = arith.index_cast %parallel_loop3A_1660 : i32 to index
        %parallel_loop3A_1712 = arith.constant 16 : index
        %parallel_loop3A_1713 = tpu.vector_load %arg12[%parallel_loop3A_1711, %parallel_loop3A_1712] {strides = array<i32>} : memref<64x128xf32, #tpu.memory_space<vmem>>, vector<1x16xf32>,
        %parallel_loop3A_1714 = vector.shape_cast %parallel_loop3A_1713 : vector<1x16xf32> to vector<16xf32>
        %parallel_loop3A_1715 = vector.shape_cast %parallel_loop3A_1705 : vector<16xf32> to vector<1x16xf32>
        tpu.vector_store %arg12[%parallel_loop3A_1711, %parallel_loop3A_1712], %parallel_loop3A_1715 {add = true, strides = array<i32>} : memref<64x128xf32, #tpu.memory_space<vmem>>, vector<1x16xf32>,
        %parallel_loop3A_1716 = arith.index_cast %parallel_loop3A_1687 : i32 to index
        %parallel_loop3A_1717 = arith.constant 32 : index
        %parallel_loop3A_1718 = tpu.vector_load %arg8[%parallel_loop3A_1716, %parallel_loop3A_1717] {strides = array<i32>} : memref<128x128xf32, #tpu.memory_space<vmem>>, vector<1x16xf32>,
        %parallel_loop3A_1719 = vector.shape_cast %parallel_loop3A_1718 : vector<1x16xf32> to vector<16xf32>
        %parallel_loop3A_1720 = arith.index_cast %parallel_loop3A_1660 : i32 to index
        %parallel_loop3A_1721 = arith.constant 32 : index
        %parallel_loop3A_1722 = tpu.vector_load %arg11[%parallel_loop3A_1720, %parallel_loop3A_1721] {strides = array<i32>} : memref<64x128xf32, #tpu.memory_space<vmem>>, vector<1x16xf32>,
        %parallel_loop3A_1723 = vector.shape_cast %parallel_loop3A_1722 : vector<1x16xf32> to vector<16xf32>
        %parallel_loop3A_1724 = vector.shape_cast %parallel_loop3A_1719 : vector<16xf32> to vector<1x16xf32>
        tpu.vector_store %arg11[%parallel_loop3A_1720, %parallel_loop3A_1721], %parallel_loop3A_1724 {add = true, strides = array<i32>} : memref<64x128xf32, #tpu.memory_space<vmem>>, vector<1x16xf32>,
        %parallel_loop3A_1725 = arith.index_cast %parallel_loop3A_1660 : i32 to index
        %parallel_loop3A_1726 = arith.constant 32 : index
        %parallel_loop3A_1727 = tpu.vector_load %arg12[%parallel_loop3A_1725, %parallel_loop3A_1726] {strides = array<i32>} : memref<64x128xf32, #tpu.memory_space<vmem>>, vector<1x16xf32>,
        %parallel_loop3A_1728 = vector.shape_cast %parallel_loop3A_1727 : vector<1x16xf32> to vector<16xf32>
        %parallel_loop3A_1729 = vector.shape_cast %parallel_loop3A_1719 : vector<16xf32> to vector<1x16xf32>
        tpu.vector_store %arg12[%parallel_loop3A_1725, %parallel_loop3A_1726], %parallel_loop3A_1729 {add = true, strides = array<i32>} : memref<64x128xf32, #tpu.memory_space<vmem>>, vector<1x16xf32>,
        %parallel_loop3A_1730 = arith.index_cast %parallel_loop3A_1687 : i32 to index
        %parallel_loop3A_1731 = arith.constant 48 : index
        %parallel_loop3A_1732 = tpu.vector_load %arg8[%parallel_loop3A_1730, %parallel_loop3A_1731] {strides = array<i32>} : memref<128x128xf32, #tpu.memory_space<vmem>>, vector<1x16xf32>,
        %parallel_loop3A_1733 = vector.shape_cast %parallel_loop3A_1732 : vector<1x16xf32> to vector<16xf32>
        %parallel_loop3A_1734 = arith.index_cast %parallel_loop3A_1660 : i32 to index
        %parallel_loop3A_1735 = arith.constant 48 : index
        %parallel_loop3A_1736 = tpu.vector_load %arg11[%parallel_loop3A_1734, %parallel_loop3A_1735] {strides = array<i32>} : memref<64x128xf32, #tpu.memory_space<vmem>>, vector<1x16xf32>,
        %parallel_loop3A_1737 = vector.shape_cast %parallel_loop3A_1736 : vector<1x16xf32> to vector<16xf32>
        %parallel_loop3A_1738 = vector.shape_cast %parallel_loop3A_1733 : vector<16xf32> to vector<1x16xf32>
        tpu.vector_store %arg11[%parallel_loop3A_1734, %parallel_loop3A_1735], %parallel_loop3A_1738 {add = true, strides = array<i32>} : memref<64x128xf32, #tpu.memory_space<vmem>>, vector<1x16xf32>,
        %parallel_loop3A_1739 = arith.index_cast %parallel_loop3A_1660 : i32 to index
        %parallel_loop3A_1740 = arith.constant 48 : index
        %parallel_loop3A_1741 = tpu.vector_load %arg12[%parallel_loop3A_1739, %parallel_loop3A_1740] {strides = array<i32>} : memref<64x128xf32, #tpu.memory_space<vmem>>, vector<1x16xf32>,
        %parallel_loop3A_1742 = vector.shape_cast %parallel_loop3A_1741 : vector<1x16xf32> to vector<16xf32>
        %parallel_loop3A_1743 = vector.shape_cast %parallel_loop3A_1733 : vector<16xf32> to vector<1x16xf32>
        tpu.vector_store %arg12[%parallel_loop3A_1739, %parallel_loop3A_1740], %parallel_loop3A_1743 {add = true, strides = array<i32>} : memref<64x128xf32, #tpu.memory_space<vmem>>, vector<1x16xf32>,
        %parallel_loop3A_1744 = arith.index_cast %parallel_loop3A_1687 : i32 to index
        %parallel_loop3A_1745 = arith.constant 64 : index
        %parallel_loop3A_1746 = tpu.vector_load %arg8[%parallel_loop3A_1744, %parallel_loop3A_1745] {strides = array<i32>} : memref<128x128xf32, #tpu.memory_space<vmem>>, vector<1x16xf32>,
        %parallel_loop3A_1747 = vector.shape_cast %parallel_loop3A_1746 : vector<1x16xf32> to vector<16xf32>
        %parallel_loop3A_1748 = arith.index_cast %parallel_loop3A_1660 : i32 to index
        %parallel_loop3A_1749 = arith.constant 64 : index
        %parallel_loop3A_1750 = tpu.vector_load %arg11[%parallel_loop3A_1748, %parallel_loop3A_1749] {strides = array<i32>} : memref<64x128xf32, #tpu.memory_space<vmem>>, vector<1x16xf32>,
        %parallel_loop3A_1751 = vector.shape_cast %parallel_loop3A_1750 : vector<1x16xf32> to vector<16xf32>
        %parallel_loop3A_1752 = vector.shape_cast %parallel_loop3A_1747 : vector<16xf32> to vector<1x16xf32>
        tpu.vector_store %arg11[%parallel_loop3A_1748, %parallel_loop3A_1749], %parallel_loop3A_1752 {add = true, strides = array<i32>} : memref<64x128xf32, #tpu.memory_space<vmem>>, vector<1x16xf32>,
        %parallel_loop3A_1753 = arith.index_cast %parallel_loop3A_1660 : i32 to index
        %parallel_loop3A_1754 = arith.constant 64 : index
        %parallel_loop3A_1755 = tpu.vector_load %arg12[%parallel_loop3A_1753, %parallel_loop3A_1754] {strides = array<i32>} : memref<64x128xf32, #tpu.memory_space<vmem>>, vector<1x16xf32>,
        %parallel_loop3A_1756 = vector.shape_cast %parallel_loop3A_1755 : vector<1x16xf32> to vector<16xf32>
        %parallel_loop3A_1757 = vector.shape_cast %parallel_loop3A_1747 : vector<16xf32> to vector<1x16xf32>
        tpu.vector_store %arg12[%parallel_loop3A_1753, %parallel_loop3A_1754], %parallel_loop3A_1757 {add = true, strides = array<i32>} : memref<64x128xf32, #tpu.memory_space<vmem>>, vector<1x16xf32>,
        %parallel_loop3A_1758 = arith.index_cast %parallel_loop3A_1687 : i32 to index
        %parallel_loop3A_1759 = arith.constant 80 : index
        %parallel_loop3A_1760 = tpu.vector_load %arg8[%parallel_loop3A_1758, %parallel_loop3A_1759] {strides = array<i32>} : memref<128x128xf32, #tpu.memory_space<vmem>>, vector<1x16xf32>,
        %parallel_loop3A_1761 = vector.shape_cast %parallel_loop3A_1760 : vector<1x16xf32> to vector<16xf32>
        %parallel_loop3A_1762 = arith.index_cast %parallel_loop3A_1660 : i32 to index
        %parallel_loop3A_1763 = arith.constant 80 : index
        %parallel_loop3A_1764 = tpu.vector_load %arg11[%parallel_loop3A_1762, %parallel_loop3A_1763] {strides = array<i32>} : memref<64x128xf32, #tpu.memory_space<vmem>>, vector<1x16xf32>,
        %parallel_loop3A_1765 = vector.shape_cast %parallel_loop3A_1764 : vector<1x16xf32> to vector<16xf32>
        %parallel_loop3A_1766 = vector.shape_cast %parallel_loop3A_1761 : vector<16xf32> to vector<1x16xf32>
        tpu.vector_store %arg11[%parallel_loop3A_1762, %parallel_loop3A_1763], %parallel_loop3A_1766 {add = true, strides = array<i32>} : memref<64x128xf32, #tpu.memory_space<vmem>>, vector<1x16xf32>,
        %parallel_loop3A_1767 = arith.index_cast %parallel_loop3A_1660 : i32 to index
        %parallel_loop3A_1768 = arith.constant 80 : index
        %parallel_loop3A_1769 = tpu.vector_load %arg12[%parallel_loop3A_1767, %parallel_loop3A_1768] {strides = array<i32>} : memref<64x128xf32, #tpu.memory_space<vmem>>, vector<1x16xf32>,
        %parallel_loop3A_1770 = vector.shape_cast %parallel_loop3A_1769 : vector<1x16xf32> to vector<16xf32>
        %parallel_loop3A_1771 = vector.shape_cast %parallel_loop3A_1761 : vector<16xf32> to vector<1x16xf32>
        tpu.vector_store %arg12[%parallel_loop3A_1767, %parallel_loop3A_1768], %parallel_loop3A_1771 {add = true, strides = array<i32>} : memref<64x128xf32, #tpu.memory_space<vmem>>, vector<1x16xf32>,
        %parallel_loop3A_1772 = arith.index_cast %parallel_loop3A_1687 : i32 to index
        %parallel_loop3A_1773 = arith.constant 96 : index
        %parallel_loop3A_1774 = tpu.vector_load %arg8[%parallel_loop3A_1772, %parallel_loop3A_1773] {strides = array<i32>} : memref<128x128xf32, #tpu.memory_space<vmem>>, vector<1x16xf32>,
        %parallel_loop3A_1775 = vector.shape_cast %parallel_loop3A_1774 : vector<1x16xf32> to vector<16xf32>
        %parallel_loop3A_1776 = arith.index_cast %parallel_loop3A_1660 : i32 to index
        %parallel_loop3A_1777 = arith.constant 96 : index
        %parallel_loop3A_1778 = tpu.vector_load %arg11[%parallel_loop3A_1776, %parallel_loop3A_1777] {strides = array<i32>} : memref<64x128xf32, #tpu.memory_space<vmem>>, vector<1x16xf32>,
        %parallel_loop3A_1779 = vector.shape_cast %parallel_loop3A_1778 : vector<1x16xf32> to vector<16xf32>
        %parallel_loop3A_1780 = vector.shape_cast %parallel_loop3A_1775 : vector<16xf32> to vector<1x16xf32>
        tpu.vector_store %arg11[%parallel_loop3A_1776, %parallel_loop3A_1777], %parallel_loop3A_1780 {add = true, strides = array<i32>} : memref<64x128xf32, #tpu.memory_space<vmem>>, vector<1x16xf32>,
        %parallel_loop3A_1781 = arith.index_cast %parallel_loop3A_1660 : i32 to index
        %parallel_loop3A_1782 = arith.constant 96 : index
        %parallel_loop3A_1783 = tpu.vector_load %arg12[%parallel_loop3A_1781, %parallel_loop3A_1782] {strides = array<i32>} : memref<64x128xf32, #tpu.memory_space<vmem>>, vector<1x16xf32>,
        %parallel_loop3A_1784 = vector.shape_cast %parallel_loop3A_1783 : vector<1x16xf32> to vector<16xf32>
        %parallel_loop3A_1785 = vector.shape_cast %parallel_loop3A_1775 : vector<16xf32> to vector<1x16xf32>
        tpu.vector_store %arg12[%parallel_loop3A_1781, %parallel_loop3A_1782], %parallel_loop3A_1785 {add = true, strides = array<i32>} : memref<64x128xf32, #tpu.memory_space<vmem>>, vector<1x16xf32>,
        %parallel_loop3A_1786 = arith.index_cast %parallel_loop3A_1687 : i32 to index
        %parallel_loop3A_1787 = arith.constant 112 : index
        %parallel_loop3A_1788 = tpu.vector_load %arg8[%parallel_loop3A_1786, %parallel_loop3A_1787] {strides = array<i32>} : memref<128x128xf32, #tpu.memory_space<vmem>>, vector<1x16xf32>,
        %parallel_loop3A_1789 = vector.shape_cast %parallel_loop3A_1788 : vector<1x16xf32> to vector<16xf32>
        %parallel_loop3A_1790 = arith.index_cast %parallel_loop3A_1660 : i32 to index
        %parallel_loop3A_1791 = arith.constant 112 : index
        %parallel_loop3A_1792 = tpu.vector_load %arg11[%parallel_loop3A_1790, %parallel_loop3A_1791] {strides = array<i32>} : memref<64x128xf32, #tpu.memory_space<vmem>>, vector<1x16xf32>,
        %parallel_loop3A_1793 = vector.shape_cast %parallel_loop3A_1792 : vector<1x16xf32> to vector<16xf32>
        %parallel_loop3A_1794 = vector.shape_cast %parallel_loop3A_1789 : vector<16xf32> to vector<1x16xf32>
        tpu.vector_store %arg11[%parallel_loop3A_1790, %parallel_loop3A_1791], %parallel_loop3A_1794 {add = true, strides = array<i32>} : memref<64x128xf32, #tpu.memory_space<vmem>>, vector<1x16xf32>,
        %parallel_loop3A_1795 = arith.index_cast %parallel_loop3A_1660 : i32 to index
        %parallel_loop3A_1796 = arith.constant 112 : index
        %parallel_loop3A_1797 = tpu.vector_load %arg12[%parallel_loop3A_1795, %parallel_loop3A_1796] {strides = array<i32>} : memref<64x128xf32, #tpu.memory_space<vmem>>, vector<1x16xf32>,
        %parallel_loop3A_1798 = vector.shape_cast %parallel_loop3A_1797 : vector<1x16xf32> to vector<16xf32>
        %parallel_loop3A_1799 = vector.shape_cast %parallel_loop3A_1789 : vector<16xf32> to vector<1x16xf32>
        tpu.vector_store %arg12[%parallel_loop3A_1795, %parallel_loop3A_1796], %parallel_loop3A_1799 {add = true, strides = array<i32>} : memref<64x128xf32, #tpu.memory_space<vmem>>, vector<1x16xf32>,
      } {sc.loop_unroll_factor = 4 : i64, sc.parallel_access}
      %rem3A_947 = arith.constant 64 : i32
      %rem3A_948 = arith.remsi %add3A_670, %rem3A_947 : i32
      %jit3A_949 = arith.constant 64 : i32
      %div3A_950 = arith.divsi %add3A_670, %jit3A_949 : i32
      %sign3A_951 = arith.constant 0 : i32
      %sign3A_952 = arith.cmpi sgt, %add3A_670, %sign3A_951 : i32
      %sign3A_953 = arith.extui %sign3A_952 : i1 to i32
      %sign3A_954 = arith.constant 0 : i32
      %sign3A_955 = arith.cmpi slt, %add3A_670, %sign3A_954 : i32
      %sign3A_956 = arith.extui %sign3A_955 : i1 to i32
      %sign3A_957 = arith.subi %sign3A_953, %sign3A_956 : i32
      %sign3A_958 = arith.constant 0 : i32
      %sign3A_959 = arith.cmpi sgt, %jit3A_949, %sign3A_958 : i32
      %sign3A_960 = arith.extui %sign3A_959 : i1 to i32
      %sign3A_961 = arith.constant 0 : i32
      %sign3A_962 = arith.cmpi slt, %jit3A_949, %sign3A_961 : i32
      %sign3A_963 = arith.extui %sign3A_962 : i1 to i32
      %sign3A_964 = arith.subi %sign3A_960, %sign3A_963 : i32
      %ne3A_965 = arith.cmpi ne, %sign3A_957, %sign3A_964 : i32
      %rem3A_966 = arith.remsi %add3A_670, %jit3A_949 : i32
      %ne3A_967 = arith.constant 0 : i32
      %ne3A_968 = arith.cmpi ne, %rem3A_966, %ne3A_967 : i32
      %and3A_969 = arith.andi %ne3A_965, %ne3A_968 : i1
      %sub3A_970 = arith.constant 1 : i32
      %sub3A_971 = arith.subi %div3A_950, %sub3A_970 : i32
      %select_n3A_972 = arith.select %and3A_969, %sub3A_971, %div3A_950 : i32
      %jit3A_973 = arith.constant 4 : i32
      %div3A_974 = arith.divsi %rem3A_948, %jit3A_973 : i32
      %sign3A_975 = arith.constant 0 : i32
      %sign3A_976 = arith.cmpi sgt, %rem3A_948, %sign3A_975 : i32
      %sign3A_977 = arith.extui %sign3A_976 : i1 to i32
      %sign3A_978 = arith.constant 0 : i32
      %sign3A_979 = arith.cmpi slt, %rem3A_948, %sign3A_978 : i32
      %sign3A_980 = arith.extui %sign3A_979 : i1 to i32
      %sign3A_981 = arith.subi %sign3A_977, %sign3A_980 : i32
      %sign3A_982 = arith.constant 0 : i32
      %sign3A_983 = arith.cmpi sgt, %jit3A_973, %sign3A_982 : i32
      %sign3A_984 = arith.extui %sign3A_983 : i1 to i32
      %sign3A_985 = arith.constant 0 : i32
      %sign3A_986 = arith.cmpi slt, %jit3A_973, %sign3A_985 : i32
      %sign3A_987 = arith.extui %sign3A_986 : i1 to i32
      %sign3A_988 = arith.subi %sign3A_984, %sign3A_987 : i32
      %ne3A_989 = arith.cmpi ne, %sign3A_981, %sign3A_988 : i32
      %rem3A_990 = arith.remsi %rem3A_948, %jit3A_973 : i32
      %ne3A_991 = arith.constant 0 : i32
      %ne3A_992 = arith.cmpi ne, %rem3A_990, %ne3A_991 : i32
      %and3A_993 = arith.andi %ne3A_989, %ne3A_992 : i1
      %sub3A_994 = arith.constant 1 : i32
      %sub3A_995 = arith.subi %div3A_974, %sub3A_994 : i32
      %select_n3A_996 = arith.select %and3A_993, %sub3A_995, %div3A_974 : i32
      %mul3A_997 = arith.constant 8 : i32
      %mul3A_998 = arith.muli %mul3A_997, %select_n3A_996 : i32
      %mul3A_999 = arith.constant 4 : i32
      %mul3A_1000 = arith.muli %mul3A_999, %arg0 : i32
      %add3A_1001 = arith.addi %mul3A_998, %mul3A_1000 : i32
      %rem3A_1002 = arith.constant 4 : i32
      %rem3A_1003 = arith.remsi %rem3A_948, %rem3A_1002 : i32
      %add3A_1004 = arith.addi %add3A_1001, %rem3A_1003 : i32
      %mul3A_1005 = arith.constant 2048 : i32
      %mul3A_1006 = arith.muli %add3A_1004, %mul3A_1005 : i32
      %mul3A_1007 = arith.constant 128 : i32
      %mul3A_1008 = arith.muli %arg1, %mul3A_1007 : i32
      %add3A_1009 = arith.addi %mul3A_1006, %mul3A_1008 : i32
      %mul3A_1010 = arith.constant 64 : i32
      %mul3A_1011 = arith.muli %select_n3A_972, %mul3A_1010 : i32
      %add3A_1012 = arith.addi %add3A_1009, %mul3A_1011 : i32
      %dma_start3A_1013 = arith.constant 0 : i32
      %dma_start3A_1014 = tpu.memref_slice %arg5[%add3A_1012, %dma_start3A_1013] : memref<262144x128xf32, #tpu.memory_space<hbm>> -> memref<64x128xf32, #tpu.memory_space<hbm>>
      %dma_start3A_1015 = arith.constant 0 : i32
      %dma_start3A_1016 = tpu.memref_slice %arg5[%add3A_1012, %dma_start3A_1015] : memref<262144x128xf32, #tpu.memory_space<hbm>> -> memref<64x128xf32, #tpu.memory_space<hbm>>
      tpu.enqueue_dma source(%arg11 : memref<64x128xf32, #tpu.memory_space<vmem>>) target(%dma_start3A_1016 : memref<64x128xf32, #tpu.memory_space<hbm>>) target_semaphore(%arg27 : memref<!tpu.dma_semaphore, #tpu.memory_space<semaphore_mem>>)
      %add3A_1017 = arith.constant 1 : i32
      %add3A_1018 = arith.addi %add3A_670, %add3A_1017 : i32
      %rem3A_1019 = arith.constant 64 : i32
      %rem3A_1020 = arith.remsi %add3A_1018, %rem3A_1019 : i32
      %jit3A_1021 = arith.constant 64 : i32
      %div3A_1022 = arith.divsi %add3A_1018, %jit3A_1021 : i32
      %sign3A_1023 = arith.constant 0 : i32
      %sign3A_1024 = arith.cmpi sgt, %add3A_1018, %sign3A_1023 : i32
      %sign3A_1025 = arith.extui %sign3A_1024 : i1 to i32
      %sign3A_1026 = arith.constant 0 : i32
      %sign3A_1027 = arith.cmpi slt, %add3A_1018, %sign3A_1026 : i32
      %sign3A_1028 = arith.extui %sign3A_1027 : i1 to i32
      %sign3A_1029 = arith.subi %sign3A_1025, %sign3A_1028 : i32
      %sign3A_1030 = arith.constant 0 : i32
      %sign3A_1031 = arith.cmpi sgt, %jit3A_1021, %sign3A_1030 : i32
      %sign3A_1032 = arith.extui %sign3A_1031 : i1 to i32
      %sign3A_1033 = arith.constant 0 : i32
      %sign3A_1034 = arith.cmpi slt, %jit3A_1021, %sign3A_1033 : i32
      %sign3A_1035 = arith.extui %sign3A_1034 : i1 to i32
      %sign3A_1036 = arith.subi %sign3A_1032, %sign3A_1035 : i32
      %ne3A_1037 = arith.cmpi ne, %sign3A_1029, %sign3A_1036 : i32
      %rem3A_1038 = arith.remsi %add3A_1018, %jit3A_1021 : i32
      %ne3A_1039 = arith.constant 0 : i32
      %ne3A_1040 = arith.cmpi ne, %rem3A_1038, %ne3A_1039 : i32
      %and3A_1041 = arith.andi %ne3A_1037, %ne3A_1040 : i1
      %sub3A_1042 = arith.constant 1 : i32
      %sub3A_1043 = arith.subi %div3A_1022, %sub3A_1042 : i32
      %select_n3A_1044 = arith.select %and3A_1041, %sub3A_1043, %div3A_1022 : i32
      %jit3A_1045 = arith.constant 4 : i32
      %div3A_1046 = arith.divsi %rem3A_1020, %jit3A_1045 : i32
      %sign3A_1047 = arith.constant 0 : i32
      %sign3A_1048 = arith.cmpi sgt, %rem3A_1020, %sign3A_1047 : i32
      %sign3A_1049 = arith.extui %sign3A_1048 : i1 to i32
      %sign3A_1050 = arith.constant 0 : i32
      %sign3A_1051 = arith.cmpi slt, %rem3A_1020, %sign3A_1050 : i32
      %sign3A_1052 = arith.extui %sign3A_1051 : i1 to i32
      %sign3A_1053 = arith.subi %sign3A_1049, %sign3A_1052 : i32
      %sign3A_1054 = arith.constant 0 : i32
      %sign3A_1055 = arith.cmpi sgt, %jit3A_1045, %sign3A_1054 : i32
      %sign3A_1056 = arith.extui %sign3A_1055 : i1 to i32
      %sign3A_1057 = arith.constant 0 : i32
      %sign3A_1058 = arith.cmpi slt, %jit3A_1045, %sign3A_1057 : i32
      %sign3A_1059 = arith.extui %sign3A_1058 : i1 to i32
      %sign3A_1060 = arith.subi %sign3A_1056, %sign3A_1059 : i32
      %ne3A_1061 = arith.cmpi ne, %sign3A_1053, %sign3A_1060 : i32
      %rem3A_1062 = arith.remsi %rem3A_1020, %jit3A_1045 : i32
      %ne3A_1063 = arith.constant 0 : i32
      %ne3A_1064 = arith.cmpi ne, %rem3A_1062, %ne3A_1063 : i32
      %and3A_1065 = arith.andi %ne3A_1061, %ne3A_1064 : i1
      %sub3A_1066 = arith.constant 1 : i32
      %sub3A_1067 = arith.subi %div3A_1046, %sub3A_1066 : i32
      %select_n3A_1068 = arith.select %and3A_1065, %sub3A_1067, %div3A_1046 : i32
      %mul3A_1069 = arith.constant 8 : i32
      %mul3A_1070 = arith.muli %mul3A_1069, %select_n3A_1068 : i32
      %mul3A_1071 = arith.constant 4 : i32
      %mul3A_1072 = arith.muli %mul3A_1071, %arg0 : i32
      %add3A_1073 = arith.addi %mul3A_1070, %mul3A_1072 : i32
      %rem3A_1074 = arith.constant 4 : i32
      %rem3A_1075 = arith.remsi %rem3A_1020, %rem3A_1074 : i32
      %add3A_1076 = arith.addi %add3A_1073, %rem3A_1075 : i32
      %mul3A_1077 = arith.constant 2048 : i32
      %mul3A_1078 = arith.muli %add3A_1076, %mul3A_1077 : i32
      %mul3A_1079 = arith.constant 128 : i32
      %mul3A_1080 = arith.muli %arg1, %mul3A_1079 : i32
      %add3A_1081 = arith.addi %mul3A_1078, %mul3A_1080 : i32
      %mul3A_1082 = arith.constant 64 : i32
      %mul3A_1083 = arith.muli %select_n3A_1044, %mul3A_1082 : i32
      %add3A_1084 = arith.addi %add3A_1081, %mul3A_1083 : i32
      %dma_start3A_1085 = arith.constant 0 : i32
      %dma_start3A_1086 = tpu.memref_slice %arg5[%add3A_1084, %dma_start3A_1085] : memref<262144x128xf32, #tpu.memory_space<hbm>> -> memref<64x128xf32, #tpu.memory_space<hbm>>
      %dma_start3A_1087 = arith.constant 0 : i32
      %dma_start3A_1088 = tpu.memref_slice %arg5[%add3A_1084, %dma_start3A_1087] : memref<262144x128xf32, #tpu.memory_space<hbm>> -> memref<64x128xf32, #tpu.memory_space<hbm>>
      tpu.enqueue_dma source(%arg12 : memref<64x128xf32, #tpu.memory_space<vmem>>) target(%dma_start3A_1088 : memref<64x128xf32, #tpu.memory_space<hbm>>) target_semaphore(%arg28 : memref<!tpu.dma_semaphore, #tpu.memory_space<semaphore_mem>>)
      %mul3A_1089 = arith.constant 8 : i32
      %mul3A_1090 = arith.muli %mul3A_1089, %scan3A_248 : i32
      %add3A_1091 = arith.constant 4 : i32
      %add3A_1092 = arith.addi %mul3A_1090, %add3A_1091 : i32
      %rem3A_1093 = arith.constant 64 : i32
      %rem3A_1094 = arith.remsi %add3A_1092, %rem3A_1093 : i32
      %jit3A_1095 = arith.constant 64 : i32
      %div3A_1096 = arith.divsi %add3A_1092, %jit3A_1095 : i32
      %sign3A_1097 = arith.constant 0 : i32
      %sign3A_1098 = arith.cmpi sgt, %add3A_1092, %sign3A_1097 : i32
      %sign3A_1099 = arith.extui %sign3A_1098 : i1 to i32
      %sign3A_1100 = arith.constant 0 : i32
      %sign3A_1101 = arith.cmpi slt, %add3A_1092, %sign3A_1100 : i32
      %sign3A_1102 = arith.extui %sign3A_1101 : i1 to i32
      %sign3A_1103 = arith.subi %sign3A_1099, %sign3A_1102 : i32
      %sign3A_1104 = arith.constant 0 : i32
      %sign3A_1105 = arith.cmpi sgt, %jit3A_1095, %sign3A_1104 : i32
      %sign3A_1106 = arith.extui %sign3A_1105 : i1 to i32
      %sign3A_1107 = arith.constant 0 : i32
      %sign3A_1108 = arith.cmpi slt, %jit3A_1095, %sign3A_1107 : i32
      %sign3A_1109 = arith.extui %sign3A_1108 : i1 to i32
      %sign3A_1110 = arith.subi %sign3A_1106, %sign3A_1109 : i32
      %ne3A_1111 = arith.cmpi ne, %sign3A_1103, %sign3A_1110 : i32
      %rem3A_1112 = arith.remsi %add3A_1092, %jit3A_1095 : i32
      %ne3A_1113 = arith.constant 0 : i32
      %ne3A_1114 = arith.cmpi ne, %rem3A_1112, %ne3A_1113 : i32
      %and3A_1115 = arith.andi %ne3A_1111, %ne3A_1114 : i1
      %sub3A_1116 = arith.constant 1 : i32
      %sub3A_1117 = arith.subi %div3A_1096, %sub3A_1116 : i32
      %select_n3A_1118 = arith.select %and3A_1115, %sub3A_1117, %div3A_1096 : i32
      %jit3A_1119 = arith.constant 4 : i32
      %div3A_1120 = arith.divsi %rem3A_1094, %jit3A_1119 : i32
      %sign3A_1121 = arith.constant 0 : i32
      %sign3A_1122 = arith.cmpi sgt, %rem3A_1094, %sign3A_1121 : i32
      %sign3A_1123 = arith.extui %sign3A_1122 : i1 to i32
      %sign3A_1124 = arith.constant 0 : i32
      %sign3A_1125 = arith.cmpi slt, %rem3A_1094, %sign3A_1124 : i32
      %sign3A_1126 = arith.extui %sign3A_1125 : i1 to i32
      %sign3A_1127 = arith.subi %sign3A_1123, %sign3A_1126 : i32
      %sign3A_1128 = arith.constant 0 : i32
      %sign3A_1129 = arith.cmpi sgt, %jit3A_1119, %sign3A_1128 : i32
      %sign3A_1130 = arith.extui %sign3A_1129 : i1 to i32
      %sign3A_1131 = arith.constant 0 : i32
      %sign3A_1132 = arith.cmpi slt, %jit3A_1119, %sign3A_1131 : i32
      %sign3A_1133 = arith.extui %sign3A_1132 : i1 to i32
      %sign3A_1134 = arith.subi %sign3A_1130, %sign3A_1133 : i32
      %ne3A_1135 = arith.cmpi ne, %sign3A_1127, %sign3A_1134 : i32
      %rem3A_1136 = arith.remsi %rem3A_1094, %jit3A_1119 : i32
      %ne3A_1137 = arith.constant 0 : i32
      %ne3A_1138 = arith.cmpi ne, %rem3A_1136, %ne3A_1137 : i32
      %and3A_1139 = arith.andi %ne3A_1135, %ne3A_1138 : i1
      %sub3A_1140 = arith.constant 1 : i32
      %sub3A_1141 = arith.subi %div3A_1120, %sub3A_1140 : i32
      %select_n3A_1142 = arith.select %and3A_1139, %sub3A_1141, %div3A_1120 : i32
      %mul3A_1143 = arith.constant 8 : i32
      %mul3A_1144 = arith.muli %mul3A_1143, %select_n3A_1142 : i32
      %mul3A_1145 = arith.constant 4 : i32
      %mul3A_1146 = arith.muli %mul3A_1145, %arg0 : i32
      %add3A_1147 = arith.addi %mul3A_1144, %mul3A_1146 : i32
      %rem3A_1148 = arith.constant 4 : i32
      %rem3A_1149 = arith.remsi %rem3A_1094, %rem3A_1148 : i32
      %add3A_1150 = arith.addi %add3A_1147, %rem3A_1149 : i32
      %mul3A_1151 = arith.constant 64 : i32
      %mul3A_1152 = arith.muli %select_n3A_1118, %mul3A_1151 : i32
      %dma_wait3A_1153 = tpu.memref_slice %arg7[%add3A_1150, %mul3A_1152] : memref<128x128xi32, #tpu.memory_space<vmem>> -> memref<1x64xi32, #tpu.memory_space<vmem>>
      %dma_wait3A_1154 = tpu.memref_squeeze %dma_wait3A_1153 : memref<1x64xi32, #tpu.memory_space<vmem>> -> memref<64xi32, #tpu.memory_space<vmem>>
      %dma_wait3A_1155 = arith.constant 0 : i32
      %dma_wait3A_1156 = arith.constant 0 : i32
      %dma_wait3A_1157 = tpu.memref_slice %arg6[%dma_wait3A_1155, %dma_wait3A_1156] : memref<4096x128xf32, #tpu.memory_space<vmem_shared>> -> memref<4096x128xf32, #tpu.memory_space<vmem_shared>>
      tpu.wait_indirect_dma semaphore(%arg21 : memref<!tpu.dma_semaphore, #tpu.memory_space<semaphore_mem>>) src(%dma_wait3A_1157 : memref<4096x128xf32, #tpu.memory_space<vmem_shared>>) dst(%arg13 : memref<64x128xf32, #tpu.memory_space<vmem>>)
      %add3A_1158 = arith.constant 1 : i32
      %add3A_1159 = arith.addi %add3A_1092, %add3A_1158 : i32
      %rem3A_1160 = arith.constant 64 : i32
      %rem3A_1161 = arith.remsi %add3A_1159, %rem3A_1160 : i32
      %jit3A_1162 = arith.constant 64 : i32
      %div3A_1163 = arith.divsi %add3A_1159, %jit3A_1162 : i32
      %sign3A_1164 = arith.constant 0 : i32
      %sign3A_1165 = arith.cmpi sgt, %add3A_1159, %sign3A_1164 : i32
      %sign3A_1166 = arith.extui %sign3A_1165 : i1 to i32
      %sign3A_1167 = arith.constant 0 : i32
      %sign3A_1168 = arith.cmpi slt, %add3A_1159, %sign3A_1167 : i32
      %sign3A_1169 = arith.extui %sign3A_1168 : i1 to i32
      %sign3A_1170 = arith.subi %sign3A_1166, %sign3A_1169 : i32
      %sign3A_1171 = arith.constant 0 : i32
      %sign3A_1172 = arith.cmpi sgt, %jit3A_1162, %sign3A_1171 : i32
      %sign3A_1173 = arith.extui %sign3A_1172 : i1 to i32
      %sign3A_1174 = arith.constant 0 : i32
      %sign3A_1175 = arith.cmpi slt, %jit3A_1162, %sign3A_1174 : i32
      %sign3A_1176 = arith.extui %sign3A_1175 : i1 to i32
      %sign3A_1177 = arith.subi %sign3A_1173, %sign3A_1176 : i32
      %ne3A_1178 = arith.cmpi ne, %sign3A_1170, %sign3A_1177 : i32
      %rem3A_1179 = arith.remsi %add3A_1159, %jit3A_1162 : i32
      %ne3A_1180 = arith.constant 0 : i32
      %ne3A_1181 = arith.cmpi ne, %rem3A_1179, %ne3A_1180 : i32
      %and3A_1182 = arith.andi %ne3A_1178, %ne3A_1181 : i1
      %sub3A_1183 = arith.constant 1 : i32
      %sub3A_1184 = arith.subi %div3A_1163, %sub3A_1183 : i32
      %select_n3A_1185 = arith.select %and3A_1182, %sub3A_1184, %div3A_1163 : i32
      %jit3A_1186 = arith.constant 4 : i32
      %div3A_1187 = arith.divsi %rem3A_1161, %jit3A_1186 : i32
      %sign3A_1188 = arith.constant 0 : i32
      %sign3A_1189 = arith.cmpi sgt, %rem3A_1161, %sign3A_1188 : i32
      %sign3A_1190 = arith.extui %sign3A_1189 : i1 to i32
      %sign3A_1191 = arith.constant 0 : i32
      %sign3A_1192 = arith.cmpi slt, %rem3A_1161, %sign3A_1191 : i32
      %sign3A_1193 = arith.extui %sign3A_1192 : i1 to i32
      %sign3A_1194 = arith.subi %sign3A_1190, %sign3A_1193 : i32
      %sign3A_1195 = arith.constant 0 : i32
      %sign3A_1196 = arith.cmpi sgt, %jit3A_1186, %sign3A_1195 : i32
      %sign3A_1197 = arith.extui %sign3A_1196 : i1 to i32
      %sign3A_1198 = arith.constant 0 : i32
      %sign3A_1199 = arith.cmpi slt, %jit3A_1186, %sign3A_1198 : i32
      %sign3A_1200 = arith.extui %sign3A_1199 : i1 to i32
      %sign3A_1201 = arith.subi %sign3A_1197, %sign3A_1200 : i32
      %ne3A_1202 = arith.cmpi ne, %sign3A_1194, %sign3A_1201 : i32
      %rem3A_1203 = arith.remsi %rem3A_1161, %jit3A_1186 : i32
      %ne3A_1204 = arith.constant 0 : i32
      %ne3A_1205 = arith.cmpi ne, %rem3A_1203, %ne3A_1204 : i32
      %and3A_1206 = arith.andi %ne3A_1202, %ne3A_1205 : i1
      %sub3A_1207 = arith.constant 1 : i32
      %sub3A_1208 = arith.subi %div3A_1187, %sub3A_1207 : i32
      %select_n3A_1209 = arith.select %and3A_1206, %sub3A_1208, %div3A_1187 : i32
      %mul3A_1210 = arith.constant 8 : i32
      %mul3A_1211 = arith.muli %mul3A_1210, %select_n3A_1209 : i32
      %mul3A_1212 = arith.constant 4 : i32
      %mul3A_1213 = arith.muli %mul3A_1212, %arg0 : i32
      %add3A_1214 = arith.addi %mul3A_1211, %mul3A_1213 : i32
      %rem3A_1215 = arith.constant 4 : i32
      %rem3A_1216 = arith.remsi %rem3A_1161, %rem3A_1215 : i32
      %add3A_1217 = arith.addi %add3A_1214, %rem3A_1216 : i32
      %mul3A_1218 = arith.constant 64 : i32
      %mul3A_1219 = arith.muli %select_n3A_1185, %mul3A_1218 : i32
      %dma_wait3A_1220 = tpu.memref_slice %arg7[%add3A_1217, %mul3A_1219] : memref<128x128xi32, #tpu.memory_space<vmem>> -> memref<1x64xi32, #tpu.memory_space<vmem>>
      %dma_wait3A_1221 = tpu.memref_squeeze %dma_wait3A_1220 : memref<1x64xi32, #tpu.memory_space<vmem>> -> memref<64xi32, #tpu.memory_space<vmem>>
      %dma_wait3A_1222 = arith.constant 0 : i32
      %dma_wait3A_1223 = arith.constant 0 : i32
      %dma_wait3A_1224 = tpu.memref_slice %arg6[%dma_wait3A_1222, %dma_wait3A_1223] : memref<4096x128xf32, #tpu.memory_space<vmem_shared>> -> memref<4096x128xf32, #tpu.memory_space<vmem_shared>>
      tpu.wait_indirect_dma semaphore(%arg22 : memref<!tpu.dma_semaphore, #tpu.memory_space<semaphore_mem>>) src(%dma_wait3A_1224 : memref<4096x128xf32, #tpu.memory_space<vmem_shared>>) dst(%arg14 : memref<64x128xf32, #tpu.memory_space<vmem>>)
      %lt3A = arith.constant 15 : i32
      %lt3A_1225 = arith.cmpi slt, %scan3A_248, %lt3A : i32
      %convert_element_type3A_1226 = arith.extui %lt3A_1225 : i1 to i32
      %cond3A_1227 = arith.constant 0 : i32
      %cond3A_1228 = arith.cmpi ne, %convert_element_type3A_1226, %cond3A_1227 : i32
      scf.if %cond3A_1228 {
        %dma_wait3A_1660 = arith.constant 0 : i32
        %dma_wait3A_1661 = arith.constant 0 : i32
        %dma_wait3A_1662 = tpu.memref_slice %arg5[%dma_wait3A_1660, %dma_wait3A_1661] : memref<262144x128xf32, #tpu.memory_space<hbm>> -> memref<64x128xf32, #tpu.memory_space<hbm>>
        %dma_wait3A_1663 = arith.constant 0 : i32
        %dma_wait3A_1664 = arith.constant 0 : i32
        %dma_wait3A_1665 = tpu.memref_slice %arg5[%dma_wait3A_1663, %dma_wait3A_1664] : memref<262144x128xf32, #tpu.memory_space<hbm>> -> memref<64x128xf32, #tpu.memory_space<hbm>>
        tpu.wait_dma2 semaphore(%arg25 : memref<!tpu.dma_semaphore, #tpu.memory_space<semaphore_mem>>) src(%arg9 : memref<64x128xf32, #tpu.memory_space<vmem>>) dst(%dma_wait3A_1665 : memref<64x128xf32, #tpu.memory_space<hbm>>)
        %dma_wait3A_1666 = arith.constant 0 : i32
        %dma_wait3A_1667 = arith.constant 0 : i32
        %dma_wait3A_1668 = tpu.memref_slice %arg5[%dma_wait3A_1666, %dma_wait3A_1667] : memref<262144x128xf32, #tpu.memory_space<hbm>> -> memref<64x128xf32, #tpu.memory_space<hbm>>
        %dma_wait3A_1669 = arith.constant 0 : i32
        %dma_wait3A_1670 = arith.constant 0 : i32
        %dma_wait3A_1671 = tpu.memref_slice %arg5[%dma_wait3A_1669, %dma_wait3A_1670] : memref<262144x128xf32, #tpu.memory_space<hbm>> -> memref<64x128xf32, #tpu.memory_space<hbm>>
        tpu.wait_dma2 semaphore(%arg26 : memref<!tpu.dma_semaphore, #tpu.memory_space<semaphore_mem>>) src(%arg10 : memref<64x128xf32, #tpu.memory_space<vmem>>) dst(%dma_wait3A_1671 : memref<64x128xf32, #tpu.memory_space<hbm>>)
        %add3A_1672 = arith.constant 4 : i32
        %add3A_1673 = arith.addi %add3A_1092, %add3A_1672 : i32
        %rem3A_1674 = arith.constant 64 : i32
        %rem3A_1675 = arith.remsi %add3A_1673, %rem3A_1674 : i32
        %jit3A_1676 = arith.constant 64 : i32
        %div3A_1677 = arith.divsi %add3A_1673, %jit3A_1676 : i32
        %sign3A_1678 = arith.constant 0 : i32
        %sign3A_1679 = arith.cmpi sgt, %add3A_1673, %sign3A_1678 : i32
        %sign3A_1680 = arith.extui %sign3A_1679 : i1 to i32
        %sign3A_1681 = arith.constant 0 : i32
        %sign3A_1682 = arith.cmpi slt, %add3A_1673, %sign3A_1681 : i32
        %sign3A_1683 = arith.extui %sign3A_1682 : i1 to i32
        %sign3A_1684 = arith.subi %sign3A_1680, %sign3A_1683 : i32
        %sign3A_1685 = arith.constant 0 : i32
        %sign3A_1686 = arith.cmpi sgt, %jit3A_1676, %sign3A_1685 : i32
        %sign3A_1687 = arith.extui %sign3A_1686 : i1 to i32
        %sign3A_1688 = arith.constant 0 : i32
        %sign3A_1689 = arith.cmpi slt, %jit3A_1676, %sign3A_1688 : i32
        %sign3A_1690 = arith.extui %sign3A_1689 : i1 to i32
        %sign3A_1691 = arith.subi %sign3A_1687, %sign3A_1690 : i32
        %ne3A_1692 = arith.cmpi ne, %sign3A_1684, %sign3A_1691 : i32
        %rem3A_1693 = arith.remsi %add3A_1673, %jit3A_1676 : i32
        %ne3A_1694 = arith.constant 0 : i32
        %ne3A_1695 = arith.cmpi ne, %rem3A_1693, %ne3A_1694 : i32
        %and3A_1696 = arith.andi %ne3A_1692, %ne3A_1695 : i1
        %sub3A_1697 = arith.constant 1 : i32
        %sub3A_1698 = arith.subi %div3A_1677, %sub3A_1697 : i32
        %select_n3A_1699 = arith.select %and3A_1696, %sub3A_1698, %div3A_1677 : i32
        %jit3A_1700 = arith.constant 4 : i32
        %div3A_1701 = arith.divsi %rem3A_1675, %jit3A_1700 : i32
        %sign3A_1702 = arith.constant 0 : i32
        %sign3A_1703 = arith.cmpi sgt, %rem3A_1675, %sign3A_1702 : i32
        %sign3A_1704 = arith.extui %sign3A_1703 : i1 to i32
        %sign3A_1705 = arith.constant 0 : i32
        %sign3A_1706 = arith.cmpi slt, %rem3A_1675, %sign3A_1705 : i32
        %sign3A_1707 = arith.extui %sign3A_1706 : i1 to i32
        %sign3A_1708 = arith.subi %sign3A_1704, %sign3A_1707 : i32
        %sign3A_1709 = arith.constant 0 : i32
        %sign3A_1710 = arith.cmpi sgt, %jit3A_1700, %sign3A_1709 : i32
        %sign3A_1711 = arith.extui %sign3A_1710 : i1 to i32
        %sign3A_1712 = arith.constant 0 : i32
        %sign3A_1713 = arith.cmpi slt, %jit3A_1700, %sign3A_1712 : i32
        %sign3A_1714 = arith.extui %sign3A_1713 : i1 to i32
        %sign3A_1715 = arith.subi %sign3A_1711, %sign3A_1714 : i32
        %ne3A_1716 = arith.cmpi ne, %sign3A_1708, %sign3A_1715 : i32
        %rem3A_1717 = arith.remsi %rem3A_1675, %jit3A_1700 : i32
        %ne3A_1718 = arith.constant 0 : i32
        %ne3A_1719 = arith.cmpi ne, %rem3A_1717, %ne3A_1718 : i32
        %and3A_1720 = arith.andi %ne3A_1716, %ne3A_1719 : i1
        %sub3A_1721 = arith.constant 1 : i32
        %sub3A_1722 = arith.subi %div3A_1701, %sub3A_1721 : i32
        %select_n3A_1723 = arith.select %and3A_1720, %sub3A_1722, %div3A_1701 : i32
        %mul3A_1724 = arith.constant 8 : i32
        %mul3A_1725 = arith.muli %mul3A_1724, %select_n3A_1723 : i32
        %mul3A_1726 = arith.constant 4 : i32
        %mul3A_1727 = arith.muli %mul3A_1726, %arg0 : i32
        %add3A_1728 = arith.addi %mul3A_1725, %mul3A_1727 : i32
        %rem3A_1729 = arith.constant 4 : i32
        %rem3A_1730 = arith.remsi %rem3A_1675, %rem3A_1729 : i32
        %add3A_1731 = arith.addi %add3A_1728, %rem3A_1730 : i32
        %mul3A_1732 = arith.constant 64 : i32
        %mul3A_1733 = arith.muli %select_n3A_1699, %mul3A_1732 : i32
        %dma_start3A_1734 = tpu.memref_slice %arg7[%add3A_1731, %mul3A_1733] : memref<128x128xi32, #tpu.memory_space<vmem>> -> memref<1x64xi32, #tpu.memory_space<vmem>>
        %dma_start3A_1735 = tpu.memref_squeeze %dma_start3A_1734 : memref<1x64xi32, #tpu.memory_space<vmem>> -> memref<64xi32, #tpu.memory_space<vmem>>
        %dma_start3A_1736 = arith.constant 0 : i32
        %dma_start3A_1737 = arith.constant 0 : i32
        %dma_start3A_1738 = tpu.memref_slice %arg6[%dma_start3A_1736, %dma_start3A_1737] : memref<4096x128xf32, #tpu.memory_space<vmem_shared>> -> memref<4096x128xf32, #tpu.memory_space<vmem_shared>>
        tpu.enqueue_indirect_dma source(%dma_start3A_1738 : memref<4096x128xf32, #tpu.memory_space<vmem_shared>>) target(%arg9 : memref<64x128xf32, #tpu.memory_space<vmem>>) offsets(%dma_start3A_1735 : memref<64xi32, #tpu.memory_space<vmem>>) semaphore(%arg17 : memref<!tpu.dma_semaphore, #tpu.memory_space<semaphore_mem>>)
        %add3A_1739 = arith.constant 4 : i32
        %add3A_1740 = arith.addi %add3A_1092, %add3A_1739 : i32
        %add3A_1741 = arith.constant 1 : i32
        %add3A_1742 = arith.addi %add3A_1740, %add3A_1741 : i32
        %rem3A_1743 = arith.constant 64 : i32
        %rem3A_1744 = arith.remsi %add3A_1742, %rem3A_1743 : i32
        %jit3A_1745 = arith.constant 64 : i32
        %div3A_1746 = arith.divsi %add3A_1742, %jit3A_1745 : i32
        %sign3A_1747 = arith.constant 0 : i32
        %sign3A_1748 = arith.cmpi sgt, %add3A_1742, %sign3A_1747 : i32
        %sign3A_1749 = arith.extui %sign3A_1748 : i1 to i32
        %sign3A_1750 = arith.constant 0 : i32
        %sign3A_1751 = arith.cmpi slt, %add3A_1742, %sign3A_1750 : i32
        %sign3A_1752 = arith.extui %sign3A_1751 : i1 to i32
        %sign3A_1753 = arith.subi %sign3A_1749, %sign3A_1752 : i32
        %sign3A_1754 = arith.constant 0 : i32
        %sign3A_1755 = arith.cmpi sgt, %jit3A_1745, %sign3A_1754 : i32
        %sign3A_1756 = arith.extui %sign3A_1755 : i1 to i32
        %sign3A_1757 = arith.constant 0 : i32
        %sign3A_1758 = arith.cmpi slt, %jit3A_1745, %sign3A_1757 : i32
        %sign3A_1759 = arith.extui %sign3A_1758 : i1 to i32
        %sign3A_1760 = arith.subi %sign3A_1756, %sign3A_1759 : i32
        %ne3A_1761 = arith.cmpi ne, %sign3A_1753, %sign3A_1760 : i32
        %rem3A_1762 = arith.remsi %add3A_1742, %jit3A_1745 : i32
        %ne3A_1763 = arith.constant 0 : i32
        %ne3A_1764 = arith.cmpi ne, %rem3A_1762, %ne3A_1763 : i32
        %and3A_1765 = arith.andi %ne3A_1761, %ne3A_1764 : i1
        %sub3A_1766 = arith.constant 1 : i32
        %sub3A_1767 = arith.subi %div3A_1746, %sub3A_1766 : i32
        %select_n3A_1768 = arith.select %and3A_1765, %sub3A_1767, %div3A_1746 : i32
        %jit3A_1769 = arith.constant 4 : i32
        %div3A_1770 = arith.divsi %rem3A_1744, %jit3A_1769 : i32
        %sign3A_1771 = arith.constant 0 : i32
        %sign3A_1772 = arith.cmpi sgt, %rem3A_1744, %sign3A_1771 : i32
        %sign3A_1773 = arith.extui %sign3A_1772 : i1 to i32
        %sign3A_1774 = arith.constant 0 : i32
        %sign3A_1775 = arith.cmpi slt, %rem3A_1744, %sign3A_1774 : i32
        %sign3A_1776 = arith.extui %sign3A_1775 : i1 to i32
        %sign3A_1777 = arith.subi %sign3A_1773, %sign3A_1776 : i32
        %sign3A_1778 = arith.constant 0 : i32
        %sign3A_1779 = arith.cmpi sgt, %jit3A_1769, %sign3A_1778 : i32
        %sign3A_1780 = arith.extui %sign3A_1779 : i1 to i32
        %sign3A_1781 = arith.constant 0 : i32
        %sign3A_1782 = arith.cmpi slt, %jit3A_1769, %sign3A_1781 : i32
        %sign3A_1783 = arith.extui %sign3A_1782 : i1 to i32
        %sign3A_1784 = arith.subi %sign3A_1780, %sign3A_1783 : i32
        %ne3A_1785 = arith.cmpi ne, %sign3A_1777, %sign3A_1784 : i32
        %rem3A_1786 = arith.remsi %rem3A_1744, %jit3A_1769 : i32
        %ne3A_1787 = arith.constant 0 : i32
        %ne3A_1788 = arith.cmpi ne, %rem3A_1786, %ne3A_1787 : i32
        %and3A_1789 = arith.andi %ne3A_1785, %ne3A_1788 : i1
        %sub3A_1790 = arith.constant 1 : i32
        %sub3A_1791 = arith.subi %div3A_1770, %sub3A_1790 : i32
        %select_n3A_1792 = arith.select %and3A_1789, %sub3A_1791, %div3A_1770 : i32
        %mul3A_1793 = arith.constant 8 : i32
        %mul3A_1794 = arith.muli %mul3A_1793, %select_n3A_1792 : i32
        %mul3A_1795 = arith.constant 4 : i32
        %mul3A_1796 = arith.muli %mul3A_1795, %arg0 : i32
        %add3A_1797 = arith.addi %mul3A_1794, %mul3A_1796 : i32
        %rem3A_1798 = arith.constant 4 : i32
        %rem3A_1799 = arith.remsi %rem3A_1744, %rem3A_1798 : i32
        %add3A_1800 = arith.addi %add3A_1797, %rem3A_1799 : i32
        %mul3A_1801 = arith.constant 64 : i32
        %mul3A_1802 = arith.muli %select_n3A_1768, %mul3A_1801 : i32
        %dma_start3A_1803 = tpu.memref_slice %arg7[%add3A_1800, %mul3A_1802] : memref<128x128xi32, #tpu.memory_space<vmem>> -> memref<1x64xi32, #tpu.memory_space<vmem>>
        %dma_start3A_1804 = tpu.memref_squeeze %dma_start3A_1803 : memref<1x64xi32, #tpu.memory_space<vmem>> -> memref<64xi32, #tpu.memory_space<vmem>>
        %dma_start3A_1805 = arith.constant 0 : i32
        %dma_start3A_1806 = arith.constant 0 : i32
        %dma_start3A_1807 = tpu.memref_slice %arg6[%dma_start3A_1805, %dma_start3A_1806] : memref<4096x128xf32, #tpu.memory_space<vmem_shared>> -> memref<4096x128xf32, #tpu.memory_space<vmem_shared>>
        tpu.enqueue_indirect_dma source(%dma_start3A_1807 : memref<4096x128xf32, #tpu.memory_space<vmem_shared>>) target(%arg10 : memref<64x128xf32, #tpu.memory_space<vmem>>) offsets(%dma_start3A_1804 : memref<64xi32, #tpu.memory_space<vmem>>) semaphore(%arg18 : memref<!tpu.dma_semaphore, #tpu.memory_space<semaphore_mem>>)
      } else {
      }
      %parallel_loop3A_1229 = arith.constant 0 : i32
      %parallel_loop3A_1230 = arith.constant 64 : i32
      %parallel_loop3A_1231 = arith.constant 1 : i32
      scf.for %parallel_loop3A_1660 = %parallel_loop3A_1229 to %parallel_loop3A_1230 step %parallel_loop3A_1231  : i32 {
        %parallel_loop3A_1661 = arith.constant 64 : i32
        %parallel_loop3A_1662 = arith.divsi %add3A_1092, %parallel_loop3A_1661 : i32
        %parallel_loop3A_1663 = arith.constant 0 : i32
        %parallel_loop3A_1664 = arith.cmpi sgt, %add3A_1092, %parallel_loop3A_1663 : i32
        %parallel_loop3A_1665 = arith.extui %parallel_loop3A_1664 : i1 to i32
        %parallel_loop3A_1666 = arith.constant 0 : i32
        %parallel_loop3A_1667 = arith.cmpi slt, %add3A_1092, %parallel_loop3A_1666 : i32
        %parallel_loop3A_1668 = arith.extui %parallel_loop3A_1667 : i1 to i32
        %parallel_loop3A_1669 = arith.subi %parallel_loop3A_1665, %parallel_loop3A_1668 : i32
        %parallel_loop3A_1670 = arith.constant 0 : i32
        %parallel_loop3A_1671 = arith.cmpi sgt, %parallel_loop3A_1661, %parallel_loop3A_1670 : i32
        %parallel_loop3A_1672 = arith.extui %parallel_loop3A_1671 : i1 to i32
        %parallel_loop3A_1673 = arith.constant 0 : i32
        %parallel_loop3A_1674 = arith.cmpi slt, %parallel_loop3A_1661, %parallel_loop3A_1673 : i32
        %parallel_loop3A_1675 = arith.extui %parallel_loop3A_1674 : i1 to i32
        %parallel_loop3A_1676 = arith.subi %parallel_loop3A_1672, %parallel_loop3A_1675 : i32
        %parallel_loop3A_1677 = arith.cmpi ne, %parallel_loop3A_1669, %parallel_loop3A_1676 : i32
        %parallel_loop3A_1678 = arith.remsi %add3A_1092, %parallel_loop3A_1661 : i32
        %parallel_loop3A_1679 = arith.constant 0 : i32
        %parallel_loop3A_1680 = arith.cmpi ne, %parallel_loop3A_1678, %parallel_loop3A_1679 : i32
        %parallel_loop3A_1681 = arith.andi %parallel_loop3A_1677, %parallel_loop3A_1680 : i1
        %parallel_loop3A_1682 = arith.constant 1 : i32
        %parallel_loop3A_1683 = arith.subi %parallel_loop3A_1662, %parallel_loop3A_1682 : i32
        %parallel_loop3A_1684 = arith.select %parallel_loop3A_1681, %parallel_loop3A_1683, %parallel_loop3A_1662 : i32
        %parallel_loop3A_1685 = arith.constant 64 : i32
        %parallel_loop3A_1686 = arith.muli %parallel_loop3A_1684, %parallel_loop3A_1685 : i32
        %parallel_loop3A_1687 = arith.addi %parallel_loop3A_1686, %parallel_loop3A_1660 : i32
        %parallel_loop3A_1688 = arith.index_cast %parallel_loop3A_1687 : i32 to index
        %parallel_loop3A_1689 = arith.constant 0 : index
        %parallel_loop3A_1690 = tpu.vector_load %arg8[%parallel_loop3A_1688, %parallel_loop3A_1689] {strides = array<i32>} : memref<128x128xf32, #tpu.memory_space<vmem>>, vector<1x16xf32>,
        %parallel_loop3A_1691 = vector.shape_cast %parallel_loop3A_1690 : vector<1x16xf32> to vector<16xf32>
        %parallel_loop3A_1692 = arith.index_cast %parallel_loop3A_1660 : i32 to index
        %parallel_loop3A_1693 = arith.constant 0 : index
        %parallel_loop3A_1694 = tpu.vector_load %arg13[%parallel_loop3A_1692, %parallel_loop3A_1693] {strides = array<i32>} : memref<64x128xf32, #tpu.memory_space<vmem>>, vector<1x16xf32>,
        %parallel_loop3A_1695 = vector.shape_cast %parallel_loop3A_1694 : vector<1x16xf32> to vector<16xf32>
        %parallel_loop3A_1696 = vector.shape_cast %parallel_loop3A_1691 : vector<16xf32> to vector<1x16xf32>
        tpu.vector_store %arg13[%parallel_loop3A_1692, %parallel_loop3A_1693], %parallel_loop3A_1696 {add = true, strides = array<i32>} : memref<64x128xf32, #tpu.memory_space<vmem>>, vector<1x16xf32>,
        %parallel_loop3A_1697 = arith.index_cast %parallel_loop3A_1660 : i32 to index
        %parallel_loop3A_1698 = arith.constant 0 : index
        %parallel_loop3A_1699 = tpu.vector_load %arg14[%parallel_loop3A_1697, %parallel_loop3A_1698] {strides = array<i32>} : memref<64x128xf32, #tpu.memory_space<vmem>>, vector<1x16xf32>,
        %parallel_loop3A_1700 = vector.shape_cast %parallel_loop3A_1699 : vector<1x16xf32> to vector<16xf32>
        %parallel_loop3A_1701 = vector.shape_cast %parallel_loop3A_1691 : vector<16xf32> to vector<1x16xf32>
        tpu.vector_store %arg14[%parallel_loop3A_1697, %parallel_loop3A_1698], %parallel_loop3A_1701 {add = true, strides = array<i32>} : memref<64x128xf32, #tpu.memory_space<vmem>>, vector<1x16xf32>,
        %parallel_loop3A_1702 = arith.index_cast %parallel_loop3A_1687 : i32 to index
        %parallel_loop3A_1703 = arith.constant 16 : index
        %parallel_loop3A_1704 = tpu.vector_load %arg8[%parallel_loop3A_1702, %parallel_loop3A_1703] {strides = array<i32>} : memref<128x128xf32, #tpu.memory_space<vmem>>, vector<1x16xf32>,
        %parallel_loop3A_1705 = vector.shape_cast %parallel_loop3A_1704 : vector<1x16xf32> to vector<16xf32>
        %parallel_loop3A_1706 = arith.index_cast %parallel_loop3A_1660 : i32 to index
        %parallel_loop3A_1707 = arith.constant 16 : index
        %parallel_loop3A_1708 = tpu.vector_load %arg13[%parallel_loop3A_1706, %parallel_loop3A_1707] {strides = array<i32>} : memref<64x128xf32, #tpu.memory_space<vmem>>, vector<1x16xf32>,
        %parallel_loop3A_1709 = vector.shape_cast %parallel_loop3A_1708 : vector<1x16xf32> to vector<16xf32>
        %parallel_loop3A_1710 = vector.shape_cast %parallel_loop3A_1705 : vector<16xf32> to vector<1x16xf32>
        tpu.vector_store %arg13[%parallel_loop3A_1706, %parallel_loop3A_1707], %parallel_loop3A_1710 {add = true, strides = array<i32>} : memref<64x128xf32, #tpu.memory_space<vmem>>, vector<1x16xf32>,
        %parallel_loop3A_1711 = arith.index_cast %parallel_loop3A_1660 : i32 to index
        %parallel_loop3A_1712 = arith.constant 16 : index
        %parallel_loop3A_1713 = tpu.vector_load %arg14[%parallel_loop3A_1711, %parallel_loop3A_1712] {strides = array<i32>} : memref<64x128xf32, #tpu.memory_space<vmem>>, vector<1x16xf32>,
        %parallel_loop3A_1714 = vector.shape_cast %parallel_loop3A_1713 : vector<1x16xf32> to vector<16xf32>
        %parallel_loop3A_1715 = vector.shape_cast %parallel_loop3A_1705 : vector<16xf32> to vector<1x16xf32>
        tpu.vector_store %arg14[%parallel_loop3A_1711, %parallel_loop3A_1712], %parallel_loop3A_1715 {add = true, strides = array<i32>} : memref<64x128xf32, #tpu.memory_space<vmem>>, vector<1x16xf32>,
        %parallel_loop3A_1716 = arith.index_cast %parallel_loop3A_1687 : i32 to index
        %parallel_loop3A_1717 = arith.constant 32 : index
        %parallel_loop3A_1718 = tpu.vector_load %arg8[%parallel_loop3A_1716, %parallel_loop3A_1717] {strides = array<i32>} : memref<128x128xf32, #tpu.memory_space<vmem>>, vector<1x16xf32>,
        %parallel_loop3A_1719 = vector.shape_cast %parallel_loop3A_1718 : vector<1x16xf32> to vector<16xf32>
        %parallel_loop3A_1720 = arith.index_cast %parallel_loop3A_1660 : i32 to index
        %parallel_loop3A_1721 = arith.constant 32 : index
        %parallel_loop3A_1722 = tpu.vector_load %arg13[%parallel_loop3A_1720, %parallel_loop3A_1721] {strides = array<i32>} : memref<64x128xf32, #tpu.memory_space<vmem>>, vector<1x16xf32>,
        %parallel_loop3A_1723 = vector.shape_cast %parallel_loop3A_1722 : vector<1x16xf32> to vector<16xf32>
        %parallel_loop3A_1724 = vector.shape_cast %parallel_loop3A_1719 : vector<16xf32> to vector<1x16xf32>
        tpu.vector_store %arg13[%parallel_loop3A_1720, %parallel_loop3A_1721], %parallel_loop3A_1724 {add = true, strides = array<i32>} : memref<64x128xf32, #tpu.memory_space<vmem>>, vector<1x16xf32>,
        %parallel_loop3A_1725 = arith.index_cast %parallel_loop3A_1660 : i32 to index
        %parallel_loop3A_1726 = arith.constant 32 : index
        %parallel_loop3A_1727 = tpu.vector_load %arg14[%parallel_loop3A_1725, %parallel_loop3A_1726] {strides = array<i32>} : memref<64x128xf32, #tpu.memory_space<vmem>>, vector<1x16xf32>,
        %parallel_loop3A_1728 = vector.shape_cast %parallel_loop3A_1727 : vector<1x16xf32> to vector<16xf32>
        %parallel_loop3A_1729 = vector.shape_cast %parallel_loop3A_1719 : vector<16xf32> to vector<1x16xf32>
        tpu.vector_store %arg14[%parallel_loop3A_1725, %parallel_loop3A_1726], %parallel_loop3A_1729 {add = true, strides = array<i32>} : memref<64x128xf32, #tpu.memory_space<vmem>>, vector<1x16xf32>,
        %parallel_loop3A_1730 = arith.index_cast %parallel_loop3A_1687 : i32 to index
        %parallel_loop3A_1731 = arith.constant 48 : index
        %parallel_loop3A_1732 = tpu.vector_load %arg8[%parallel_loop3A_1730, %parallel_loop3A_1731] {strides = array<i32>} : memref<128x128xf32, #tpu.memory_space<vmem>>, vector<1x16xf32>,
        %parallel_loop3A_1733 = vector.shape_cast %parallel_loop3A_1732 : vector<1x16xf32> to vector<16xf32>
        %parallel_loop3A_1734 = arith.index_cast %parallel_loop3A_1660 : i32 to index
        %parallel_loop3A_1735 = arith.constant 48 : index
        %parallel_loop3A_1736 = tpu.vector_load %arg13[%parallel_loop3A_1734, %parallel_loop3A_1735] {strides = array<i32>} : memref<64x128xf32, #tpu.memory_space<vmem>>, vector<1x16xf32>,
        %parallel_loop3A_1737 = vector.shape_cast %parallel_loop3A_1736 : vector<1x16xf32> to vector<16xf32>
        %parallel_loop3A_1738 = vector.shape_cast %parallel_loop3A_1733 : vector<16xf32> to vector<1x16xf32>
        tpu.vector_store %arg13[%parallel_loop3A_1734, %parallel_loop3A_1735], %parallel_loop3A_1738 {add = true, strides = array<i32>} : memref<64x128xf32, #tpu.memory_space<vmem>>, vector<1x16xf32>,
        %parallel_loop3A_1739 = arith.index_cast %parallel_loop3A_1660 : i32 to index
        %parallel_loop3A_1740 = arith.constant 48 : index
        %parallel_loop3A_1741 = tpu.vector_load %arg14[%parallel_loop3A_1739, %parallel_loop3A_1740] {strides = array<i32>} : memref<64x128xf32, #tpu.memory_space<vmem>>, vector<1x16xf32>,
        %parallel_loop3A_1742 = vector.shape_cast %parallel_loop3A_1741 : vector<1x16xf32> to vector<16xf32>
        %parallel_loop3A_1743 = vector.shape_cast %parallel_loop3A_1733 : vector<16xf32> to vector<1x16xf32>
        tpu.vector_store %arg14[%parallel_loop3A_1739, %parallel_loop3A_1740], %parallel_loop3A_1743 {add = true, strides = array<i32>} : memref<64x128xf32, #tpu.memory_space<vmem>>, vector<1x16xf32>,
        %parallel_loop3A_1744 = arith.index_cast %parallel_loop3A_1687 : i32 to index
        %parallel_loop3A_1745 = arith.constant 64 : index
        %parallel_loop3A_1746 = tpu.vector_load %arg8[%parallel_loop3A_1744, %parallel_loop3A_1745] {strides = array<i32>} : memref<128x128xf32, #tpu.memory_space<vmem>>, vector<1x16xf32>,
        %parallel_loop3A_1747 = vector.shape_cast %parallel_loop3A_1746 : vector<1x16xf32> to vector<16xf32>
        %parallel_loop3A_1748 = arith.index_cast %parallel_loop3A_1660 : i32 to index
        %parallel_loop3A_1749 = arith.constant 64 : index
        %parallel_loop3A_1750 = tpu.vector_load %arg13[%parallel_loop3A_1748, %parallel_loop3A_1749] {strides = array<i32>} : memref<64x128xf32, #tpu.memory_space<vmem>>, vector<1x16xf32>,
        %parallel_loop3A_1751 = vector.shape_cast %parallel_loop3A_1750 : vector<1x16xf32> to vector<16xf32>
        %parallel_loop3A_1752 = vector.shape_cast %parallel_loop3A_1747 : vector<16xf32> to vector<1x16xf32>
        tpu.vector_store %arg13[%parallel_loop3A_1748, %parallel_loop3A_1749], %parallel_loop3A_1752 {add = true, strides = array<i32>} : memref<64x128xf32, #tpu.memory_space<vmem>>, vector<1x16xf32>,
        %parallel_loop3A_1753 = arith.index_cast %parallel_loop3A_1660 : i32 to index
        %parallel_loop3A_1754 = arith.constant 64 : index
        %parallel_loop3A_1755 = tpu.vector_load %arg14[%parallel_loop3A_1753, %parallel_loop3A_1754] {strides = array<i32>} : memref<64x128xf32, #tpu.memory_space<vmem>>, vector<1x16xf32>,
        %parallel_loop3A_1756 = vector.shape_cast %parallel_loop3A_1755 : vector<1x16xf32> to vector<16xf32>
        %parallel_loop3A_1757 = vector.shape_cast %parallel_loop3A_1747 : vector<16xf32> to vector<1x16xf32>
        tpu.vector_store %arg14[%parallel_loop3A_1753, %parallel_loop3A_1754], %parallel_loop3A_1757 {add = true, strides = array<i32>} : memref<64x128xf32, #tpu.memory_space<vmem>>, vector<1x16xf32>,
        %parallel_loop3A_1758 = arith.index_cast %parallel_loop3A_1687 : i32 to index
        %parallel_loop3A_1759 = arith.constant 80 : index
        %parallel_loop3A_1760 = tpu.vector_load %arg8[%parallel_loop3A_1758, %parallel_loop3A_1759] {strides = array<i32>} : memref<128x128xf32, #tpu.memory_space<vmem>>, vector<1x16xf32>,
        %parallel_loop3A_1761 = vector.shape_cast %parallel_loop3A_1760 : vector<1x16xf32> to vector<16xf32>
        %parallel_loop3A_1762 = arith.index_cast %parallel_loop3A_1660 : i32 to index
        %parallel_loop3A_1763 = arith.constant 80 : index
        %parallel_loop3A_1764 = tpu.vector_load %arg13[%parallel_loop3A_1762, %parallel_loop3A_1763] {strides = array<i32>} : memref<64x128xf32, #tpu.memory_space<vmem>>, vector<1x16xf32>,
        %parallel_loop3A_1765 = vector.shape_cast %parallel_loop3A_1764 : vector<1x16xf32> to vector<16xf32>
        %parallel_loop3A_1766 = vector.shape_cast %parallel_loop3A_1761 : vector<16xf32> to vector<1x16xf32>
        tpu.vector_store %arg13[%parallel_loop3A_1762, %parallel_loop3A_1763], %parallel_loop3A_1766 {add = true, strides = array<i32>} : memref<64x128xf32, #tpu.memory_space<vmem>>, vector<1x16xf32>,
        %parallel_loop3A_1767 = arith.index_cast %parallel_loop3A_1660 : i32 to index
        %parallel_loop3A_1768 = arith.constant 80 : index
        %parallel_loop3A_1769 = tpu.vector_load %arg14[%parallel_loop3A_1767, %parallel_loop3A_1768] {strides = array<i32>} : memref<64x128xf32, #tpu.memory_space<vmem>>, vector<1x16xf32>,
        %parallel_loop3A_1770 = vector.shape_cast %parallel_loop3A_1769 : vector<1x16xf32> to vector<16xf32>
        %parallel_loop3A_1771 = vector.shape_cast %parallel_loop3A_1761 : vector<16xf32> to vector<1x16xf32>
        tpu.vector_store %arg14[%parallel_loop3A_1767, %parallel_loop3A_1768], %parallel_loop3A_1771 {add = true, strides = array<i32>} : memref<64x128xf32, #tpu.memory_space<vmem>>, vector<1x16xf32>,
        %parallel_loop3A_1772 = arith.index_cast %parallel_loop3A_1687 : i32 to index
        %parallel_loop3A_1773 = arith.constant 96 : index
        %parallel_loop3A_1774 = tpu.vector_load %arg8[%parallel_loop3A_1772, %parallel_loop3A_1773] {strides = array<i32>} : memref<128x128xf32, #tpu.memory_space<vmem>>, vector<1x16xf32>,
        %parallel_loop3A_1775 = vector.shape_cast %parallel_loop3A_1774 : vector<1x16xf32> to vector<16xf32>
        %parallel_loop3A_1776 = arith.index_cast %parallel_loop3A_1660 : i32 to index
        %parallel_loop3A_1777 = arith.constant 96 : index
        %parallel_loop3A_1778 = tpu.vector_load %arg13[%parallel_loop3A_1776, %parallel_loop3A_1777] {strides = array<i32>} : memref<64x128xf32, #tpu.memory_space<vmem>>, vector<1x16xf32>,
        %parallel_loop3A_1779 = vector.shape_cast %parallel_loop3A_1778 : vector<1x16xf32> to vector<16xf32>
        %parallel_loop3A_1780 = vector.shape_cast %parallel_loop3A_1775 : vector<16xf32> to vector<1x16xf32>
        tpu.vector_store %arg13[%parallel_loop3A_1776, %parallel_loop3A_1777], %parallel_loop3A_1780 {add = true, strides = array<i32>} : memref<64x128xf32, #tpu.memory_space<vmem>>, vector<1x16xf32>,
        %parallel_loop3A_1781 = arith.index_cast %parallel_loop3A_1660 : i32 to index
        %parallel_loop3A_1782 = arith.constant 96 : index
        %parallel_loop3A_1783 = tpu.vector_load %arg14[%parallel_loop3A_1781, %parallel_loop3A_1782] {strides = array<i32>} : memref<64x128xf32, #tpu.memory_space<vmem>>, vector<1x16xf32>,
        %parallel_loop3A_1784 = vector.shape_cast %parallel_loop3A_1783 : vector<1x16xf32> to vector<16xf32>
        %parallel_loop3A_1785 = vector.shape_cast %parallel_loop3A_1775 : vector<16xf32> to vector<1x16xf32>
        tpu.vector_store %arg14[%parallel_loop3A_1781, %parallel_loop3A_1782], %parallel_loop3A_1785 {add = true, strides = array<i32>} : memref<64x128xf32, #tpu.memory_space<vmem>>, vector<1x16xf32>,
        %parallel_loop3A_1786 = arith.index_cast %parallel_loop3A_1687 : i32 to index
        %parallel_loop3A_1787 = arith.constant 112 : index
        %parallel_loop3A_1788 = tpu.vector_load %arg8[%parallel_loop3A_1786, %parallel_loop3A_1787] {strides = array<i32>} : memref<128x128xf32, #tpu.memory_space<vmem>>, vector<1x16xf32>,
        %parallel_loop3A_1789 = vector.shape_cast %parallel_loop3A_1788 : vector<1x16xf32> to vector<16xf32>
        %parallel_loop3A_1790 = arith.index_cast %parallel_loop3A_1660 : i32 to index
        %parallel_loop3A_1791 = arith.constant 112 : index
        %parallel_loop3A_1792 = tpu.vector_load %arg13[%parallel_loop3A_1790, %parallel_loop3A_1791] {strides = array<i32>} : memref<64x128xf32, #tpu.memory_space<vmem>>, vector<1x16xf32>,
        %parallel_loop3A_1793 = vector.shape_cast %parallel_loop3A_1792 : vector<1x16xf32> to vector<16xf32>
        %parallel_loop3A_1794 = vector.shape_cast %parallel_loop3A_1789 : vector<16xf32> to vector<1x16xf32>
        tpu.vector_store %arg13[%parallel_loop3A_1790, %parallel_loop3A_1791], %parallel_loop3A_1794 {add = true, strides = array<i32>} : memref<64x128xf32, #tpu.memory_space<vmem>>, vector<1x16xf32>,
        %parallel_loop3A_1795 = arith.index_cast %parallel_loop3A_1660 : i32 to index
        %parallel_loop3A_1796 = arith.constant 112 : index
        %parallel_loop3A_1797 = tpu.vector_load %arg14[%parallel_loop3A_1795, %parallel_loop3A_1796] {strides = array<i32>} : memref<64x128xf32, #tpu.memory_space<vmem>>, vector<1x16xf32>,
        %parallel_loop3A_1798 = vector.shape_cast %parallel_loop3A_1797 : vector<1x16xf32> to vector<16xf32>
        %parallel_loop3A_1799 = vector.shape_cast %parallel_loop3A_1789 : vector<16xf32> to vector<1x16xf32>
        tpu.vector_store %arg14[%parallel_loop3A_1795, %parallel_loop3A_1796], %parallel_loop3A_1799 {add = true, strides = array<i32>} : memref<64x128xf32, #tpu.memory_space<vmem>>, vector<1x16xf32>,
      } {sc.loop_unroll_factor = 4 : i64, sc.parallel_access}
      %rem3A_1232 = arith.constant 64 : i32
      %rem3A_1233 = arith.remsi %add3A_1092, %rem3A_1232 : i32
      %jit3A_1234 = arith.constant 64 : i32
      %div3A_1235 = arith.divsi %add3A_1092, %jit3A_1234 : i32
      %sign3A_1236 = arith.constant 0 : i32
      %sign3A_1237 = arith.cmpi sgt, %add3A_1092, %sign3A_1236 : i32
      %sign3A_1238 = arith.extui %sign3A_1237 : i1 to i32
      %sign3A_1239 = arith.constant 0 : i32
      %sign3A_1240 = arith.cmpi slt, %add3A_1092, %sign3A_1239 : i32
      %sign3A_1241 = arith.extui %sign3A_1240 : i1 to i32
      %sign3A_1242 = arith.subi %sign3A_1238, %sign3A_1241 : i32
      %sign3A_1243 = arith.constant 0 : i32
      %sign3A_1244 = arith.cmpi sgt, %jit3A_1234, %sign3A_1243 : i32
      %sign3A_1245 = arith.extui %sign3A_1244 : i1 to i32
      %sign3A_1246 = arith.constant 0 : i32
      %sign3A_1247 = arith.cmpi slt, %jit3A_1234, %sign3A_1246 : i32
      %sign3A_1248 = arith.extui %sign3A_1247 : i1 to i32
      %sign3A_1249 = arith.subi %sign3A_1245, %sign3A_1248 : i32
      %ne3A_1250 = arith.cmpi ne, %sign3A_1242, %sign3A_1249 : i32
      %rem3A_1251 = arith.remsi %add3A_1092, %jit3A_1234 : i32
      %ne3A_1252 = arith.constant 0 : i32
      %ne3A_1253 = arith.cmpi ne, %rem3A_1251, %ne3A_1252 : i32
      %and3A_1254 = arith.andi %ne3A_1250, %ne3A_1253 : i1
      %sub3A_1255 = arith.constant 1 : i32
      %sub3A_1256 = arith.subi %div3A_1235, %sub3A_1255 : i32
      %select_n3A_1257 = arith.select %and3A_1254, %sub3A_1256, %div3A_1235 : i32
      %jit3A_1258 = arith.constant 4 : i32
      %div3A_1259 = arith.divsi %rem3A_1233, %jit3A_1258 : i32
      %sign3A_1260 = arith.constant 0 : i32
      %sign3A_1261 = arith.cmpi sgt, %rem3A_1233, %sign3A_1260 : i32
      %sign3A_1262 = arith.extui %sign3A_1261 : i1 to i32
      %sign3A_1263 = arith.constant 0 : i32
      %sign3A_1264 = arith.cmpi slt, %rem3A_1233, %sign3A_1263 : i32
      %sign3A_1265 = arith.extui %sign3A_1264 : i1 to i32
      %sign3A_1266 = arith.subi %sign3A_1262, %sign3A_1265 : i32
      %sign3A_1267 = arith.constant 0 : i32
      %sign3A_1268 = arith.cmpi sgt, %jit3A_1258, %sign3A_1267 : i32
      %sign3A_1269 = arith.extui %sign3A_1268 : i1 to i32
      %sign3A_1270 = arith.constant 0 : i32
      %sign3A_1271 = arith.cmpi slt, %jit3A_1258, %sign3A_1270 : i32
      %sign3A_1272 = arith.extui %sign3A_1271 : i1 to i32
      %sign3A_1273 = arith.subi %sign3A_1269, %sign3A_1272 : i32
      %ne3A_1274 = arith.cmpi ne, %sign3A_1266, %sign3A_1273 : i32
      %rem3A_1275 = arith.remsi %rem3A_1233, %jit3A_1258 : i32
      %ne3A_1276 = arith.constant 0 : i32
      %ne3A_1277 = arith.cmpi ne, %rem3A_1275, %ne3A_1276 : i32
      %and3A_1278 = arith.andi %ne3A_1274, %ne3A_1277 : i1
      %sub3A_1279 = arith.constant 1 : i32
      %sub3A_1280 = arith.subi %div3A_1259, %sub3A_1279 : i32
      %select_n3A_1281 = arith.select %and3A_1278, %sub3A_1280, %div3A_1259 : i32
      %mul3A_1282 = arith.constant 8 : i32
      %mul3A_1283 = arith.muli %mul3A_1282, %select_n3A_1281 : i32
      %mul3A_1284 = arith.constant 4 : i32
      %mul3A_1285 = arith.muli %mul3A_1284, %arg0 : i32
      %add3A_1286 = arith.addi %mul3A_1283, %mul3A_1285 : i32
      %rem3A_1287 = arith.constant 4 : i32
      %rem3A_1288 = arith.remsi %rem3A_1233, %rem3A_1287 : i32
      %add3A_1289 = arith.addi %add3A_1286, %rem3A_1288 : i32
      %mul3A_1290 = arith.constant 2048 : i32
      %mul3A_1291 = arith.muli %add3A_1289, %mul3A_1290 : i32
      %mul3A_1292 = arith.constant 128 : i32
      %mul3A_1293 = arith.muli %arg1, %mul3A_1292 : i32
      %add3A_1294 = arith.addi %mul3A_1291, %mul3A_1293 : i32
      %mul3A_1295 = arith.constant 64 : i32
      %mul3A_1296 = arith.muli %select_n3A_1257, %mul3A_1295 : i32
      %add3A_1297 = arith.addi %add3A_1294, %mul3A_1296 : i32
      %dma_start3A_1298 = arith.constant 0 : i32
      %dma_start3A_1299 = tpu.memref_slice %arg5[%add3A_1297, %dma_start3A_1298] : memref<262144x128xf32, #tpu.memory_space<hbm>> -> memref<64x128xf32, #tpu.memory_space<hbm>>
      %dma_start3A_1300 = arith.constant 0 : i32
      %dma_start3A_1301 = tpu.memref_slice %arg5[%add3A_1297, %dma_start3A_1300] : memref<262144x128xf32, #tpu.memory_space<hbm>> -> memref<64x128xf32, #tpu.memory_space<hbm>>
      tpu.enqueue_dma source(%arg13 : memref<64x128xf32, #tpu.memory_space<vmem>>) target(%dma_start3A_1301 : memref<64x128xf32, #tpu.memory_space<hbm>>) target_semaphore(%arg29 : memref<!tpu.dma_semaphore, #tpu.memory_space<semaphore_mem>>)
      %add3A_1302 = arith.constant 1 : i32
      %add3A_1303 = arith.addi %add3A_1092, %add3A_1302 : i32
      %rem3A_1304 = arith.constant 64 : i32
      %rem3A_1305 = arith.remsi %add3A_1303, %rem3A_1304 : i32
      %jit3A_1306 = arith.constant 64 : i32
      %div3A_1307 = arith.divsi %add3A_1303, %jit3A_1306 : i32
      %sign3A_1308 = arith.constant 0 : i32
      %sign3A_1309 = arith.cmpi sgt, %add3A_1303, %sign3A_1308 : i32
      %sign3A_1310 = arith.extui %sign3A_1309 : i1 to i32
      %sign3A_1311 = arith.constant 0 : i32
      %sign3A_1312 = arith.cmpi slt, %add3A_1303, %sign3A_1311 : i32
      %sign3A_1313 = arith.extui %sign3A_1312 : i1 to i32
      %sign3A_1314 = arith.subi %sign3A_1310, %sign3A_1313 : i32
      %sign3A_1315 = arith.constant 0 : i32
      %sign3A_1316 = arith.cmpi sgt, %jit3A_1306, %sign3A_1315 : i32
      %sign3A_1317 = arith.extui %sign3A_1316 : i1 to i32
      %sign3A_1318 = arith.constant 0 : i32
      %sign3A_1319 = arith.cmpi slt, %jit3A_1306, %sign3A_1318 : i32
      %sign3A_1320 = arith.extui %sign3A_1319 : i1 to i32
      %sign3A_1321 = arith.subi %sign3A_1317, %sign3A_1320 : i32
      %ne3A_1322 = arith.cmpi ne, %sign3A_1314, %sign3A_1321 : i32
      %rem3A_1323 = arith.remsi %add3A_1303, %jit3A_1306 : i32
      %ne3A_1324 = arith.constant 0 : i32
      %ne3A_1325 = arith.cmpi ne, %rem3A_1323, %ne3A_1324 : i32
      %and3A_1326 = arith.andi %ne3A_1322, %ne3A_1325 : i1
      %sub3A_1327 = arith.constant 1 : i32
      %sub3A_1328 = arith.subi %div3A_1307, %sub3A_1327 : i32
      %select_n3A_1329 = arith.select %and3A_1326, %sub3A_1328, %div3A_1307 : i32
      %jit3A_1330 = arith.constant 4 : i32
      %div3A_1331 = arith.divsi %rem3A_1305, %jit3A_1330 : i32
      %sign3A_1332 = arith.constant 0 : i32
      %sign3A_1333 = arith.cmpi sgt, %rem3A_1305, %sign3A_1332 : i32
      %sign3A_1334 = arith.extui %sign3A_1333 : i1 to i32
      %sign3A_1335 = arith.constant 0 : i32
      %sign3A_1336 = arith.cmpi slt, %rem3A_1305, %sign3A_1335 : i32
      %sign3A_1337 = arith.extui %sign3A_1336 : i1 to i32
      %sign3A_1338 = arith.subi %sign3A_1334, %sign3A_1337 : i32
      %sign3A_1339 = arith.constant 0 : i32
      %sign3A_1340 = arith.cmpi sgt, %jit3A_1330, %sign3A_1339 : i32
      %sign3A_1341 = arith.extui %sign3A_1340 : i1 to i32
      %sign3A_1342 = arith.constant 0 : i32
      %sign3A_1343 = arith.cmpi slt, %jit3A_1330, %sign3A_1342 : i32
      %sign3A_1344 = arith.extui %sign3A_1343 : i1 to i32
      %sign3A_1345 = arith.subi %sign3A_1341, %sign3A_1344 : i32
      %ne3A_1346 = arith.cmpi ne, %sign3A_1338, %sign3A_1345 : i32
      %rem3A_1347 = arith.remsi %rem3A_1305, %jit3A_1330 : i32
      %ne3A_1348 = arith.constant 0 : i32
      %ne3A_1349 = arith.cmpi ne, %rem3A_1347, %ne3A_1348 : i32
      %and3A_1350 = arith.andi %ne3A_1346, %ne3A_1349 : i1
      %sub3A_1351 = arith.constant 1 : i32
      %sub3A_1352 = arith.subi %div3A_1331, %sub3A_1351 : i32
      %select_n3A_1353 = arith.select %and3A_1350, %sub3A_1352, %div3A_1331 : i32
      %mul3A_1354 = arith.constant 8 : i32
      %mul3A_1355 = arith.muli %mul3A_1354, %select_n3A_1353 : i32
      %mul3A_1356 = arith.constant 4 : i32
      %mul3A_1357 = arith.muli %mul3A_1356, %arg0 : i32
      %add3A_1358 = arith.addi %mul3A_1355, %mul3A_1357 : i32
      %rem3A_1359 = arith.constant 4 : i32
      %rem3A_1360 = arith.remsi %rem3A_1305, %rem3A_1359 : i32
      %add3A_1361 = arith.addi %add3A_1358, %rem3A_1360 : i32
      %mul3A_1362 = arith.constant 2048 : i32
      %mul3A_1363 = arith.muli %add3A_1361, %mul3A_1362 : i32
      %mul3A_1364 = arith.constant 128 : i32
      %mul3A_1365 = arith.muli %arg1, %mul3A_1364 : i32
      %add3A_1366 = arith.addi %mul3A_1363, %mul3A_1365 : i32
      %mul3A_1367 = arith.constant 64 : i32
      %mul3A_1368 = arith.muli %select_n3A_1329, %mul3A_1367 : i32
      %add3A_1369 = arith.addi %add3A_1366, %mul3A_1368 : i32
      %dma_start3A_1370 = arith.constant 0 : i32
      %dma_start3A_1371 = tpu.memref_slice %arg5[%add3A_1369, %dma_start3A_1370] : memref<262144x128xf32, #tpu.memory_space<hbm>> -> memref<64x128xf32, #tpu.memory_space<hbm>>
      %dma_start3A_1372 = arith.constant 0 : i32
      %dma_start3A_1373 = tpu.memref_slice %arg5[%add3A_1369, %dma_start3A_1372] : memref<262144x128xf32, #tpu.memory_space<hbm>> -> memref<64x128xf32, #tpu.memory_space<hbm>>
      tpu.enqueue_dma source(%arg14 : memref<64x128xf32, #tpu.memory_space<vmem>>) target(%dma_start3A_1373 : memref<64x128xf32, #tpu.memory_space<hbm>>) target_semaphore(%arg30 : memref<!tpu.dma_semaphore, #tpu.memory_space<semaphore_mem>>)
      %mul3A_1374 = arith.constant 8 : i32
      %mul3A_1375 = arith.muli %mul3A_1374, %scan3A_248 : i32
      %add3A_1376 = arith.constant 6 : i32
      %add3A_1377 = arith.addi %mul3A_1375, %add3A_1376 : i32
      %rem3A_1378 = arith.constant 64 : i32
      %rem3A_1379 = arith.remsi %add3A_1377, %rem3A_1378 : i32
      %jit3A_1380 = arith.constant 64 : i32
      %div3A_1381 = arith.divsi %add3A_1377, %jit3A_1380 : i32
      %sign3A_1382 = arith.constant 0 : i32
      %sign3A_1383 = arith.cmpi sgt, %add3A_1377, %sign3A_1382 : i32
      %sign3A_1384 = arith.extui %sign3A_1383 : i1 to i32
      %sign3A_1385 = arith.constant 0 : i32
      %sign3A_1386 = arith.cmpi slt, %add3A_1377, %sign3A_1385 : i32
      %sign3A_1387 = arith.extui %sign3A_1386 : i1 to i32
      %sign3A_1388 = arith.subi %sign3A_1384, %sign3A_1387 : i32
      %sign3A_1389 = arith.constant 0 : i32
      %sign3A_1390 = arith.cmpi sgt, %jit3A_1380, %sign3A_1389 : i32
      %sign3A_1391 = arith.extui %sign3A_1390 : i1 to i32
      %sign3A_1392 = arith.constant 0 : i32
      %sign3A_1393 = arith.cmpi slt, %jit3A_1380, %sign3A_1392 : i32
      %sign3A_1394 = arith.extui %sign3A_1393 : i1 to i32
      %sign3A_1395 = arith.subi %sign3A_1391, %sign3A_1394 : i32
      %ne3A_1396 = arith.cmpi ne, %sign3A_1388, %sign3A_1395 : i32
      %rem3A_1397 = arith.remsi %add3A_1377, %jit3A_1380 : i32
      %ne3A_1398 = arith.constant 0 : i32
      %ne3A_1399 = arith.cmpi ne, %rem3A_1397, %ne3A_1398 : i32
      %and3A_1400 = arith.andi %ne3A_1396, %ne3A_1399 : i1
      %sub3A_1401 = arith.constant 1 : i32
      %sub3A_1402 = arith.subi %div3A_1381, %sub3A_1401 : i32
      %select_n3A_1403 = arith.select %and3A_1400, %sub3A_1402, %div3A_1381 : i32
      %jit3A_1404 = arith.constant 4 : i32
      %div3A_1405 = arith.divsi %rem3A_1379, %jit3A_1404 : i32
      %sign3A_1406 = arith.constant 0 : i32
      %sign3A_1407 = arith.cmpi sgt, %rem3A_1379, %sign3A_1406 : i32
      %sign3A_1408 = arith.extui %sign3A_1407 : i1 to i32
      %sign3A_1409 = arith.constant 0 : i32
      %sign3A_1410 = arith.cmpi slt, %rem3A_1379, %sign3A_1409 : i32
      %sign3A_1411 = arith.extui %sign3A_1410 : i1 to i32
      %sign3A_1412 = arith.subi %sign3A_1408, %sign3A_1411 : i32
      %sign3A_1413 = arith.constant 0 : i32
      %sign3A_1414 = arith.cmpi sgt, %jit3A_1404, %sign3A_1413 : i32
      %sign3A_1415 = arith.extui %sign3A_1414 : i1 to i32
      %sign3A_1416 = arith.constant 0 : i32
      %sign3A_1417 = arith.cmpi slt, %jit3A_1404, %sign3A_1416 : i32
      %sign3A_1418 = arith.extui %sign3A_1417 : i1 to i32
      %sign3A_1419 = arith.subi %sign3A_1415, %sign3A_1418 : i32
      %ne3A_1420 = arith.cmpi ne, %sign3A_1412, %sign3A_1419 : i32
      %rem3A_1421 = arith.remsi %rem3A_1379, %jit3A_1404 : i32
      %ne3A_1422 = arith.constant 0 : i32
      %ne3A_1423 = arith.cmpi ne, %rem3A_1421, %ne3A_1422 : i32
      %and3A_1424 = arith.andi %ne3A_1420, %ne3A_1423 : i1
      %sub3A_1425 = arith.constant 1 : i32
      %sub3A_1426 = arith.subi %div3A_1405, %sub3A_1425 : i32
      %select_n3A_1427 = arith.select %and3A_1424, %sub3A_1426, %div3A_1405 : i32
      %mul3A_1428 = arith.constant 8 : i32
      %mul3A_1429 = arith.muli %mul3A_1428, %select_n3A_1427 : i32
      %mul3A_1430 = arith.constant 4 : i32
      %mul3A_1431 = arith.muli %mul3A_1430, %arg0 : i32
      %add3A_1432 = arith.addi %mul3A_1429, %mul3A_1431 : i32
      %rem3A_1433 = arith.constant 4 : i32
      %rem3A_1434 = arith.remsi %rem3A_1379, %rem3A_1433 : i32
      %add3A_1435 = arith.addi %add3A_1432, %rem3A_1434 : i32
      %mul3A_1436 = arith.constant 64 : i32
      %mul3A_1437 = arith.muli %select_n3A_1403, %mul3A_1436 : i32
      %dma_wait3A_1438 = tpu.memref_slice %arg7[%add3A_1435, %mul3A_1437] : memref<128x128xi32, #tpu.memory_space<vmem>> -> memref<1x64xi32, #tpu.memory_space<vmem>>
      %dma_wait3A_1439 = tpu.memref_squeeze %dma_wait3A_1438 : memref<1x64xi32, #tpu.memory_space<vmem>> -> memref<64xi32, #tpu.memory_space<vmem>>
      %dma_wait3A_1440 = arith.constant 0 : i32
      %dma_wait3A_1441 = arith.constant 0 : i32
      %dma_wait3A_1442 = tpu.memref_slice %arg6[%dma_wait3A_1440, %dma_wait3A_1441] : memref<4096x128xf32, #tpu.memory_space<vmem_shared>> -> memref<4096x128xf32, #tpu.memory_space<vmem_shared>>
      tpu.wait_indirect_dma semaphore(%arg23 : memref<!tpu.dma_semaphore, #tpu.memory_space<semaphore_mem>>) src(%dma_wait3A_1442 : memref<4096x128xf32, #tpu.memory_space<vmem_shared>>) dst(%arg15 : memref<64x128xf32, #tpu.memory_space<vmem>>)
      %add3A_1443 = arith.constant 1 : i32
      %add3A_1444 = arith.addi %add3A_1377, %add3A_1443 : i32
      %rem3A_1445 = arith.constant 64 : i32
      %rem3A_1446 = arith.remsi %add3A_1444, %rem3A_1445 : i32
      %jit3A_1447 = arith.constant 64 : i32
      %div3A_1448 = arith.divsi %add3A_1444, %jit3A_1447 : i32
      %sign3A_1449 = arith.constant 0 : i32
      %sign3A_1450 = arith.cmpi sgt, %add3A_1444, %sign3A_1449 : i32
      %sign3A_1451 = arith.extui %sign3A_1450 : i1 to i32
      %sign3A_1452 = arith.constant 0 : i32
      %sign3A_1453 = arith.cmpi slt, %add3A_1444, %sign3A_1452 : i32
      %sign3A_1454 = arith.extui %sign3A_1453 : i1 to i32
      %sign3A_1455 = arith.subi %sign3A_1451, %sign3A_1454 : i32
      %sign3A_1456 = arith.constant 0 : i32
      %sign3A_1457 = arith.cmpi sgt, %jit3A_1447, %sign3A_1456 : i32
      %sign3A_1458 = arith.extui %sign3A_1457 : i1 to i32
      %sign3A_1459 = arith.constant 0 : i32
      %sign3A_1460 = arith.cmpi slt, %jit3A_1447, %sign3A_1459 : i32
      %sign3A_1461 = arith.extui %sign3A_1460 : i1 to i32
      %sign3A_1462 = arith.subi %sign3A_1458, %sign3A_1461 : i32
      %ne3A_1463 = arith.cmpi ne, %sign3A_1455, %sign3A_1462 : i32
      %rem3A_1464 = arith.remsi %add3A_1444, %jit3A_1447 : i32
      %ne3A_1465 = arith.constant 0 : i32
      %ne3A_1466 = arith.cmpi ne, %rem3A_1464, %ne3A_1465 : i32
      %and3A_1467 = arith.andi %ne3A_1463, %ne3A_1466 : i1
      %sub3A_1468 = arith.constant 1 : i32
      %sub3A_1469 = arith.subi %div3A_1448, %sub3A_1468 : i32
      %select_n3A_1470 = arith.select %and3A_1467, %sub3A_1469, %div3A_1448 : i32
      %jit3A_1471 = arith.constant 4 : i32
      %div3A_1472 = arith.divsi %rem3A_1446, %jit3A_1471 : i32
      %sign3A_1473 = arith.constant 0 : i32
      %sign3A_1474 = arith.cmpi sgt, %rem3A_1446, %sign3A_1473 : i32
      %sign3A_1475 = arith.extui %sign3A_1474 : i1 to i32
      %sign3A_1476 = arith.constant 0 : i32
      %sign3A_1477 = arith.cmpi slt, %rem3A_1446, %sign3A_1476 : i32
      %sign3A_1478 = arith.extui %sign3A_1477 : i1 to i32
      %sign3A_1479 = arith.subi %sign3A_1475, %sign3A_1478 : i32
      %sign3A_1480 = arith.constant 0 : i32
      %sign3A_1481 = arith.cmpi sgt, %jit3A_1471, %sign3A_1480 : i32
      %sign3A_1482 = arith.extui %sign3A_1481 : i1 to i32
      %sign3A_1483 = arith.constant 0 : i32
      %sign3A_1484 = arith.cmpi slt, %jit3A_1471, %sign3A_1483 : i32
      %sign3A_1485 = arith.extui %sign3A_1484 : i1 to i32
      %sign3A_1486 = arith.subi %sign3A_1482, %sign3A_1485 : i32
      %ne3A_1487 = arith.cmpi ne, %sign3A_1479, %sign3A_1486 : i32
      %rem3A_1488 = arith.remsi %rem3A_1446, %jit3A_1471 : i32
      %ne3A_1489 = arith.constant 0 : i32
      %ne3A_1490 = arith.cmpi ne, %rem3A_1488, %ne3A_1489 : i32
      %and3A_1491 = arith.andi %ne3A_1487, %ne3A_1490 : i1
      %sub3A_1492 = arith.constant 1 : i32
      %sub3A_1493 = arith.subi %div3A_1472, %sub3A_1492 : i32
      %select_n3A_1494 = arith.select %and3A_1491, %sub3A_1493, %div3A_1472 : i32
      %mul3A_1495 = arith.constant 8 : i32
      %mul3A_1496 = arith.muli %mul3A_1495, %select_n3A_1494 : i32
      %mul3A_1497 = arith.constant 4 : i32
      %mul3A_1498 = arith.muli %mul3A_1497, %arg0 : i32
      %add3A_1499 = arith.addi %mul3A_1496, %mul3A_1498 : i32
      %rem3A_1500 = arith.constant 4 : i32
      %rem3A_1501 = arith.remsi %rem3A_1446, %rem3A_1500 : i32
      %add3A_1502 = arith.addi %add3A_1499, %rem3A_1501 : i32
      %mul3A_1503 = arith.constant 64 : i32
      %mul3A_1504 = arith.muli %select_n3A_1470, %mul3A_1503 : i32
      %dma_wait3A_1505 = tpu.memref_slice %arg7[%add3A_1502, %mul3A_1504] : memref<128x128xi32, #tpu.memory_space<vmem>> -> memref<1x64xi32, #tpu.memory_space<vmem>>
      %dma_wait3A_1506 = tpu.memref_squeeze %dma_wait3A_1505 : memref<1x64xi32, #tpu.memory_space<vmem>> -> memref<64xi32, #tpu.memory_space<vmem>>
      %dma_wait3A_1507 = arith.constant 0 : i32
      %dma_wait3A_1508 = arith.constant 0 : i32
      %dma_wait3A_1509 = tpu.memref_slice %arg6[%dma_wait3A_1507, %dma_wait3A_1508] : memref<4096x128xf32, #tpu.memory_space<vmem_shared>> -> memref<4096x128xf32, #tpu.memory_space<vmem_shared>>
      tpu.wait_indirect_dma semaphore(%arg24 : memref<!tpu.dma_semaphore, #tpu.memory_space<semaphore_mem>>) src(%dma_wait3A_1509 : memref<4096x128xf32, #tpu.memory_space<vmem_shared>>) dst(%arg16 : memref<64x128xf32, #tpu.memory_space<vmem>>)
      %lt3A_1510 = arith.constant 15 : i32
      %lt3A_1511 = arith.cmpi slt, %scan3A_248, %lt3A_1510 : i32
      %convert_element_type3A_1512 = arith.extui %lt3A_1511 : i1 to i32
      %cond3A_1513 = arith.constant 0 : i32
      %cond3A_1514 = arith.cmpi ne, %convert_element_type3A_1512, %cond3A_1513 : i32
      scf.if %cond3A_1514 {
        %dma_wait3A_1660 = arith.constant 0 : i32
        %dma_wait3A_1661 = arith.constant 0 : i32
        %dma_wait3A_1662 = tpu.memref_slice %arg5[%dma_wait3A_1660, %dma_wait3A_1661] : memref<262144x128xf32, #tpu.memory_space<hbm>> -> memref<64x128xf32, #tpu.memory_space<hbm>>
        %dma_wait3A_1663 = arith.constant 0 : i32
        %dma_wait3A_1664 = arith.constant 0 : i32
        %dma_wait3A_1665 = tpu.memref_slice %arg5[%dma_wait3A_1663, %dma_wait3A_1664] : memref<262144x128xf32, #tpu.memory_space<hbm>> -> memref<64x128xf32, #tpu.memory_space<hbm>>
        tpu.wait_dma2 semaphore(%arg27 : memref<!tpu.dma_semaphore, #tpu.memory_space<semaphore_mem>>) src(%arg11 : memref<64x128xf32, #tpu.memory_space<vmem>>) dst(%dma_wait3A_1665 : memref<64x128xf32, #tpu.memory_space<hbm>>)
        %dma_wait3A_1666 = arith.constant 0 : i32
        %dma_wait3A_1667 = arith.constant 0 : i32
        %dma_wait3A_1668 = tpu.memref_slice %arg5[%dma_wait3A_1666, %dma_wait3A_1667] : memref<262144x128xf32, #tpu.memory_space<hbm>> -> memref<64x128xf32, #tpu.memory_space<hbm>>
        %dma_wait3A_1669 = arith.constant 0 : i32
        %dma_wait3A_1670 = arith.constant 0 : i32
        %dma_wait3A_1671 = tpu.memref_slice %arg5[%dma_wait3A_1669, %dma_wait3A_1670] : memref<262144x128xf32, #tpu.memory_space<hbm>> -> memref<64x128xf32, #tpu.memory_space<hbm>>
        tpu.wait_dma2 semaphore(%arg28 : memref<!tpu.dma_semaphore, #tpu.memory_space<semaphore_mem>>) src(%arg12 : memref<64x128xf32, #tpu.memory_space<vmem>>) dst(%dma_wait3A_1671 : memref<64x128xf32, #tpu.memory_space<hbm>>)
        %add3A_1672 = arith.constant 4 : i32
        %add3A_1673 = arith.addi %add3A_1377, %add3A_1672 : i32
        %rem3A_1674 = arith.constant 64 : i32
        %rem3A_1675 = arith.remsi %add3A_1673, %rem3A_1674 : i32
        %jit3A_1676 = arith.constant 64 : i32
        %div3A_1677 = arith.divsi %add3A_1673, %jit3A_1676 : i32
        %sign3A_1678 = arith.constant 0 : i32
        %sign3A_1679 = arith.cmpi sgt, %add3A_1673, %sign3A_1678 : i32
        %sign3A_1680 = arith.extui %sign3A_1679 : i1 to i32
        %sign3A_1681 = arith.constant 0 : i32
        %sign3A_1682 = arith.cmpi slt, %add3A_1673, %sign3A_1681 : i32
        %sign3A_1683 = arith.extui %sign3A_1682 : i1 to i32
        %sign3A_1684 = arith.subi %sign3A_1680, %sign3A_1683 : i32
        %sign3A_1685 = arith.constant 0 : i32
        %sign3A_1686 = arith.cmpi sgt, %jit3A_1676, %sign3A_1685 : i32
        %sign3A_1687 = arith.extui %sign3A_1686 : i1 to i32
        %sign3A_1688 = arith.constant 0 : i32
        %sign3A_1689 = arith.cmpi slt, %jit3A_1676, %sign3A_1688 : i32
        %sign3A_1690 = arith.extui %sign3A_1689 : i1 to i32
        %sign3A_1691 = arith.subi %sign3A_1687, %sign3A_1690 : i32
        %ne3A_1692 = arith.cmpi ne, %sign3A_1684, %sign3A_1691 : i32
        %rem3A_1693 = arith.remsi %add3A_1673, %jit3A_1676 : i32
        %ne3A_1694 = arith.constant 0 : i32
        %ne3A_1695 = arith.cmpi ne, %rem3A_1693, %ne3A_1694 : i32
        %and3A_1696 = arith.andi %ne3A_1692, %ne3A_1695 : i1
        %sub3A_1697 = arith.constant 1 : i32
        %sub3A_1698 = arith.subi %div3A_1677, %sub3A_1697 : i32
        %select_n3A_1699 = arith.select %and3A_1696, %sub3A_1698, %div3A_1677 : i32
        %jit3A_1700 = arith.constant 4 : i32
        %div3A_1701 = arith.divsi %rem3A_1675, %jit3A_1700 : i32
        %sign3A_1702 = arith.constant 0 : i32
        %sign3A_1703 = arith.cmpi sgt, %rem3A_1675, %sign3A_1702 : i32
        %sign3A_1704 = arith.extui %sign3A_1703 : i1 to i32
        %sign3A_1705 = arith.constant 0 : i32
        %sign3A_1706 = arith.cmpi slt, %rem3A_1675, %sign3A_1705 : i32
        %sign3A_1707 = arith.extui %sign3A_1706 : i1 to i32
        %sign3A_1708 = arith.subi %sign3A_1704, %sign3A_1707 : i32
        %sign3A_1709 = arith.constant 0 : i32
        %sign3A_1710 = arith.cmpi sgt, %jit3A_1700, %sign3A_1709 : i32
        %sign3A_1711 = arith.extui %sign3A_1710 : i1 to i32
        %sign3A_1712 = arith.constant 0 : i32
        %sign3A_1713 = arith.cmpi slt, %jit3A_1700, %sign3A_1712 : i32
        %sign3A_1714 = arith.extui %sign3A_1713 : i1 to i32
        %sign3A_1715 = arith.subi %sign3A_1711, %sign3A_1714 : i32
        %ne3A_1716 = arith.cmpi ne, %sign3A_1708, %sign3A_1715 : i32
        %rem3A_1717 = arith.remsi %rem3A_1675, %jit3A_1700 : i32
        %ne3A_1718 = arith.constant 0 : i32
        %ne3A_1719 = arith.cmpi ne, %rem3A_1717, %ne3A_1718 : i32
        %and3A_1720 = arith.andi %ne3A_1716, %ne3A_1719 : i1
        %sub3A_1721 = arith.constant 1 : i32
        %sub3A_1722 = arith.subi %div3A_1701, %sub3A_1721 : i32
        %select_n3A_1723 = arith.select %and3A_1720, %sub3A_1722, %div3A_1701 : i32
        %mul3A_1724 = arith.constant 8 : i32
        %mul3A_1725 = arith.muli %mul3A_1724, %select_n3A_1723 : i32
        %mul3A_1726 = arith.constant 4 : i32
        %mul3A_1727 = arith.muli %mul3A_1726, %arg0 : i32
        %add3A_1728 = arith.addi %mul3A_1725, %mul3A_1727 : i32
        %rem3A_1729 = arith.constant 4 : i32
        %rem3A_1730 = arith.remsi %rem3A_1675, %rem3A_1729 : i32
        %add3A_1731 = arith.addi %add3A_1728, %rem3A_1730 : i32
        %mul3A_1732 = arith.constant 64 : i32
        %mul3A_1733 = arith.muli %select_n3A_1699, %mul3A_1732 : i32
        %dma_start3A_1734 = tpu.memref_slice %arg7[%add3A_1731, %mul3A_1733] : memref<128x128xi32, #tpu.memory_space<vmem>> -> memref<1x64xi32, #tpu.memory_space<vmem>>
        %dma_start3A_1735 = tpu.memref_squeeze %dma_start3A_1734 : memref<1x64xi32, #tpu.memory_space<vmem>> -> memref<64xi32, #tpu.memory_space<vmem>>
        %dma_start3A_1736 = arith.constant 0 : i32
        %dma_start3A_1737 = arith.constant 0 : i32
        %dma_start3A_1738 = tpu.memref_slice %arg6[%dma_start3A_1736, %dma_start3A_1737] : memref<4096x128xf32, #tpu.memory_space<vmem_shared>> -> memref<4096x128xf32, #tpu.memory_space<vmem_shared>>
        tpu.enqueue_indirect_dma source(%dma_start3A_1738 : memref<4096x128xf32, #tpu.memory_space<vmem_shared>>) target(%arg11 : memref<64x128xf32, #tpu.memory_space<vmem>>) offsets(%dma_start3A_1735 : memref<64xi32, #tpu.memory_space<vmem>>) semaphore(%arg19 : memref<!tpu.dma_semaphore, #tpu.memory_space<semaphore_mem>>)
        %add3A_1739 = arith.constant 4 : i32
        %add3A_1740 = arith.addi %add3A_1377, %add3A_1739 : i32
        %add3A_1741 = arith.constant 1 : i32
        %add3A_1742 = arith.addi %add3A_1740, %add3A_1741 : i32
        %rem3A_1743 = arith.constant 64 : i32
        %rem3A_1744 = arith.remsi %add3A_1742, %rem3A_1743 : i32
        %jit3A_1745 = arith.constant 64 : i32
        %div3A_1746 = arith.divsi %add3A_1742, %jit3A_1745 : i32
        %sign3A_1747 = arith.constant 0 : i32
        %sign3A_1748 = arith.cmpi sgt, %add3A_1742, %sign3A_1747 : i32
        %sign3A_1749 = arith.extui %sign3A_1748 : i1 to i32
        %sign3A_1750 = arith.constant 0 : i32
        %sign3A_1751 = arith.cmpi slt, %add3A_1742, %sign3A_1750 : i32
        %sign3A_1752 = arith.extui %sign3A_1751 : i1 to i32
        %sign3A_1753 = arith.subi %sign3A_1749, %sign3A_1752 : i32
        %sign3A_1754 = arith.constant 0 : i32
        %sign3A_1755 = arith.cmpi sgt, %jit3A_1745, %sign3A_1754 : i32
        %sign3A_1756 = arith.extui %sign3A_1755 : i1 to i32
        %sign3A_1757 = arith.constant 0 : i32
        %sign3A_1758 = arith.cmpi slt, %jit3A_1745, %sign3A_1757 : i32
        %sign3A_1759 = arith.extui %sign3A_1758 : i1 to i32
        %sign3A_1760 = arith.subi %sign3A_1756, %sign3A_1759 : i32
        %ne3A_1761 = arith.cmpi ne, %sign3A_1753, %sign3A_1760 : i32
        %rem3A_1762 = arith.remsi %add3A_1742, %jit3A_1745 : i32
        %ne3A_1763 = arith.constant 0 : i32
        %ne3A_1764 = arith.cmpi ne, %rem3A_1762, %ne3A_1763 : i32
        %and3A_1765 = arith.andi %ne3A_1761, %ne3A_1764 : i1
        %sub3A_1766 = arith.constant 1 : i32
        %sub3A_1767 = arith.subi %div3A_1746, %sub3A_1766 : i32
        %select_n3A_1768 = arith.select %and3A_1765, %sub3A_1767, %div3A_1746 : i32
        %jit3A_1769 = arith.constant 4 : i32
        %div3A_1770 = arith.divsi %rem3A_1744, %jit3A_1769 : i32
        %sign3A_1771 = arith.constant 0 : i32
        %sign3A_1772 = arith.cmpi sgt, %rem3A_1744, %sign3A_1771 : i32
        %sign3A_1773 = arith.extui %sign3A_1772 : i1 to i32
        %sign3A_1774 = arith.constant 0 : i32
        %sign3A_1775 = arith.cmpi slt, %rem3A_1744, %sign3A_1774 : i32
        %sign3A_1776 = arith.extui %sign3A_1775 : i1 to i32
        %sign3A_1777 = arith.subi %sign3A_1773, %sign3A_1776 : i32
        %sign3A_1778 = arith.constant 0 : i32
        %sign3A_1779 = arith.cmpi sgt, %jit3A_1769, %sign3A_1778 : i32
        %sign3A_1780 = arith.extui %sign3A_1779 : i1 to i32
        %sign3A_1781 = arith.constant 0 : i32
        %sign3A_1782 = arith.cmpi slt, %jit3A_1769, %sign3A_1781 : i32
        %sign3A_1783 = arith.extui %sign3A_1782 : i1 to i32
        %sign3A_1784 = arith.subi %sign3A_1780, %sign3A_1783 : i32
        %ne3A_1785 = arith.cmpi ne, %sign3A_1777, %sign3A_1784 : i32
        %rem3A_1786 = arith.remsi %rem3A_1744, %jit3A_1769 : i32
        %ne3A_1787 = arith.constant 0 : i32
        %ne3A_1788 = arith.cmpi ne, %rem3A_1786, %ne3A_1787 : i32
        %and3A_1789 = arith.andi %ne3A_1785, %ne3A_1788 : i1
        %sub3A_1790 = arith.constant 1 : i32
        %sub3A_1791 = arith.subi %div3A_1770, %sub3A_1790 : i32
        %select_n3A_1792 = arith.select %and3A_1789, %sub3A_1791, %div3A_1770 : i32
        %mul3A_1793 = arith.constant 8 : i32
        %mul3A_1794 = arith.muli %mul3A_1793, %select_n3A_1792 : i32
        %mul3A_1795 = arith.constant 4 : i32
        %mul3A_1796 = arith.muli %mul3A_1795, %arg0 : i32
        %add3A_1797 = arith.addi %mul3A_1794, %mul3A_1796 : i32
        %rem3A_1798 = arith.constant 4 : i32
        %rem3A_1799 = arith.remsi %rem3A_1744, %rem3A_1798 : i32
        %add3A_1800 = arith.addi %add3A_1797, %rem3A_1799 : i32
        %mul3A_1801 = arith.constant 64 : i32
        %mul3A_1802 = arith.muli %select_n3A_1768, %mul3A_1801 : i32
        %dma_start3A_1803 = tpu.memref_slice %arg7[%add3A_1800, %mul3A_1802] : memref<128x128xi32, #tpu.memory_space<vmem>> -> memref<1x64xi32, #tpu.memory_space<vmem>>
        %dma_start3A_1804 = tpu.memref_squeeze %dma_start3A_1803 : memref<1x64xi32, #tpu.memory_space<vmem>> -> memref<64xi32, #tpu.memory_space<vmem>>
        %dma_start3A_1805 = arith.constant 0 : i32
        %dma_start3A_1806 = arith.constant 0 : i32
        %dma_start3A_1807 = tpu.memref_slice %arg6[%dma_start3A_1805, %dma_start3A_1806] : memref<4096x128xf32, #tpu.memory_space<vmem_shared>> -> memref<4096x128xf32, #tpu.memory_space<vmem_shared>>
        tpu.enqueue_indirect_dma source(%dma_start3A_1807 : memref<4096x128xf32, #tpu.memory_space<vmem_shared>>) target(%arg12 : memref<64x128xf32, #tpu.memory_space<vmem>>) offsets(%dma_start3A_1804 : memref<64xi32, #tpu.memory_space<vmem>>) semaphore(%arg20 : memref<!tpu.dma_semaphore, #tpu.memory_space<semaphore_mem>>)
      } else {
      }
      %parallel_loop3A_1515 = arith.constant 0 : i32
      %parallel_loop3A_1516 = arith.constant 64 : i32
      %parallel_loop3A_1517 = arith.constant 1 : i32
      scf.for %parallel_loop3A_1660 = %parallel_loop3A_1515 to %parallel_loop3A_1516 step %parallel_loop3A_1517  : i32 {
        %parallel_loop3A_1661 = arith.constant 64 : i32
        %parallel_loop3A_1662 = arith.divsi %add3A_1377, %parallel_loop3A_1661 : i32
        %parallel_loop3A_1663 = arith.constant 0 : i32
        %parallel_loop3A_1664 = arith.cmpi sgt, %add3A_1377, %parallel_loop3A_1663 : i32
        %parallel_loop3A_1665 = arith.extui %parallel_loop3A_1664 : i1 to i32
        %parallel_loop3A_1666 = arith.constant 0 : i32
        %parallel_loop3A_1667 = arith.cmpi slt, %add3A_1377, %parallel_loop3A_1666 : i32
        %parallel_loop3A_1668 = arith.extui %parallel_loop3A_1667 : i1 to i32
        %parallel_loop3A_1669 = arith.subi %parallel_loop3A_1665, %parallel_loop3A_1668 : i32
        %parallel_loop3A_1670 = arith.constant 0 : i32
        %parallel_loop3A_1671 = arith.cmpi sgt, %parallel_loop3A_1661, %parallel_loop3A_1670 : i32
        %parallel_loop3A_1672 = arith.extui %parallel_loop3A_1671 : i1 to i32
        %parallel_loop3A_1673 = arith.constant 0 : i32
        %parallel_loop3A_1674 = arith.cmpi slt, %parallel_loop3A_1661, %parallel_loop3A_1673 : i32
        %parallel_loop3A_1675 = arith.extui %parallel_loop3A_1674 : i1 to i32
        %parallel_loop3A_1676 = arith.subi %parallel_loop3A_1672, %parallel_loop3A_1675 : i32
        %parallel_loop3A_1677 = arith.cmpi ne, %parallel_loop3A_1669, %parallel_loop3A_1676 : i32
        %parallel_loop3A_1678 = arith.remsi %add3A_1377, %parallel_loop3A_1661 : i32
        %parallel_loop3A_1679 = arith.constant 0 : i32
        %parallel_loop3A_1680 = arith.cmpi ne, %parallel_loop3A_1678, %parallel_loop3A_1679 : i32
        %parallel_loop3A_1681 = arith.andi %parallel_loop3A_1677, %parallel_loop3A_1680 : i1
        %parallel_loop3A_1682 = arith.constant 1 : i32
        %parallel_loop3A_1683 = arith.subi %parallel_loop3A_1662, %parallel_loop3A_1682 : i32
        %parallel_loop3A_1684 = arith.select %parallel_loop3A_1681, %parallel_loop3A_1683, %parallel_loop3A_1662 : i32
        %parallel_loop3A_1685 = arith.constant 64 : i32
        %parallel_loop3A_1686 = arith.muli %parallel_loop3A_1684, %parallel_loop3A_1685 : i32
        %parallel_loop3A_1687 = arith.addi %parallel_loop3A_1686, %parallel_loop3A_1660 : i32
        %parallel_loop3A_1688 = arith.index_cast %parallel_loop3A_1687 : i32 to index
        %parallel_loop3A_1689 = arith.constant 0 : index
        %parallel_loop3A_1690 = tpu.vector_load %arg8[%parallel_loop3A_1688, %parallel_loop3A_1689] {strides = array<i32>} : memref<128x128xf32, #tpu.memory_space<vmem>>, vector<1x16xf32>,
        %parallel_loop3A_1691 = vector.shape_cast %parallel_loop3A_1690 : vector<1x16xf32> to vector<16xf32>
        %parallel_loop3A_1692 = arith.index_cast %parallel_loop3A_1660 : i32 to index
        %parallel_loop3A_1693 = arith.constant 0 : index
        %parallel_loop3A_1694 = tpu.vector_load %arg15[%parallel_loop3A_1692, %parallel_loop3A_1693] {strides = array<i32>} : memref<64x128xf32, #tpu.memory_space<vmem>>, vector<1x16xf32>,
        %parallel_loop3A_1695 = vector.shape_cast %parallel_loop3A_1694 : vector<1x16xf32> to vector<16xf32>
        %parallel_loop3A_1696 = vector.shape_cast %parallel_loop3A_1691 : vector<16xf32> to vector<1x16xf32>
        tpu.vector_store %arg15[%parallel_loop3A_1692, %parallel_loop3A_1693], %parallel_loop3A_1696 {add = true, strides = array<i32>} : memref<64x128xf32, #tpu.memory_space<vmem>>, vector<1x16xf32>,
        %parallel_loop3A_1697 = arith.index_cast %parallel_loop3A_1660 : i32 to index
        %parallel_loop3A_1698 = arith.constant 0 : index
        %parallel_loop3A_1699 = tpu.vector_load %arg16[%parallel_loop3A_1697, %parallel_loop3A_1698] {strides = array<i32>} : memref<64x128xf32, #tpu.memory_space<vmem>>, vector<1x16xf32>,
        %parallel_loop3A_1700 = vector.shape_cast %parallel_loop3A_1699 : vector<1x16xf32> to vector<16xf32>
        %parallel_loop3A_1701 = vector.shape_cast %parallel_loop3A_1691 : vector<16xf32> to vector<1x16xf32>
        tpu.vector_store %arg16[%parallel_loop3A_1697, %parallel_loop3A_1698], %parallel_loop3A_1701 {add = true, strides = array<i32>} : memref<64x128xf32, #tpu.memory_space<vmem>>, vector<1x16xf32>,
        %parallel_loop3A_1702 = arith.index_cast %parallel_loop3A_1687 : i32 to index
        %parallel_loop3A_1703 = arith.constant 16 : index
        %parallel_loop3A_1704 = tpu.vector_load %arg8[%parallel_loop3A_1702, %parallel_loop3A_1703] {strides = array<i32>} : memref<128x128xf32, #tpu.memory_space<vmem>>, vector<1x16xf32>,
        %parallel_loop3A_1705 = vector.shape_cast %parallel_loop3A_1704 : vector<1x16xf32> to vector<16xf32>
        %parallel_loop3A_1706 = arith.index_cast %parallel_loop3A_1660 : i32 to index
        %parallel_loop3A_1707 = arith.constant 16 : index
        %parallel_loop3A_1708 = tpu.vector_load %arg15[%parallel_loop3A_1706, %parallel_loop3A_1707] {strides = array<i32>} : memref<64x128xf32, #tpu.memory_space<vmem>>, vector<1x16xf32>,
        %parallel_loop3A_1709 = vector.shape_cast %parallel_loop3A_1708 : vector<1x16xf32> to vector<16xf32>
        %parallel_loop3A_1710 = vector.shape_cast %parallel_loop3A_1705 : vector<16xf32> to vector<1x16xf32>
        tpu.vector_store %arg15[%parallel_loop3A_1706, %parallel_loop3A_1707], %parallel_loop3A_1710 {add = true, strides = array<i32>} : memref<64x128xf32, #tpu.memory_space<vmem>>, vector<1x16xf32>,
        %parallel_loop3A_1711 = arith.index_cast %parallel_loop3A_1660 : i32 to index
        %parallel_loop3A_1712 = arith.constant 16 : index
        %parallel_loop3A_1713 = tpu.vector_load %arg16[%parallel_loop3A_1711, %parallel_loop3A_1712] {strides = array<i32>} : memref<64x128xf32, #tpu.memory_space<vmem>>, vector<1x16xf32>,
        %parallel_loop3A_1714 = vector.shape_cast %parallel_loop3A_1713 : vector<1x16xf32> to vector<16xf32>
        %parallel_loop3A_1715 = vector.shape_cast %parallel_loop3A_1705 : vector<16xf32> to vector<1x16xf32>
        tpu.vector_store %arg16[%parallel_loop3A_1711, %parallel_loop3A_1712], %parallel_loop3A_1715 {add = true, strides = array<i32>} : memref<64x128xf32, #tpu.memory_space<vmem>>, vector<1x16xf32>,
        %parallel_loop3A_1716 = arith.index_cast %parallel_loop3A_1687 : i32 to index
        %parallel_loop3A_1717 = arith.constant 32 : index
        %parallel_loop3A_1718 = tpu.vector_load %arg8[%parallel_loop3A_1716, %parallel_loop3A_1717] {strides = array<i32>} : memref<128x128xf32, #tpu.memory_space<vmem>>, vector<1x16xf32>,
        %parallel_loop3A_1719 = vector.shape_cast %parallel_loop3A_1718 : vector<1x16xf32> to vector<16xf32>
        %parallel_loop3A_1720 = arith.index_cast %parallel_loop3A_1660 : i32 to index
        %parallel_loop3A_1721 = arith.constant 32 : index
        %parallel_loop3A_1722 = tpu.vector_load %arg15[%parallel_loop3A_1720, %parallel_loop3A_1721] {strides = array<i32>} : memref<64x128xf32, #tpu.memory_space<vmem>>, vector<1x16xf32>,
        %parallel_loop3A_1723 = vector.shape_cast %parallel_loop3A_1722 : vector<1x16xf32> to vector<16xf32>
        %parallel_loop3A_1724 = vector.shape_cast %parallel_loop3A_1719 : vector<16xf32> to vector<1x16xf32>
        tpu.vector_store %arg15[%parallel_loop3A_1720, %parallel_loop3A_1721], %parallel_loop3A_1724 {add = true, strides = array<i32>} : memref<64x128xf32, #tpu.memory_space<vmem>>, vector<1x16xf32>,
        %parallel_loop3A_1725 = arith.index_cast %parallel_loop3A_1660 : i32 to index
        %parallel_loop3A_1726 = arith.constant 32 : index
        %parallel_loop3A_1727 = tpu.vector_load %arg16[%parallel_loop3A_1725, %parallel_loop3A_1726] {strides = array<i32>} : memref<64x128xf32, #tpu.memory_space<vmem>>, vector<1x16xf32>,
        %parallel_loop3A_1728 = vector.shape_cast %parallel_loop3A_1727 : vector<1x16xf32> to vector<16xf32>
        %parallel_loop3A_1729 = vector.shape_cast %parallel_loop3A_1719 : vector<16xf32> to vector<1x16xf32>
        tpu.vector_store %arg16[%parallel_loop3A_1725, %parallel_loop3A_1726], %parallel_loop3A_1729 {add = true, strides = array<i32>} : memref<64x128xf32, #tpu.memory_space<vmem>>, vector<1x16xf32>,
        %parallel_loop3A_1730 = arith.index_cast %parallel_loop3A_1687 : i32 to index
        %parallel_loop3A_1731 = arith.constant 48 : index
        %parallel_loop3A_1732 = tpu.vector_load %arg8[%parallel_loop3A_1730, %parallel_loop3A_1731] {strides = array<i32>} : memref<128x128xf32, #tpu.memory_space<vmem>>, vector<1x16xf32>,
        %parallel_loop3A_1733 = vector.shape_cast %parallel_loop3A_1732 : vector<1x16xf32> to vector<16xf32>
        %parallel_loop3A_1734 = arith.index_cast %parallel_loop3A_1660 : i32 to index
        %parallel_loop3A_1735 = arith.constant 48 : index
        %parallel_loop3A_1736 = tpu.vector_load %arg15[%parallel_loop3A_1734, %parallel_loop3A_1735] {strides = array<i32>} : memref<64x128xf32, #tpu.memory_space<vmem>>, vector<1x16xf32>,
        %parallel_loop3A_1737 = vector.shape_cast %parallel_loop3A_1736 : vector<1x16xf32> to vector<16xf32>
        %parallel_loop3A_1738 = vector.shape_cast %parallel_loop3A_1733 : vector<16xf32> to vector<1x16xf32>
        tpu.vector_store %arg15[%parallel_loop3A_1734, %parallel_loop3A_1735], %parallel_loop3A_1738 {add = true, strides = array<i32>} : memref<64x128xf32, #tpu.memory_space<vmem>>, vector<1x16xf32>,
        %parallel_loop3A_1739 = arith.index_cast %parallel_loop3A_1660 : i32 to index
        %parallel_loop3A_1740 = arith.constant 48 : index
        %parallel_loop3A_1741 = tpu.vector_load %arg16[%parallel_loop3A_1739, %parallel_loop3A_1740] {strides = array<i32>} : memref<64x128xf32, #tpu.memory_space<vmem>>, vector<1x16xf32>,
        %parallel_loop3A_1742 = vector.shape_cast %parallel_loop3A_1741 : vector<1x16xf32> to vector<16xf32>
        %parallel_loop3A_1743 = vector.shape_cast %parallel_loop3A_1733 : vector<16xf32> to vector<1x16xf32>
        tpu.vector_store %arg16[%parallel_loop3A_1739, %parallel_loop3A_1740], %parallel_loop3A_1743 {add = true, strides = array<i32>} : memref<64x128xf32, #tpu.memory_space<vmem>>, vector<1x16xf32>,
        %parallel_loop3A_1744 = arith.index_cast %parallel_loop3A_1687 : i32 to index
        %parallel_loop3A_1745 = arith.constant 64 : index
        %parallel_loop3A_1746 = tpu.vector_load %arg8[%parallel_loop3A_1744, %parallel_loop3A_1745] {strides = array<i32>} : memref<128x128xf32, #tpu.memory_space<vmem>>, vector<1x16xf32>,
        %parallel_loop3A_1747 = vector.shape_cast %parallel_loop3A_1746 : vector<1x16xf32> to vector<16xf32>
        %parallel_loop3A_1748 = arith.index_cast %parallel_loop3A_1660 : i32 to index
        %parallel_loop3A_1749 = arith.constant 64 : index
        %parallel_loop3A_1750 = tpu.vector_load %arg15[%parallel_loop3A_1748, %parallel_loop3A_1749] {strides = array<i32>} : memref<64x128xf32, #tpu.memory_space<vmem>>, vector<1x16xf32>,
        %parallel_loop3A_1751 = vector.shape_cast %parallel_loop3A_1750 : vector<1x16xf32> to vector<16xf32>
        %parallel_loop3A_1752 = vector.shape_cast %parallel_loop3A_1747 : vector<16xf32> to vector<1x16xf32>
        tpu.vector_store %arg15[%parallel_loop3A_1748, %parallel_loop3A_1749], %parallel_loop3A_1752 {add = true, strides = array<i32>} : memref<64x128xf32, #tpu.memory_space<vmem>>, vector<1x16xf32>,
        %parallel_loop3A_1753 = arith.index_cast %parallel_loop3A_1660 : i32 to index
        %parallel_loop3A_1754 = arith.constant 64 : index
        %parallel_loop3A_1755 = tpu.vector_load %arg16[%parallel_loop3A_1753, %parallel_loop3A_1754] {strides = array<i32>} : memref<64x128xf32, #tpu.memory_space<vmem>>, vector<1x16xf32>,
        %parallel_loop3A_1756 = vector.shape_cast %parallel_loop3A_1755 : vector<1x16xf32> to vector<16xf32>
        %parallel_loop3A_1757 = vector.shape_cast %parallel_loop3A_1747 : vector<16xf32> to vector<1x16xf32>
        tpu.vector_store %arg16[%parallel_loop3A_1753, %parallel_loop3A_1754], %parallel_loop3A_1757 {add = true, strides = array<i32>} : memref<64x128xf32, #tpu.memory_space<vmem>>, vector<1x16xf32>,
        %parallel_loop3A_1758 = arith.index_cast %parallel_loop3A_1687 : i32 to index
        %parallel_loop3A_1759 = arith.constant 80 : index
        %parallel_loop3A_1760 = tpu.vector_load %arg8[%parallel_loop3A_1758, %parallel_loop3A_1759] {strides = array<i32>} : memref<128x128xf32, #tpu.memory_space<vmem>>, vector<1x16xf32>,
        %parallel_loop3A_1761 = vector.shape_cast %parallel_loop3A_1760 : vector<1x16xf32> to vector<16xf32>
        %parallel_loop3A_1762 = arith.index_cast %parallel_loop3A_1660 : i32 to index
        %parallel_loop3A_1763 = arith.constant 80 : index
        %parallel_loop3A_1764 = tpu.vector_load %arg15[%parallel_loop3A_1762, %parallel_loop3A_1763] {strides = array<i32>} : memref<64x128xf32, #tpu.memory_space<vmem>>, vector<1x16xf32>,
        %parallel_loop3A_1765 = vector.shape_cast %parallel_loop3A_1764 : vector<1x16xf32> to vector<16xf32>
        %parallel_loop3A_1766 = vector.shape_cast %parallel_loop3A_1761 : vector<16xf32> to vector<1x16xf32>
        tpu.vector_store %arg15[%parallel_loop3A_1762, %parallel_loop3A_1763], %parallel_loop3A_1766 {add = true, strides = array<i32>} : memref<64x128xf32, #tpu.memory_space<vmem>>, vector<1x16xf32>,
        %parallel_loop3A_1767 = arith.index_cast %parallel_loop3A_1660 : i32 to index
        %parallel_loop3A_1768 = arith.constant 80 : index
        %parallel_loop3A_1769 = tpu.vector_load %arg16[%parallel_loop3A_1767, %parallel_loop3A_1768] {strides = array<i32>} : memref<64x128xf32, #tpu.memory_space<vmem>>, vector<1x16xf32>,
        %parallel_loop3A_1770 = vector.shape_cast %parallel_loop3A_1769 : vector<1x16xf32> to vector<16xf32>
        %parallel_loop3A_1771 = vector.shape_cast %parallel_loop3A_1761 : vector<16xf32> to vector<1x16xf32>
        tpu.vector_store %arg16[%parallel_loop3A_1767, %parallel_loop3A_1768], %parallel_loop3A_1771 {add = true, strides = array<i32>} : memref<64x128xf32, #tpu.memory_space<vmem>>, vector<1x16xf32>,
        %parallel_loop3A_1772 = arith.index_cast %parallel_loop3A_1687 : i32 to index
        %parallel_loop3A_1773 = arith.constant 96 : index
        %parallel_loop3A_1774 = tpu.vector_load %arg8[%parallel_loop3A_1772, %parallel_loop3A_1773] {strides = array<i32>} : memref<128x128xf32, #tpu.memory_space<vmem>>, vector<1x16xf32>,
        %parallel_loop3A_1775 = vector.shape_cast %parallel_loop3A_1774 : vector<1x16xf32> to vector<16xf32>
        %parallel_loop3A_1776 = arith.index_cast %parallel_loop3A_1660 : i32 to index
        %parallel_loop3A_1777 = arith.constant 96 : index
        %parallel_loop3A_1778 = tpu.vector_load %arg15[%parallel_loop3A_1776, %parallel_loop3A_1777] {strides = array<i32>} : memref<64x128xf32, #tpu.memory_space<vmem>>, vector<1x16xf32>,
        %parallel_loop3A_1779 = vector.shape_cast %parallel_loop3A_1778 : vector<1x16xf32> to vector<16xf32>
        %parallel_loop3A_1780 = vector.shape_cast %parallel_loop3A_1775 : vector<16xf32> to vector<1x16xf32>
        tpu.vector_store %arg15[%parallel_loop3A_1776, %parallel_loop3A_1777], %parallel_loop3A_1780 {add = true, strides = array<i32>} : memref<64x128xf32, #tpu.memory_space<vmem>>, vector<1x16xf32>,
        %parallel_loop3A_1781 = arith.index_cast %parallel_loop3A_1660 : i32 to index
        %parallel_loop3A_1782 = arith.constant 96 : index
        %parallel_loop3A_1783 = tpu.vector_load %arg16[%parallel_loop3A_1781, %parallel_loop3A_1782] {strides = array<i32>} : memref<64x128xf32, #tpu.memory_space<vmem>>, vector<1x16xf32>,
        %parallel_loop3A_1784 = vector.shape_cast %parallel_loop3A_1783 : vector<1x16xf32> to vector<16xf32>
        %parallel_loop3A_1785 = vector.shape_cast %parallel_loop3A_1775 : vector<16xf32> to vector<1x16xf32>
        tpu.vector_store %arg16[%parallel_loop3A_1781, %parallel_loop3A_1782], %parallel_loop3A_1785 {add = true, strides = array<i32>} : memref<64x128xf32, #tpu.memory_space<vmem>>, vector<1x16xf32>,
        %parallel_loop3A_1786 = arith.index_cast %parallel_loop3A_1687 : i32 to index
        %parallel_loop3A_1787 = arith.constant 112 : index
        %parallel_loop3A_1788 = tpu.vector_load %arg8[%parallel_loop3A_1786, %parallel_loop3A_1787] {strides = array<i32>} : memref<128x128xf32, #tpu.memory_space<vmem>>, vector<1x16xf32>,
        %parallel_loop3A_1789 = vector.shape_cast %parallel_loop3A_1788 : vector<1x16xf32> to vector<16xf32>
        %parallel_loop3A_1790 = arith.index_cast %parallel_loop3A_1660 : i32 to index
        %parallel_loop3A_1791 = arith.constant 112 : index
        %parallel_loop3A_1792 = tpu.vector_load %arg15[%parallel_loop3A_1790, %parallel_loop3A_1791] {strides = array<i32>} : memref<64x128xf32, #tpu.memory_space<vmem>>, vector<1x16xf32>,
        %parallel_loop3A_1793 = vector.shape_cast %parallel_loop3A_1792 : vector<1x16xf32> to vector<16xf32>
        %parallel_loop3A_1794 = vector.shape_cast %parallel_loop3A_1789 : vector<16xf32> to vector<1x16xf32>
        tpu.vector_store %arg15[%parallel_loop3A_1790, %parallel_loop3A_1791], %parallel_loop3A_1794 {add = true, strides = array<i32>} : memref<64x128xf32, #tpu.memory_space<vmem>>, vector<1x16xf32>,
        %parallel_loop3A_1795 = arith.index_cast %parallel_loop3A_1660 : i32 to index
        %parallel_loop3A_1796 = arith.constant 112 : index
        %parallel_loop3A_1797 = tpu.vector_load %arg16[%parallel_loop3A_1795, %parallel_loop3A_1796] {strides = array<i32>} : memref<64x128xf32, #tpu.memory_space<vmem>>, vector<1x16xf32>,
        %parallel_loop3A_1798 = vector.shape_cast %parallel_loop3A_1797 : vector<1x16xf32> to vector<16xf32>
        %parallel_loop3A_1799 = vector.shape_cast %parallel_loop3A_1789 : vector<16xf32> to vector<1x16xf32>
        tpu.vector_store %arg16[%parallel_loop3A_1795, %parallel_loop3A_1796], %parallel_loop3A_1799 {add = true, strides = array<i32>} : memref<64x128xf32, #tpu.memory_space<vmem>>, vector<1x16xf32>,
      } {sc.loop_unroll_factor = 4 : i64, sc.parallel_access}
      %rem3A_1518 = arith.constant 64 : i32
      %rem3A_1519 = arith.remsi %add3A_1377, %rem3A_1518 : i32
      %jit3A_1520 = arith.constant 64 : i32
      %div3A_1521 = arith.divsi %add3A_1377, %jit3A_1520 : i32
      %sign3A_1522 = arith.constant 0 : i32
      %sign3A_1523 = arith.cmpi sgt, %add3A_1377, %sign3A_1522 : i32
      %sign3A_1524 = arith.extui %sign3A_1523 : i1 to i32
      %sign3A_1525 = arith.constant 0 : i32
      %sign3A_1526 = arith.cmpi slt, %add3A_1377, %sign3A_1525 : i32
      %sign3A_1527 = arith.extui %sign3A_1526 : i1 to i32
      %sign3A_1528 = arith.subi %sign3A_1524, %sign3A_1527 : i32
      %sign3A_1529 = arith.constant 0 : i32
      %sign3A_1530 = arith.cmpi sgt, %jit3A_1520, %sign3A_1529 : i32
      %sign3A_1531 = arith.extui %sign3A_1530 : i1 to i32
      %sign3A_1532 = arith.constant 0 : i32
      %sign3A_1533 = arith.cmpi slt, %jit3A_1520, %sign3A_1532 : i32
      %sign3A_1534 = arith.extui %sign3A_1533 : i1 to i32
      %sign3A_1535 = arith.subi %sign3A_1531, %sign3A_1534 : i32
      %ne3A_1536 = arith.cmpi ne, %sign3A_1528, %sign3A_1535 : i32
      %rem3A_1537 = arith.remsi %add3A_1377, %jit3A_1520 : i32
      %ne3A_1538 = arith.constant 0 : i32
      %ne3A_1539 = arith.cmpi ne, %rem3A_1537, %ne3A_1538 : i32
      %and3A_1540 = arith.andi %ne3A_1536, %ne3A_1539 : i1
      %sub3A_1541 = arith.constant 1 : i32
      %sub3A_1542 = arith.subi %div3A_1521, %sub3A_1541 : i32
      %select_n3A_1543 = arith.select %and3A_1540, %sub3A_1542, %div3A_1521 : i32
      %jit3A_1544 = arith.constant 4 : i32
      %div3A_1545 = arith.divsi %rem3A_1519, %jit3A_1544 : i32
      %sign3A_1546 = arith.constant 0 : i32
      %sign3A_1547 = arith.cmpi sgt, %rem3A_1519, %sign3A_1546 : i32
      %sign3A_1548 = arith.extui %sign3A_1547 : i1 to i32
      %sign3A_1549 = arith.constant 0 : i32
      %sign3A_1550 = arith.cmpi slt, %rem3A_1519, %sign3A_1549 : i32
      %sign3A_1551 = arith.extui %sign3A_1550 : i1 to i32
      %sign3A_1552 = arith.subi %sign3A_1548, %sign3A_1551 : i32
      %sign3A_1553 = arith.constant 0 : i32
      %sign3A_1554 = arith.cmpi sgt, %jit3A_1544, %sign3A_1553 : i32
      %sign3A_1555 = arith.extui %sign3A_1554 : i1 to i32
      %sign3A_1556 = arith.constant 0 : i32
      %sign3A_1557 = arith.cmpi slt, %jit3A_1544, %sign3A_1556 : i32
      %sign3A_1558 = arith.extui %sign3A_1557 : i1 to i32
      %sign3A_1559 = arith.subi %sign3A_1555, %sign3A_1558 : i32
      %ne3A_1560 = arith.cmpi ne, %sign3A_1552, %sign3A_1559 : i32
      %rem3A_1561 = arith.remsi %rem3A_1519, %jit3A_1544 : i32
      %ne3A_1562 = arith.constant 0 : i32
      %ne3A_1563 = arith.cmpi ne, %rem3A_1561, %ne3A_1562 : i32
      %and3A_1564 = arith.andi %ne3A_1560, %ne3A_1563 : i1
      %sub3A_1565 = arith.constant 1 : i32
      %sub3A_1566 = arith.subi %div3A_1545, %sub3A_1565 : i32
      %select_n3A_1567 = arith.select %and3A_1564, %sub3A_1566, %div3A_1545 : i32
      %mul3A_1568 = arith.constant 8 : i32
      %mul3A_1569 = arith.muli %mul3A_1568, %select_n3A_1567 : i32
      %mul3A_1570 = arith.constant 4 : i32
      %mul3A_1571 = arith.muli %mul3A_1570, %arg0 : i32
      %add3A_1572 = arith.addi %mul3A_1569, %mul3A_1571 : i32
      %rem3A_1573 = arith.constant 4 : i32
      %rem3A_1574 = arith.remsi %rem3A_1519, %rem3A_1573 : i32
      %add3A_1575 = arith.addi %add3A_1572, %rem3A_1574 : i32
      %mul3A_1576 = arith.constant 2048 : i32
      %mul3A_1577 = arith.muli %add3A_1575, %mul3A_1576 : i32
      %mul3A_1578 = arith.constant 128 : i32
      %mul3A_1579 = arith.muli %arg1, %mul3A_1578 : i32
      %add3A_1580 = arith.addi %mul3A_1577, %mul3A_1579 : i32
      %mul3A_1581 = arith.constant 64 : i32
      %mul3A_1582 = arith.muli %select_n3A_1543, %mul3A_1581 : i32
      %add3A_1583 = arith.addi %add3A_1580, %mul3A_1582 : i32
      %dma_start3A_1584 = arith.constant 0 : i32
      %dma_start3A_1585 = tpu.memref_slice %arg5[%add3A_1583, %dma_start3A_1584] : memref<262144x128xf32, #tpu.memory_space<hbm>> -> memref<64x128xf32, #tpu.memory_space<hbm>>
      %dma_start3A_1586 = arith.constant 0 : i32
      %dma_start3A_1587 = tpu.memref_slice %arg5[%add3A_1583, %dma_start3A_1586] : memref<262144x128xf32, #tpu.memory_space<hbm>> -> memref<64x128xf32, #tpu.memory_space<hbm>>
      tpu.enqueue_dma source(%arg15 : memref<64x128xf32, #tpu.memory_space<vmem>>) target(%dma_start3A_1587 : memref<64x128xf32, #tpu.memory_space<hbm>>) target_semaphore(%arg31 : memref<!tpu.dma_semaphore, #tpu.memory_space<semaphore_mem>>)
      %add3A_1588 = arith.constant 1 : i32
      %add3A_1589 = arith.addi %add3A_1377, %add3A_1588 : i32
      %rem3A_1590 = arith.constant 64 : i32
      %rem3A_1591 = arith.remsi %add3A_1589, %rem3A_1590 : i32
      %jit3A_1592 = arith.constant 64 : i32
      %div3A_1593 = arith.divsi %add3A_1589, %jit3A_1592 : i32
      %sign3A_1594 = arith.constant 0 : i32
      %sign3A_1595 = arith.cmpi sgt, %add3A_1589, %sign3A_1594 : i32
      %sign3A_1596 = arith.extui %sign3A_1595 : i1 to i32
      %sign3A_1597 = arith.constant 0 : i32
      %sign3A_1598 = arith.cmpi slt, %add3A_1589, %sign3A_1597 : i32
      %sign3A_1599 = arith.extui %sign3A_1598 : i1 to i32
      %sign3A_1600 = arith.subi %sign3A_1596, %sign3A_1599 : i32
      %sign3A_1601 = arith.constant 0 : i32
      %sign3A_1602 = arith.cmpi sgt, %jit3A_1592, %sign3A_1601 : i32
      %sign3A_1603 = arith.extui %sign3A_1602 : i1 to i32
      %sign3A_1604 = arith.constant 0 : i32
      %sign3A_1605 = arith.cmpi slt, %jit3A_1592, %sign3A_1604 : i32
      %sign3A_1606 = arith.extui %sign3A_1605 : i1 to i32
      %sign3A_1607 = arith.subi %sign3A_1603, %sign3A_1606 : i32
      %ne3A_1608 = arith.cmpi ne, %sign3A_1600, %sign3A_1607 : i32
      %rem3A_1609 = arith.remsi %add3A_1589, %jit3A_1592 : i32
      %ne3A_1610 = arith.constant 0 : i32
      %ne3A_1611 = arith.cmpi ne, %rem3A_1609, %ne3A_1610 : i32
      %and3A_1612 = arith.andi %ne3A_1608, %ne3A_1611 : i1
      %sub3A_1613 = arith.constant 1 : i32
      %sub3A_1614 = arith.subi %div3A_1593, %sub3A_1613 : i32
      %select_n3A_1615 = arith.select %and3A_1612, %sub3A_1614, %div3A_1593 : i32
      %jit3A_1616 = arith.constant 4 : i32
      %div3A_1617 = arith.divsi %rem3A_1591, %jit3A_1616 : i32
      %sign3A_1618 = arith.constant 0 : i32
      %sign3A_1619 = arith.cmpi sgt, %rem3A_1591, %sign3A_1618 : i32
      %sign3A_1620 = arith.extui %sign3A_1619 : i1 to i32
      %sign3A_1621 = arith.constant 0 : i32
      %sign3A_1622 = arith.cmpi slt, %rem3A_1591, %sign3A_1621 : i32
      %sign3A_1623 = arith.extui %sign3A_1622 : i1 to i32
      %sign3A_1624 = arith.subi %sign3A_1620, %sign3A_1623 : i32
      %sign3A_1625 = arith.constant 0 : i32
      %sign3A_1626 = arith.cmpi sgt, %jit3A_1616, %sign3A_1625 : i32
      %sign3A_1627 = arith.extui %sign3A_1626 : i1 to i32
      %sign3A_1628 = arith.constant 0 : i32
      %sign3A_1629 = arith.cmpi slt, %jit3A_1616, %sign3A_1628 : i32
      %sign3A_1630 = arith.extui %sign3A_1629 : i1 to i32
      %sign3A_1631 = arith.subi %sign3A_1627, %sign3A_1630 : i32
      %ne3A_1632 = arith.cmpi ne, %sign3A_1624, %sign3A_1631 : i32
      %rem3A_1633 = arith.remsi %rem3A_1591, %jit3A_1616 : i32
      %ne3A_1634 = arith.constant 0 : i32
      %ne3A_1635 = arith.cmpi ne, %rem3A_1633, %ne3A_1634 : i32
      %and3A_1636 = arith.andi %ne3A_1632, %ne3A_1635 : i1
      %sub3A_1637 = arith.constant 1 : i32
      %sub3A_1638 = arith.subi %div3A_1617, %sub3A_1637 : i32
      %select_n3A_1639 = arith.select %and3A_1636, %sub3A_1638, %div3A_1617 : i32
      %mul3A_1640 = arith.constant 8 : i32
      %mul3A_1641 = arith.muli %mul3A_1640, %select_n3A_1639 : i32
      %mul3A_1642 = arith.constant 4 : i32
      %mul3A_1643 = arith.muli %mul3A_1642, %arg0 : i32
      %add3A_1644 = arith.addi %mul3A_1641, %mul3A_1643 : i32
      %rem3A_1645 = arith.constant 4 : i32
      %rem3A_1646 = arith.remsi %rem3A_1591, %rem3A_1645 : i32
      %add3A_1647 = arith.addi %add3A_1644, %rem3A_1646 : i32
      %mul3A_1648 = arith.constant 2048 : i32
      %mul3A_1649 = arith.muli %add3A_1647, %mul3A_1648 : i32
      %mul3A_1650 = arith.constant 128 : i32
      %mul3A_1651 = arith.muli %arg1, %mul3A_1650 : i32
      %add3A_1652 = arith.addi %mul3A_1649, %mul3A_1651 : i32
      %mul3A_1653 = arith.constant 64 : i32
      %mul3A_1654 = arith.muli %select_n3A_1615, %mul3A_1653 : i32
      %add3A_1655 = arith.addi %add3A_1652, %mul3A_1654 : i32
      %dma_start3A_1656 = arith.constant 0 : i32
      %dma_start3A_1657 = tpu.memref_slice %arg5[%add3A_1655, %dma_start3A_1656] : memref<262144x128xf32, #tpu.memory_space<hbm>> -> memref<64x128xf32, #tpu.memory_space<hbm>>
      %dma_start3A_1658 = arith.constant 0 : i32
      %dma_start3A_1659 = tpu.memref_slice %arg5[%add3A_1655, %dma_start3A_1658] : memref<262144x128xf32, #tpu.memory_space<hbm>> -> memref<64x128xf32, #tpu.memory_space<hbm>>
      tpu.enqueue_dma source(%arg16 : memref<64x128xf32, #tpu.memory_space<vmem>>) target(%dma_start3A_1659 : memref<64x128xf32, #tpu.memory_space<hbm>>) target_semaphore(%arg32 : memref<!tpu.dma_semaphore, #tpu.memory_space<semaphore_mem>>)
    }
    %scan3A_199 = arith.constant 16 : i32
    %dma_wait3A_200 = arith.constant 0 : i32
    %dma_wait3A_201 = arith.constant 0 : i32
    %dma_wait3A_202 = tpu.memref_slice %arg5[%dma_wait3A_200, %dma_wait3A_201] : memref<262144x128xf32, #tpu.memory_space<hbm>> -> memref<64x128xf32, #tpu.memory_space<hbm>>
    %dma_wait3A_203 = arith.constant 0 : i32
    %dma_wait3A_204 = arith.constant 0 : i32
    %dma_wait3A_205 = tpu.memref_slice %arg5[%dma_wait3A_203, %dma_wait3A_204] : memref<262144x128xf32, #tpu.memory_space<hbm>> -> memref<64x128xf32, #tpu.memory_space<hbm>>
    tpu.wait_dma2 semaphore(%arg25 : memref<!tpu.dma_semaphore, #tpu.memory_space<semaphore_mem>>) src(%arg9 : memref<64x128xf32, #tpu.memory_space<vmem>>) dst(%dma_wait3A_205 : memref<64x128xf32, #tpu.memory_space<hbm>>)
    %dma_wait3A_206 = arith.constant 0 : i32
    %dma_wait3A_207 = arith.constant 0 : i32
    %dma_wait3A_208 = tpu.memref_slice %arg5[%dma_wait3A_206, %dma_wait3A_207] : memref<262144x128xf32, #tpu.memory_space<hbm>> -> memref<64x128xf32, #tpu.memory_space<hbm>>
    %dma_wait3A_209 = arith.constant 0 : i32
    %dma_wait3A_210 = arith.constant 0 : i32
    %dma_wait3A_211 = tpu.memref_slice %arg5[%dma_wait3A_209, %dma_wait3A_210] : memref<262144x128xf32, #tpu.memory_space<hbm>> -> memref<64x128xf32, #tpu.memory_space<hbm>>
    tpu.wait_dma2 semaphore(%arg26 : memref<!tpu.dma_semaphore, #tpu.memory_space<semaphore_mem>>) src(%arg10 : memref<64x128xf32, #tpu.memory_space<vmem>>) dst(%dma_wait3A_211 : memref<64x128xf32, #tpu.memory_space<hbm>>)
    %dma_wait3A_212 = arith.constant 0 : i32
    %dma_wait3A_213 = arith.constant 0 : i32
    %dma_wait3A_214 = tpu.memref_slice %arg5[%dma_wait3A_212, %dma_wait3A_213] : memref<262144x128xf32, #tpu.memory_space<hbm>> -> memref<64x128xf32, #tpu.memory_space<hbm>>
    %dma_wait3A_215 = arith.constant 0 : i32
    %dma_wait3A_216 = arith.constant 0 : i32
    %dma_wait3A_217 = tpu.memref_slice %arg5[%dma_wait3A_215, %dma_wait3A_216] : memref<262144x128xf32, #tpu.memory_space<hbm>> -> memref<64x128xf32, #tpu.memory_space<hbm>>
    tpu.wait_dma2 semaphore(%arg27 : memref<!tpu.dma_semaphore, #tpu.memory_space<semaphore_mem>>) src(%arg11 : memref<64x128xf32, #tpu.memory_space<vmem>>) dst(%dma_wait3A_217 : memref<64x128xf32, #tpu.memory_space<hbm>>)
    %dma_wait3A_218 = arith.constant 0 : i32
    %dma_wait3A_219 = arith.constant 0 : i32
    %dma_wait3A_220 = tpu.memref_slice %arg5[%dma_wait3A_218, %dma_wait3A_219] : memref<262144x128xf32, #tpu.memory_space<hbm>> -> memref<64x128xf32, #tpu.memory_space<hbm>>
    %dma_wait3A_221 = arith.constant 0 : i32
    %dma_wait3A_222 = arith.constant 0 : i32
    %dma_wait3A_223 = tpu.memref_slice %arg5[%dma_wait3A_221, %dma_wait3A_222] : memref<262144x128xf32, #tpu.memory_space<hbm>> -> memref<64x128xf32, #tpu.memory_space<hbm>>
    tpu.wait_dma2 semaphore(%arg28 : memref<!tpu.dma_semaphore, #tpu.memory_space<semaphore_mem>>) src(%arg12 : memref<64x128xf32, #tpu.memory_space<vmem>>) dst(%dma_wait3A_223 : memref<64x128xf32, #tpu.memory_space<hbm>>)
    %dma_wait3A_224 = arith.constant 0 : i32
    %dma_wait3A_225 = arith.constant 0 : i32
    %dma_wait3A_226 = tpu.memref_slice %arg5[%dma_wait3A_224, %dma_wait3A_225] : memref<262144x128xf32, #tpu.memory_space<hbm>> -> memref<64x128xf32, #tpu.memory_space<hbm>>
    %dma_wait3A_227 = arith.constant 0 : i32
    %dma_wait3A_228 = arith.constant 0 : i32
    %dma_wait3A_229 = tpu.memref_slice %arg5[%dma_wait3A_227, %dma_wait3A_228] : memref<262144x128xf32, #tpu.memory_space<hbm>> -> memref<64x128xf32, #tpu.memory_space<hbm>>
    tpu.wait_dma2 semaphore(%arg29 : memref<!tpu.dma_semaphore, #tpu.memory_space<semaphore_mem>>) src(%arg13 : memref<64x128xf32, #tpu.memory_space<vmem>>) dst(%dma_wait3A_229 : memref<64x128xf32, #tpu.memory_space<hbm>>)
    %dma_wait3A_230 = arith.constant 0 : i32
    %dma_wait3A_231 = arith.constant 0 : i32
    %dma_wait3A_232 = tpu.memref_slice %arg5[%dma_wait3A_230, %dma_wait3A_231] : memref<262144x128xf32, #tpu.memory_space<hbm>> -> memref<64x128xf32, #tpu.memory_space<hbm>>
    %dma_wait3A_233 = arith.constant 0 : i32
    %dma_wait3A_234 = arith.constant 0 : i32
    %dma_wait3A_235 = tpu.memref_slice %arg5[%dma_wait3A_233, %dma_wait3A_234] : memref<262144x128xf32, #tpu.memory_space<hbm>> -> memref<64x128xf32, #tpu.memory_space<hbm>>
    tpu.wait_dma2 semaphore(%arg30 : memref<!tpu.dma_semaphore, #tpu.memory_space<semaphore_mem>>) src(%arg14 : memref<64x128xf32, #tpu.memory_space<vmem>>) dst(%dma_wait3A_235 : memref<64x128xf32, #tpu.memory_space<hbm>>)
    %dma_wait3A_236 = arith.constant 0 : i32
    %dma_wait3A_237 = arith.constant 0 : i32
    %dma_wait3A_238 = tpu.memref_slice %arg5[%dma_wait3A_236, %dma_wait3A_237] : memref<262144x128xf32, #tpu.memory_space<hbm>> -> memref<64x128xf32, #tpu.memory_space<hbm>>
    %dma_wait3A_239 = arith.constant 0 : i32
    %dma_wait3A_240 = arith.constant 0 : i32
    %dma_wait3A_241 = tpu.memref_slice %arg5[%dma_wait3A_239, %dma_wait3A_240] : memref<262144x128xf32, #tpu.memory_space<hbm>> -> memref<64x128xf32, #tpu.memory_space<hbm>>
    tpu.wait_dma2 semaphore(%arg31 : memref<!tpu.dma_semaphore, #tpu.memory_space<semaphore_mem>>) src(%arg15 : memref<64x128xf32, #tpu.memory_space<vmem>>) dst(%dma_wait3A_241 : memref<64x128xf32, #tpu.memory_space<hbm>>)
    %dma_wait3A_242 = arith.constant 0 : i32
    %dma_wait3A_243 = arith.constant 0 : i32
    %dma_wait3A_244 = tpu.memref_slice %arg5[%dma_wait3A_242, %dma_wait3A_243] : memref<262144x128xf32, #tpu.memory_space<hbm>> -> memref<64x128xf32, #tpu.memory_space<hbm>>
    %dma_wait3A_245 = arith.constant 0 : i32
    %dma_wait3A_246 = arith.constant 0 : i32
    %dma_wait3A_247 = tpu.memref_slice %arg5[%dma_wait3A_245, %dma_wait3A_246] : memref<262144x128xf32, #tpu.memory_space<hbm>> -> memref<64x128xf32, #tpu.memory_space<hbm>>
    tpu.wait_dma2 semaphore(%arg32 : memref<!tpu.dma_semaphore, #tpu.memory_space<semaphore_mem>>) src(%arg16 : memref<64x128xf32, #tpu.memory_space<vmem>>) dst(%dma_wait3A_247 : memref<64x128xf32, #tpu.memory_space<hbm>>)
    return
  }
}

</mosaic_0001>

<sc_bundles>
// kernel: kernel.3.cloned.1.call-start
scs
__scs_entry_jumppad:
0x0: {  	(pc) =	sbr.rel $0x88, $3  }
0x1: {  	(tag) =	ssettag $0x0;
	lr =	simm.s32 $0x1  }
0x2: {  	[smem:$0x3F9E] =	sst lr;
	_ =	strace $0xD0000000  }
0x3: {  	_ = 	snop  }
0x4: {  	_ = 	snop  }
0x5: {  	_ = 	snop  }
0x6: {  	_ = 	snop  }
0x7: {  	_ = 	snop  }
__scs_overlays_trampoline_lowered:
0x8: {  	[smem:$0x3FAD] =	sst s0  }
0x9: {  	[smem:$0x3FAE] =	sst s1  }
0xa: {  	[smem:$0x3FAF] =	sst s2  }
0xb: {  	[smem:$0x3FB0] =	sst s3  }
0xc: {  	[smem:$0x3FB1] =	sst s4  }
0xd: {  	[smem:$0x3FB2] =	sst s5  }
0xe: {  	[smem:$0x3FB3] =	sst s6  }
0xf: {  	[smem:$0x3FB4] =	sst s7  }
0x10: {  	[smem:$0x3FB5] =	sst s8  }
0x11: {  	[smem:$0x3FB6] =	sst s9;
	s0 =	simm.s32 @!p0 $0x0  }
0x12: {  	s1 =	sld [smem:$0x3F9C];
	s0 =	simm.s32 @p0 $0x1  }
0x13: {  	[smem:$0x3FB7] =	sst s0;
	s0 =	simm.s32 @!p1 $0x0  }
0x14: {  	s2 =	sld [smem:$0x3F9B];
	s0 =	simm.s32 @p1 $0x1  }
0x15: {  	[smem:$0x3FB8] =	sst s0;
	s0 =	simm.s32 @!p2 $0x0  }
0x16: {  	s3 =	sld [smem:$0x3FDB];
	s0 =	simm.s32 @p2 $0x1  }
0x17: {  	s4 =	simm.s32 $0x1BF5;
	[smem:$0x3FBA] =	sst s0  }
0x18: {  	s0 =	sld [smem:$0x3F9D];
	_ =	swait.ge [sflag:s4], $0x0  }
0x19: {  	s7 =	sld [smem:$0x3F9E]  }
0x1a: {  	s8 =	sadd.s32 $0xFFFFE003, lr  }
0x1b: {  	s9 =	sadd.s32 $0xFFFFFEF7, lr;
	s5 =	simm.s32 $0xFFFFFFFF;
	p2 =	slt.u32 s8, $0xFFFFF086  }
0x1c: {  	p1 =	slt.u32 s9, $0xF7A;
	s5 =	simm.s32 @!p2 $0x0  }
0x1d: {  	s5 =	simm.s32 @p1 $0x1;
	p0 =	seq.s32 s7, s2  }
0x1e: {  	s7 =	smul.u32 @!p0 $0xF7A, s2;
	p2 =	seq.s32 @!p0 s5, $0x0  }
0x1f: {  	s9 =	smul.u32 $0xF7A, s1;
	s8 =	simm.s32 @!p0 $0x1BF5;
	p2 =	por !p2, p0  }
0x20: {  	[sflag:s8] =	ssyncset.s32 @!p0 $0xFFFFF086;
	s6 =	sadd.s32 @!p0 s3, s7;
	s7 =	simm.s32 @!p0 $0x108  }
0x21: {  	s3 =	sadd.s32 s3, s9;
	s6 =	sadd.s32 @!p0 $0x88, s6;
	s7 =	simm.s32 @p2 $0x1082  }
0x22: {  	[simem:s7], [sflag:s8] =	dma.local @!p0 [hbm:s6], $0xF7A  }
0x23: {  	s9 =	sor.u32 $0xD0000000, s2;
	s6 =	simm.s32 $0x108;
	_ =	swait.ge @!p0 [sflag:s8], $0x0  }
0x24: {  	s3 =	sadd.s32 $0x88, s3;
	s6 =	simm.s32 @!p1 $0x1082;
	[sflag:s4] =	ssyncset.s32 $0xFFFFF086  }
0x25: {  	[simem:s6], [sflag:s4] =	dma.local [hbm:s3], $0xF7A  }
0x26: {  	[smem:$0x3F9E] =	sst s1;
	(tag) =	ssettag s2;
	_ =	strace s9  }
0x27: {  	s1 =	sld [smem:$0x3FAE]  }
0x28: {  	s2 =	sld [smem:$0x3FAF]  }
0x29: {  	s4 =	sld [smem:$0x3FB1]  }
0x2a: {  	p0 =	seq.s32 s5, $0x0;
	s5 =	sld [smem:$0x3FB2]  }
0x2b: {  	s6 =	sld [smem:$0x3FB3]  }
0x2c: {  	s7 =	sld [smem:$0x3FB4]  }
0x2d: {  	s3 =	simm.s32 $0x108;
	s8 =	sld [smem:$0x3FB5]  }
0x2e: {  	s3 =	simm.s32 @!p0 $0x1082;
	s9 =	sld [smem:$0x3FB6]  }
0x2f: {  	lr =	sadd.s32 s0, s3;
	s0 =	sld [smem:$0x3FAD]  }
0x30: {  	s3 =	sld [smem:$0x3FB0]  }
0x31: {  	[smem:$0x3FB9] =	sst s10  }
0x32: {  	s10 =	sld [smem:$0x3FB7];
	_ =	sdelay $0x3  }
0x33: {  	p0 =	seq.s32 s10, $0x1;
	s10 =	sld [smem:$0x3FB9];
	_ =	sdelay $0x3  }
0x34: {  	[smem:$0x3FB9] =	sst s10  }
0x35: {  	s10 =	sld [smem:$0x3FB8];
	_ =	sdelay $0x3  }
0x36: {  	p1 =	seq.s32 s10, $0x1;
	s10 =	sld [smem:$0x3FB9];
	_ =	sdelay $0x3  }
0x37: {  	[smem:$0x3FB9] =	sst s10  }
0x38: {  	s10 =	sld [smem:$0x3FBA]  }
0x39: {  	_ = 	snop;
	(pc) =	sbr.ind lr, $3  }
0x3a: {  	_ = 	snop  }
0x3b: {  	_ = 	snop  }
0x3c: {  	p2 =	seq.s32 s10, $0x1;
	s10 =	sld [smem:$0x3FB9]  }
0x3d: {  	_ =	shalt  }
0x3e: {  	_ =	shalt  }
0x3f: {  	_ =	shalt  }
0x40: {  	_ =	shalt  }
0x41: {  	_ =	shalt  }
0x42: {  	_ =	shalt  }
0x43: {  	_ =	shalt  }
0x44: {  	_ =	shalt  }
0x45: {  	_ =	shalt  }
0x46: {  	_ =	shalt  }
0x47: {  	_ =	shalt  }
0x48: {  	_ =	shalt  }
0x49: {  	_ =	shalt  }
0x4a: {  	_ =	shalt  }
0x4b: {  	_ =	shalt  }
0x4c: {  	_ =	shalt  }
0x4d: {  	_ =	shalt  }
0x4e: {  	_ =	shalt  }
0x4f: {  	_ =	shalt  }
0x50: {  	_ =	shalt  }
0x51: {  	_ =	shalt  }
0x52: {  	_ =	shalt  }
0x53: {  	_ =	shalt  }
0x54: {  	_ =	shalt  }
0x55: {  	_ =	shalt  }
0x56: {  	_ =	shalt  }
0x57: {  	_ =	shalt  }
0x58: {  	_ =	shalt  }
0x59: {  	_ =	shalt  }
0x5a: {  	_ =	shalt  }
0x5b: {  	_ =	shalt  }
0x5c: {  	_ =	shalt  }
0x5d: {  	_ =	shalt  }
0x5e: {  	_ =	shalt  }
0x5f: {  	_ =	shalt  }
0x60: {  	_ =	shalt  }
0x61: {  	_ =	shalt  }
0x62: {  	_ =	shalt  }
0x63: {  	_ =	shalt  }
0x64: {  	_ =	shalt  }
0x65: {  	_ =	shalt  }
0x66: {  	_ =	shalt  }
0x67: {  	_ =	shalt  }
0x68: {  	_ =	shalt  }
0x69: {  	_ =	shalt  }
0x6a: {  	_ =	shalt  }
0x6b: {  	_ =	shalt  }
0x6c: {  	_ =	shalt  }
0x6d: {  	_ =	shalt  }
0x6e: {  	_ =	shalt  }
0x6f: {  	_ =	shalt  }
0x70: {  	_ =	shalt  }
0x71: {  	_ =	shalt  }
0x72: {  	_ =	shalt  }
0x73: {  	_ =	shalt  }
0x74: {  	_ =	shalt  }
0x75: {  	_ =	shalt  }
0x76: {  	_ =	shalt  }
0x77: {  	_ =	shalt  }
0x78: {  	_ =	shalt  }
0x79: {  	_ =	shalt  }
0x7a: {  	_ =	shalt  }
0x7b: {  	_ =	shalt  }
0x7c: {  	_ =	shalt  }
0x7d: {  	_ =	shalt  }
0x7e: {  	_ =	shalt  }
0x7f: {  	_ =	shalt  }
0x80: {  	_ =	shalt  }
0x81: {  	_ =	shalt  }
0x82: {  	_ =	shalt  }
0x83: {  	_ =	shalt  }
0x84: {  	_ =	shalt  }
0x85: {  	_ =	shalt  }
0x86: {  	_ =	shalt  }
0x87: {  	_ =	shalt  }
.Lfunc_end0:
.L_simem_size_0:
called_computation_lowered:
.L_overlay_start_0:
0x88: {  	s2 =	sld [smem:$0x3FD9]  }
0x89: {  	s3 =	sld [smem:$0x3FFE];
	_ =	sdelay $0x1  }
0x8a: {  	s1 =	srdreg.scid  }
0x8b: {  	s0 =	sand.u32 $0x1, s1  }
0x8c: {  	s18 =	sshll.u32 s0, $0xA;
	s2 =	sadd.s32 s3, s2  }
0x8d: {  	s2 =	sadd.s32 s2, s18  }
0x8e: {  	[smem:$0x3FC5] =	sst s2  }
0x8f: {  	_ = 	snop  }
0x90: {  	s2 =	sld [smem:$0x3FC9]  }
0x91: {  	s19 =	sld [smem:$0x3FC8]  }
0x92: {  	s4 =	sld [smem:$0x3FC7]  }
0x93: {  	s5 =	sld [smem:$0x3FD0];
	(tm) =	ssettm $0x1  }
0x94: {  	s6 =	sld [smem:$0x3FFB];
	_ =	sdelay $0x3  }
0x95: {  	_ =	strace s6  }
0x96: {  	s6 =	sld [smem:$0x3FFC];
	_ =	sdelay $0x3  }
0x97: {  	_ =	strace s6  }
0x98: {  	s6 =	sld [smem:$0x3FFD];
	_ =	sdelay $0x3  }
0x99: {  	_ =	strace s6  }
0x9a: {  	_ =	strace $0x8FFFFFFF  }
0x9b: {  	s20 =	sld [smem:$0x3FDB];
	_ =	sdelay $0x1  }
0x9c: {  	s7 =	simm.s32 $_scs_section_size  }
0x9d: {  	s8 =	simm.s32 $_size__tile_overlayer_lowered;
	s9 =	simm.s32 $_tile_overlayer_lowered  }
0x9e: {  	s23 =	simm.s32 $0x1BFF;
	s22 =	sshll.u32 s9, $0x1;
	s6 =	sadd.s32 s7, s20  }
0x9f: {  	s10 =	simm.s32 $0x0;
	s21 =	sshll.u32 s8, $0x1;
	s8 =	sadd.s32 s22, s6  }
0xa0: {  	[timem:s10], [sflag:s23] =	dma.local [hbm:s8], s21  }
0xa1: {  	_ =	swait.ge [sflag:s23], s21  }
0xa2: {  	s7 =	ssub.s32 $0x0, s21;
	[sflag:s23] =	ssyncset.done $0x0  }
0xa3: {  	[sflag:s23] =	ssyncadd.s32 s7;
	_ =	sdelay $0x1  }
0xa4: {  	s24 =	simm.s32 $0x1B8B  }
0xa5: {  	_ =	swait.ge [sflag:s24], $0x1  }
0xa6: {  	[sflag:s24] =	ssyncset.done $0x0  }
0xa7: {  	s25 =	simm.s32 $0x1B8E;
	[sflag:s24] =	ssyncadd.s32 $0xFFFFFFFF  }
0xa8: {  	s26 =	simm.s32 $execute0_lowered;
	[smem:$0x3FD2] =	sst s25  }
0xa9: {  	s7 =	sshll.u32 s26, $0x1;
	_ =	strace $0x80000046;
	[dreg:$0x1] =	wrdreg $0xFFFFFFFF  }
0xaa: {  	s28 =	simm.s32 $_size_execute0_lowered;
	s6 =	sadd.s32 s6, s7;
	[dreg:$0x0] =	wrdreg $0x0  }
0xab: {  	s7 =	sshll.u32 s28, $0x1;
	[dreg:$0x2] =	wrdreg s6  }
0xac: {  	[dreg:$0x3] =	wrdreg s7  }
0xad: {  	[dreg:$0x4] =	wrdreg $0xC0  }
0xae: {  	_ =	task [dreg:s10], $0x5FFFF  }
0xaf: {  	[dreg:$0x1] =	wrdreg $0xFFFFFFFF  }
0xb0: {  	[dreg:$0x0] =	wrdreg $0x60  }
0xb1: {  	[dreg:$0x2] =	wrdreg s19  }
0xb2: {  	[dreg:$0x3] =	wrdreg s2  }
0xb3: {  	[dreg:$0x4] =	wrdreg s4  }
0xb4: {  	[dreg:$0x5] =	wrdreg s5  }
0xb5: {  	[dreg:$0x6] =	wrdreg $0x0  }
0xb6: {  	[dreg:$0x7] =	wrdreg $0x9  }
0xb7: {  	_ =	task.clear_ibuf [dreg:s10], $0x8FFFF;
	_ =	strace $0x90000046  }
0xb8: {  	s29 =	simm.s32 $0x9;
	_ =	strace $0x80000048  }
0xb9: {  	_ =	swait.ge [sflag:s29], $0x1  }
0xba: {  	[sflag:s29] =	ssyncadd.s32 $0xFFFFFFFF  }
0xbb: {  	_ =	strace $0x90000048  }
0xbc: {  	_ =	sfence  }
0xbd: {  	s30 =	sld [smem:$0x0];
	_ =	sdelay $0x2  }
0xbe: {  	s31 =	sshll.u32 s1, $0xD;
	s1 =	sshrl.u32 s1, $0x2  }
0xbf: {  	s3 =	sand.u32 $0x4000, s31;
	s1 =	sadd.s32 s1, s30  }
0xc0: {  	s0 =	sor.u32 s3, s0;
	s1 =	sshll.u32 s1, $0x11  }
0xc1: {  	s0 =	sor.u32 s1, s0  }
0xc2: {  	s0 =	sadd.s32 $0x8F2B, s0  }
0xc3: {  	[sflag:s0] =	ssyncadd.remote.s32 $0x1  }
0xc4: {  	_ =	sfence.sel $0xFFFF  }
0xc5: {  	[dreg:$0x0] =	wrdreg $0xFFFFFFFF;
	(pc) =	sbr.abs _section_cstart, $3  }
0xc6: {  	[dreg:$0x1] =	wrdreg $0xFFFFFFFF  }
0xc7: {  	_ =	task.clear_ibuf [dreg:s10], $0x2FFFF;
	_ =	strace $0x9FFFFFFF  }
0xc8: {  	(tm) =	ssettm $0x7FFFFFFF  }
0xc9: {  	_ =	shalt  }
tec
execute0_lowered:
.L_overlay_start_1:
0x0: {  	(tag) =	ssettag $0x1  }
0x1: {  	s0 =	rddreg [dreg:$0x0]  }
0x2: {  	s4 =	rddreg [dreg:$0x1]  }
0x3: {  	s6 =	rddreg [dreg:$0x2]  }
0x4: {  	s1 =	rddreg [dreg:$0x3]  }
0x5: {  	s3 =	srdreg.scid;
	s2 =	rddreg [dreg:$0x4]  }
0x6: {  	s11 =	stileid.u32;
	s18 =	simm.s32 $0x9;
	s30 =	simm.s32 $0x18000  }
0x7: {  	s19 =	simm.s32 $0x1A000;
	s20 =	simm.s32 $0x3;
	s13 =	simm.s32 $0x7  }
0x8: {  	s14 =	simm.s32 $0x8;
	s16 =	simm.s32 $0x0;
	s7 =	sand.u32 $0x1, s3  }
0x9: {  	s3 =	simm.s32 $0x0;
	s10 =	sshll.u32 s11, $0xC;
	s21 =	sshll.u32 s11, $0xF  }
0xa: {  	s22 =	sshll.u32 s11, $0x6;
	s23 =	sshll.u32 s11, $0xB;
	s5 =	ssub.s32 $0x2, s7  }
0xb: {  	[smem:$0x7FF] =	sst s3;
	s9 =	sshll.u32 s7, $0x10;
	s0 =	sadd.s32 s0, s10  }
0xc: {  	s24 =	sshll.u32 s7, $0x9;
	s6 =	sadd.s32 s6, s23;
	s28 =	sshll.u32 s7, $0xD  }
0xd: {  	s10 =	simm.s32 $0x6;
	_ =	strace $0x80000047;
	[dreg:$0x9] =	wrdreg s23  }
0xe: {  	s8 =	sshrl.u32 s5, $0x1;
	s0 =	sadd.s32 s9, s0;
	[dreg:$0xa] =	wrdreg s6  }
0xf: {  	s12 =	sor.u32 $0x8000, s24;
	s25 =	sor.u32 $0x8080, s24;
	[dreg:$0xe] =	wrdreg s28  }
0x10: {  	s26 =	sor.u32 $0x8100, s24;
	s6 =	simm.s32 $0x1C000;
	[dreg:$0x7] =	wrdreg s0  }
0x11: {  	s8 =	ssub.s32 s5, s8;
	s5 =	sshll.u32 s11, $0x7;
	[dreg:$0xb] =	wrdreg s25  }
0x12: {  	s0 =	sor.u32 $0x1C0A, s22;
	s11 =	sshll.u32 s7, $0x2;
	[dreg:$0xc] =	wrdreg s26  }
0x13: {  	s25 =	simm.s32 $0xB;
	s26 =	simm.s32 $0x40;
	s22 =	simm.s32 $0x4  }
0x14: {  	s7 =	simm.s32 $0x1E000;
	s4 =	sadd.s32 s4, s5;
	[dreg:$0x8] =	wrdreg s0  }
0x15: {  	s0 =	sor.u32 $0x8180, s24;
	s29 =	smax.u32 s8, $0x1;
	[dreg:$0x6] =	wrdreg s4  }
0x16: {  	s24 =	simm.s32 $0xA;
	s4 =	sadd.s32 s21, s2;
	[dreg:$0xd] =	wrdreg s0  }
0x17: {  	s8 =	simm.s32 $0x5;
	[dreg:$0xf] =	wrdreg s29;
	s31 =	sshrl.u32 s4, $0x3  }
0x18: {  	s0 =	simm.s32 $0x1;
	s4 =	simm.s32 $0x2;
	[dreg:$0x10] =	wrdreg s31  }
.LBB2_1:
0x19: {  	[dreg:$0x11] =	wrdreg s16  }
0x1a: {  	s9 =	rddreg [dreg:$0x6];
	s15 =	simm.s32 $0x400  }
0x1b: {  	s31 =	simm.s32 $0x4000;
	s17 =	simm.s32 $0x8000;
	s16 =	rddreg [dreg:$0x8]  }
0x1c: {  	[tilespmem:s17], [sflag:$0x9] =	stream.strided.gather [hbm4b:s9+s15], $0x4000, s31, s15, $0x38;
	v63 =	vld [tilespmem:$0x0]  }
0x1d: {  	s15 =	rddreg [dreg:$0x7]  }
0x1e: {  	s17 =	rddreg [dreg:$0x10]  }
0x1f: {  	[spmem:s17], [sflag:s16] =	dma.local [hbm:s15], $0x1000  }
0x20: {  	s21 =	simm.s32 $0xC000;
	s23 =	sand.u32 $0x78, s3;
	s9 =	rddreg [dreg:$0xa]  }
0x21: {  	[tilespmem:s21], [sflag:$0xB] =	stream.linear.gather [hbm4b:s9+s3], $0x4000, $0x38;
	v63 =	vld [tilespmem:$0x0]  }
0x22: {  	s28 =	sand.u32 $0x3, s3;
	s9 =	sor.u32 s11, s23;
	_ =	swait.ge [sflag:s18], $0x4000  }
0x23: {  	s9 =	sor.u32 s28, s9;
	[sflag:s18] =	ssyncset.done $0x0  }
0x24: {  	s9 =	sshll.u32 s9, $0x7;
	[sflag:s18] =	ssyncadd.s32 $0xFFFFC000  }
0x25: {  	v0 =	vld [tilespmem:s9+$0x8000]  }
0x26: {  	v1 =	vld [tilespmem:s9+$0x8010]  }
0x27: {  	v2 =	vld [tilespmem:s9+$0x8020]  }
0x28: {  	s29 =	simm.s32 $0x2;
	v5 =	vld [tilespmem:s9+$0x8030]  }
0x29: {  	s31 =	simm.s32 $0x1;
	s16 =	sshll.u32 s28, $0xA;
	s15 =	sand.u32 $0x78, s29;
	v6 =	vld [tilespmem:s9+$0x8040]  }
0x2a: {  	s17 =	sand.u32 $0x3, s31;
	s15 =	sor.u32 s11, s15;
	v7 =	vld [tilespmem:s9+$0x8050];
	v0 =	vadd.s32 s16, v0  }
0x2b: {  	s15 =	sor.u32 s17, s15;
	v8 =	vld [tilespmem:s9+$0x8060];
	[tilespmem:s9+$0x8000] =	vst v0;
	v0 =	vadd.s32 s16, v1  }
0x2c: {  	s15 =	sshll.u32 s15, $0x7;
	v4 =	vld [tilespmem:s9+$0x8070];
	[tilespmem:s9+$0x8010] =	vst v0;
	v0 =	vadd.s32 s16, v2  }
0x2d: {  	v3 =	vld [tilespmem:s15+$0x8000];
	[tilespmem:s9+$0x8020] =	vst v0;
	v0 =	vadd.s32 s16, v5  }
0x2e: {  	v2 =	vld [tilespmem:s15+$0x8010];
	[tilespmem:s9+$0x8030] =	vst v0;
	v0 =	vadd.s32 s16, v6  }
0x2f: {  	v5 =	vadd.s32 s16, v7;
	v1 =	vld [tilespmem:s15+$0x8020];
	[tilespmem:s9+$0x8040] =	vst v0  }
0x30: {  	s21 =	simm.s32 $0x2;
	s18 =	simm.s32 $0x4;
	v0 =	vld [tilespmem:s15+$0x8030];
	[tilespmem:s9+$0x8050] =	vst v5;
	v5 =	vadd.s32 s16, v8  }
.LBB2_2:
0x31: {  	s23 =	sand.u32 $0x78, s18;
	p0 =	sne.s32 s21, $0x3F;
	v6 =	vld [tilespmem:s15+$0x8040];
	[tilespmem:s9+$0x8060] =	vst v5;
	v4 =	vadd.s32 s16, v4;
	s16 =	sshll.u32 s17, $0xA  }
0x32: {  	s17 =	sand.u32 $0x3, s21;
	s23 =	sor.u32 s11, s23;
	v3 =	vadd.s32 s16, v3;
	v5 =	vld [tilespmem:s15+$0x8050];
	[tilespmem:s9+$0x8070] =	vst v4;
	s9 =	smov.u32 s15  }
0x33: {  	s15 =	sor.u32 s17, s23;
	[tilespmem:s9+$0x8000] =	vst v3;
	v2 =	vadd.s32 s16, v2;
	v7 =	vld [tilespmem:s9+$0x8060]  }
.Ltmp0:
0x34: {  	s15 =	sshll.u32 s15, $0x7;
	[tilespmem:s9+$0x8010] =	vst v2;
	v1 =	vadd.s32 s16, v1;
	v4 =	vld [tilespmem:s9+$0x8070];
	(pc) =	sbr.rel @p0 .LBB2_2-.Ltmp0, $4  }
0x35: {  	v3 =	vld [tilespmem:s15+$0x8000];
	[tilespmem:s9+$0x8020] =	vst v1;
	v0 =	vadd.s32 s16, v0  }
0x36: {  	v2 =	vld [tilespmem:s15+$0x8010];
	[tilespmem:s9+$0x8030] =	vst v0;
	v0 =	vadd.s32 s16, v6  }
0x37: {  	v1 =	vld [tilespmem:s15+$0x8020];
	[tilespmem:s9+$0x8040] =	vst v0;
	v5 =	vadd.s32 s16, v5  }
0x38: {  	s18 =	sadd.s32 $0x2, s18;
	s21 =	sadd.s32 $0x1, s21;
	v0 =	vld [tilespmem:s15+$0x8030];
	[tilespmem:s9+$0x8050] =	vst v5;
	v5 =	vadd.s32 s16, v7  }
0x39: {  	v6 =	vld [tilespmem:s15+$0x8040];
	[tilespmem:s9+$0x8060] =	vst v5;
	s17 =	sshll.u32 s17, $0xA;
	v4 =	vadd.s32 s16, v4  }
0x3a: {  	v5 =	vld [tilespmem:s15+$0x8050];
	v3 =	vadd.s32 s17, v3;
	[tilespmem:s9+$0x8070] =	vst v4  }
0x3b: {  	[tilespmem:s15+$0x8000] =	vst v3;
	v2 =	vadd.s32 s17, v2;
	v57 =	vld [tilespmem:s15+$0x8060]  }
0x3c: {  	v58 =	vld [tilespmem:s15+$0x8070];
	[tilespmem:s15+$0x8010] =	vst v2;
	v1 =	vadd.s32 s17, v1  }
0x3d: {  	[tilespmem:s15+$0x8020] =	vst v1;
	v0 =	vadd.s32 s17, v0  }
0x3e: {  	[tilespmem:s15+$0x8030] =	vst v0;
	v59 =	vadd.s32 s17, v6  }
0x3f: {  	[tilespmem:s15+$0x8040] =	vst v59;
	v60 =	vadd.s32 s17, v5  }
0x40: {  	[tilespmem:s15+$0x8050] =	vst v60;
	v61 =	vadd.s32 s17, v57  }
0x41: {  	v62 =	vadd.s32 s17, v58;
	[tilespmem:s15+$0x8060] =	vst v61  }
0x42: {  	[tilespmem:s15+$0x8070] =	vst v62  }
0x43: {  	_ =	swait.ge [sflag:s24], $0x1000  }
0x44: {  	[sflag:s24] =	ssyncset.done $0x0  }
0x45: {  	[sflag:s24] =	ssyncadd.s32 $0xFFFFF000  }
0x46: {  	_ =	swait.ge [sflag:s25], $0x4000  }
0x47: {  	[sflag:s25] =	ssyncset.done $0x0  }
0x48: {  	[sflag:s25] =	ssyncadd.s32 $0xFFFFC000  }
0x49: {  	s21 =	simm.s32 $0x10000;
	[bflag:$0x0] =	sbarrier.arrive $0xFFFF  }
0x4a: {  	[tilespmem:s21], [sflag:$0x1] =	stream.indirect.gather [spmem:s2], $0x80, s12, s26, $0xb8;
	v63 =	vld [tilespmem:$0x0]  }
0x4b: {  	s24 =	simm.s32 $0x12000;
	s23 =	rddreg [dreg:$0xb]  }
0x4c: {  	[tilespmem:s24], [sflag:$0x2] =	stream.indirect.gather [spmem:s2], $0x80, s23, s26, $0xb8;
	v63 =	vld [tilespmem:$0x0]  }
0x4d: {  	s28 =	simm.s32 $0x14000;
	s31 =	simm.s32 $0x16000;
	s25 =	rddreg [dreg:$0xc]  }
0x4e: {  	[tilespmem:s28], [sflag:$0x3] =	stream.indirect.gather [spmem:s2], $0x80, s25, s26, $0xb8;
	v63 =	vld [tilespmem:$0x0]  }
0x4f: {  	s17 =	simm.s32 $0x0;
	s15 =	simm.s32 $0x0;
	s29 =	rddreg [dreg:$0xd]  }
0x50: {  	[tilespmem:s31], [sflag:$0x4] =	stream.indirect.gather [spmem:s2], $0x80, s29, s26, $0xb8;
	v63 =	vld [tilespmem:$0x0]  }
.LBB2_4:
0x51: {  	_ =	swait.ge [sflag:s0], $0x2000  }
0x52: {  	[sflag:s0] =	ssyncset.done $0x0  }
0x53: {  	[sflag:s0] =	ssyncadd.s32 $0xFFFFE000  }
0x54: {  	p0 =	seq.s32 s17, $0x0;
	s16 =	sshll.u32 s17, $0x4;
	_ =	swait.ge [sflag:s4], $0x2000  }
0x55: {  	s24 =	sshll.u32 s17, $0x3;
	s18 =	sshll.u32 s15, $0x7;
	[sflag:s4] =	ssyncset.done $0x0  }
0x56: {  	s9 =	simm.s32 @!p0 $0xD;
	s16 =	sand.u32 $0x70, s16;
	[sflag:s4] =	ssyncadd.s32 $0xFFFFE000  }
0x57: {  	s23 =	sand.u32 $0x40, s24;
	s18 =	sand.u32 $0x3FFFE000, s18;
	_ =	swait.ge @!p0 [sflag:s9], $0x2000  }
0x58: {  	s25 =	sor.u32 s11, s16;
	s18 =	sadd.s32 $0xC100, s18;
	[sflag:s9] =	ssyncset.done @!p0 $0x0  }
0x59: {  	s28 =	sor.u32 $0x8, s25;
	[sflag:s9] =	ssyncadd.s32 @!p0 $0xFFFFE000;
	s9 =	simm.s32 @!p0 $0xE  }
0x5a: {  	s29 =	sor.u32 $0x9, s25;
	s31 =	sshll.u32 s28, $0x7;
	_ =	swait.ge @!p0 [sflag:s9], $0x2000  }
0x5b: {  	v0 =	vmov s18;
	s21 =	sshll.u32 s29, $0x7;
	s16 =	sor.u32 s23, s31;
	[sflag:s9] =	ssyncset.done @!p0 $0x0  }
0x5c: {  	s31 =	sor.u32 s23, s21;
	s16 =	sor.u32 $0x8000, s16;
	[sflag:s9] =	ssyncadd.s32 @!p0 $0xFFFFE000  }
0x5d: {  	[tilespmem:s30], [sflag:$0x5] =	stream.indirect.gather [spmem:s2], $0x80, s16, s26, $0xb8;
	v63 =	vld [tilespmem:$0x0]  }
0x5e: {  	s21 =	simm.s32 $0x0;
	s9 =	sor.u32 $0x8000, s31  }
0x5f: {  	[tilespmem:s19], [sflag:$0x6] =	stream.indirect.gather [spmem:s2], $0x80, s9, s26, $0xb8;
	v63 =	vld [tilespmem:$0x0]  }
0x60: {  	v1 =	vld.idx.msk [tilespmem:v0+s21+$0x80 ss:$0x1], $0xffff;
	_ =	sdelay $0x1  }
0x61: {  	v2 =	vld.idx.msk [tilespmem:v0+s21+$0xFFFFFF00 ss:$0x1], $0xffff  }
0x62: {  	v3 =	vld.idx.msk [tilespmem:v0+s21+$0xFFFFFF80 ss:$0x1], $0xffff  }
0x63: {  	v4 =	vld.idx.msk [tilespmem:v0+s21+$0x0 ss:$0x1], $0xffff  }
0x64: {  	[tilespmem:s21+$0x10180] =	vst.add.f32.msk $0xffff, v1  }
0x65: {  	[tilespmem:s21+$0x12180] =	vst.add.f32.msk $0xffff, v1  }
0x66: {  	[tilespmem:s21+$0x10000] =	vst.add.f32.msk $0xffff, v2  }
0x67: {  	[tilespmem:s21+$0x12000] =	vst.add.f32.msk $0xffff, v2  }
0x68: {  	[tilespmem:s21+$0x10080] =	vst.add.f32.msk $0xffff, v3  }
0x69: {  	[tilespmem:s21+$0x12080] =	vst.add.f32.msk $0xffff, v3  }
0x6a: {  	[tilespmem:s21+$0x10100] =	vst.add.f32.msk $0xffff, v4  }
0x6b: {  	v1 =	vld.idx.msk [tilespmem:v0+s21+$0x90 ss:$0x1], $0xffff  }
0x6c: {  	[tilespmem:s21+$0x12100] =	vst.add.f32.msk $0xffff, v4  }
0x6d: {  	v2 =	vld.idx.msk [tilespmem:v0+s21+$0xFFFFFF10 ss:$0x1], $0xffff  }
0x6e: {  	v3 =	vld.idx.msk [tilespmem:v0+s21+$0xFFFFFF90 ss:$0x1], $0xffff  }
0x6f: {  	v4 =	vld.idx.msk [tilespmem:v0+s21+$0x10 ss:$0x1], $0xffff  }
0x70: {  	[tilespmem:s21+$0x10190] =	vst.add.f32.msk $0xffff, v1  }
0x71: {  	[tilespmem:s21+$0x12190] =	vst.add.f32.msk $0xffff, v1  }
0x72: {  	[tilespmem:s21+$0x10010] =	vst.add.f32.msk $0xffff, v2  }
0x73: {  	[tilespmem:s21+$0x12010] =	vst.add.f32.msk $0xffff, v2  }
0x74: {  	[tilespmem:s21+$0x10090] =	vst.add.f32.msk $0xffff, v3  }
0x75: {  	[tilespmem:s21+$0x12090] =	vst.add.f32.msk $0xffff, v3  }
0x76: {  	[tilespmem:s21+$0x10110] =	vst.add.f32.msk $0xffff, v4  }
0x77: {  	v1 =	vld.idx.msk [tilespmem:v0+s21+$0xA0 ss:$0x1], $0xffff  }
0x78: {  	[tilespmem:s21+$0x12110] =	vst.add.f32.msk $0xffff, v4  }
0x79: {  	v2 =	vld.idx.msk [tilespmem:v0+s21+$0xFFFFFF20 ss:$0x1], $0xffff  }
0x7a: {  	v3 =	vld.idx.msk [tilespmem:v0+s21+$0xFFFFFFA0 ss:$0x1], $0xffff  }
0x7b: {  	v4 =	vld.idx.msk [tilespmem:v0+s21+$0x20 ss:$0x1], $0xffff  }
0x7c: {  	[tilespmem:s21+$0x101A0] =	vst.add.f32.msk $0xffff, v1  }
0x7d: {  	[tilespmem:s21+$0x121A0] =	vst.add.f32.msk $0xffff, v1  }
0x7e: {  	[tilespmem:s21+$0x10020] =	vst.add.f32.msk $0xffff, v2  }
0x7f: {  	[tilespmem:s21+$0x12020] =	vst.add.f32.msk $0xffff, v2  }
0x80: {  	[tilespmem:s21+$0x100A0] =	vst.add.f32.msk $0xffff, v3  }
0x81: {  	[tilespmem:s21+$0x120A0] =	vst.add.f32.msk $0xffff, v3  }
0x82: {  	v1 =	vld.idx.msk [tilespmem:v0+s21+$0xB0 ss:$0x1], $0xffff  }
0x83: {  	[tilespmem:s21+$0x10120] =	vst.add.f32.msk $0xffff, v4  }
0x84: {  	[tilespmem:s21+$0x12120] =	vst.add.f32.msk $0xffff, v4  }
0x85: {  	v2 =	vld.idx.msk [tilespmem:v0+s21+$0xFFFFFF30 ss:$0x1], $0xffff  }
0x86: {  	v3 =	vld.idx.msk [tilespmem:v0+s21+$0xFFFFFFB0 ss:$0x1], $0xffff  }
0x87: {  	[tilespmem:s21+$0x101B0] =	vst.add.f32.msk $0xffff, v1  }
0x88: {  	[tilespmem:s21+$0x121B0] =	vst.add.f32.msk $0xffff, v1  }
0x89: {  	v1 =	vld.idx.msk [tilespmem:v0+s21+$0xC0 ss:$0x1], $0xffff  }
0x8a: {  	v4 =	vld.idx.msk [tilespmem:v0+s21+$0x30 ss:$0x1], $0xffff  }
0x8b: {  	[tilespmem:s21+$0x10030] =	vst.add.f32.msk $0xffff, v2  }
0x8c: {  	[tilespmem:s21+$0x12030] =	vst.add.f32.msk $0xffff, v2  }
0x8d: {  	[tilespmem:s21+$0x100B0] =	vst.add.f32.msk $0xffff, v3  }
0x8e: {  	[tilespmem:s21+$0x101C0] =	vst.add.f32.msk $0xffff, v1  }
0x8f: {  	[tilespmem:s21+$0x121C0] =	vst.add.f32.msk $0xffff, v1  }
0x90: {  	v1 =	vld.idx.msk [tilespmem:v0+s21+$0xD0 ss:$0x1], $0xffff  }
0x91: {  	[tilespmem:s21+$0x120B0] =	vst.add.f32.msk $0xffff, v3  }
0x92: {  	[tilespmem:s21+$0x10130] =	vst.add.f32.msk $0xffff, v4  }
0x93: {  	[tilespmem:s21+$0x12130] =	vst.add.f32.msk $0xffff, v4  }
0x94: {  	v2 =	vld.idx.msk [tilespmem:v0+s21+$0xFFFFFFC0 ss:$0x1], $0xffff  }
0x95: {  	[tilespmem:s21+$0x101D0] =	vst.add.f32.msk $0xffff, v1  }
0x96: {  	[tilespmem:s21+$0x121D0] =	vst.add.f32.msk $0xffff, v1  }
0x97: {  	v1 =	vld.idx.msk [tilespmem:v0+s21+$0xE0 ss:$0x1], $0xffff  }
0x98: {  	v3 =	vld.idx.msk [tilespmem:v0+s21+$0x40 ss:$0x1], $0xffff  }
0x99: {  	[tilespmem:s21+$0x100C0] =	vst.add.f32.msk $0xffff, v2  }
0x9a: {  	[tilespmem:s21+$0x120C0] =	vst.add.f32.msk $0xffff, v2  }
0x9b: {  	v2 =	vld.idx.msk [tilespmem:v0+s21+$0xFFFFFFD0 ss:$0x1], $0xffff  }
0x9c: {  	[tilespmem:s21+$0x101E0] =	vst.add.f32.msk $0xffff, v1  }
0x9d: {  	[tilespmem:s21+$0x121E0] =	vst.add.f32.msk $0xffff, v1  }
0x9e: {  	v1 =	vld.idx.msk [tilespmem:v0+s21+$0xFFFFFF40 ss:$0x1], $0xffff  }
0x9f: {  	[tilespmem:s21+$0x10140] =	vst.add.f32.msk $0xffff, v3  }
0xa0: {  	[tilespmem:s21+$0x12140] =	vst.add.f32.msk $0xffff, v3  }
0xa1: {  	v4 =	vld.idx.msk [tilespmem:v0+s21+$0x50 ss:$0x1], $0xffff  }
0xa2: {  	[tilespmem:s21+$0x100D0] =	vst.add.f32.msk $0xffff, v2  }
0xa3: {  	[tilespmem:s21+$0x10040] =	vst.add.f32.msk $0xffff, v1  }
0xa4: {  	[tilespmem:s21+$0x12040] =	vst.add.f32.msk $0xffff, v1  }
0xa5: {  	v1 =	vld.idx.msk [tilespmem:v0+s21+$0xFFFFFF50 ss:$0x1], $0xffff  }
0xa6: {  	[tilespmem:s21+$0x120D0] =	vst.add.f32.msk $0xffff, v2  }
0xa7: {  	[tilespmem:s21+$0x10150] =	vst.add.f32.msk $0xffff, v4  }
0xa8: {  	[tilespmem:s21+$0x12150] =	vst.add.f32.msk $0xffff, v4  }
0xa9: {  	v5 =	vld.idx.msk [tilespmem:v0+s21+$0xF0 ss:$0x1], $0xffff  }
0xaa: {  	[tilespmem:s21+$0x10050] =	vst.add.f32.msk $0xffff, v1  }
0xab: {  	[tilespmem:s21+$0x12050] =	vst.add.f32.msk $0xffff, v1  }
0xac: {  	v3 =	vld.idx.msk [tilespmem:v0+s21+$0xFFFFFF60 ss:$0x1], $0xffff  }
0xad: {  	v2 =	vld.idx.msk [tilespmem:v0+s21+$0xFFFFFFE0 ss:$0x1], $0xffff  }
0xae: {  	[tilespmem:s21+$0x121F0] =	vst.add.f32.msk $0xffff, v5  }
0xaf: {  	[tilespmem:s21+$0x101F0] =	vst.add.f32.msk $0xffff, v5  }
0xb0: {  	v1 =	vld.idx.msk [tilespmem:v0+s21+$0x60 ss:$0x1], $0xffff  }
0xb1: {  	s30 =	simm.s32 $0x0;
	s9 =	simm.s32 $0x800;
	[tilespmem:s21+$0x10060] =	vst.add.f32.msk $0xffff, v3  }
.LBB2_5:
0xb2: {  	s16 =	sshra.s32 s9, $0x2;
	[tilespmem:s21+$0x12060] =	vst.add.f32.msk $0xffff, v3  }
0xb3: {  	v3 =	vld.idx.msk [tilespmem:v0+s16+$0x80 ss:$0x1], $0xffff  }
0xb4: {  	v4 =	vld.idx.msk [tilespmem:v0+s16+$0xFFFFFF00 ss:$0x1], $0xffff  }
0xb5: {  	v5 =	vld.idx.msk [tilespmem:v0+s16+$0xFFFFFF80 ss:$0x1], $0xffff  }
0xb6: {  	v6 =	vld.idx.msk [tilespmem:v0+s16+$0x0 ss:$0x1], $0xffff  }
0xb7: {  	[tilespmem:s21+$0x100E0] =	vst.add.f32.msk $0xffff, v2  }
0xb8: {  	[tilespmem:s21+$0x120E0] =	vst.add.f32.msk $0xffff, v2  }
0xb9: {  	s30 =	sadd.s32 $0x4, s30;
	[tilespmem:s16+$0x10180] =	vst.add.f32.msk $0xffff, v3  }
0xba: {  	p1 =	slt.u32 s30, $0x3C;
	[tilespmem:s16+$0x12180] =	vst.add.f32.msk $0xffff, v3  }
0xbb: {  	v2 =	vld.idx.msk [tilespmem:v0+s16+$0x90 ss:$0x1], $0xffff  }
0xbc: {  	[tilespmem:s16+$0x10000] =	vst.add.f32.msk $0xffff, v4  }
0xbd: {  	[tilespmem:s16+$0x12000] =	vst.add.f32.msk $0xffff, v4  }
0xbe: {  	[tilespmem:s16+$0x10080] =	vst.add.f32.msk $0xffff, v5  }
0xbf: {  	[tilespmem:s16+$0x12080] =	vst.add.f32.msk $0xffff, v5  }
0xc0: {  	[tilespmem:s16+$0x10100] =	vst.add.f32.msk $0xffff, v6  }
0xc1: {  	[tilespmem:s16+$0x10190] =	vst.add.f32.msk $0xffff, v2  }
0xc2: {  	[tilespmem:s16+$0x12190] =	vst.add.f32.msk $0xffff, v2  }
0xc3: {  	v2 =	vld.idx.msk [tilespmem:v0+s16+$0xA0 ss:$0x1], $0xffff  }
0xc4: {  	[tilespmem:s16+$0x12100] =	vst.add.f32.msk $0xffff, v6  }
0xc5: {  	v3 =	vld.idx.msk [tilespmem:v0+s16+$0xFFFFFF10 ss:$0x1], $0xffff  }
0xc6: {  	v4 =	vld.idx.msk [tilespmem:v0+s16+$0xFFFFFF90 ss:$0x1], $0xffff  }
0xc7: {  	v5 =	vld.idx.msk [tilespmem:v0+s16+$0x10 ss:$0x1], $0xffff  }
0xc8: {  	[tilespmem:s21+$0x10160] =	vst.add.f32.msk $0xffff, v1  }
0xc9: {  	[tilespmem:s16+$0x101A0] =	vst.add.f32.msk $0xffff, v2  }
0xca: {  	[tilespmem:s16+$0x121A0] =	vst.add.f32.msk $0xffff, v2  }
0xcb: {  	v2 =	vld.idx.msk [tilespmem:v0+s16+$0xB0 ss:$0x1], $0xffff  }
0xcc: {  	[tilespmem:s16+$0x10010] =	vst.add.f32.msk $0xffff, v3  }
0xcd: {  	[tilespmem:s16+$0x12010] =	vst.add.f32.msk $0xffff, v3  }
0xce: {  	[tilespmem:s16+$0x10090] =	vst.add.f32.msk $0xffff, v4  }
0xcf: {  	[tilespmem:s16+$0x12090] =	vst.add.f32.msk $0xffff, v4  }
0xd0: {  	[tilespmem:s16+$0x10110] =	vst.add.f32.msk $0xffff, v5  }
0xd1: {  	[tilespmem:s16+$0x101B0] =	vst.add.f32.msk $0xffff, v2  }
0xd2: {  	[tilespmem:s16+$0x121B0] =	vst.add.f32.msk $0xffff, v2  }
0xd3: {  	v2 =	vld.idx.msk [tilespmem:v0+s16+$0xC0 ss:$0x1], $0xffff  }
0xd4: {  	[tilespmem:s16+$0x12110] =	vst.add.f32.msk $0xffff, v5  }
0xd5: {  	v3 =	vld.idx.msk [tilespmem:v0+s16+$0xFFFFFF20 ss:$0x1], $0xffff  }
0xd6: {  	v4 =	vld.idx.msk [tilespmem:v0+s16+$0xFFFFFFA0 ss:$0x1], $0xffff  }
0xd7: {  	v5 =	vld.idx.msk [tilespmem:v0+s16+$0x20 ss:$0x1], $0xffff  }
0xd8: {  	[tilespmem:s21+$0x12160] =	vst.add.f32.msk $0xffff, v1  }
0xd9: {  	[tilespmem:s16+$0x101C0] =	vst.add.f32.msk $0xffff, v2  }
0xda: {  	[tilespmem:s16+$0x121C0] =	vst.add.f32.msk $0xffff, v2  }
0xdb: {  	v1 =	vld.idx.msk [tilespmem:v0+s16+$0xD0 ss:$0x1], $0xffff  }
0xdc: {  	[tilespmem:s16+$0x10020] =	vst.add.f32.msk $0xffff, v3  }
0xdd: {  	[tilespmem:s16+$0x12020] =	vst.add.f32.msk $0xffff, v3  }
0xde: {  	[tilespmem:s16+$0x100A0] =	vst.add.f32.msk $0xffff, v4  }
0xdf: {  	[tilespmem:s16+$0x120A0] =	vst.add.f32.msk $0xffff, v4  }
0xe0: {  	[tilespmem:s16+$0x10120] =	vst.add.f32.msk $0xffff, v5  }
0xe1: {  	[tilespmem:s16+$0x101D0] =	vst.add.f32.msk $0xffff, v1  }
0xe2: {  	[tilespmem:s16+$0x121D0] =	vst.add.f32.msk $0xffff, v1  }
0xe3: {  	v1 =	vld.idx.msk [tilespmem:v0+s16+$0xE0 ss:$0x1], $0xffff  }
0xe4: {  	[tilespmem:s16+$0x12120] =	vst.add.f32.msk $0xffff, v5  }
0xe5: {  	v2 =	vld.idx.msk [tilespmem:v0+s16+$0xFFFFFF30 ss:$0x1], $0xffff  }
0xe6: {  	v3 =	vld.idx.msk [tilespmem:v0+s16+$0xFFFFFFB0 ss:$0x1], $0xffff  }
0xe7: {  	v4 =	vld.idx.msk [tilespmem:v0+s16+$0x30 ss:$0x1], $0xffff  }
0xe8: {  	v5 =	vld.idx.msk [tilespmem:v0+s21+$0xFFFFFF70 ss:$0x1], $0xffff  }
0xe9: {  	[tilespmem:s16+$0x101E0] =	vst.add.f32.msk $0xffff, v1  }
0xea: {  	[tilespmem:s16+$0x121E0] =	vst.add.f32.msk $0xffff, v1  }
0xeb: {  	v6 =	vld.idx.msk [tilespmem:v0+s16+$0xF0 ss:$0x1], $0xffff  }
0xec: {  	[tilespmem:s16+$0x10030] =	vst.add.f32.msk $0xffff, v2  }
0xed: {  	[tilespmem:s16+$0x12030] =	vst.add.f32.msk $0xffff, v2  }
0xee: {  	[tilespmem:s16+$0x100B0] =	vst.add.f32.msk $0xffff, v3  }
0xef: {  	[tilespmem:s16+$0x120B0] =	vst.add.f32.msk $0xffff, v3  }
0xf0: {  	[tilespmem:s16+$0x10130] =	vst.add.f32.msk $0xffff, v4  }
0xf1: {  	[tilespmem:s16+$0x121F0] =	vst.add.f32.msk $0xffff, v6  }
0xf2: {  	[tilespmem:s16+$0x12130] =	vst.add.f32.msk $0xffff, v4  }
0xf3: {  	v1 =	vld.idx.msk [tilespmem:v0+s16+$0xFFFFFF40 ss:$0x1], $0xffff  }
0xf4: {  	v2 =	vld.idx.msk [tilespmem:v0+s16+$0xFFFFFFC0 ss:$0x1], $0xffff  }
0xf5: {  	v3 =	vld.idx.msk [tilespmem:v0+s16+$0x40 ss:$0x1], $0xffff  }
0xf6: {  	v4 =	vld.idx.msk [tilespmem:v0+s21+$0xFFFFFFF0 ss:$0x1], $0xffff  }
0xf7: {  	v7 =	vld.idx.msk [tilespmem:v0+s21+$0x70 ss:$0x1], $0xffff  }
0xf8: {  	[tilespmem:s21+$0x10070] =	vst.add.f32.msk $0xffff, v5  }
0xf9: {  	[tilespmem:s16+$0x10040] =	vst.add.f32.msk $0xffff, v1  }
0xfa: {  	[tilespmem:s16+$0x12040] =	vst.add.f32.msk $0xffff, v1  }
0xfb: {  	[tilespmem:s16+$0x100C0] =	vst.add.f32.msk $0xffff, v2  }
0xfc: {  	[tilespmem:s16+$0x120C0] =	vst.add.f32.msk $0xffff, v2  }
0xfd: {  	[tilespmem:s16+$0x10140] =	vst.add.f32.msk $0xffff, v3  }
0xfe: {  	[tilespmem:s16+$0x12140] =	vst.add.f32.msk $0xffff, v3  }
0xff: {  	v1 =	vld.idx.msk [tilespmem:v0+s16+$0xFFFFFF50 ss:$0x1], $0xffff  }
0x100: {  	v2 =	vld.idx.msk [tilespmem:v0+s16+$0xFFFFFFD0 ss:$0x1], $0xffff  }
0x101: {  	v3 =	vld.idx.msk [tilespmem:v0+s16+$0x50 ss:$0x1], $0xffff  }
0x102: {  	[tilespmem:s21+$0x12070] =	vst.add.f32.msk $0xffff, v5  }
0x103: {  	[tilespmem:s21+$0x100F0] =	vst.add.f32.msk $0xffff, v4  }
0x104: {  	[tilespmem:s21+$0x120F0] =	vst.add.f32.msk $0xffff, v4  }
0x105: {  	[tilespmem:s16+$0x10050] =	vst.add.f32.msk $0xffff, v1  }
0x106: {  	[tilespmem:s16+$0x12050] =	vst.add.f32.msk $0xffff, v1  }
0x107: {  	[tilespmem:s16+$0x100D0] =	vst.add.f32.msk $0xffff, v2  }
0x108: {  	[tilespmem:s16+$0x120D0] =	vst.add.f32.msk $0xffff, v2  }
0x109: {  	[tilespmem:s16+$0x10150] =	vst.add.f32.msk $0xffff, v3  }
0x10a: {  	[tilespmem:s16+$0x12150] =	vst.add.f32.msk $0xffff, v3  }
0x10b: {  	v3 =	vld.idx.msk [tilespmem:v0+s16+$0xFFFFFF60 ss:$0x1], $0xffff  }
0x10c: {  	v2 =	vld.idx.msk [tilespmem:v0+s16+$0xFFFFFFE0 ss:$0x1], $0xffff  }
.Ltmp1:
0x10d: {  	v1 =	vld.idx.msk [tilespmem:v0+s16+$0x60 ss:$0x1], $0xffff;
	(pc) =	sbr.rel @p1 .LBB2_5-.Ltmp1, $4  }
0x10e: {  	[tilespmem:s21+$0x10170] =	vst.add.f32.msk $0xffff, v7  }
0x10f: {  	[tilespmem:s21+$0x12170] =	vst.add.f32.msk $0xffff, v7;
	s21 =	smov.u32 s16  }
0x110: {  	[tilespmem:s21+$0x101F0] =	vst.add.f32.msk $0xffff, v6  }
0x111: {  	s9 =	sadd.s32 $0x800, s9;
	[tilespmem:s21+$0x10060] =	vst.add.f32.msk $0xffff, v3  }
0x112: {  	_ = 	snop  }
0x113: {  	[tilespmem:s21+$0x12060] =	vst.add.f32.msk $0xffff, v3  }
0x114: {  	[tilespmem:s21+$0x100E0] =	vst.add.f32.msk $0xffff, v2  }
0x115: {  	[tilespmem:s21+$0x120E0] =	vst.add.f32.msk $0xffff, v2  }
0x116: {  	v2 =	vld.idx.msk [tilespmem:v0+s21+$0xFFFFFF70 ss:$0x1], $0xffff  }
0x117: {  	[tilespmem:s21+$0x10160] =	vst.add.f32.msk $0xffff, v1  }
0x118: {  	v3 =	vld.idx.msk [tilespmem:v0+s21+$0xFFFFFFF0 ss:$0x1], $0xffff  }
0x119: {  	[tilespmem:s21+$0x12160] =	vst.add.f32.msk $0xffff, v1  }
0x11a: {  	v1 =	vld.idx.msk [tilespmem:v0+s21+$0x70 ss:$0x1], $0xffff  }
0x11b: {  	[tilespmem:s21+$0x10070] =	vst.add.f32.msk $0xffff, v2  }
0x11c: {  	[tilespmem:s21+$0x12070] =	vst.add.f32.msk $0xffff, v2  }
0x11d: {  	s9 =	sshll.u32 s17, $0xF;
	[tilespmem:s21+$0x100F0] =	vst.add.f32.msk $0xffff, v3  }
0x11e: {  	s9 =	sand.u32 $0x38000, s9;
	s18 =	rddreg [dreg:$0xe]  }
0x11f: {  	s16 =	sshll.u32 s17, $0x7;
	s9 =	sor.u32 s9, s18  }
0x120: {  	s16 =	sand.u32 $0x400, s16;
	[tilespmem:s21+$0x120F0] =	vst.add.f32.msk $0xffff, v3;
	s9 =	sor.u32 s5, s9  }
0x121: {  	s16 =	sadd.s32 s1, s16;
	[tilespmem:s21+$0x10170] =	vst.add.f32.msk $0xffff, v1;
	s9 =	sshll.u32 s9, $0x4  }
0x122: {  	[tilespmem:s21+$0x12170] =	vst.add.f32.msk $0xffff, v1;
	s21 =	simm.s32 $0x10000;
	s9 =	sadd.s32 s9, s16  }
0x123: {  	[hbm4b:s9+s3] =	stream.linear.scatter [tilespmem:s21], [sflag:$0x9], $0x2000, $0x38;
	v63 =	vld [tilespmem:$0x0]  }
0x124: {  	s18 =	sshll.u32 s25, $0xF;
	s21 =	rddreg [dreg:$0x9]  }
0x125: {  	s9 =	sor.u32 s21, s18  }
0x126: {  	s30 =	sadd.s32 s9, s16  }
0x127: {  	s21 =	simm.s32 $0x12000;
	s9 =	sadd.s32 $0x8000, s30  }
0x128: {  	[hbm4b:s9+s3] =	stream.linear.scatter [tilespmem:s21], [sflag:$0xA], $0x2000, $0x38;
	v63 =	vld [tilespmem:$0x0]  }
0x129: {  	_ =	swait.ge [sflag:s20], $0x2000  }
0x12a: {  	[sflag:s20] =	ssyncset.done $0x0  }
0x12b: {  	[sflag:s20] =	ssyncadd.s32 $0xFFFFE000  }
0x12c: {  	_ =	swait.ge [sflag:s22], $0x2000  }
0x12d: {  	[sflag:s22] =	ssyncset.done $0x0  }
0x12e: {  	s9 =	simm.s32 @!p0 $0xF;
	[sflag:s22] =	ssyncadd.s32 $0xFFFFE000  }
0x12f: {  	_ =	swait.ge @!p0 [sflag:s9], $0x2000  }
0x130: {  	[sflag:s9] =	ssyncset.done @!p0 $0x0  }
0x131: {  	s21 =	sor.u32 $0xA, s25;
	[sflag:s9] =	ssyncadd.s32 @!p0 $0xFFFFE000;
	s9 =	simm.s32 @!p0 $0x10  }
0x132: {  	s25 =	sor.u32 $0xB, s25;
	s18 =	sshll.u32 s21, $0x7;
	_ =	swait.ge @!p0 [sflag:s9], $0x2000  }
0x133: {  	s16 =	sor.u32 s23, s18;
	s18 =	sshll.u32 s25, $0x7;
	[sflag:s9] =	ssyncset.done @!p0 $0x0  }
0x134: {  	s16 =	sor.u32 $0x8000, s16;
	[sflag:s9] =	ssyncadd.s32 @!p0 $0xFFFFE000;
	s9 =	sor.u32 s23, s18  }
0x135: {  	[tilespmem:s6], [sflag:$0x7] =	stream.indirect.gather [spmem:s2], $0x80, s16, s26, $0xb8;
	v63 =	vld [tilespmem:$0x0]  }
0x136: {  	s31 =	simm.s32 $0x0;
	s9 =	sor.u32 $0x8000, s9  }
0x137: {  	[tilespmem:s7], [sflag:$0x8] =	stream.indirect.gather [spmem:s2], $0x80, s9, s26, $0xb8;
	v63 =	vld [tilespmem:$0x0]  }
0x138: {  	v1 =	vld.idx.msk [tilespmem:v0+s31+$0x80 ss:$0x1], $0xffff;
	_ =	sdelay $0x1  }
0x139: {  	v2 =	vld.idx.msk [tilespmem:v0+s31+$0xFFFFFF00 ss:$0x1], $0xffff  }
0x13a: {  	v3 =	vld.idx.msk [tilespmem:v0+s31+$0xFFFFFF80 ss:$0x1], $0xffff  }
0x13b: {  	v4 =	vld.idx.msk [tilespmem:v0+s31+$0x0 ss:$0x1], $0xffff  }
0x13c: {  	[tilespmem:s31+$0x14180] =	vst.add.f32.msk $0xffff, v1  }
0x13d: {  	[tilespmem:s31+$0x16180] =	vst.add.f32.msk $0xffff, v1  }
0x13e: {  	[tilespmem:s31+$0x14000] =	vst.add.f32.msk $0xffff, v2  }
0x13f: {  	[tilespmem:s31+$0x16000] =	vst.add.f32.msk $0xffff, v2  }
0x140: {  	[tilespmem:s31+$0x14080] =	vst.add.f32.msk $0xffff, v3  }
0x141: {  	[tilespmem:s31+$0x16080] =	vst.add.f32.msk $0xffff, v3  }
0x142: {  	[tilespmem:s31+$0x14100] =	vst.add.f32.msk $0xffff, v4  }
0x143: {  	v1 =	vld.idx.msk [tilespmem:v0+s31+$0x90 ss:$0x1], $0xffff  }
0x144: {  	[tilespmem:s31+$0x16100] =	vst.add.f32.msk $0xffff, v4  }
0x145: {  	v2 =	vld.idx.msk [tilespmem:v0+s31+$0xFFFFFF10 ss:$0x1], $0xffff  }
0x146: {  	v3 =	vld.idx.msk [tilespmem:v0+s31+$0xFFFFFF90 ss:$0x1], $0xffff  }
0x147: {  	v4 =	vld.idx.msk [tilespmem:v0+s31+$0x10 ss:$0x1], $0xffff  }
0x148: {  	[tilespmem:s31+$0x14190] =	vst.add.f32.msk $0xffff, v1  }
0x149: {  	[tilespmem:s31+$0x16190] =	vst.add.f32.msk $0xffff, v1  }
0x14a: {  	[tilespmem:s31+$0x14010] =	vst.add.f32.msk $0xffff, v2  }
0x14b: {  	[tilespmem:s31+$0x16010] =	vst.add.f32.msk $0xffff, v2  }
0x14c: {  	[tilespmem:s31+$0x14090] =	vst.add.f32.msk $0xffff, v3  }
0x14d: {  	[tilespmem:s31+$0x16090] =	vst.add.f32.msk $0xffff, v3  }
0x14e: {  	[tilespmem:s31+$0x14110] =	vst.add.f32.msk $0xffff, v4  }
0x14f: {  	v1 =	vld.idx.msk [tilespmem:v0+s31+$0xA0 ss:$0x1], $0xffff  }
0x150: {  	[tilespmem:s31+$0x16110] =	vst.add.f32.msk $0xffff, v4  }
0x151: {  	v2 =	vld.idx.msk [tilespmem:v0+s31+$0xFFFFFF20 ss:$0x1], $0xffff  }
0x152: {  	v3 =	vld.idx.msk [tilespmem:v0+s31+$0xFFFFFFA0 ss:$0x1], $0xffff  }
0x153: {  	v4 =	vld.idx.msk [tilespmem:v0+s31+$0x20 ss:$0x1], $0xffff  }
0x154: {  	[tilespmem:s31+$0x141A0] =	vst.add.f32.msk $0xffff, v1  }
0x155: {  	[tilespmem:s31+$0x161A0] =	vst.add.f32.msk $0xffff, v1  }
0x156: {  	[tilespmem:s31+$0x14020] =	vst.add.f32.msk $0xffff, v2  }
0x157: {  	[tilespmem:s31+$0x16020] =	vst.add.f32.msk $0xffff, v2  }
0x158: {  	[tilespmem:s31+$0x140A0] =	vst.add.f32.msk $0xffff, v3  }
0x159: {  	[tilespmem:s31+$0x160A0] =	vst.add.f32.msk $0xffff, v3  }
0x15a: {  	v1 =	vld.idx.msk [tilespmem:v0+s31+$0xB0 ss:$0x1], $0xffff  }
0x15b: {  	[tilespmem:s31+$0x14120] =	vst.add.f32.msk $0xffff, v4  }
0x15c: {  	[tilespmem:s31+$0x16120] =	vst.add.f32.msk $0xffff, v4  }
0x15d: {  	v2 =	vld.idx.msk [tilespmem:v0+s31+$0xFFFFFF30 ss:$0x1], $0xffff  }
0x15e: {  	v3 =	vld.idx.msk [tilespmem:v0+s31+$0xFFFFFFB0 ss:$0x1], $0xffff  }
0x15f: {  	[tilespmem:s31+$0x141B0] =	vst.add.f32.msk $0xffff, v1  }
0x160: {  	[tilespmem:s31+$0x161B0] =	vst.add.f32.msk $0xffff, v1  }
0x161: {  	v1 =	vld.idx.msk [tilespmem:v0+s31+$0xC0 ss:$0x1], $0xffff  }
0x162: {  	v4 =	vld.idx.msk [tilespmem:v0+s31+$0x30 ss:$0x1], $0xffff  }
0x163: {  	[tilespmem:s31+$0x14030] =	vst.add.f32.msk $0xffff, v2  }
0x164: {  	[tilespmem:s31+$0x16030] =	vst.add.f32.msk $0xffff, v2  }
0x165: {  	[tilespmem:s31+$0x140B0] =	vst.add.f32.msk $0xffff, v3  }
0x166: {  	[tilespmem:s31+$0x141C0] =	vst.add.f32.msk $0xffff, v1  }
0x167: {  	[tilespmem:s31+$0x161C0] =	vst.add.f32.msk $0xffff, v1  }
0x168: {  	v1 =	vld.idx.msk [tilespmem:v0+s31+$0xD0 ss:$0x1], $0xffff  }
0x169: {  	[tilespmem:s31+$0x160B0] =	vst.add.f32.msk $0xffff, v3  }
0x16a: {  	[tilespmem:s31+$0x14130] =	vst.add.f32.msk $0xffff, v4  }
0x16b: {  	[tilespmem:s31+$0x16130] =	vst.add.f32.msk $0xffff, v4  }
0x16c: {  	v2 =	vld.idx.msk [tilespmem:v0+s31+$0xFFFFFFC0 ss:$0x1], $0xffff  }
0x16d: {  	[tilespmem:s31+$0x141D0] =	vst.add.f32.msk $0xffff, v1  }
0x16e: {  	[tilespmem:s31+$0x161D0] =	vst.add.f32.msk $0xffff, v1  }
0x16f: {  	v1 =	vld.idx.msk [tilespmem:v0+s31+$0xE0 ss:$0x1], $0xffff  }
0x170: {  	v3 =	vld.idx.msk [tilespmem:v0+s31+$0x40 ss:$0x1], $0xffff  }
0x171: {  	[tilespmem:s31+$0x140C0] =	vst.add.f32.msk $0xffff, v2  }
0x172: {  	[tilespmem:s31+$0x160C0] =	vst.add.f32.msk $0xffff, v2  }
0x173: {  	v2 =	vld.idx.msk [tilespmem:v0+s31+$0xFFFFFFD0 ss:$0x1], $0xffff  }
0x174: {  	[tilespmem:s31+$0x141E0] =	vst.add.f32.msk $0xffff, v1  }
0x175: {  	[tilespmem:s31+$0x161E0] =	vst.add.f32.msk $0xffff, v1  }
0x176: {  	v1 =	vld.idx.msk [tilespmem:v0+s31+$0xFFFFFF40 ss:$0x1], $0xffff  }
0x177: {  	[tilespmem:s31+$0x14140] =	vst.add.f32.msk $0xffff, v3  }
0x178: {  	[tilespmem:s31+$0x16140] =	vst.add.f32.msk $0xffff, v3  }
0x179: {  	v4 =	vld.idx.msk [tilespmem:v0+s31+$0x50 ss:$0x1], $0xffff  }
0x17a: {  	[tilespmem:s31+$0x140D0] =	vst.add.f32.msk $0xffff, v2  }
0x17b: {  	[tilespmem:s31+$0x14040] =	vst.add.f32.msk $0xffff, v1  }
0x17c: {  	[tilespmem:s31+$0x16040] =	vst.add.f32.msk $0xffff, v1  }
0x17d: {  	v1 =	vld.idx.msk [tilespmem:v0+s31+$0xFFFFFF50 ss:$0x1], $0xffff  }
0x17e: {  	[tilespmem:s31+$0x160D0] =	vst.add.f32.msk $0xffff, v2  }
0x17f: {  	[tilespmem:s31+$0x14150] =	vst.add.f32.msk $0xffff, v4  }
0x180: {  	[tilespmem:s31+$0x16150] =	vst.add.f32.msk $0xffff, v4  }
0x181: {  	v5 =	vld.idx.msk [tilespmem:v0+s31+$0xF0 ss:$0x1], $0xffff  }
0x182: {  	[tilespmem:s31+$0x14050] =	vst.add.f32.msk $0xffff, v1  }
0x183: {  	[tilespmem:s31+$0x16050] =	vst.add.f32.msk $0xffff, v1  }
0x184: {  	v3 =	vld.idx.msk [tilespmem:v0+s31+$0xFFFFFF60 ss:$0x1], $0xffff  }
0x185: {  	v2 =	vld.idx.msk [tilespmem:v0+s31+$0xFFFFFFE0 ss:$0x1], $0xffff  }
0x186: {  	[tilespmem:s31+$0x161F0] =	vst.add.f32.msk $0xffff, v5  }
0x187: {  	[tilespmem:s31+$0x141F0] =	vst.add.f32.msk $0xffff, v5  }
0x188: {  	v1 =	vld.idx.msk [tilespmem:v0+s31+$0x60 ss:$0x1], $0xffff  }
0x189: {  	s16 =	simm.s32 $0x800;
	s9 =	simm.s32 $0x0;
	[tilespmem:s31+$0x14060] =	vst.add.f32.msk $0xffff, v3  }
.LBB2_7:
0x18a: {  	s18 =	sshra.s32 s16, $0x2;
	[tilespmem:s31+$0x16060] =	vst.add.f32.msk $0xffff, v3  }
0x18b: {  	v3 =	vld.idx.msk [tilespmem:v0+s18+$0x80 ss:$0x1], $0xffff  }
0x18c: {  	v4 =	vld.idx.msk [tilespmem:v0+s18+$0xFFFFFF00 ss:$0x1], $0xffff  }
0x18d: {  	v5 =	vld.idx.msk [tilespmem:v0+s18+$0xFFFFFF80 ss:$0x1], $0xffff  }
0x18e: {  	v6 =	vld.idx.msk [tilespmem:v0+s18+$0x0 ss:$0x1], $0xffff  }
0x18f: {  	[tilespmem:s31+$0x140E0] =	vst.add.f32.msk $0xffff, v2  }
0x190: {  	[tilespmem:s31+$0x160E0] =	vst.add.f32.msk $0xffff, v2  }
0x191: {  	s9 =	sadd.s32 $0x4, s9;
	[tilespmem:s18+$0x14180] =	vst.add.f32.msk $0xffff, v3  }
0x192: {  	p0 =	slt.u32 s9, $0x3C;
	[tilespmem:s18+$0x16180] =	vst.add.f32.msk $0xffff, v3  }
0x193: {  	v2 =	vld.idx.msk [tilespmem:v0+s18+$0x90 ss:$0x1], $0xffff  }
0x194: {  	[tilespmem:s18+$0x14000] =	vst.add.f32.msk $0xffff, v4  }
0x195: {  	[tilespmem:s18+$0x16000] =	vst.add.f32.msk $0xffff, v4  }
0x196: {  	[tilespmem:s18+$0x14080] =	vst.add.f32.msk $0xffff, v5  }
0x197: {  	[tilespmem:s18+$0x16080] =	vst.add.f32.msk $0xffff, v5  }
0x198: {  	[tilespmem:s18+$0x14100] =	vst.add.f32.msk $0xffff, v6  }
0x199: {  	[tilespmem:s18+$0x14190] =	vst.add.f32.msk $0xffff, v2  }
0x19a: {  	[tilespmem:s18+$0x16190] =	vst.add.f32.msk $0xffff, v2  }
0x19b: {  	v2 =	vld.idx.msk [tilespmem:v0+s18+$0xA0 ss:$0x1], $0xffff  }
0x19c: {  	[tilespmem:s18+$0x16100] =	vst.add.f32.msk $0xffff, v6  }
0x19d: {  	v3 =	vld.idx.msk [tilespmem:v0+s18+$0xFFFFFF10 ss:$0x1], $0xffff  }
0x19e: {  	v4 =	vld.idx.msk [tilespmem:v0+s18+$0xFFFFFF90 ss:$0x1], $0xffff  }
0x19f: {  	v5 =	vld.idx.msk [tilespmem:v0+s18+$0x10 ss:$0x1], $0xffff  }
0x1a0: {  	[tilespmem:s31+$0x14160] =	vst.add.f32.msk $0xffff, v1  }
0x1a1: {  	[tilespmem:s18+$0x141A0] =	vst.add.f32.msk $0xffff, v2  }
0x1a2: {  	[tilespmem:s18+$0x161A0] =	vst.add.f32.msk $0xffff, v2  }
0x1a3: {  	v2 =	vld.idx.msk [tilespmem:v0+s18+$0xB0 ss:$0x1], $0xffff  }
0x1a4: {  	[tilespmem:s18+$0x14010] =	vst.add.f32.msk $0xffff, v3  }
0x1a5: {  	[tilespmem:s18+$0x16010] =	vst.add.f32.msk $0xffff, v3  }
0x1a6: {  	[tilespmem:s18+$0x14090] =	vst.add.f32.msk $0xffff, v4  }
0x1a7: {  	[tilespmem:s18+$0x16090] =	vst.add.f32.msk $0xffff, v4  }
0x1a8: {  	[tilespmem:s18+$0x14110] =	vst.add.f32.msk $0xffff, v5  }
0x1a9: {  	[tilespmem:s18+$0x141B0] =	vst.add.f32.msk $0xffff, v2  }
0x1aa: {  	[tilespmem:s18+$0x161B0] =	vst.add.f32.msk $0xffff, v2  }
0x1ab: {  	v2 =	vld.idx.msk [tilespmem:v0+s18+$0xC0 ss:$0x1], $0xffff  }
0x1ac: {  	[tilespmem:s18+$0x16110] =	vst.add.f32.msk $0xffff, v5  }
0x1ad: {  	v3 =	vld.idx.msk [tilespmem:v0+s18+$0xFFFFFF20 ss:$0x1], $0xffff  }
0x1ae: {  	v4 =	vld.idx.msk [tilespmem:v0+s18+$0xFFFFFFA0 ss:$0x1], $0xffff  }
0x1af: {  	v5 =	vld.idx.msk [tilespmem:v0+s18+$0x20 ss:$0x1], $0xffff  }
0x1b0: {  	[tilespmem:s31+$0x16160] =	vst.add.f32.msk $0xffff, v1  }
0x1b1: {  	[tilespmem:s18+$0x141C0] =	vst.add.f32.msk $0xffff, v2  }
0x1b2: {  	[tilespmem:s18+$0x161C0] =	vst.add.f32.msk $0xffff, v2  }
0x1b3: {  	v1 =	vld.idx.msk [tilespmem:v0+s18+$0xD0 ss:$0x1], $0xffff  }
0x1b4: {  	[tilespmem:s18+$0x14020] =	vst.add.f32.msk $0xffff, v3  }
0x1b5: {  	[tilespmem:s18+$0x16020] =	vst.add.f32.msk $0xffff, v3  }
0x1b6: {  	[tilespmem:s18+$0x140A0] =	vst.add.f32.msk $0xffff, v4  }
0x1b7: {  	[tilespmem:s18+$0x160A0] =	vst.add.f32.msk $0xffff, v4  }
0x1b8: {  	[tilespmem:s18+$0x14120] =	vst.add.f32.msk $0xffff, v5  }
0x1b9: {  	[tilespmem:s18+$0x141D0] =	vst.add.f32.msk $0xffff, v1  }
0x1ba: {  	[tilespmem:s18+$0x161D0] =	vst.add.f32.msk $0xffff, v1  }
0x1bb: {  	v1 =	vld.idx.msk [tilespmem:v0+s18+$0xE0 ss:$0x1], $0xffff  }
0x1bc: {  	[tilespmem:s18+$0x16120] =	vst.add.f32.msk $0xffff, v5  }
0x1bd: {  	v2 =	vld.idx.msk [tilespmem:v0+s18+$0xFFFFFF30 ss:$0x1], $0xffff  }
0x1be: {  	v3 =	vld.idx.msk [tilespmem:v0+s18+$0xFFFFFFB0 ss:$0x1], $0xffff  }
0x1bf: {  	v4 =	vld.idx.msk [tilespmem:v0+s18+$0x30 ss:$0x1], $0xffff  }
0x1c0: {  	v5 =	vld.idx.msk [tilespmem:v0+s31+$0xFFFFFF70 ss:$0x1], $0xffff  }
0x1c1: {  	[tilespmem:s18+$0x141E0] =	vst.add.f32.msk $0xffff, v1  }
0x1c2: {  	[tilespmem:s18+$0x161E0] =	vst.add.f32.msk $0xffff, v1  }
0x1c3: {  	v6 =	vld.idx.msk [tilespmem:v0+s18+$0xF0 ss:$0x1], $0xffff  }
0x1c4: {  	[tilespmem:s18+$0x14030] =	vst.add.f32.msk $0xffff, v2  }
0x1c5: {  	[tilespmem:s18+$0x16030] =	vst.add.f32.msk $0xffff, v2  }
0x1c6: {  	[tilespmem:s18+$0x140B0] =	vst.add.f32.msk $0xffff, v3  }
0x1c7: {  	[tilespmem:s18+$0x160B0] =	vst.add.f32.msk $0xffff, v3  }
0x1c8: {  	[tilespmem:s18+$0x14130] =	vst.add.f32.msk $0xffff, v4  }
0x1c9: {  	[tilespmem:s18+$0x161F0] =	vst.add.f32.msk $0xffff, v6  }
0x1ca: {  	[tilespmem:s18+$0x16130] =	vst.add.f32.msk $0xffff, v4  }
0x1cb: {  	v1 =	vld.idx.msk [tilespmem:v0+s18+$0xFFFFFF40 ss:$0x1], $0xffff  }
0x1cc: {  	v2 =	vld.idx.msk [tilespmem:v0+s18+$0xFFFFFFC0 ss:$0x1], $0xffff  }
0x1cd: {  	v3 =	vld.idx.msk [tilespmem:v0+s18+$0x40 ss:$0x1], $0xffff  }
0x1ce: {  	v4 =	vld.idx.msk [tilespmem:v0+s31+$0xFFFFFFF0 ss:$0x1], $0xffff  }
0x1cf: {  	v7 =	vld.idx.msk [tilespmem:v0+s31+$0x70 ss:$0x1], $0xffff  }
0x1d0: {  	[tilespmem:s31+$0x14070] =	vst.add.f32.msk $0xffff, v5  }
0x1d1: {  	[tilespmem:s18+$0x14040] =	vst.add.f32.msk $0xffff, v1  }
0x1d2: {  	[tilespmem:s18+$0x16040] =	vst.add.f32.msk $0xffff, v1  }
0x1d3: {  	[tilespmem:s18+$0x140C0] =	vst.add.f32.msk $0xffff, v2  }
0x1d4: {  	[tilespmem:s18+$0x160C0] =	vst.add.f32.msk $0xffff, v2  }
0x1d5: {  	[tilespmem:s18+$0x14140] =	vst.add.f32.msk $0xffff, v3  }
0x1d6: {  	[tilespmem:s18+$0x16140] =	vst.add.f32.msk $0xffff, v3  }
0x1d7: {  	v1 =	vld.idx.msk [tilespmem:v0+s18+$0xFFFFFF50 ss:$0x1], $0xffff  }
0x1d8: {  	v2 =	vld.idx.msk [tilespmem:v0+s18+$0xFFFFFFD0 ss:$0x1], $0xffff  }
0x1d9: {  	v3 =	vld.idx.msk [tilespmem:v0+s18+$0x50 ss:$0x1], $0xffff  }
0x1da: {  	[tilespmem:s31+$0x16070] =	vst.add.f32.msk $0xffff, v5  }
0x1db: {  	[tilespmem:s31+$0x140F0] =	vst.add.f32.msk $0xffff, v4  }
0x1dc: {  	[tilespmem:s31+$0x160F0] =	vst.add.f32.msk $0xffff, v4  }
0x1dd: {  	[tilespmem:s18+$0x14050] =	vst.add.f32.msk $0xffff, v1  }
0x1de: {  	[tilespmem:s18+$0x16050] =	vst.add.f32.msk $0xffff, v1  }
0x1df: {  	[tilespmem:s18+$0x140D0] =	vst.add.f32.msk $0xffff, v2  }
0x1e0: {  	[tilespmem:s18+$0x160D0] =	vst.add.f32.msk $0xffff, v2  }
0x1e1: {  	[tilespmem:s18+$0x14150] =	vst.add.f32.msk $0xffff, v3  }
0x1e2: {  	[tilespmem:s18+$0x16150] =	vst.add.f32.msk $0xffff, v3  }
0x1e3: {  	v3 =	vld.idx.msk [tilespmem:v0+s18+$0xFFFFFF60 ss:$0x1], $0xffff  }
0x1e4: {  	v2 =	vld.idx.msk [tilespmem:v0+s18+$0xFFFFFFE0 ss:$0x1], $0xffff  }
.Ltmp2:
0x1e5: {  	v1 =	vld.idx.msk [tilespmem:v0+s18+$0x60 ss:$0x1], $0xffff;
	(pc) =	sbr.rel @p0 .LBB2_7-.Ltmp2, $4  }
0x1e6: {  	[tilespmem:s31+$0x14170] =	vst.add.f32.msk $0xffff, v7  }
0x1e7: {  	[tilespmem:s31+$0x16170] =	vst.add.f32.msk $0xffff, v7;
	s31 =	smov.u32 s18  }
0x1e8: {  	[tilespmem:s31+$0x141F0] =	vst.add.f32.msk $0xffff, v6  }
0x1e9: {  	s16 =	sadd.s32 $0x800, s16;
	[tilespmem:s31+$0x14060] =	vst.add.f32.msk $0xffff, v3  }
0x1ea: {  	_ = 	snop  }
0x1eb: {  	[tilespmem:s31+$0x16060] =	vst.add.f32.msk $0xffff, v3  }
0x1ec: {  	[tilespmem:s31+$0x140E0] =	vst.add.f32.msk $0xffff, v2  }
0x1ed: {  	[tilespmem:s31+$0x160E0] =	vst.add.f32.msk $0xffff, v2  }
0x1ee: {  	v2 =	vld.idx.msk [tilespmem:v0+s31+$0xFFFFFF70 ss:$0x1], $0xffff  }
0x1ef: {  	[tilespmem:s31+$0x14160] =	vst.add.f32.msk $0xffff, v1  }
0x1f0: {  	v3 =	vld.idx.msk [tilespmem:v0+s31+$0xFFFFFFF0 ss:$0x1], $0xffff  }
0x1f1: {  	[tilespmem:s31+$0x16160] =	vst.add.f32.msk $0xffff, v1  }
0x1f2: {  	v1 =	vld.idx.msk [tilespmem:v0+s31+$0x70 ss:$0x1], $0xffff  }
0x1f3: {  	[tilespmem:s31+$0x14070] =	vst.add.f32.msk $0xffff, v2  }
0x1f4: {  	[tilespmem:s31+$0x16070] =	vst.add.f32.msk $0xffff, v2  }
0x1f5: {  	[tilespmem:s31+$0x140F0] =	vst.add.f32.msk $0xffff, v3  }
0x1f6: {  	[tilespmem:s31+$0x160F0] =	vst.add.f32.msk $0xffff, v3  }
0x1f7: {  	[tilespmem:s31+$0x14170] =	vst.add.f32.msk $0xffff, v1  }
0x1f8: {  	s9 =	sadd.s32 $0x10000, s30;
	s16 =	simm.s32 $0x14000;
	[tilespmem:s31+$0x16170] =	vst.add.f32.msk $0xffff, v1  }
0x1f9: {  	[hbm4b:s9+s3] =	stream.linear.scatter [tilespmem:s16], [sflag:$0xB], $0x2000, $0x38;
	v63 =	vld [tilespmem:$0x0]  }
0x1fa: {  	s18 =	sadd.s32 $0x18000, s30;
	s31 =	simm.s32 $0x16000  }
0x1fb: {  	[hbm4b:s18+s3] =	stream.linear.scatter [tilespmem:s31], [sflag:$0xC], $0x2000, $0x38;
	v63 =	vld [tilespmem:$0x0]  }
0x1fc: {  	_ =	swait.ge [sflag:s8], $0x2000  }
0x1fd: {  	[sflag:s8] =	ssyncset.done $0x0  }
0x1fe: {  	[sflag:s8] =	ssyncadd.s32 $0xFFFFE000  }
0x1ff: {  	_ =	swait.ge [sflag:s10], $0x2000  }
0x200: {  	p0 =	seq.s32 s17, $0xF;
	[sflag:s10] =	ssyncset.done $0x0  }
0x201: {  	s9 =	simm.s32 @!p0 $0x9;
	[sflag:s10] =	ssyncadd.s32 $0xFFFFE000  }
0x202: {  	_ =	swait.ge @!p0 [sflag:s9], $0x2000  }
0x203: {  	s16 =	sadd.s32 @!p0 $0x8, s24;
	[sflag:s9] =	ssyncset.done @!p0 $0x0  }
0x204: {  	s18 =	sshll.u32 @!p0 s16, $0x8;
	[sflag:s9] =	ssyncadd.s32 @!p0 $0xFFFFE000;
	s9 =	simm.s32 @!p0 $0xA  }
0x205: {  	s18 =	sand.u32 @!p0 $0x3800, s18;
	_ =	swait.ge @!p0 [sflag:s9], $0x2000  }
0x206: {  	s30 =	sand.u32 @!p0 $0x80, s16;
	s18 =	sadd.s32 @!p0 s18, s12;
	[sflag:s9] =	ssyncset.done @!p0 $0x0  }
0x207: {  	[sflag:s9] =	ssyncadd.s32 @!p0 $0xFFFFE000;
	s9 =	sand.u32 @!p0 $0x40, s16;
	s16 =	sadd.s32 @!p0 s30, s18  }
0x208: {  	s18 =	simm.s32 @!p0 $0x10000;
	s9 =	sadd.s32 @!p0 s9, s16;
	s16 =	simm.s32 @!p0 $0x40  }
0x209: {  	[tilespmem:s18], [sflag:$0x1] =	stream.indirect.gather @!p0 [spmem:s2], $0x80, s9, s16, $0xb8;
	v63 =	vld [tilespmem:$0x0]  }
0x20a: {  	s9 =	sadd.s32 @!p0 $0x9, s24  }
0x20b: {  	s18 =	sshll.u32 @!p0 s9, $0x1  }
0x20c: {  	s18 =	sand.u32 @!p0 $0x70, s18  }
0x20d: {  	s18 =	sor.u32 @!p0 s11, s18  }
0x20e: {  	s30 =	sand.u32 @!p0 $0x80, s9;
	s18 =	sshll.u32 @!p0 s18, $0x7  }
0x20f: {  	s9 =	sand.u32 @!p0 $0x40, s9;
	s18 =	sadd.s32 @!p0 s30, s18  }
0x210: {  	s9 =	sor.u32 @!p0 s9, s18  }
0x211: {  	s30 =	simm.s32 $0x0;
	s18 =	simm.s32 @!p0 $0x12000;
	s9 =	sadd.s32 @!p0 $0x8080, s9  }
0x212: {  	[tilespmem:s18], [sflag:$0x2] =	stream.indirect.gather @!p0 [spmem:s2], $0x80, s9, s16, $0xb8;
	v63 =	vld [tilespmem:$0x0]  }
0x213: {  	v1 =	vld.idx.msk [tilespmem:v0+s30+$0x80 ss:$0x1], $0xffff;
	_ =	sdelay $0x1  }
0x214: {  	v2 =	vld.idx.msk [tilespmem:v0+s30+$0xFFFFFF00 ss:$0x1], $0xffff  }
0x215: {  	v3 =	vld.idx.msk [tilespmem:v0+s30+$0xFFFFFF80 ss:$0x1], $0xffff  }
0x216: {  	v4 =	vld.idx.msk [tilespmem:v0+s30+$0x0 ss:$0x1], $0xffff  }
0x217: {  	[tilespmem:s30+$0x18180] =	vst.add.f32.msk $0xffff, v1  }
0x218: {  	[tilespmem:s30+$0x1A180] =	vst.add.f32.msk $0xffff, v1  }
0x219: {  	[tilespmem:s30+$0x18000] =	vst.add.f32.msk $0xffff, v2  }
0x21a: {  	[tilespmem:s30+$0x1A000] =	vst.add.f32.msk $0xffff, v2  }
0x21b: {  	[tilespmem:s30+$0x18080] =	vst.add.f32.msk $0xffff, v3  }
0x21c: {  	[tilespmem:s30+$0x1A080] =	vst.add.f32.msk $0xffff, v3  }
0x21d: {  	[tilespmem:s30+$0x18100] =	vst.add.f32.msk $0xffff, v4  }
0x21e: {  	v1 =	vld.idx.msk [tilespmem:v0+s30+$0x90 ss:$0x1], $0xffff  }
0x21f: {  	[tilespmem:s30+$0x1A100] =	vst.add.f32.msk $0xffff, v4  }
0x220: {  	v2 =	vld.idx.msk [tilespmem:v0+s30+$0xFFFFFF10 ss:$0x1], $0xffff  }
0x221: {  	v3 =	vld.idx.msk [tilespmem:v0+s30+$0xFFFFFF90 ss:$0x1], $0xffff  }
0x222: {  	v4 =	vld.idx.msk [tilespmem:v0+s30+$0x10 ss:$0x1], $0xffff  }
0x223: {  	[tilespmem:s30+$0x18190] =	vst.add.f32.msk $0xffff, v1  }
0x224: {  	[tilespmem:s30+$0x1A190] =	vst.add.f32.msk $0xffff, v1  }
0x225: {  	[tilespmem:s30+$0x18010] =	vst.add.f32.msk $0xffff, v2  }
0x226: {  	[tilespmem:s30+$0x1A010] =	vst.add.f32.msk $0xffff, v2  }
0x227: {  	[tilespmem:s30+$0x18090] =	vst.add.f32.msk $0xffff, v3  }
0x228: {  	[tilespmem:s30+$0x1A090] =	vst.add.f32.msk $0xffff, v3  }
0x229: {  	[tilespmem:s30+$0x18110] =	vst.add.f32.msk $0xffff, v4  }
0x22a: {  	v1 =	vld.idx.msk [tilespmem:v0+s30+$0xA0 ss:$0x1], $0xffff  }
0x22b: {  	[tilespmem:s30+$0x1A110] =	vst.add.f32.msk $0xffff, v4  }
0x22c: {  	v2 =	vld.idx.msk [tilespmem:v0+s30+$0xFFFFFF20 ss:$0x1], $0xffff  }
0x22d: {  	v3 =	vld.idx.msk [tilespmem:v0+s30+$0xFFFFFFA0 ss:$0x1], $0xffff  }
0x22e: {  	v4 =	vld.idx.msk [tilespmem:v0+s30+$0x20 ss:$0x1], $0xffff  }
0x22f: {  	[tilespmem:s30+$0x181A0] =	vst.add.f32.msk $0xffff, v1  }
0x230: {  	[tilespmem:s30+$0x1A1A0] =	vst.add.f32.msk $0xffff, v1  }
0x231: {  	[tilespmem:s30+$0x18020] =	vst.add.f32.msk $0xffff, v2  }
0x232: {  	[tilespmem:s30+$0x1A020] =	vst.add.f32.msk $0xffff, v2  }
0x233: {  	[tilespmem:s30+$0x180A0] =	vst.add.f32.msk $0xffff, v3  }
0x234: {  	[tilespmem:s30+$0x1A0A0] =	vst.add.f32.msk $0xffff, v3  }
0x235: {  	v1 =	vld.idx.msk [tilespmem:v0+s30+$0xB0 ss:$0x1], $0xffff  }
0x236: {  	[tilespmem:s30+$0x18120] =	vst.add.f32.msk $0xffff, v4  }
0x237: {  	[tilespmem:s30+$0x1A120] =	vst.add.f32.msk $0xffff, v4  }
0x238: {  	v2 =	vld.idx.msk [tilespmem:v0+s30+$0xFFFFFF30 ss:$0x1], $0xffff  }
0x239: {  	v3 =	vld.idx.msk [tilespmem:v0+s30+$0xFFFFFFB0 ss:$0x1], $0xffff  }
0x23a: {  	[tilespmem:s30+$0x181B0] =	vst.add.f32.msk $0xffff, v1  }
0x23b: {  	[tilespmem:s30+$0x1A1B0] =	vst.add.f32.msk $0xffff, v1  }
0x23c: {  	v1 =	vld.idx.msk [tilespmem:v0+s30+$0xC0 ss:$0x1], $0xffff  }
0x23d: {  	v4 =	vld.idx.msk [tilespmem:v0+s30+$0x30 ss:$0x1], $0xffff  }
0x23e: {  	[tilespmem:s30+$0x18030] =	vst.add.f32.msk $0xffff, v2  }
0x23f: {  	[tilespmem:s30+$0x1A030] =	vst.add.f32.msk $0xffff, v2  }
0x240: {  	[tilespmem:s30+$0x180B0] =	vst.add.f32.msk $0xffff, v3  }
0x241: {  	[tilespmem:s30+$0x181C0] =	vst.add.f32.msk $0xffff, v1  }
0x242: {  	[tilespmem:s30+$0x1A1C0] =	vst.add.f32.msk $0xffff, v1  }
0x243: {  	v1 =	vld.idx.msk [tilespmem:v0+s30+$0xD0 ss:$0x1], $0xffff  }
0x244: {  	[tilespmem:s30+$0x1A0B0] =	vst.add.f32.msk $0xffff, v3  }
0x245: {  	[tilespmem:s30+$0x18130] =	vst.add.f32.msk $0xffff, v4  }
0x246: {  	[tilespmem:s30+$0x1A130] =	vst.add.f32.msk $0xffff, v4  }
0x247: {  	v2 =	vld.idx.msk [tilespmem:v0+s30+$0xFFFFFFC0 ss:$0x1], $0xffff  }
0x248: {  	[tilespmem:s30+$0x181D0] =	vst.add.f32.msk $0xffff, v1  }
0x249: {  	[tilespmem:s30+$0x1A1D0] =	vst.add.f32.msk $0xffff, v1  }
0x24a: {  	v1 =	vld.idx.msk [tilespmem:v0+s30+$0xE0 ss:$0x1], $0xffff  }
0x24b: {  	v3 =	vld.idx.msk [tilespmem:v0+s30+$0x40 ss:$0x1], $0xffff  }
0x24c: {  	[tilespmem:s30+$0x180C0] =	vst.add.f32.msk $0xffff, v2  }
0x24d: {  	[tilespmem:s30+$0x1A0C0] =	vst.add.f32.msk $0xffff, v2  }
0x24e: {  	v2 =	vld.idx.msk [tilespmem:v0+s30+$0xFFFFFFD0 ss:$0x1], $0xffff  }
0x24f: {  	[tilespmem:s30+$0x181E0] =	vst.add.f32.msk $0xffff, v1  }
0x250: {  	[tilespmem:s30+$0x1A1E0] =	vst.add.f32.msk $0xffff, v1  }
0x251: {  	v1 =	vld.idx.msk [tilespmem:v0+s30+$0xFFFFFF40 ss:$0x1], $0xffff  }
0x252: {  	[tilespmem:s30+$0x18140] =	vst.add.f32.msk $0xffff, v3  }
0x253: {  	[tilespmem:s30+$0x1A140] =	vst.add.f32.msk $0xffff, v3  }
0x254: {  	v4 =	vld.idx.msk [tilespmem:v0+s30+$0x50 ss:$0x1], $0xffff  }
0x255: {  	[tilespmem:s30+$0x180D0] =	vst.add.f32.msk $0xffff, v2  }
0x256: {  	[tilespmem:s30+$0x18040] =	vst.add.f32.msk $0xffff, v1  }
0x257: {  	[tilespmem:s30+$0x1A040] =	vst.add.f32.msk $0xffff, v1  }
0x258: {  	v1 =	vld.idx.msk [tilespmem:v0+s30+$0xFFFFFF50 ss:$0x1], $0xffff  }
0x259: {  	[tilespmem:s30+$0x1A0D0] =	vst.add.f32.msk $0xffff, v2  }
0x25a: {  	[tilespmem:s30+$0x18150] =	vst.add.f32.msk $0xffff, v4  }
0x25b: {  	[tilespmem:s30+$0x1A150] =	vst.add.f32.msk $0xffff, v4  }
0x25c: {  	v5 =	vld.idx.msk [tilespmem:v0+s30+$0xF0 ss:$0x1], $0xffff  }
0x25d: {  	[tilespmem:s30+$0x18050] =	vst.add.f32.msk $0xffff, v1  }
0x25e: {  	[tilespmem:s30+$0x1A050] =	vst.add.f32.msk $0xffff, v1  }
0x25f: {  	v3 =	vld.idx.msk [tilespmem:v0+s30+$0xFFFFFF60 ss:$0x1], $0xffff  }
0x260: {  	v2 =	vld.idx.msk [tilespmem:v0+s30+$0xFFFFFFE0 ss:$0x1], $0xffff  }
0x261: {  	[tilespmem:s30+$0x1A1F0] =	vst.add.f32.msk $0xffff, v5  }
0x262: {  	[tilespmem:s30+$0x181F0] =	vst.add.f32.msk $0xffff, v5  }
0x263: {  	v1 =	vld.idx.msk [tilespmem:v0+s30+$0x60 ss:$0x1], $0xffff  }
0x264: {  	s9 =	simm.s32 $0x0;
	s16 =	simm.s32 $0x800;
	[tilespmem:s30+$0x18060] =	vst.add.f32.msk $0xffff, v3  }
.LBB2_9:
0x265: {  	s18 =	sshra.s32 s16, $0x2;
	[tilespmem:s30+$0x1A060] =	vst.add.f32.msk $0xffff, v3  }
0x266: {  	v3 =	vld.idx.msk [tilespmem:v0+s18+$0x80 ss:$0x1], $0xffff  }
0x267: {  	v4 =	vld.idx.msk [tilespmem:v0+s18+$0xFFFFFF00 ss:$0x1], $0xffff  }
0x268: {  	v5 =	vld.idx.msk [tilespmem:v0+s18+$0xFFFFFF80 ss:$0x1], $0xffff  }
0x269: {  	v6 =	vld.idx.msk [tilespmem:v0+s18+$0x0 ss:$0x1], $0xffff  }
0x26a: {  	[tilespmem:s30+$0x180E0] =	vst.add.f32.msk $0xffff, v2  }
0x26b: {  	[tilespmem:s30+$0x1A0E0] =	vst.add.f32.msk $0xffff, v2  }
0x26c: {  	s9 =	sadd.s32 $0x4, s9;
	[tilespmem:s18+$0x18180] =	vst.add.f32.msk $0xffff, v3  }
0x26d: {  	p1 =	slt.u32 s9, $0x3C;
	[tilespmem:s18+$0x1A180] =	vst.add.f32.msk $0xffff, v3  }
0x26e: {  	v2 =	vld.idx.msk [tilespmem:v0+s18+$0x90 ss:$0x1], $0xffff  }
0x26f: {  	[tilespmem:s18+$0x18000] =	vst.add.f32.msk $0xffff, v4  }
0x270: {  	[tilespmem:s18+$0x1A000] =	vst.add.f32.msk $0xffff, v4  }
0x271: {  	[tilespmem:s18+$0x18080] =	vst.add.f32.msk $0xffff, v5  }
0x272: {  	[tilespmem:s18+$0x1A080] =	vst.add.f32.msk $0xffff, v5  }
0x273: {  	[tilespmem:s18+$0x18100] =	vst.add.f32.msk $0xffff, v6  }
0x274: {  	[tilespmem:s18+$0x18190] =	vst.add.f32.msk $0xffff, v2  }
0x275: {  	[tilespmem:s18+$0x1A190] =	vst.add.f32.msk $0xffff, v2  }
0x276: {  	v2 =	vld.idx.msk [tilespmem:v0+s18+$0xA0 ss:$0x1], $0xffff  }
0x277: {  	[tilespmem:s18+$0x1A100] =	vst.add.f32.msk $0xffff, v6  }
0x278: {  	v3 =	vld.idx.msk [tilespmem:v0+s18+$0xFFFFFF10 ss:$0x1], $0xffff  }
0x279: {  	v4 =	vld.idx.msk [tilespmem:v0+s18+$0xFFFFFF90 ss:$0x1], $0xffff  }
0x27a: {  	v5 =	vld.idx.msk [tilespmem:v0+s18+$0x10 ss:$0x1], $0xffff  }
0x27b: {  	[tilespmem:s30+$0x18160] =	vst.add.f32.msk $0xffff, v1  }
0x27c: {  	[tilespmem:s18+$0x181A0] =	vst.add.f32.msk $0xffff, v2  }
0x27d: {  	[tilespmem:s18+$0x1A1A0] =	vst.add.f32.msk $0xffff, v2  }
0x27e: {  	v2 =	vld.idx.msk [tilespmem:v0+s18+$0xB0 ss:$0x1], $0xffff  }
0x27f: {  	[tilespmem:s18+$0x18010] =	vst.add.f32.msk $0xffff, v3  }
0x280: {  	[tilespmem:s18+$0x1A010] =	vst.add.f32.msk $0xffff, v3  }
0x281: {  	[tilespmem:s18+$0x18090] =	vst.add.f32.msk $0xffff, v4  }
0x282: {  	[tilespmem:s18+$0x1A090] =	vst.add.f32.msk $0xffff, v4  }
0x283: {  	[tilespmem:s18+$0x18110] =	vst.add.f32.msk $0xffff, v5  }
0x284: {  	[tilespmem:s18+$0x181B0] =	vst.add.f32.msk $0xffff, v2  }
0x285: {  	[tilespmem:s18+$0x1A1B0] =	vst.add.f32.msk $0xffff, v2  }
0x286: {  	v2 =	vld.idx.msk [tilespmem:v0+s18+$0xC0 ss:$0x1], $0xffff  }
0x287: {  	[tilespmem:s18+$0x1A110] =	vst.add.f32.msk $0xffff, v5  }
0x288: {  	v3 =	vld.idx.msk [tilespmem:v0+s18+$0xFFFFFF20 ss:$0x1], $0xffff  }
0x289: {  	v4 =	vld.idx.msk [tilespmem:v0+s18+$0xFFFFFFA0 ss:$0x1], $0xffff  }
0x28a: {  	v5 =	vld.idx.msk [tilespmem:v0+s18+$0x20 ss:$0x1], $0xffff  }
0x28b: {  	[tilespmem:s30+$0x1A160] =	vst.add.f32.msk $0xffff, v1  }
0x28c: {  	[tilespmem:s18+$0x181C0] =	vst.add.f32.msk $0xffff, v2  }
0x28d: {  	[tilespmem:s18+$0x1A1C0] =	vst.add.f32.msk $0xffff, v2  }
0x28e: {  	v1 =	vld.idx.msk [tilespmem:v0+s18+$0xD0 ss:$0x1], $0xffff  }
0x28f: {  	[tilespmem:s18+$0x18020] =	vst.add.f32.msk $0xffff, v3  }
0x290: {  	[tilespmem:s18+$0x1A020] =	vst.add.f32.msk $0xffff, v3  }
0x291: {  	[tilespmem:s18+$0x180A0] =	vst.add.f32.msk $0xffff, v4  }
0x292: {  	[tilespmem:s18+$0x1A0A0] =	vst.add.f32.msk $0xffff, v4  }
0x293: {  	[tilespmem:s18+$0x18120] =	vst.add.f32.msk $0xffff, v5  }
0x294: {  	[tilespmem:s18+$0x181D0] =	vst.add.f32.msk $0xffff, v1  }
0x295: {  	[tilespmem:s18+$0x1A1D0] =	vst.add.f32.msk $0xffff, v1  }
0x296: {  	v1 =	vld.idx.msk [tilespmem:v0+s18+$0xE0 ss:$0x1], $0xffff  }
0x297: {  	[tilespmem:s18+$0x1A120] =	vst.add.f32.msk $0xffff, v5  }
0x298: {  	v2 =	vld.idx.msk [tilespmem:v0+s18+$0xFFFFFF30 ss:$0x1], $0xffff  }
0x299: {  	v3 =	vld.idx.msk [tilespmem:v0+s18+$0xFFFFFFB0 ss:$0x1], $0xffff  }
0x29a: {  	v4 =	vld.idx.msk [tilespmem:v0+s18+$0x30 ss:$0x1], $0xffff  }
0x29b: {  	v5 =	vld.idx.msk [tilespmem:v0+s30+$0xFFFFFF70 ss:$0x1], $0xffff  }
0x29c: {  	[tilespmem:s18+$0x181E0] =	vst.add.f32.msk $0xffff, v1  }
0x29d: {  	[tilespmem:s18+$0x1A1E0] =	vst.add.f32.msk $0xffff, v1  }
0x29e: {  	v6 =	vld.idx.msk [tilespmem:v0+s18+$0xF0 ss:$0x1], $0xffff  }
0x29f: {  	[tilespmem:s18+$0x18030] =	vst.add.f32.msk $0xffff, v2  }
0x2a0: {  	[tilespmem:s18+$0x1A030] =	vst.add.f32.msk $0xffff, v2  }
0x2a1: {  	[tilespmem:s18+$0x180B0] =	vst.add.f32.msk $0xffff, v3  }
0x2a2: {  	[tilespmem:s18+$0x1A0B0] =	vst.add.f32.msk $0xffff, v3  }
0x2a3: {  	[tilespmem:s18+$0x18130] =	vst.add.f32.msk $0xffff, v4  }
0x2a4: {  	[tilespmem:s18+$0x1A1F0] =	vst.add.f32.msk $0xffff, v6  }
0x2a5: {  	[tilespmem:s18+$0x1A130] =	vst.add.f32.msk $0xffff, v4  }
0x2a6: {  	v1 =	vld.idx.msk [tilespmem:v0+s18+$0xFFFFFF40 ss:$0x1], $0xffff  }
0x2a7: {  	v2 =	vld.idx.msk [tilespmem:v0+s18+$0xFFFFFFC0 ss:$0x1], $0xffff  }
0x2a8: {  	v3 =	vld.idx.msk [tilespmem:v0+s18+$0x40 ss:$0x1], $0xffff  }
0x2a9: {  	v4 =	vld.idx.msk [tilespmem:v0+s30+$0xFFFFFFF0 ss:$0x1], $0xffff  }
0x2aa: {  	v7 =	vld.idx.msk [tilespmem:v0+s30+$0x70 ss:$0x1], $0xffff  }
0x2ab: {  	[tilespmem:s30+$0x18070] =	vst.add.f32.msk $0xffff, v5  }
0x2ac: {  	[tilespmem:s18+$0x18040] =	vst.add.f32.msk $0xffff, v1  }
0x2ad: {  	[tilespmem:s18+$0x1A040] =	vst.add.f32.msk $0xffff, v1  }
0x2ae: {  	[tilespmem:s18+$0x180C0] =	vst.add.f32.msk $0xffff, v2  }
0x2af: {  	[tilespmem:s18+$0x1A0C0] =	vst.add.f32.msk $0xffff, v2  }
0x2b0: {  	[tilespmem:s18+$0x18140] =	vst.add.f32.msk $0xffff, v3  }
0x2b1: {  	[tilespmem:s18+$0x1A140] =	vst.add.f32.msk $0xffff, v3  }
0x2b2: {  	v1 =	vld.idx.msk [tilespmem:v0+s18+$0xFFFFFF50 ss:$0x1], $0xffff  }
0x2b3: {  	v2 =	vld.idx.msk [tilespmem:v0+s18+$0xFFFFFFD0 ss:$0x1], $0xffff  }
0x2b4: {  	v3 =	vld.idx.msk [tilespmem:v0+s18+$0x50 ss:$0x1], $0xffff  }
0x2b5: {  	[tilespmem:s30+$0x1A070] =	vst.add.f32.msk $0xffff, v5  }
0x2b6: {  	[tilespmem:s30+$0x180F0] =	vst.add.f32.msk $0xffff, v4  }
0x2b7: {  	[tilespmem:s30+$0x1A0F0] =	vst.add.f32.msk $0xffff, v4  }
0x2b8: {  	[tilespmem:s18+$0x18050] =	vst.add.f32.msk $0xffff, v1  }
0x2b9: {  	[tilespmem:s18+$0x1A050] =	vst.add.f32.msk $0xffff, v1  }
0x2ba: {  	[tilespmem:s18+$0x180D0] =	vst.add.f32.msk $0xffff, v2  }
0x2bb: {  	[tilespmem:s18+$0x1A0D0] =	vst.add.f32.msk $0xffff, v2  }
0x2bc: {  	[tilespmem:s18+$0x18150] =	vst.add.f32.msk $0xffff, v3  }
0x2bd: {  	[tilespmem:s18+$0x1A150] =	vst.add.f32.msk $0xffff, v3  }
0x2be: {  	v3 =	vld.idx.msk [tilespmem:v0+s18+$0xFFFFFF60 ss:$0x1], $0xffff  }
0x2bf: {  	v2 =	vld.idx.msk [tilespmem:v0+s18+$0xFFFFFFE0 ss:$0x1], $0xffff  }
.Ltmp3:
0x2c0: {  	v1 =	vld.idx.msk [tilespmem:v0+s18+$0x60 ss:$0x1], $0xffff;
	(pc) =	sbr.rel @p1 .LBB2_9-.Ltmp3, $4  }
0x2c1: {  	[tilespmem:s30+$0x18170] =	vst.add.f32.msk $0xffff, v7  }
0x2c2: {  	[tilespmem:s30+$0x1A170] =	vst.add.f32.msk $0xffff, v7;
	s30 =	smov.u32 s18  }
0x2c3: {  	[tilespmem:s30+$0x181F0] =	vst.add.f32.msk $0xffff, v6  }
0x2c4: {  	s16 =	sadd.s32 $0x800, s16;
	[tilespmem:s30+$0x18060] =	vst.add.f32.msk $0xffff, v3  }
0x2c5: {  	_ = 	snop  }
0x2c6: {  	[tilespmem:s30+$0x1A060] =	vst.add.f32.msk $0xffff, v3  }
0x2c7: {  	[tilespmem:s30+$0x180E0] =	vst.add.f32.msk $0xffff, v2  }
0x2c8: {  	[tilespmem:s30+$0x1A0E0] =	vst.add.f32.msk $0xffff, v2  }
0x2c9: {  	v2 =	vld.idx.msk [tilespmem:v0+s30+$0xFFFFFF70 ss:$0x1], $0xffff  }
0x2ca: {  	[tilespmem:s30+$0x18160] =	vst.add.f32.msk $0xffff, v1  }
0x2cb: {  	v3 =	vld.idx.msk [tilespmem:v0+s30+$0xFFFFFFF0 ss:$0x1], $0xffff  }
0x2cc: {  	[tilespmem:s30+$0x1A160] =	vst.add.f32.msk $0xffff, v1  }
0x2cd: {  	v1 =	vld.idx.msk [tilespmem:v0+s30+$0x70 ss:$0x1], $0xffff  }
0x2ce: {  	[tilespmem:s30+$0x18070] =	vst.add.f32.msk $0xffff, v2  }
0x2cf: {  	s9 =	sshll.u32 s28, $0xB;
	[tilespmem:s30+$0x1A070] =	vst.add.f32.msk $0xffff, v2  }
0x2d0: {  	s9 =	sor.u32 s5, s9;
	[tilespmem:s30+$0x180F0] =	vst.add.f32.msk $0xffff, v3  }
0x2d1: {  	s9 =	sor.u32 s23, s9;
	[tilespmem:s30+$0x1A0F0] =	vst.add.f32.msk $0xffff, v3  }
0x2d2: {  	s9 =	sshll.u32 s9, $0x4;
	[tilespmem:s30+$0x18170] =	vst.add.f32.msk $0xffff, v1  }
0x2d3: {  	s31 =	sshll.u32 s29, $0xB;
	s9 =	sadd.s32 s1, s9;
	[tilespmem:s30+$0x1A170] =	vst.add.f32.msk $0xffff, v1;
	s30 =	simm.s32 $0x18000  }
0x2d4: {  	[hbm4b:s9+s3] =	stream.linear.scatter [tilespmem:s30], [sflag:$0xD], $0x2000, $0x38;
	v63 =	vld [tilespmem:$0x0]  }
0x2d5: {  	s9 =	sor.u32 s5, s31  }
0x2d6: {  	s9 =	sor.u32 s23, s9  }
0x2d7: {  	s9 =	sshll.u32 s9, $0x4  }
0x2d8: {  	s9 =	sadd.s32 s1, s9  }
0x2d9: {  	[hbm4b:s9+s3] =	stream.linear.scatter [tilespmem:s19], [sflag:$0xE], $0x2000, $0x38;
	v63 =	vld [tilespmem:$0x0]  }
0x2da: {  	_ =	swait.ge [sflag:s13], $0x2000  }
0x2db: {  	[sflag:s13] =	ssyncset.done $0x0  }
0x2dc: {  	[sflag:s13] =	ssyncadd.s32 $0xFFFFE000  }
0x2dd: {  	_ =	swait.ge [sflag:s14], $0x2000  }
0x2de: {  	[sflag:s14] =	ssyncset.done $0x0  }
0x2df: {  	s16 =	sadd.s32 @!p0 $0xA, s24;
	s9 =	simm.s32 @!p0 $0xB;
	[sflag:s14] =	ssyncadd.s32 $0xFFFFE000  }
0x2e0: {  	s18 =	sshll.u32 @!p0 s16, $0x1;
	_ =	swait.ge @!p0 [sflag:s9], $0x2000  }
0x2e1: {  	s18 =	sand.u32 @!p0 $0x70, s18;
	[sflag:s9] =	ssyncset.done @!p0 $0x0  }
0x2e2: {  	s18 =	sor.u32 @!p0 s11, s18;
	[sflag:s9] =	ssyncadd.s32 @!p0 $0xFFFFE000;
	s9 =	simm.s32 @!p0 $0xC  }
0x2e3: {  	s28 =	sand.u32 @!p0 $0x80, s16;
	s18 =	sshll.u32 @!p0 s18, $0x7;
	_ =	swait.ge @!p0 [sflag:s9], $0x2000  }
0x2e4: {  	s16 =	sand.u32 @!p0 $0x40, s16;
	s18 =	sadd.s32 @!p0 s28, s18;
	[sflag:s9] =	ssyncset.done @!p0 $0x0  }
0x2e5: {  	[sflag:s9] =	ssyncadd.s32 @!p0 $0xFFFFE000;
	s9 =	sor.u32 @!p0 s16, s18  }
0x2e6: {  	s16 =	simm.s32 @!p0 $0x40;
	s18 =	simm.s32 @!p0 $0x14000;
	s9 =	sadd.s32 @!p0 $0x8100, s9  }
0x2e7: {  	[tilespmem:s18], [sflag:$0x3] =	stream.indirect.gather @!p0 [spmem:s2], $0x80, s9, s16, $0xb8;
	v63 =	vld [tilespmem:$0x0]  }
0x2e8: {  	s9 =	sadd.s32 @!p0 $0xB, s24  }
0x2e9: {  	s18 =	sshll.u32 @!p0 s9, $0x1  }
0x2ea: {  	s18 =	sand.u32 @!p0 $0x70, s18  }
0x2eb: {  	s18 =	sor.u32 @!p0 s11, s18  }
0x2ec: {  	s24 =	sand.u32 @!p0 $0x80, s9;
	s18 =	sshll.u32 @!p0 s18, $0x7  }
0x2ed: {  	s9 =	sand.u32 @!p0 $0x40, s9;
	s18 =	sadd.s32 @!p0 s24, s18  }
0x2ee: {  	s9 =	sor.u32 @!p0 s9, s18  }
0x2ef: {  	s24 =	simm.s32 $0x0;
	s18 =	simm.s32 @!p0 $0x16000;
	s9 =	sadd.s32 @!p0 $0x8180, s9  }
0x2f0: {  	[tilespmem:s18], [sflag:$0x4] =	stream.indirect.gather @!p0 [spmem:s2], $0x80, s9, s16, $0xb8;
	v63 =	vld [tilespmem:$0x0]  }
0x2f1: {  	v1 =	vld.idx.msk [tilespmem:v0+s24+$0x80 ss:$0x1], $0xffff;
	_ =	sdelay $0x1  }
0x2f2: {  	v2 =	vld.idx.msk [tilespmem:v0+s24+$0xFFFFFF00 ss:$0x1], $0xffff  }
0x2f3: {  	v3 =	vld.idx.msk [tilespmem:v0+s24+$0xFFFFFF80 ss:$0x1], $0xffff  }
0x2f4: {  	v4 =	vld.idx.msk [tilespmem:v0+s24+$0x0 ss:$0x1], $0xffff  }
0x2f5: {  	[tilespmem:s24+$0x1C180] =	vst.add.f32.msk $0xffff, v1  }
0x2f6: {  	[tilespmem:s24+$0x1E180] =	vst.add.f32.msk $0xffff, v1  }
0x2f7: {  	[tilespmem:s24+$0x1C000] =	vst.add.f32.msk $0xffff, v2  }
0x2f8: {  	[tilespmem:s24+$0x1E000] =	vst.add.f32.msk $0xffff, v2  }
0x2f9: {  	[tilespmem:s24+$0x1C080] =	vst.add.f32.msk $0xffff, v3  }
0x2fa: {  	[tilespmem:s24+$0x1E080] =	vst.add.f32.msk $0xffff, v3  }
0x2fb: {  	[tilespmem:s24+$0x1C100] =	vst.add.f32.msk $0xffff, v4  }
0x2fc: {  	v1 =	vld.idx.msk [tilespmem:v0+s24+$0x90 ss:$0x1], $0xffff  }
0x2fd: {  	[tilespmem:s24+$0x1E100] =	vst.add.f32.msk $0xffff, v4  }
0x2fe: {  	v2 =	vld.idx.msk [tilespmem:v0+s24+$0xFFFFFF10 ss:$0x1], $0xffff  }
0x2ff: {  	v3 =	vld.idx.msk [tilespmem:v0+s24+$0xFFFFFF90 ss:$0x1], $0xffff  }
0x300: {  	v4 =	vld.idx.msk [tilespmem:v0+s24+$0x10 ss:$0x1], $0xffff  }
0x301: {  	[tilespmem:s24+$0x1C190] =	vst.add.f32.msk $0xffff, v1  }
0x302: {  	[tilespmem:s24+$0x1E190] =	vst.add.f32.msk $0xffff, v1  }
0x303: {  	[tilespmem:s24+$0x1C010] =	vst.add.f32.msk $0xffff, v2  }
0x304: {  	[tilespmem:s24+$0x1E010] =	vst.add.f32.msk $0xffff, v2  }
0x305: {  	[tilespmem:s24+$0x1C090] =	vst.add.f32.msk $0xffff, v3  }
0x306: {  	[tilespmem:s24+$0x1E090] =	vst.add.f32.msk $0xffff, v3  }
0x307: {  	[tilespmem:s24+$0x1C110] =	vst.add.f32.msk $0xffff, v4  }
0x308: {  	v1 =	vld.idx.msk [tilespmem:v0+s24+$0xA0 ss:$0x1], $0xffff  }
0x309: {  	[tilespmem:s24+$0x1E110] =	vst.add.f32.msk $0xffff, v4  }
0x30a: {  	v2 =	vld.idx.msk [tilespmem:v0+s24+$0xFFFFFF20 ss:$0x1], $0xffff  }
0x30b: {  	v3 =	vld.idx.msk [tilespmem:v0+s24+$0xFFFFFFA0 ss:$0x1], $0xffff  }
0x30c: {  	v4 =	vld.idx.msk [tilespmem:v0+s24+$0x20 ss:$0x1], $0xffff  }
0x30d: {  	[tilespmem:s24+$0x1C1A0] =	vst.add.f32.msk $0xffff, v1  }
0x30e: {  	[tilespmem:s24+$0x1E1A0] =	vst.add.f32.msk $0xffff, v1  }
0x30f: {  	[tilespmem:s24+$0x1C020] =	vst.add.f32.msk $0xffff, v2  }
0x310: {  	[tilespmem:s24+$0x1E020] =	vst.add.f32.msk $0xffff, v2  }
0x311: {  	[tilespmem:s24+$0x1C0A0] =	vst.add.f32.msk $0xffff, v3  }
0x312: {  	[tilespmem:s24+$0x1E0A0] =	vst.add.f32.msk $0xffff, v3  }
0x313: {  	v1 =	vld.idx.msk [tilespmem:v0+s24+$0xB0 ss:$0x1], $0xffff  }
0x314: {  	[tilespmem:s24+$0x1C120] =	vst.add.f32.msk $0xffff, v4  }
0x315: {  	[tilespmem:s24+$0x1E120] =	vst.add.f32.msk $0xffff, v4  }
0x316: {  	v2 =	vld.idx.msk [tilespmem:v0+s24+$0xFFFFFF30 ss:$0x1], $0xffff  }
0x317: {  	v3 =	vld.idx.msk [tilespmem:v0+s24+$0xFFFFFFB0 ss:$0x1], $0xffff  }
0x318: {  	[tilespmem:s24+$0x1C1B0] =	vst.add.f32.msk $0xffff, v1  }
0x319: {  	[tilespmem:s24+$0x1E1B0] =	vst.add.f32.msk $0xffff, v1  }
0x31a: {  	v1 =	vld.idx.msk [tilespmem:v0+s24+$0xC0 ss:$0x1], $0xffff  }
0x31b: {  	v4 =	vld.idx.msk [tilespmem:v0+s24+$0x30 ss:$0x1], $0xffff  }
0x31c: {  	[tilespmem:s24+$0x1C030] =	vst.add.f32.msk $0xffff, v2  }
0x31d: {  	[tilespmem:s24+$0x1E030] =	vst.add.f32.msk $0xffff, v2  }
0x31e: {  	[tilespmem:s24+$0x1C0B0] =	vst.add.f32.msk $0xffff, v3  }
0x31f: {  	[tilespmem:s24+$0x1C1C0] =	vst.add.f32.msk $0xffff, v1  }
0x320: {  	[tilespmem:s24+$0x1E1C0] =	vst.add.f32.msk $0xffff, v1  }
0x321: {  	v1 =	vld.idx.msk [tilespmem:v0+s24+$0xD0 ss:$0x1], $0xffff  }
0x322: {  	[tilespmem:s24+$0x1E0B0] =	vst.add.f32.msk $0xffff, v3  }
0x323: {  	[tilespmem:s24+$0x1C130] =	vst.add.f32.msk $0xffff, v4  }
0x324: {  	[tilespmem:s24+$0x1E130] =	vst.add.f32.msk $0xffff, v4  }
0x325: {  	v2 =	vld.idx.msk [tilespmem:v0+s24+$0xFFFFFFC0 ss:$0x1], $0xffff  }
0x326: {  	[tilespmem:s24+$0x1C1D0] =	vst.add.f32.msk $0xffff, v1  }
0x327: {  	[tilespmem:s24+$0x1E1D0] =	vst.add.f32.msk $0xffff, v1  }
0x328: {  	v1 =	vld.idx.msk [tilespmem:v0+s24+$0xE0 ss:$0x1], $0xffff  }
0x329: {  	v3 =	vld.idx.msk [tilespmem:v0+s24+$0x40 ss:$0x1], $0xffff  }
0x32a: {  	[tilespmem:s24+$0x1C0C0] =	vst.add.f32.msk $0xffff, v2  }
0x32b: {  	[tilespmem:s24+$0x1E0C0] =	vst.add.f32.msk $0xffff, v2  }
0x32c: {  	v2 =	vld.idx.msk [tilespmem:v0+s24+$0xFFFFFFD0 ss:$0x1], $0xffff  }
0x32d: {  	[tilespmem:s24+$0x1C1E0] =	vst.add.f32.msk $0xffff, v1  }
0x32e: {  	[tilespmem:s24+$0x1E1E0] =	vst.add.f32.msk $0xffff, v1  }
0x32f: {  	v1 =	vld.idx.msk [tilespmem:v0+s24+$0xFFFFFF40 ss:$0x1], $0xffff  }
0x330: {  	[tilespmem:s24+$0x1C140] =	vst.add.f32.msk $0xffff, v3  }
0x331: {  	[tilespmem:s24+$0x1E140] =	vst.add.f32.msk $0xffff, v3  }
0x332: {  	v4 =	vld.idx.msk [tilespmem:v0+s24+$0x50 ss:$0x1], $0xffff  }
0x333: {  	[tilespmem:s24+$0x1C0D0] =	vst.add.f32.msk $0xffff, v2  }
0x334: {  	[tilespmem:s24+$0x1C040] =	vst.add.f32.msk $0xffff, v1  }
0x335: {  	[tilespmem:s24+$0x1E040] =	vst.add.f32.msk $0xffff, v1  }
0x336: {  	v1 =	vld.idx.msk [tilespmem:v0+s24+$0xFFFFFF50 ss:$0x1], $0xffff  }
0x337: {  	[tilespmem:s24+$0x1E0D0] =	vst.add.f32.msk $0xffff, v2  }
0x338: {  	[tilespmem:s24+$0x1C150] =	vst.add.f32.msk $0xffff, v4  }
0x339: {  	[tilespmem:s24+$0x1E150] =	vst.add.f32.msk $0xffff, v4  }
0x33a: {  	v5 =	vld.idx.msk [tilespmem:v0+s24+$0xF0 ss:$0x1], $0xffff  }
0x33b: {  	[tilespmem:s24+$0x1C050] =	vst.add.f32.msk $0xffff, v1  }
0x33c: {  	[tilespmem:s24+$0x1E050] =	vst.add.f32.msk $0xffff, v1  }
0x33d: {  	v3 =	vld.idx.msk [tilespmem:v0+s24+$0xFFFFFF60 ss:$0x1], $0xffff  }
0x33e: {  	v2 =	vld.idx.msk [tilespmem:v0+s24+$0xFFFFFFE0 ss:$0x1], $0xffff  }
0x33f: {  	[tilespmem:s24+$0x1E1F0] =	vst.add.f32.msk $0xffff, v5  }
0x340: {  	[tilespmem:s24+$0x1C1F0] =	vst.add.f32.msk $0xffff, v5  }
0x341: {  	v1 =	vld.idx.msk [tilespmem:v0+s24+$0x60 ss:$0x1], $0xffff  }
0x342: {  	s9 =	simm.s32 $0x0;
	s16 =	simm.s32 $0x800;
	[tilespmem:s24+$0x1C060] =	vst.add.f32.msk $0xffff, v3  }
.LBB2_11:
0x343: {  	s18 =	sshra.s32 s16, $0x2;
	[tilespmem:s24+$0x1E060] =	vst.add.f32.msk $0xffff, v3  }
0x344: {  	v3 =	vld.idx.msk [tilespmem:v0+s18+$0x80 ss:$0x1], $0xffff  }
0x345: {  	v4 =	vld.idx.msk [tilespmem:v0+s18+$0xFFFFFF00 ss:$0x1], $0xffff  }
0x346: {  	v5 =	vld.idx.msk [tilespmem:v0+s18+$0xFFFFFF80 ss:$0x1], $0xffff  }
0x347: {  	v6 =	vld.idx.msk [tilespmem:v0+s18+$0x0 ss:$0x1], $0xffff  }
0x348: {  	[tilespmem:s24+$0x1C0E0] =	vst.add.f32.msk $0xffff, v2  }
0x349: {  	[tilespmem:s24+$0x1E0E0] =	vst.add.f32.msk $0xffff, v2  }
0x34a: {  	s9 =	sadd.s32 $0x4, s9;
	[tilespmem:s18+$0x1C180] =	vst.add.f32.msk $0xffff, v3  }
0x34b: {  	p0 =	slt.u32 s9, $0x3C;
	[tilespmem:s18+$0x1E180] =	vst.add.f32.msk $0xffff, v3  }
0x34c: {  	v2 =	vld.idx.msk [tilespmem:v0+s18+$0x90 ss:$0x1], $0xffff  }
0x34d: {  	[tilespmem:s18+$0x1C000] =	vst.add.f32.msk $0xffff, v4  }
0x34e: {  	[tilespmem:s18+$0x1E000] =	vst.add.f32.msk $0xffff, v4  }
0x34f: {  	[tilespmem:s18+$0x1C080] =	vst.add.f32.msk $0xffff, v5  }
0x350: {  	[tilespmem:s18+$0x1E080] =	vst.add.f32.msk $0xffff, v5  }
0x351: {  	[tilespmem:s18+$0x1C100] =	vst.add.f32.msk $0xffff, v6  }
0x352: {  	[tilespmem:s18+$0x1C190] =	vst.add.f32.msk $0xffff, v2  }
0x353: {  	[tilespmem:s18+$0x1E190] =	vst.add.f32.msk $0xffff, v2  }
0x354: {  	v2 =	vld.idx.msk [tilespmem:v0+s18+$0xA0 ss:$0x1], $0xffff  }
0x355: {  	[tilespmem:s18+$0x1E100] =	vst.add.f32.msk $0xffff, v6  }
0x356: {  	v3 =	vld.idx.msk [tilespmem:v0+s18+$0xFFFFFF10 ss:$0x1], $0xffff  }
0x357: {  	v4 =	vld.idx.msk [tilespmem:v0+s18+$0xFFFFFF90 ss:$0x1], $0xffff  }
0x358: {  	v5 =	vld.idx.msk [tilespmem:v0+s18+$0x10 ss:$0x1], $0xffff  }
0x359: {  	[tilespmem:s24+$0x1C160] =	vst.add.f32.msk $0xffff, v1  }
0x35a: {  	[tilespmem:s18+$0x1C1A0] =	vst.add.f32.msk $0xffff, v2  }
0x35b: {  	[tilespmem:s18+$0x1E1A0] =	vst.add.f32.msk $0xffff, v2  }
0x35c: {  	v2 =	vld.idx.msk [tilespmem:v0+s18+$0xB0 ss:$0x1], $0xffff  }
0x35d: {  	[tilespmem:s18+$0x1C010] =	vst.add.f32.msk $0xffff, v3  }
0x35e: {  	[tilespmem:s18+$0x1E010] =	vst.add.f32.msk $0xffff, v3  }
0x35f: {  	[tilespmem:s18+$0x1C090] =	vst.add.f32.msk $0xffff, v4  }
0x360: {  	[tilespmem:s18+$0x1E090] =	vst.add.f32.msk $0xffff, v4  }
0x361: {  	[tilespmem:s18+$0x1C110] =	vst.add.f32.msk $0xffff, v5  }
0x362: {  	[tilespmem:s18+$0x1C1B0] =	vst.add.f32.msk $0xffff, v2  }
0x363: {  	[tilespmem:s18+$0x1E1B0] =	vst.add.f32.msk $0xffff, v2  }
0x364: {  	v2 =	vld.idx.msk [tilespmem:v0+s18+$0xC0 ss:$0x1], $0xffff  }
0x365: {  	[tilespmem:s18+$0x1E110] =	vst.add.f32.msk $0xffff, v5  }
0x366: {  	v3 =	vld.idx.msk [tilespmem:v0+s18+$0xFFFFFF20 ss:$0x1], $0xffff  }
0x367: {  	v4 =	vld.idx.msk [tilespmem:v0+s18+$0xFFFFFFA0 ss:$0x1], $0xffff  }
0x368: {  	v5 =	vld.idx.msk [tilespmem:v0+s18+$0x20 ss:$0x1], $0xffff  }
0x369: {  	[tilespmem:s24+$0x1E160] =	vst.add.f32.msk $0xffff, v1  }
0x36a: {  	[tilespmem:s18+$0x1C1C0] =	vst.add.f32.msk $0xffff, v2  }
0x36b: {  	[tilespmem:s18+$0x1E1C0] =	vst.add.f32.msk $0xffff, v2  }
0x36c: {  	v1 =	vld.idx.msk [tilespmem:v0+s18+$0xD0 ss:$0x1], $0xffff  }
0x36d: {  	[tilespmem:s18+$0x1C020] =	vst.add.f32.msk $0xffff, v3  }
0x36e: {  	[tilespmem:s18+$0x1E020] =	vst.add.f32.msk $0xffff, v3  }
0x36f: {  	[tilespmem:s18+$0x1C0A0] =	vst.add.f32.msk $0xffff, v4  }
0x370: {  	[tilespmem:s18+$0x1E0A0] =	vst.add.f32.msk $0xffff, v4  }
0x371: {  	[tilespmem:s18+$0x1C120] =	vst.add.f32.msk $0xffff, v5  }
0x372: {  	[tilespmem:s18+$0x1C1D0] =	vst.add.f32.msk $0xffff, v1  }
0x373: {  	[tilespmem:s18+$0x1E1D0] =	vst.add.f32.msk $0xffff, v1  }
0x374: {  	v1 =	vld.idx.msk [tilespmem:v0+s18+$0xE0 ss:$0x1], $0xffff  }
0x375: {  	[tilespmem:s18+$0x1E120] =	vst.add.f32.msk $0xffff, v5  }
0x376: {  	v2 =	vld.idx.msk [tilespmem:v0+s18+$0xFFFFFF30 ss:$0x1], $0xffff  }
0x377: {  	v3 =	vld.idx.msk [tilespmem:v0+s18+$0xFFFFFFB0 ss:$0x1], $0xffff  }
0x378: {  	v4 =	vld.idx.msk [tilespmem:v0+s18+$0x30 ss:$0x1], $0xffff  }
0x379: {  	v5 =	vld.idx.msk [tilespmem:v0+s24+$0xFFFFFF70 ss:$0x1], $0xffff  }
0x37a: {  	[tilespmem:s18+$0x1C1E0] =	vst.add.f32.msk $0xffff, v1  }
0x37b: {  	[tilespmem:s18+$0x1E1E0] =	vst.add.f32.msk $0xffff, v1  }
0x37c: {  	v6 =	vld.idx.msk [tilespmem:v0+s18+$0xF0 ss:$0x1], $0xffff  }
0x37d: {  	[tilespmem:s18+$0x1C030] =	vst.add.f32.msk $0xffff, v2  }
0x37e: {  	[tilespmem:s18+$0x1E030] =	vst.add.f32.msk $0xffff, v2  }
0x37f: {  	[tilespmem:s18+$0x1C0B0] =	vst.add.f32.msk $0xffff, v3  }
0x380: {  	[tilespmem:s18+$0x1E0B0] =	vst.add.f32.msk $0xffff, v3  }
0x381: {  	[tilespmem:s18+$0x1C130] =	vst.add.f32.msk $0xffff, v4  }
0x382: {  	[tilespmem:s18+$0x1E1F0] =	vst.add.f32.msk $0xffff, v6  }
0x383: {  	[tilespmem:s18+$0x1E130] =	vst.add.f32.msk $0xffff, v4  }
0x384: {  	v1 =	vld.idx.msk [tilespmem:v0+s18+$0xFFFFFF40 ss:$0x1], $0xffff  }
0x385: {  	v2 =	vld.idx.msk [tilespmem:v0+s18+$0xFFFFFFC0 ss:$0x1], $0xffff  }
0x386: {  	v3 =	vld.idx.msk [tilespmem:v0+s18+$0x40 ss:$0x1], $0xffff  }
0x387: {  	v4 =	vld.idx.msk [tilespmem:v0+s24+$0xFFFFFFF0 ss:$0x1], $0xffff  }
0x388: {  	v7 =	vld.idx.msk [tilespmem:v0+s24+$0x70 ss:$0x1], $0xffff  }
0x389: {  	[tilespmem:s24+$0x1C070] =	vst.add.f32.msk $0xffff, v5  }
0x38a: {  	[tilespmem:s18+$0x1C040] =	vst.add.f32.msk $0xffff, v1  }
0x38b: {  	[tilespmem:s18+$0x1E040] =	vst.add.f32.msk $0xffff, v1  }
0x38c: {  	[tilespmem:s18+$0x1C0C0] =	vst.add.f32.msk $0xffff, v2  }
0x38d: {  	[tilespmem:s18+$0x1E0C0] =	vst.add.f32.msk $0xffff, v2  }
0x38e: {  	[tilespmem:s18+$0x1C140] =	vst.add.f32.msk $0xffff, v3  }
0x38f: {  	[tilespmem:s18+$0x1E140] =	vst.add.f32.msk $0xffff, v3  }
0x390: {  	v1 =	vld.idx.msk [tilespmem:v0+s18+$0xFFFFFF50 ss:$0x1], $0xffff  }
0x391: {  	v2 =	vld.idx.msk [tilespmem:v0+s18+$0xFFFFFFD0 ss:$0x1], $0xffff  }
0x392: {  	v3 =	vld.idx.msk [tilespmem:v0+s18+$0x50 ss:$0x1], $0xffff  }
0x393: {  	[tilespmem:s24+$0x1E070] =	vst.add.f32.msk $0xffff, v5  }
0x394: {  	[tilespmem:s24+$0x1C0F0] =	vst.add.f32.msk $0xffff, v4  }
0x395: {  	[tilespmem:s24+$0x1E0F0] =	vst.add.f32.msk $0xffff, v4  }
0x396: {  	[tilespmem:s18+$0x1C050] =	vst.add.f32.msk $0xffff, v1  }
0x397: {  	[tilespmem:s18+$0x1E050] =	vst.add.f32.msk $0xffff, v1  }
0x398: {  	[tilespmem:s18+$0x1C0D0] =	vst.add.f32.msk $0xffff, v2  }
0x399: {  	[tilespmem:s18+$0x1E0D0] =	vst.add.f32.msk $0xffff, v2  }
0x39a: {  	[tilespmem:s18+$0x1C150] =	vst.add.f32.msk $0xffff, v3  }
0x39b: {  	[tilespmem:s18+$0x1E150] =	vst.add.f32.msk $0xffff, v3  }
0x39c: {  	v3 =	vld.idx.msk [tilespmem:v0+s18+$0xFFFFFF60 ss:$0x1], $0xffff  }
0x39d: {  	v2 =	vld.idx.msk [tilespmem:v0+s18+$0xFFFFFFE0 ss:$0x1], $0xffff  }
.Ltmp4:
0x39e: {  	v1 =	vld.idx.msk [tilespmem:v0+s18+$0x60 ss:$0x1], $0xffff;
	(pc) =	sbr.rel @p0 .LBB2_11-.Ltmp4, $4  }
0x39f: {  	[tilespmem:s24+$0x1C170] =	vst.add.f32.msk $0xffff, v7  }
0x3a0: {  	[tilespmem:s24+$0x1E170] =	vst.add.f32.msk $0xffff, v7;
	s24 =	smov.u32 s18  }
0x3a1: {  	[tilespmem:s24+$0x1C1F0] =	vst.add.f32.msk $0xffff, v6  }
0x3a2: {  	s16 =	sadd.s32 $0x800, s16;
	[tilespmem:s24+$0x1C060] =	vst.add.f32.msk $0xffff, v3  }
0x3a3: {  	_ = 	snop  }
0x3a4: {  	[tilespmem:s24+$0x1E060] =	vst.add.f32.msk $0xffff, v3  }
0x3a5: {  	[tilespmem:s24+$0x1C0E0] =	vst.add.f32.msk $0xffff, v2  }
0x3a6: {  	[tilespmem:s24+$0x1E0E0] =	vst.add.f32.msk $0xffff, v2  }
0x3a7: {  	v60 =	vld.idx.msk [tilespmem:v0+s24+$0xFFFFFF70 ss:$0x1], $0xffff  }
0x3a8: {  	[tilespmem:s24+$0x1C160] =	vst.add.f32.msk $0xffff, v1  }
0x3a9: {  	v61 =	vld.idx.msk [tilespmem:v0+s24+$0xFFFFFFF0 ss:$0x1], $0xffff  }
0x3aa: {  	[tilespmem:s24+$0x1E160] =	vst.add.f32.msk $0xffff, v1  }
0x3ab: {  	v62 =	vld.idx.msk [tilespmem:v0+s24+$0x70 ss:$0x1], $0xffff  }
0x3ac: {  	[tilespmem:s24+$0x1C070] =	vst.add.f32.msk $0xffff, v60  }
0x3ad: {  	s9 =	sshll.u32 s21, $0xB;
	[tilespmem:s24+$0x1E070] =	vst.add.f32.msk $0xffff, v60  }
0x3ae: {  	s9 =	sor.u32 s5, s9;
	[tilespmem:s24+$0x1C0F0] =	vst.add.f32.msk $0xffff, v61  }
0x3af: {  	s9 =	sor.u32 s23, s9;
	[tilespmem:s24+$0x1E0F0] =	vst.add.f32.msk $0xffff, v61  }
0x3b0: {  	s17 =	sadd.s32 $0x1, s17;
	s9 =	sshll.u32 s9, $0x4;
	[tilespmem:s24+$0x1C170] =	vst.add.f32.msk $0xffff, v62  }
0x3b1: {  	s31 =	sshll.u32 s25, $0xB;
	p0 =	sne.s32 s17, $0x10;
	s9 =	sadd.s32 s1, s9;
	[tilespmem:s24+$0x1E170] =	vst.add.f32.msk $0xffff, v62  }
0x3b2: {  	[hbm4b:s9+s3] =	stream.linear.scatter [tilespmem:s6], [sflag:$0xF], $0x2000, $0x38;
	v63 =	vld [tilespmem:$0x0]  }
.Ltmp5:
0x3b3: {  	s9 =	sor.u32 s5, s31;
	(pc) =	sbr.rel @p0 .LBB2_4-.Ltmp5, $4  }
0x3b4: {  	s9 =	sor.u32 s23, s9  }
0x3b5: {  	s9 =	sshll.u32 s9, $0x4  }
0x3b6: {  	s15 =	sadd.s32 $0x8, s15;
	s9 =	sadd.s32 s1, s9  }
0x3b7: {  	[hbm4b:s9+s3] =	stream.linear.scatter [tilespmem:s7], [sflag:$0x10], $0x2000, $0x38;
	v63 =	vld [tilespmem:$0x0]  }
0x3b8: {  	s18 =	simm.s32 $0x9  }
0x3b9: {  	_ =	swait.ge [sflag:s18], $0x2000  }
0x3ba: {  	[sflag:s18] =	ssyncset.done $0x0  }
0x3bb: {  	s24 =	simm.s32 $0xA;
	[sflag:s18] =	ssyncadd.s32 $0xFFFFE000  }
0x3bc: {  	_ =	swait.ge [sflag:s24], $0x2000  }
0x3bd: {  	[sflag:s24] =	ssyncset.done $0x0  }
0x3be: {  	s25 =	simm.s32 $0xB;
	[sflag:s24] =	ssyncadd.s32 $0xFFFFE000  }
0x3bf: {  	_ =	swait.ge [sflag:s25], $0x2000  }
0x3c0: {  	[sflag:s25] =	ssyncset.done $0x0  }
0x3c1: {  	s9 =	simm.s32 $0xC;
	[sflag:s25] =	ssyncadd.s32 $0xFFFFE000  }
0x3c2: {  	_ =	swait.ge [sflag:s9], $0x2000  }
0x3c3: {  	[sflag:s9] =	ssyncset.done $0x0  }
0x3c4: {  	s23 =	simm.s32 $0xD;
	[sflag:s9] =	ssyncadd.s32 $0xFFFFE000  }
0x3c5: {  	_ =	swait.ge [sflag:s23], $0x2000  }
0x3c6: {  	[sflag:s23] =	ssyncset.done $0x0  }
0x3c7: {  	s28 =	simm.s32 $0xE;
	[sflag:s23] =	ssyncadd.s32 $0xFFFFE000  }
0x3c8: {  	_ =	swait.ge [sflag:s28], $0x2000  }
0x3c9: {  	[sflag:s28] =	ssyncset.done $0x0  }
0x3ca: {  	s29 =	simm.s32 $0xF;
	[sflag:s28] =	ssyncadd.s32 $0xFFFFE000  }
0x3cb: {  	_ =	swait.ge [sflag:s29], $0x2000  }
0x3cc: {  	[sflag:s29] =	ssyncset.done $0x0  }
0x3cd: {  	s15 =	simm.s32 $0x10;
	[sflag:s29] =	ssyncadd.s32 $0xFFFFE000  }
0x3ce: {  	_ =	swait.ge [sflag:s15], $0x2000  }
0x3cf: {  	s16 =	rddreg [dreg:$0x11]  }
0x3d0: {  	s31 =	rddreg [dreg:$0xf];
	s16 =	sadd.s32 $0x1, s16  }
0x3d1: {  	p0 =	sne.s32 s16, s31  }
.Ltmp6:
0x3d2: {  	_ = 	snop;
	(pc) =	sbr.rel @p0 .LBB2_1-.Ltmp6, $3  }
0x3d3: {  	_ =	sdelay $0x1  }
0x3d4: {  	[sflag:s15] =	ssyncset.done $0x0  }
0x3d5: {  	[sflag:s15] =	ssyncadd.s32 $0xFFFFE000  }
0x3d6: {  	_ =	sfence.sel $0x180000  }
0x3d7: {  	[bflag:$0x0] =	sbarrier.arrive $0xFFFF  }
0x3d8: {  	_ =	strace $0x90000047  }
0x3d9: {  	s0 =	stileid.u32;
	[bflag:$0x2] =	sbarrier.arrive $0xFFFF  }
0x3da: {  	p0 =	sne.s32 s0, $0x0;
	s0 =	rddreg [dreg:$0x5]  }
0x3db: {  	s0 =	sadd.s32 @!p0 $0x100000, s0  }
0x3dc: {  	[sflag:s0] =	ssyncadd.tile.s32 @!p0 $0x1;
	_ =	shalt  }
.Lfunc_end2:
_tile_overlayer_lowered:
.L_overlay_start_2:
0x3dd: {  	(tag) =	ssettag $0x2  }
0x3de: {  	s0 =	rddreg [dreg:$0x0];
	s2 =	stileid.u32  }
0x3df: {  	s1 =	rddreg [dreg:$0x1];
	p0 =	sne.s32 s2, $0x0  }
0x3e0: {  	s3 =	rddreg [dreg:$0x2];
	[bflag:$0x3] =	sbarrier.arrive $0xFFFF;
	s2 =	simm.s32 @!p0 $0x1C11  }
0x3e1: {  	[timem:s3], [sflag:s2] =	dma.local @!p0 [hbm:s0], s1  }
0x3e2: {  	s0 =	simm.s32 @!p0 $0x11  }
0x3e3: {  	_ =	swait.ge @!p0 [sflag:s0], s1  }
0x3e4: {  	s1 =	ssub.s32 @!p0 $0x0, s1;
	[sflag:s0] =	ssyncset.done @!p0 $0x0  }
0x3e5: {  	[sflag:s0] =	ssyncadd.s32 @!p0 s1  }
0x3e6: {  	[bflag:$0x3] =	sbarrier.arrive $0xFFFF  }
0x3e7: {  	_ =	shalt  }

</sc_bundles>
